<compile_context>
chip_gen: v7x
topology: tpu7x:2x2x1
jax: 0.10.2.dev20260603
libtpu: 0.0.44.dev20260713+nightly
codegen_flags: <defaults>
</compile_context>

<pallas_src>
import functools

import jax
import jax.numpy as jnp
from jax import lax
from jax.experimental import pallas as pl
from jax.experimental.pallas import tpu as pltpu
from jax.experimental.pallas import tpu_sc as plsc

N = 4096
F = 784
DM = 256
TOPK = 11
RB = 256
NB = N // RB
INV_SQRT_K = 11.0 ** -0.5
BIG = 3.0e38

NW = 32
PW = N // NW
CH = 8
NCH = PW // CH
LANES = 16


def _k1_body(x_blk_ref, x_all_ref, theta_ref, h_ref, cnt_ref, y_ref,
             idx_ref):
    i = pl.program_id(0)
    x = x_all_ref[...]
    xb = x_blk_ref[...]
    sq_all = jnp.sum(x * x, axis=1)
    sq_b = jnp.sum(xb * xb, axis=1, keepdims=True)
    c = lax.dot_general(xb, x, (((1,), (1,)), ((), ())),
                        preferred_element_type=jnp.float32)
    dist = jnp.abs(sq_b + sq_all[None, :] - 2.0 * c)
    col = lax.broadcasted_iota(jnp.int32, (RB, N), 1)
    d = dist
    picks = []
    for _ in range(TOPK):
        m = jnp.min(d, axis=1, keepdims=True)
        idx = jnp.min(jnp.where(d == m, col, N), axis=1, keepdims=True)
        picks.append(idx)
        d = jnp.where(col == idx, BIG, d)
    idx_ref[...] = jnp.concatenate(picks, axis=1)
    onehots = jnp.where(d == BIG, 1.0, 0.0)
    hb = onehots.T
    h_ref[...] = hb
    cnt = jnp.sum(hb, axis=1, keepdims=True)

    @pl.when(i == 0)
    def _():
        cnt_ref[...] = jnp.zeros_like(cnt_ref)

    cnt_ref[...] += cnt
    y_ref[...] = jnp.dot(xb, theta_ref[...],
                         preferred_element_type=jnp.float32)


def _k2a_body(y_ref, cnt_ref, dvy_ref):
    dvy_ref[...] = y_ref[...] * lax.rsqrt(cnt_ref[...])


def _k3_body(h_ref, xo_ref, cnt_ref, e_ref):
    acc = jnp.dot(h_ref[...], xo_ref[...],
                  preferred_element_type=jnp.float32)
    dv = lax.rsqrt(cnt_ref[...])
    e_ref[...] = acc * dv * INV_SQRT_K


def _make_k1():
    return pl.pallas_call(
        _k1_body,
        grid=(NB,),
        in_specs=[
            pl.BlockSpec((RB, F), lambda i: (i, 0)),
            pl.BlockSpec((N, F), lambda i: (0, 0)),
            pl.BlockSpec((F, DM), lambda i: (0, 0)),
        ],
        out_specs=[
            pl.BlockSpec((N, RB), lambda i: (0, i)),
            pl.BlockSpec((N, 1), lambda i: (0, 0)),
            pl.BlockSpec((RB, DM), lambda i: (i, 0)),
            pl.BlockSpec((RB, TOPK), lambda i: (i, 0)),
        ],
        out_shape=[
            jax.ShapeDtypeStruct((N, N), jnp.float32),
            jax.ShapeDtypeStruct((N, 1), jnp.float32),
            jax.ShapeDtypeStruct((N, DM), jnp.float32),
            jax.ShapeDtypeStruct((N, TOPK), jnp.int32),
        ],
    )


def _make_k2a():
    return pl.pallas_call(
        _k2a_body,
        grid=(1,),
        in_specs=[
            pl.BlockSpec((N, DM), lambda i: (0, 0)),
            pl.BlockSpec((N, 1), lambda i: (0, 0)),
        ],
        out_specs=pl.BlockSpec((N, DM), lambda i: (0, 0)),
        out_shape=jax.ShapeDtypeStruct((N, DM), jnp.float32),
    )


def _sc_xo_kernel():
    mesh = plsc.VectorSubcoreMesh(core_axis_name="c", subcore_axis_name="s")

    @functools.partial(
        pl.kernel,
        mesh=mesh,
        out_type=jax.ShapeDtypeStruct((N, DM), jnp.float32),
        scratch_types=[
            pltpu.VMEM((NCH, CH * TOPK), jnp.int32),
            pltpu.VMEM((CH * TOPK, DM), jnp.float32),
            pltpu.VMEM((CH * TOPK, DM), jnp.float32),
            pltpu.VMEM((PW, DM), jnp.float32),
            pltpu.SemaphoreType.DMA,
            pltpu.SemaphoreType.DMA,
        ],
    )
    def k(dvy_hbm, idx3_hbm, xo_hbm, idxv, rows_a, rows_b, xov,
          sem_a, sem_b):
        cc = lax.axis_index("c")
        ss = lax.axis_index("s")
        wid = ss * 2 + cc
        pltpu.sync_copy(idx3_hbm.at[wid], idxv)

        def issue(ch, buf, sem):
            pltpu.make_async_copy(
                dvy_hbm.at[idxv.at[ch]], buf, sem).start()

        def drain(ch, buf, sem):
            pltpu.make_async_copy(
                dvy_hbm.at[idxv.at[ch]], buf, sem).wait()

        def sum_chunk(ch, buf):
            def e_body(j, _):
                r0 = j * TOPK
                for cblk in range(DM // LANES):
                    sl = pl.ds(cblk * LANES, LANES)
                    acc = buf[r0, sl]
                    for kk in range(1, TOPK):
                        acc = acc + buf[r0 + kk, sl]
                    xov[ch * CH + j, sl] = acc * INV_SQRT_K
                return 0

            lax.fori_loop(0, CH, e_body, 0)

        issue(0, rows_a, sem_a)

        def pair_body(i, _):
            ch_a = i * 2
            ch_b = ch_a + 1
            issue(ch_b, rows_b, sem_b)
            drain(ch_a, rows_a, sem_a)
            sum_chunk(ch_a, rows_a)

            @pl.when(i < (NCH // 2) - 1)
            def _():
                issue(ch_a + 2, rows_a, sem_a)

            drain(ch_b, rows_b, sem_b)
            sum_chunk(ch_b, rows_b)
            return 0

        lax.fori_loop(0, NCH // 2, pair_body, 0)
        pltpu.sync_copy(xov, xo_hbm.at[pl.ds(wid * PW, PW)])

    return k


def _make_k3():
    return pl.pallas_call(
        _k3_body,
        grid=(NB,),
        in_specs=[
            pl.BlockSpec((RB, N), lambda r: (r, 0)),
            pl.BlockSpec((N, DM), lambda r: (0, 0)),
            pl.BlockSpec((RB, 1), lambda r: (r, 0)),
        ],
        out_specs=pl.BlockSpec((RB, DM), lambda r: (r, 0)),
        out_shape=jax.ShapeDtypeStruct((N, DM), jnp.float32),
    )


def kernel(X, theta):
    X = X.reshape(-1, F)
    H, cnt, Y, idx = _make_k1()(X, X, theta)
    dvy = _make_k2a()(Y, cnt)
    idx3 = idx.reshape(NW, NCH, CH * TOPK)
    Xo = _sc_xo_kernel()(dvy, idx3)
    E = _make_k3()(H, Xo, cnt)
    return (Xo, E, H)

# --- scband reference (transcript-rebuilt; emitter-appended) ---
"""Pipeline reference for scband-single-hgcn-47081431499245 (READ-ONLY COPY).

The authoritative reference and input builder live on the scoring server;
editing this copy changes nothing except your own understanding.
"""

import jax, jax.numpy as jnp
import numpy as np

TOP_K = 10 + 1  # module stores top_k + 1
NUM_FEATURE = 784
N = 4096


def setup_inputs(seed: int = 0) -> dict:
    key = jax.random.key(seed)
    kx, kt = jax.random.split(key)
    X = jax.random.normal(kx, (N, NUM_FEATURE), dtype=jnp.float32)
    # theta ~ Normal(0, 0.01), size (num_feature, 256)
    theta = jax.random.normal(kt, (NUM_FEATURE, 256), dtype=jnp.float32) * 0.01
    return {"X": X, "theta": theta}


def _euclidean_distance_H(X):
    A = jnp.sum(X ** 2, axis=1).reshape(1, -1)
    B = jnp.sum(X ** 2, axis=1).reshape(-1, 1)
    C = jnp.matmul(X, X.T)
    dist = jnp.abs(A + B - 2.0 * C)
    # torch.topk(largest=False) -> smallest k: top_k of negated values
    _, indices = jax.lax.top_k(-dist, TOP_K)
    n = dist.shape[0]
    H = jnp.zeros_like(dist)
    # torch loop: for i, indice: H[indice, i] = 1.0
    H = H.at[indices, jnp.arange(n)[:, None]].set(1.0)
    return H


def reference(X, theta):
    X = X.reshape(-1, NUM_FEATURE)
    H = _euclidean_distance_H(X)
    Dv = jnp.diag(jnp.power(jnp.sum(H, axis=1), -0.5))
    De = jnp.diag(jnp.power(jnp.sum(H, axis=0), -0.5))
    Xo = jnp.matmul(jnp.matmul(jnp.matmul(jnp.matmul(De, H.T), Dv), X), theta)
    E = jnp.matmul(jnp.matmul(jnp.matmul(Dv, H), De), Xo)
    return (Xo, E, H)

if __name__ == "__main__":
    import jax
    _d = setup_inputs()
    print(jax.jit(kernel)(*tuple(_d.values())))

</pallas_src>

<mosaic_0001>
#map = affine_map<(d0, d1) -> (0, 0)>
#map1 = affine_map<(d0, d1) -> (0, 0, 0)>
module attributes {stable_mosaic.version = 14 : i64} {
  func.func @k(%arg0: i32, %arg1: i32, %arg2: memref<4096x256xf32, #tpu.memory_space<hbm>>, %arg3: memref<32x16x88xi32, #tpu.memory_space<hbm>>, %arg4: memref<4096x256xf32, #tpu.memory_space<hbm>>, %arg5: memref<16x88xi32, #tpu.memory_space<vmem>>, %arg6: memref<88x256xf32, #tpu.memory_space<vmem>>, %arg7: memref<88x256xf32, #tpu.memory_space<vmem>>, %arg8: memref<128x256xf32, #tpu.memory_space<vmem>>, %arg9: memref<!tpu.dma_semaphore, #tpu.memory_space<semaphore_mem>>, %arg10: memref<!tpu.dma_semaphore, #tpu.memory_space<semaphore_mem>>) attributes {dimension_semantics = [#tpu.dimension_semantics<core_parallel>, #tpu.dimension_semantics<subcore_parallel>], iteration_bounds = array<i64: 2, 16>, scalar_prefetch = 0 : i64, scratch_operands = 6 : i64, tpu.core_type = #tpu.core_type<sc_vector_subcore>, window_params = [{transform_indices = #map}, {transform_indices = #map1}, {transform_indices = #map}]} {
    %mul3A = arith.constant 2 : i32
    %mul3A_0 = arith.muli %arg1, %mul3A : i32
    %add3A = arith.addi %mul3A_0, %arg0 : i32
    "tpu.region"() ({
      %run_scoped3A = tpu.sem_alloc : memref<!tpu.dma_semaphore, #tpu.memory_space<semaphore_mem>>
      %dma_start3A_15 = arith.constant 0 : i32
      %dma_start3A_16 = arith.constant 0 : i32
      %dma_start3A_17 = tpu.memref_slice %arg3[%add3A, %dma_start3A_15, %dma_start3A_16] : memref<32x16x88xi32, #tpu.memory_space<hbm>> -> memref<1x16x88xi32, #tpu.memory_space<hbm>>
      %dma_start3A_18 = tpu.memref_squeeze %dma_start3A_17 : memref<1x16x88xi32, #tpu.memory_space<hbm>> -> memref<16x88xi32, #tpu.memory_space<hbm>>
      %dma_start3A_19 = arith.constant 0 : i32
      %dma_start3A_20 = arith.constant 0 : i32
      %dma_start3A_21 = tpu.memref_slice %arg3[%add3A, %dma_start3A_19, %dma_start3A_20] : memref<32x16x88xi32, #tpu.memory_space<hbm>> -> memref<1x16x88xi32, #tpu.memory_space<hbm>>
      %dma_start3A_22 = tpu.memref_squeeze %dma_start3A_21 : memref<1x16x88xi32, #tpu.memory_space<hbm>> -> memref<16x88xi32, #tpu.memory_space<hbm>>
      tpu.enqueue_dma source(%dma_start3A_22 : memref<16x88xi32, #tpu.memory_space<hbm>>) target(%arg5 : memref<16x88xi32, #tpu.memory_space<vmem>>) target_semaphore(%run_scoped3A : memref<!tpu.dma_semaphore, #tpu.memory_space<semaphore_mem>>)
      %dma_wait3A = arith.constant 0 : i32
      %dma_wait3A_23 = arith.constant 0 : i32
      %dma_wait3A_24 = tpu.memref_slice %arg3[%add3A, %dma_wait3A, %dma_wait3A_23] : memref<32x16x88xi32, #tpu.memory_space<hbm>> -> memref<1x16x88xi32, #tpu.memory_space<hbm>>
      %dma_wait3A_25 = tpu.memref_squeeze %dma_wait3A_24 : memref<1x16x88xi32, #tpu.memory_space<hbm>> -> memref<16x88xi32, #tpu.memory_space<hbm>>
      %dma_wait3A_26 = arith.constant 0 : i32
      %dma_wait3A_27 = arith.constant 0 : i32
      %dma_wait3A_28 = tpu.memref_slice %arg3[%add3A, %dma_wait3A_26, %dma_wait3A_27] : memref<32x16x88xi32, #tpu.memory_space<hbm>> -> memref<1x16x88xi32, #tpu.memory_space<hbm>>
      %dma_wait3A_29 = tpu.memref_squeeze %dma_wait3A_28 : memref<1x16x88xi32, #tpu.memory_space<hbm>> -> memref<16x88xi32, #tpu.memory_space<hbm>>
      tpu.wait_dma2 semaphore(%run_scoped3A : memref<!tpu.dma_semaphore, #tpu.memory_space<semaphore_mem>>) src(%dma_wait3A_29 : memref<16x88xi32, #tpu.memory_space<hbm>>) dst(%arg5 : memref<16x88xi32, #tpu.memory_space<vmem>>)
      tpu.yield
    }) : () -> ()
    %dma_start3A = arith.constant 0 : i32
    %dma_start3A_1 = arith.constant 0 : i32
    %dma_start3A_2 = tpu.memref_slice %arg5[%dma_start3A, %dma_start3A_1] : memref<16x88xi32, #tpu.memory_space<vmem>> -> memref<1x88xi32, #tpu.memory_space<vmem>>
    %dma_start3A_3 = tpu.memref_squeeze %dma_start3A_2 : memref<1x88xi32, #tpu.memory_space<vmem>> -> memref<88xi32, #tpu.memory_space<vmem>>
    %dma_start3A_4 = arith.constant 0 : i32
    %dma_start3A_5 = arith.constant 0 : i32
    %dma_start3A_6 = tpu.memref_slice %arg2[%dma_start3A_4, %dma_start3A_5] : memref<4096x256xf32, #tpu.memory_space<hbm>> -> memref<4096x256xf32, #tpu.memory_space<hbm>>
    tpu.enqueue_indirect_dma source(%dma_start3A_6 : memref<4096x256xf32, #tpu.memory_space<hbm>>) target(%arg6 : memref<88x256xf32, #tpu.memory_space<vmem>>) offsets(%dma_start3A_3 : memref<88xi32, #tpu.memory_space<vmem>>) semaphore(%arg9 : memref<!tpu.dma_semaphore, #tpu.memory_space<semaphore_mem>>)
    %scan3A = arith.constant 0 : i32
    %scan3A_7 = arith.constant 0 : i32
    %scan3A_8 = arith.constant 8 : i32
    %scan3A_9 = arith.addi %scan3A_7, %scan3A_8 : i32
    %scan3A_10 = arith.constant 1 : i32
    %scan3A_11 = scf.for %scan3A_15 = %scan3A_7 to %scan3A_9 step %scan3A_10 iter_args(%scan3A_16 = %scan3A) -> (i32)  : i32 {
      %mul3A_17 = arith.constant 2 : i32
      %mul3A_18 = arith.muli %scan3A_15, %mul3A_17 : i32
      %add3A_19 = arith.constant 1 : i32
      %add3A_20 = arith.addi %mul3A_18, %add3A_19 : i32
      %dma_start3A_21 = arith.constant 0 : i32
      %dma_start3A_22 = tpu.memref_slice %arg5[%add3A_20, %dma_start3A_21] : memref<16x88xi32, #tpu.memory_space<vmem>> -> memref<1x88xi32, #tpu.memory_space<vmem>>
      %dma_start3A_23 = tpu.memref_squeeze %dma_start3A_22 : memref<1x88xi32, #tpu.memory_space<vmem>> -> memref<88xi32, #tpu.memory_space<vmem>>
      %dma_start3A_24 = arith.constant 0 : i32
      %dma_start3A_25 = arith.constant 0 : i32
      %dma_start3A_26 = tpu.memref_slice %arg2[%dma_start3A_24, %dma_start3A_25] : memref<4096x256xf32, #tpu.memory_space<hbm>> -> memref<4096x256xf32, #tpu.memory_space<hbm>>
      tpu.enqueue_indirect_dma source(%dma_start3A_26 : memref<4096x256xf32, #tpu.memory_space<hbm>>) target(%arg7 : memref<88x256xf32, #tpu.memory_space<vmem>>) offsets(%dma_start3A_23 : memref<88xi32, #tpu.memory_space<vmem>>) semaphore(%arg10 : memref<!tpu.dma_semaphore, #tpu.memory_space<semaphore_mem>>)
      %dma_wait3A = arith.constant 0 : i32
      %dma_wait3A_27 = tpu.memref_slice %arg5[%mul3A_18, %dma_wait3A] : memref<16x88xi32, #tpu.memory_space<vmem>> -> memref<1x88xi32, #tpu.memory_space<vmem>>
      %dma_wait3A_28 = tpu.memref_squeeze %dma_wait3A_27 : memref<1x88xi32, #tpu.memory_space<vmem>> -> memref<88xi32, #tpu.memory_space<vmem>>
      %dma_wait3A_29 = arith.constant 0 : i32
      %dma_wait3A_30 = arith.constant 0 : i32
      %dma_wait3A_31 = tpu.memref_slice %arg2[%dma_wait3A_29, %dma_wait3A_30] : memref<4096x256xf32, #tpu.memory_space<hbm>> -> memref<4096x256xf32, #tpu.memory_space<hbm>>
      tpu.wait_indirect_dma semaphore(%arg9 : memref<!tpu.dma_semaphore, #tpu.memory_space<semaphore_mem>>) src(%dma_wait3A_31 : memref<4096x256xf32, #tpu.memory_space<hbm>>) dst(%arg6 : memref<88x256xf32, #tpu.memory_space<vmem>>)
      %scan3A_32 = arith.constant 0 : i32
      %scan3A_33 = arith.constant 0 : i32
      %scan3A_34 = arith.constant 8 : i32
      %scan3A_35 = arith.addi %scan3A_33, %scan3A_34 : i32
      %scan3A_36 = arith.constant 1 : i32
      %scan3A_37 = scf.for %scan3A_55 = %scan3A_33 to %scan3A_35 step %scan3A_36 iter_args(%scan3A_56 = %scan3A_32) -> (i32)  : i32 {
        %mul3A_57 = arith.constant 11 : i32
        %mul3A_58 = arith.muli %scan3A_55, %mul3A_57 : i32
        %get3A = arith.index_cast %mul3A_58 : i32 to index
        %get3A_59 = arith.constant 0 : index
        %get3A_60 = tpu.vector_load %arg6[%get3A, %get3A_59] {strides = array<i32>} : memref<88x256xf32, #tpu.memory_space<vmem>>, vector<1x16xf32>,
        %get3A_61 = vector.shape_cast %get3A_60 : vector<1x16xf32> to vector<16xf32>
        %add3A_62 = arith.constant 1 : i32
        %add3A_63 = arith.addi %mul3A_58, %add3A_62 : i32
        %get3A_64 = arith.index_cast %add3A_63 : i32 to index
        %get3A_65 = arith.constant 0 : index
        %get3A_66 = tpu.vector_load %arg6[%get3A_64, %get3A_65] {strides = array<i32>} : memref<88x256xf32, #tpu.memory_space<vmem>>, vector<1x16xf32>,
        %get3A_67 = vector.shape_cast %get3A_66 : vector<1x16xf32> to vector<16xf32>
        %add3A_68 = arith.addf %get3A_61, %get3A_67 : vector<16xf32>
        %add3A_69 = arith.constant 2 : i32
        %add3A_70 = arith.addi %mul3A_58, %add3A_69 : i32
        %get3A_71 = arith.index_cast %add3A_70 : i32 to index
        %get3A_72 = arith.constant 0 : index
        %get3A_73 = tpu.vector_load %arg6[%get3A_71, %get3A_72] {strides = array<i32>} : memref<88x256xf32, #tpu.memory_space<vmem>>, vector<1x16xf32>,
        %get3A_74 = vector.shape_cast %get3A_73 : vector<1x16xf32> to vector<16xf32>
        %add3A_75 = arith.addf %add3A_68, %get3A_74 : vector<16xf32>
        %add3A_76 = arith.constant 3 : i32
        %add3A_77 = arith.addi %mul3A_58, %add3A_76 : i32
        %get3A_78 = arith.index_cast %add3A_77 : i32 to index
        %get3A_79 = arith.constant 0 : index
        %get3A_80 = tpu.vector_load %arg6[%get3A_78, %get3A_79] {strides = array<i32>} : memref<88x256xf32, #tpu.memory_space<vmem>>, vector<1x16xf32>,
        %get3A_81 = vector.shape_cast %get3A_80 : vector<1x16xf32> to vector<16xf32>
        %add3A_82 = arith.addf %add3A_75, %get3A_81 : vector<16xf32>
        %add3A_83 = arith.constant 4 : i32
        %add3A_84 = arith.addi %mul3A_58, %add3A_83 : i32
        %get3A_85 = arith.index_cast %add3A_84 : i32 to index
        %get3A_86 = arith.constant 0 : index
        %get3A_87 = tpu.vector_load %arg6[%get3A_85, %get3A_86] {strides = array<i32>} : memref<88x256xf32, #tpu.memory_space<vmem>>, vector<1x16xf32>,
        %get3A_88 = vector.shape_cast %get3A_87 : vector<1x16xf32> to vector<16xf32>
        %add3A_89 = arith.addf %add3A_82, %get3A_88 : vector<16xf32>
        %add3A_90 = arith.constant 5 : i32
        %add3A_91 = arith.addi %mul3A_58, %add3A_90 : i32
        %get3A_92 = arith.index_cast %add3A_91 : i32 to index
        %get3A_93 = arith.constant 0 : index
        %get3A_94 = tpu.vector_load %arg6[%get3A_92, %get3A_93] {strides = array<i32>} : memref<88x256xf32, #tpu.memory_space<vmem>>, vector<1x16xf32>,
        %get3A_95 = vector.shape_cast %get3A_94 : vector<1x16xf32> to vector<16xf32>
        %add3A_96 = arith.addf %add3A_89, %get3A_95 : vector<16xf32>
        %add3A_97 = arith.constant 6 : i32
        %add3A_98 = arith.addi %mul3A_58, %add3A_97 : i32
        %get3A_99 = arith.index_cast %add3A_98 : i32 to index
        %get3A_100 = arith.constant 0 : index
        %get3A_101 = tpu.vector_load %arg6[%get3A_99, %get3A_100] {strides = array<i32>} : memref<88x256xf32, #tpu.memory_space<vmem>>, vector<1x16xf32>,
        %get3A_102 = vector.shape_cast %get3A_101 : vector<1x16xf32> to vector<16xf32>
        %add3A_103 = arith.addf %add3A_96, %get3A_102 : vector<16xf32>
        %add3A_104 = arith.constant 7 : i32
        %add3A_105 = arith.addi %mul3A_58, %add3A_104 : i32
        %get3A_106 = arith.index_cast %add3A_105 : i32 to index
        %get3A_107 = arith.constant 0 : index
        %get3A_108 = tpu.vector_load %arg6[%get3A_106, %get3A_107] {strides = array<i32>} : memref<88x256xf32, #tpu.memory_space<vmem>>, vector<1x16xf32>,
        %get3A_109 = vector.shape_cast %get3A_108 : vector<1x16xf32> to vector<16xf32>
        %add3A_110 = arith.addf %add3A_103, %get3A_109 : vector<16xf32>
        %add3A_111 = arith.constant 8 : i32
        %add3A_112 = arith.addi %mul3A_58, %add3A_111 : i32
        %get3A_113 = arith.index_cast %add3A_112 : i32 to index
        %get3A_114 = arith.constant 0 : index
        %get3A_115 = tpu.vector_load %arg6[%get3A_113, %get3A_114] {strides = array<i32>} : memref<88x256xf32, #tpu.memory_space<vmem>>, vector<1x16xf32>,
        %get3A_116 = vector.shape_cast %get3A_115 : vector<1x16xf32> to vector<16xf32>
        %add3A_117 = arith.addf %add3A_110, %get3A_116 : vector<16xf32>
        %add3A_118 = arith.constant 9 : i32
        %add3A_119 = arith.addi %mul3A_58, %add3A_118 : i32
        %get3A_120 = arith.index_cast %add3A_119 : i32 to index
        %get3A_121 = arith.constant 0 : index
        %get3A_122 = tpu.vector_load %arg6[%get3A_120, %get3A_121] {strides = array<i32>} : memref<88x256xf32, #tpu.memory_space<vmem>>, vector<1x16xf32>,
        %get3A_123 = vector.shape_cast %get3A_122 : vector<1x16xf32> to vector<16xf32>
        %add3A_124 = arith.addf %add3A_117, %get3A_123 : vector<16xf32>
        %add3A_125 = arith.constant 10 : i32
        %add3A_126 = arith.addi %mul3A_58, %add3A_125 : i32
        %get3A_127 = arith.index_cast %add3A_126 : i32 to index
        %get3A_128 = arith.constant 0 : index
        %get3A_129 = tpu.vector_load %arg6[%get3A_127, %get3A_128] {strides = array<i32>} : memref<88x256xf32, #tpu.memory_space<vmem>>, vector<1x16xf32>,
        %get3A_130 = vector.shape_cast %get3A_129 : vector<1x16xf32> to vector<16xf32>
        %add3A_131 = arith.addf %add3A_124, %get3A_130 : vector<16xf32>
        %mul3A_132 = arith.constant 0.301511347 : f32
        %mul3A_133 = vector.broadcast %mul3A_132 : f32 to vector<16xf32>
        %mul3A_134 = arith.mulf %add3A_131, %mul3A_133 : vector<16xf32>
        %mul3A_135 = arith.constant 8 : i32
        %mul3A_136 = arith.muli %mul3A_18, %mul3A_135 : i32
        %add3A_137 = arith.addi %mul3A_136, %scan3A_55 : i32
        %swap3A = arith.index_cast %add3A_137 : i32 to index
        %swap3A_138 = arith.constant 0 : index
        %swap3A_139 = tpu.vector_load %arg8[%swap3A, %swap3A_138] {strides = array<i32>} : memref<128x256xf32, #tpu.memory_space<vmem>>, vector<1x16xf32>,
        %swap3A_140 = vector.shape_cast %swap3A_139 : vector<1x16xf32> to vector<16xf32>
        %swap3A_141 = vector.shape_cast %mul3A_134 : vector<16xf32> to vector<1x16xf32>
        tpu.vector_store %arg8[%swap3A, %swap3A_138], %swap3A_141 {strides = array<i32>} : memref<128x256xf32, #tpu.memory_space<vmem>>, vector<1x16xf32>,
        %get3A_142 = arith.index_cast %mul3A_58 : i32 to index
        %get3A_143 = arith.constant 16 : index
        %get3A_144 = tpu.vector_load %arg6[%get3A_142, %get3A_143] {strides = array<i32>} : memref<88x256xf32, #tpu.memory_space<vmem>>, vector<1x16xf32>,
        %get3A_145 = vector.shape_cast %get3A_144 : vector<1x16xf32> to vector<16xf32>
        %add3A_146 = arith.constant 1 : i32
        %add3A_147 = arith.addi %mul3A_58, %add3A_146 : i32
        %get3A_148 = arith.index_cast %add3A_147 : i32 to index
        %get3A_149 = arith.constant 16 : index
        %get3A_150 = tpu.vector_load %arg6[%get3A_148, %get3A_149] {strides = array<i32>} : memref<88x256xf32, #tpu.memory_space<vmem>>, vector<1x16xf32>,
        %get3A_151 = vector.shape_cast %get3A_150 : vector<1x16xf32> to vector<16xf32>
        %add3A_152 = arith.addf %get3A_145, %get3A_151 : vector<16xf32>
        %add3A_153 = arith.constant 2 : i32
        %add3A_154 = arith.addi %mul3A_58, %add3A_153 : i32
        %get3A_155 = arith.index_cast %add3A_154 : i32 to index
        %get3A_156 = arith.constant 16 : index
        %get3A_157 = tpu.vector_load %arg6[%get3A_155, %get3A_156] {strides = array<i32>} : memref<88x256xf32, #tpu.memory_space<vmem>>, vector<1x16xf32>,
        %get3A_158 = vector.shape_cast %get3A_157 : vector<1x16xf32> to vector<16xf32>
        %add3A_159 = arith.addf %add3A_152, %get3A_158 : vector<16xf32>
        %add3A_160 = arith.constant 3 : i32
        %add3A_161 = arith.addi %mul3A_58, %add3A_160 : i32
        %get3A_162 = arith.index_cast %add3A_161 : i32 to index
        %get3A_163 = arith.constant 16 : index
        %get3A_164 = tpu.vector_load %arg6[%get3A_162, %get3A_163] {strides = array<i32>} : memref<88x256xf32, #tpu.memory_space<vmem>>, vector<1x16xf32>,
        %get3A_165 = vector.shape_cast %get3A_164 : vector<1x16xf32> to vector<16xf32>
        %add3A_166 = arith.addf %add3A_159, %get3A_165 : vector<16xf32>
        %add3A_167 = arith.constant 4 : i32
        %add3A_168 = arith.addi %mul3A_58, %add3A_167 : i32
        %get3A_169 = arith.index_cast %add3A_168 : i32 to index
        %get3A_170 = arith.constant 16 : index
        %get3A_171 = tpu.vector_load %arg6[%get3A_169, %get3A_170] {strides = array<i32>} : memref<88x256xf32, #tpu.memory_space<vmem>>, vector<1x16xf32>,
        %get3A_172 = vector.shape_cast %get3A_171 : vector<1x16xf32> to vector<16xf32>
        %add3A_173 = arith.addf %add3A_166, %get3A_172 : vector<16xf32>
        %add3A_174 = arith.constant 5 : i32
        %add3A_175 = arith.addi %mul3A_58, %add3A_174 : i32
        %get3A_176 = arith.index_cast %add3A_175 : i32 to index
        %get3A_177 = arith.constant 16 : index
        %get3A_178 = tpu.vector_load %arg6[%get3A_176, %get3A_177] {strides = array<i32>} : memref<88x256xf32, #tpu.memory_space<vmem>>, vector<1x16xf32>,
        %get3A_179 = vector.shape_cast %get3A_178 : vector<1x16xf32> to vector<16xf32>
        %add3A_180 = arith.addf %add3A_173, %get3A_179 : vector<16xf32>
        %add3A_181 = arith.constant 6 : i32
        %add3A_182 = arith.addi %mul3A_58, %add3A_181 : i32
        %get3A_183 = arith.index_cast %add3A_182 : i32 to index
        %get3A_184 = arith.constant 16 : index
        %get3A_185 = tpu.vector_load %arg6[%get3A_183, %get3A_184] {strides = array<i32>} : memref<88x256xf32, #tpu.memory_space<vmem>>, vector<1x16xf32>,
        %get3A_186 = vector.shape_cast %get3A_185 : vector<1x16xf32> to vector<16xf32>
        %add3A_187 = arith.addf %add3A_180, %get3A_186 : vector<16xf32>
        %add3A_188 = arith.constant 7 : i32
        %add3A_189 = arith.addi %mul3A_58, %add3A_188 : i32
        %get3A_190 = arith.index_cast %add3A_189 : i32 to index
        %get3A_191 = arith.constant 16 : index
        %get3A_192 = tpu.vector_load %arg6[%get3A_190, %get3A_191] {strides = array<i32>} : memref<88x256xf32, #tpu.memory_space<vmem>>, vector<1x16xf32>,
        %get3A_193 = vector.shape_cast %get3A_192 : vector<1x16xf32> to vector<16xf32>
        %add3A_194 = arith.addf %add3A_187, %get3A_193 : vector<16xf32>
        %add3A_195 = arith.constant 8 : i32
        %add3A_196 = arith.addi %mul3A_58, %add3A_195 : i32
        %get3A_197 = arith.index_cast %add3A_196 : i32 to index
        %get3A_198 = arith.constant 16 : index
        %get3A_199 = tpu.vector_load %arg6[%get3A_197, %get3A_198] {strides = array<i32>} : memref<88x256xf32, #tpu.memory_space<vmem>>, vector<1x16xf32>,
        %get3A_200 = vector.shape_cast %get3A_199 : vector<1x16xf32> to vector<16xf32>
        %add3A_201 = arith.addf %add3A_194, %get3A_200 : vector<16xf32>
        %add3A_202 = arith.constant 9 : i32
        %add3A_203 = arith.addi %mul3A_58, %add3A_202 : i32
        %get3A_204 = arith.index_cast %add3A_203 : i32 to index
        %get3A_205 = arith.constant 16 : index
        %get3A_206 = tpu.vector_load %arg6[%get3A_204, %get3A_205] {strides = array<i32>} : memref<88x256xf32, #tpu.memory_space<vmem>>, vector<1x16xf32>,
        %get3A_207 = vector.shape_cast %get3A_206 : vector<1x16xf32> to vector<16xf32>
        %add3A_208 = arith.addf %add3A_201, %get3A_207 : vector<16xf32>
        %add3A_209 = arith.constant 10 : i32
        %add3A_210 = arith.addi %mul3A_58, %add3A_209 : i32
        %get3A_211 = arith.index_cast %add3A_210 : i32 to index
        %get3A_212 = arith.constant 16 : index
        %get3A_213 = tpu.vector_load %arg6[%get3A_211, %get3A_212] {strides = array<i32>} : memref<88x256xf32, #tpu.memory_space<vmem>>, vector<1x16xf32>,
        %get3A_214 = vector.shape_cast %get3A_213 : vector<1x16xf32> to vector<16xf32>
        %add3A_215 = arith.addf %add3A_208, %get3A_214 : vector<16xf32>
        %mul3A_216 = arith.constant 0.301511347 : f32
        %mul3A_217 = vector.broadcast %mul3A_216 : f32 to vector<16xf32>
        %mul3A_218 = arith.mulf %add3A_215, %mul3A_217 : vector<16xf32>
        %mul3A_219 = arith.constant 8 : i32
        %mul3A_220 = arith.muli %mul3A_18, %mul3A_219 : i32
        %add3A_221 = arith.addi %mul3A_220, %scan3A_55 : i32
        %swap3A_222 = arith.index_cast %add3A_221 : i32 to index
        %swap3A_223 = arith.constant 16 : index
        %swap3A_224 = tpu.vector_load %arg8[%swap3A_222, %swap3A_223] {strides = array<i32>} : memref<128x256xf32, #tpu.memory_space<vmem>>, vector<1x16xf32>,
        %swap3A_225 = vector.shape_cast %swap3A_224 : vector<1x16xf32> to vector<16xf32>
        %swap3A_226 = vector.shape_cast %mul3A_218 : vector<16xf32> to vector<1x16xf32>
        tpu.vector_store %arg8[%swap3A_222, %swap3A_223], %swap3A_226 {strides = array<i32>} : memref<128x256xf32, #tpu.memory_space<vmem>>, vector<1x16xf32>,
        %get3A_227 = arith.index_cast %mul3A_58 : i32 to index
        %get3A_228 = arith.constant 32 : index
        %get3A_229 = tpu.vector_load %arg6[%get3A_227, %get3A_228] {strides = array<i32>} : memref<88x256xf32, #tpu.memory_space<vmem>>, vector<1x16xf32>,
        %get3A_230 = vector.shape_cast %get3A_229 : vector<1x16xf32> to vector<16xf32>
        %add3A_231 = arith.constant 1 : i32
        %add3A_232 = arith.addi %mul3A_58, %add3A_231 : i32
        %get3A_233 = arith.index_cast %add3A_232 : i32 to index
        %get3A_234 = arith.constant 32 : index
        %get3A_235 = tpu.vector_load %arg6[%get3A_233, %get3A_234] {strides = array<i32>} : memref<88x256xf32, #tpu.memory_space<vmem>>, vector<1x16xf32>,
        %get3A_236 = vector.shape_cast %get3A_235 : vector<1x16xf32> to vector<16xf32>
        %add3A_237 = arith.addf %get3A_230, %get3A_236 : vector<16xf32>
        %add3A_238 = arith.constant 2 : i32
        %add3A_239 = arith.addi %mul3A_58, %add3A_238 : i32
        %get3A_240 = arith.index_cast %add3A_239 : i32 to index
        %get3A_241 = arith.constant 32 : index
        %get3A_242 = tpu.vector_load %arg6[%get3A_240, %get3A_241] {strides = array<i32>} : memref<88x256xf32, #tpu.memory_space<vmem>>, vector<1x16xf32>,
        %get3A_243 = vector.shape_cast %get3A_242 : vector<1x16xf32> to vector<16xf32>
        %add3A_244 = arith.addf %add3A_237, %get3A_243 : vector<16xf32>
        %add3A_245 = arith.constant 3 : i32
        %add3A_246 = arith.addi %mul3A_58, %add3A_245 : i32
        %get3A_247 = arith.index_cast %add3A_246 : i32 to index
        %get3A_248 = arith.constant 32 : index
        %get3A_249 = tpu.vector_load %arg6[%get3A_247, %get3A_248] {strides = array<i32>} : memref<88x256xf32, #tpu.memory_space<vmem>>, vector<1x16xf32>,
        %get3A_250 = vector.shape_cast %get3A_249 : vector<1x16xf32> to vector<16xf32>
        %add3A_251 = arith.addf %add3A_244, %get3A_250 : vector<16xf32>
        %add3A_252 = arith.constant 4 : i32
        %add3A_253 = arith.addi %mul3A_58, %add3A_252 : i32
        %get3A_254 = arith.index_cast %add3A_253 : i32 to index
        %get3A_255 = arith.constant 32 : index
        %get3A_256 = tpu.vector_load %arg6[%get3A_254, %get3A_255] {strides = array<i32>} : memref<88x256xf32, #tpu.memory_space<vmem>>, vector<1x16xf32>,
        %get3A_257 = vector.shape_cast %get3A_256 : vector<1x16xf32> to vector<16xf32>
        %add3A_258 = arith.addf %add3A_251, %get3A_257 : vector<16xf32>
        %add3A_259 = arith.constant 5 : i32
        %add3A_260 = arith.addi %mul3A_58, %add3A_259 : i32
        %get3A_261 = arith.index_cast %add3A_260 : i32 to index
        %get3A_262 = arith.constant 32 : index
        %get3A_263 = tpu.vector_load %arg6[%get3A_261, %get3A_262] {strides = array<i32>} : memref<88x256xf32, #tpu.memory_space<vmem>>, vector<1x16xf32>,
        %get3A_264 = vector.shape_cast %get3A_263 : vector<1x16xf32> to vector<16xf32>
        %add3A_265 = arith.addf %add3A_258, %get3A_264 : vector<16xf32>
        %add3A_266 = arith.constant 6 : i32
        %add3A_267 = arith.addi %mul3A_58, %add3A_266 : i32
        %get3A_268 = arith.index_cast %add3A_267 : i32 to index
        %get3A_269 = arith.constant 32 : index
        %get3A_270 = tpu.vector_load %arg6[%get3A_268, %get3A_269] {strides = array<i32>} : memref<88x256xf32, #tpu.memory_space<vmem>>, vector<1x16xf32>,
        %get3A_271 = vector.shape_cast %get3A_270 : vector<1x16xf32> to vector<16xf32>
        %add3A_272 = arith.addf %add3A_265, %get3A_271 : vector<16xf32>
        %add3A_273 = arith.constant 7 : i32
        %add3A_274 = arith.addi %mul3A_58, %add3A_273 : i32
        %get3A_275 = arith.index_cast %add3A_274 : i32 to index
        %get3A_276 = arith.constant 32 : index
        %get3A_277 = tpu.vector_load %arg6[%get3A_275, %get3A_276] {strides = array<i32>} : memref<88x256xf32, #tpu.memory_space<vmem>>, vector<1x16xf32>,
        %get3A_278 = vector.shape_cast %get3A_277 : vector<1x16xf32> to vector<16xf32>
        %add3A_279 = arith.addf %add3A_272, %get3A_278 : vector<16xf32>
        %add3A_280 = arith.constant 8 : i32
        %add3A_281 = arith.addi %mul3A_58, %add3A_280 : i32
        %get3A_282 = arith.index_cast %add3A_281 : i32 to index
        %get3A_283 = arith.constant 32 : index
        %get3A_284 = tpu.vector_load %arg6[%get3A_282, %get3A_283] {strides = array<i32>} : memref<88x256xf32, #tpu.memory_space<vmem>>, vector<1x16xf32>,
        %get3A_285 = vector.shape_cast %get3A_284 : vector<1x16xf32> to vector<16xf32>
        %add3A_286 = arith.addf %add3A_279, %get3A_285 : vector<16xf32>
        %add3A_287 = arith.constant 9 : i32
        %add3A_288 = arith.addi %mul3A_58, %add3A_287 : i32
        %get3A_289 = arith.index_cast %add3A_288 : i32 to index
        %get3A_290 = arith.constant 32 : index
        %get3A_291 = tpu.vector_load %arg6[%get3A_289, %get3A_290] {strides = array<i32>} : memref<88x256xf32, #tpu.memory_space<vmem>>, vector<1x16xf32>,
        %get3A_292 = vector.shape_cast %get3A_291 : vector<1x16xf32> to vector<16xf32>
        %add3A_293 = arith.addf %add3A_286, %get3A_292 : vector<16xf32>
        %add3A_294 = arith.constant 10 : i32
        %add3A_295 = arith.addi %mul3A_58, %add3A_294 : i32
        %get3A_296 = arith.index_cast %add3A_295 : i32 to index
        %get3A_297 = arith.constant 32 : index
        %get3A_298 = tpu.vector_load %arg6[%get3A_296, %get3A_297] {strides = array<i32>} : memref<88x256xf32, #tpu.memory_space<vmem>>, vector<1x16xf32>,
        %get3A_299 = vector.shape_cast %get3A_298 : vector<1x16xf32> to vector<16xf32>
        %add3A_300 = arith.addf %add3A_293, %get3A_299 : vector<16xf32>
        %mul3A_301 = arith.constant 0.301511347 : f32
        %mul3A_302 = vector.broadcast %mul3A_301 : f32 to vector<16xf32>
        %mul3A_303 = arith.mulf %add3A_300, %mul3A_302 : vector<16xf32>
        %mul3A_304 = arith.constant 8 : i32
        %mul3A_305 = arith.muli %mul3A_18, %mul3A_304 : i32
        %add3A_306 = arith.addi %mul3A_305, %scan3A_55 : i32
        %swap3A_307 = arith.index_cast %add3A_306 : i32 to index
        %swap3A_308 = arith.constant 32 : index
        %swap3A_309 = tpu.vector_load %arg8[%swap3A_307, %swap3A_308] {strides = array<i32>} : memref<128x256xf32, #tpu.memory_space<vmem>>, vector<1x16xf32>,
        %swap3A_310 = vector.shape_cast %swap3A_309 : vector<1x16xf32> to vector<16xf32>
        %swap3A_311 = vector.shape_cast %mul3A_303 : vector<16xf32> to vector<1x16xf32>
        tpu.vector_store %arg8[%swap3A_307, %swap3A_308], %swap3A_311 {strides = array<i32>} : memref<128x256xf32, #tpu.memory_space<vmem>>, vector<1x16xf32>,
        %get3A_312 = arith.index_cast %mul3A_58 : i32 to index
        %get3A_313 = arith.constant 48 : index
        %get3A_314 = tpu.vector_load %arg6[%get3A_312, %get3A_313] {strides = array<i32>} : memref<88x256xf32, #tpu.memory_space<vmem>>, vector<1x16xf32>,
        %get3A_315 = vector.shape_cast %get3A_314 : vector<1x16xf32> to vector<16xf32>
        %add3A_316 = arith.constant 1 : i32
        %add3A_317 = arith.addi %mul3A_58, %add3A_316 : i32
        %get3A_318 = arith.index_cast %add3A_317 : i32 to index
        %get3A_319 = arith.constant 48 : index
        %get3A_320 = tpu.vector_load %arg6[%get3A_318, %get3A_319] {strides = array<i32>} : memref<88x256xf32, #tpu.memory_space<vmem>>, vector<1x16xf32>,
        %get3A_321 = vector.shape_cast %get3A_320 : vector<1x16xf32> to vector<16xf32>
        %add3A_322 = arith.addf %get3A_315, %get3A_321 : vector<16xf32>
        %add3A_323 = arith.constant 2 : i32
        %add3A_324 = arith.addi %mul3A_58, %add3A_323 : i32
        %get3A_325 = arith.index_cast %add3A_324 : i32 to index
        %get3A_326 = arith.constant 48 : index
        %get3A_327 = tpu.vector_load %arg6[%get3A_325, %get3A_326] {strides = array<i32>} : memref<88x256xf32, #tpu.memory_space<vmem>>, vector<1x16xf32>,
        %get3A_328 = vector.shape_cast %get3A_327 : vector<1x16xf32> to vector<16xf32>
        %add3A_329 = arith.addf %add3A_322, %get3A_328 : vector<16xf32>
        %add3A_330 = arith.constant 3 : i32
        %add3A_331 = arith.addi %mul3A_58, %add3A_330 : i32
        %get3A_332 = arith.index_cast %add3A_331 : i32 to index
        %get3A_333 = arith.constant 48 : index
        %get3A_334 = tpu.vector_load %arg6[%get3A_332, %get3A_333] {strides = array<i32>} : memref<88x256xf32, #tpu.memory_space<vmem>>, vector<1x16xf32>,
        %get3A_335 = vector.shape_cast %get3A_334 : vector<1x16xf32> to vector<16xf32>
        %add3A_336 = arith.addf %add3A_329, %get3A_335 : vector<16xf32>
        %add3A_337 = arith.constant 4 : i32
        %add3A_338 = arith.addi %mul3A_58, %add3A_337 : i32
        %get3A_339 = arith.index_cast %add3A_338 : i32 to index
        %get3A_340 = arith.constant 48 : index
        %get3A_341 = tpu.vector_load %arg6[%get3A_339, %get3A_340] {strides = array<i32>} : memref<88x256xf32, #tpu.memory_space<vmem>>, vector<1x16xf32>,
        %get3A_342 = vector.shape_cast %get3A_341 : vector<1x16xf32> to vector<16xf32>
        %add3A_343 = arith.addf %add3A_336, %get3A_342 : vector<16xf32>
        %add3A_344 = arith.constant 5 : i32
        %add3A_345 = arith.addi %mul3A_58, %add3A_344 : i32
        %get3A_346 = arith.index_cast %add3A_345 : i32 to index
        %get3A_347 = arith.constant 48 : index
        %get3A_348 = tpu.vector_load %arg6[%get3A_346, %get3A_347] {strides = array<i32>} : memref<88x256xf32, #tpu.memory_space<vmem>>, vector<1x16xf32>,
        %get3A_349 = vector.shape_cast %get3A_348 : vector<1x16xf32> to vector<16xf32>
        %add3A_350 = arith.addf %add3A_343, %get3A_349 : vector<16xf32>
        %add3A_351 = arith.constant 6 : i32
        %add3A_352 = arith.addi %mul3A_58, %add3A_351 : i32
        %get3A_353 = arith.index_cast %add3A_352 : i32 to index
        %get3A_354 = arith.constant 48 : index
        %get3A_355 = tpu.vector_load %arg6[%get3A_353, %get3A_354] {strides = array<i32>} : memref<88x256xf32, #tpu.memory_space<vmem>>, vector<1x16xf32>,
        %get3A_356 = vector.shape_cast %get3A_355 : vector<1x16xf32> to vector<16xf32>
        %add3A_357 = arith.addf %add3A_350, %get3A_356 : vector<16xf32>
        %add3A_358 = arith.constant 7 : i32
        %add3A_359 = arith.addi %mul3A_58, %add3A_358 : i32
        %get3A_360 = arith.index_cast %add3A_359 : i32 to index
        %get3A_361 = arith.constant 48 : index
        %get3A_362 = tpu.vector_load %arg6[%get3A_360, %get3A_361] {strides = array<i32>} : memref<88x256xf32, #tpu.memory_space<vmem>>, vector<1x16xf32>,
        %get3A_363 = vector.shape_cast %get3A_362 : vector<1x16xf32> to vector<16xf32>
        %add3A_364 = arith.addf %add3A_357, %get3A_363 : vector<16xf32>
        %add3A_365 = arith.constant 8 : i32
        %add3A_366 = arith.addi %mul3A_58, %add3A_365 : i32
        %get3A_367 = arith.index_cast %add3A_366 : i32 to index
        %get3A_368 = arith.constant 48 : index
        %get3A_369 = tpu.vector_load %arg6[%get3A_367, %get3A_368] {strides = array<i32>} : memref<88x256xf32, #tpu.memory_space<vmem>>, vector<1x16xf32>,
        %get3A_370 = vector.shape_cast %get3A_369 : vector<1x16xf32> to vector<16xf32>
        %add3A_371 = arith.addf %add3A_364, %get3A_370 : vector<16xf32>
        %add3A_372 = arith.constant 9 : i32
        %add3A_373 = arith.addi %mul3A_58, %add3A_372 : i32
        %get3A_374 = arith.index_cast %add3A_373 : i32 to index
        %get3A_375 = arith.constant 48 : index
        %get3A_376 = tpu.vector_load %arg6[%get3A_374, %get3A_375] {strides = array<i32>} : memref<88x256xf32, #tpu.memory_space<vmem>>, vector<1x16xf32>,
        %get3A_377 = vector.shape_cast %get3A_376 : vector<1x16xf32> to vector<16xf32>
        %add3A_378 = arith.addf %add3A_371, %get3A_377 : vector<16xf32>
        %add3A_379 = arith.constant 10 : i32
        %add3A_380 = arith.addi %mul3A_58, %add3A_379 : i32
        %get3A_381 = arith.index_cast %add3A_380 : i32 to index
        %get3A_382 = arith.constant 48 : index
        %get3A_383 = tpu.vector_load %arg6[%get3A_381, %get3A_382] {strides = array<i32>} : memref<88x256xf32, #tpu.memory_space<vmem>>, vector<1x16xf32>,
        %get3A_384 = vector.shape_cast %get3A_383 : vector<1x16xf32> to vector<16xf32>
        %add3A_385 = arith.addf %add3A_378, %get3A_384 : vector<16xf32>
        %mul3A_386 = arith.constant 0.301511347 : f32
        %mul3A_387 = vector.broadcast %mul3A_386 : f32 to vector<16xf32>
        %mul3A_388 = arith.mulf %add3A_385, %mul3A_387 : vector<16xf32>
        %mul3A_389 = arith.constant 8 : i32
        %mul3A_390 = arith.muli %mul3A_18, %mul3A_389 : i32
        %add3A_391 = arith.addi %mul3A_390, %scan3A_55 : i32
        %swap3A_392 = arith.index_cast %add3A_391 : i32 to index
        %swap3A_393 = arith.constant 48 : index
        %swap3A_394 = tpu.vector_load %arg8[%swap3A_392, %swap3A_393] {strides = array<i32>} : memref<128x256xf32, #tpu.memory_space<vmem>>, vector<1x16xf32>,
        %swap3A_395 = vector.shape_cast %swap3A_394 : vector<1x16xf32> to vector<16xf32>
        %swap3A_396 = vector.shape_cast %mul3A_388 : vector<16xf32> to vector<1x16xf32>
        tpu.vector_store %arg8[%swap3A_392, %swap3A_393], %swap3A_396 {strides = array<i32>} : memref<128x256xf32, #tpu.memory_space<vmem>>, vector<1x16xf32>,
        %get3A_397 = arith.index_cast %mul3A_58 : i32 to index
        %get3A_398 = arith.constant 64 : index
        %get3A_399 = tpu.vector_load %arg6[%get3A_397, %get3A_398] {strides = array<i32>} : memref<88x256xf32, #tpu.memory_space<vmem>>, vector<1x16xf32>,
        %get3A_400 = vector.shape_cast %get3A_399 : vector<1x16xf32> to vector<16xf32>
        %add3A_401 = arith.constant 1 : i32
        %add3A_402 = arith.addi %mul3A_58, %add3A_401 : i32
        %get3A_403 = arith.index_cast %add3A_402 : i32 to index
        %get3A_404 = arith.constant 64 : index
        %get3A_405 = tpu.vector_load %arg6[%get3A_403, %get3A_404] {strides = array<i32>} : memref<88x256xf32, #tpu.memory_space<vmem>>, vector<1x16xf32>,
        %get3A_406 = vector.shape_cast %get3A_405 : vector<1x16xf32> to vector<16xf32>
        %add3A_407 = arith.addf %get3A_400, %get3A_406 : vector<16xf32>
        %add3A_408 = arith.constant 2 : i32
        %add3A_409 = arith.addi %mul3A_58, %add3A_408 : i32
        %get3A_410 = arith.index_cast %add3A_409 : i32 to index
        %get3A_411 = arith.constant 64 : index
        %get3A_412 = tpu.vector_load %arg6[%get3A_410, %get3A_411] {strides = array<i32>} : memref<88x256xf32, #tpu.memory_space<vmem>>, vector<1x16xf32>,
        %get3A_413 = vector.shape_cast %get3A_412 : vector<1x16xf32> to vector<16xf32>
        %add3A_414 = arith.addf %add3A_407, %get3A_413 : vector<16xf32>
        %add3A_415 = arith.constant 3 : i32
        %add3A_416 = arith.addi %mul3A_58, %add3A_415 : i32
        %get3A_417 = arith.index_cast %add3A_416 : i32 to index
        %get3A_418 = arith.constant 64 : index
        %get3A_419 = tpu.vector_load %arg6[%get3A_417, %get3A_418] {strides = array<i32>} : memref<88x256xf32, #tpu.memory_space<vmem>>, vector<1x16xf32>,
        %get3A_420 = vector.shape_cast %get3A_419 : vector<1x16xf32> to vector<16xf32>
        %add3A_421 = arith.addf %add3A_414, %get3A_420 : vector<16xf32>
        %add3A_422 = arith.constant 4 : i32
        %add3A_423 = arith.addi %mul3A_58, %add3A_422 : i32
        %get3A_424 = arith.index_cast %add3A_423 : i32 to index
        %get3A_425 = arith.constant 64 : index
        %get3A_426 = tpu.vector_load %arg6[%get3A_424, %get3A_425] {strides = array<i32>} : memref<88x256xf32, #tpu.memory_space<vmem>>, vector<1x16xf32>,
        %get3A_427 = vector.shape_cast %get3A_426 : vector<1x16xf32> to vector<16xf32>
        %add3A_428 = arith.addf %add3A_421, %get3A_427 : vector<16xf32>
        %add3A_429 = arith.constant 5 : i32
        %add3A_430 = arith.addi %mul3A_58, %add3A_429 : i32
        %get3A_431 = arith.index_cast %add3A_430 : i32 to index
        %get3A_432 = arith.constant 64 : index
        %get3A_433 = tpu.vector_load %arg6[%get3A_431, %get3A_432] {strides = array<i32>} : memref<88x256xf32, #tpu.memory_space<vmem>>, vector<1x16xf32>,
        %get3A_434 = vector.shape_cast %get3A_433 : vector<1x16xf32> to vector<16xf32>
        %add3A_435 = arith.addf %add3A_428, %get3A_434 : vector<16xf32>
        %add3A_436 = arith.constant 6 : i32
        %add3A_437 = arith.addi %mul3A_58, %add3A_436 : i32
        %get3A_438 = arith.index_cast %add3A_437 : i32 to index
        %get3A_439 = arith.constant 64 : index
        %get3A_440 = tpu.vector_load %arg6[%get3A_438, %get3A_439] {strides = array<i32>} : memref<88x256xf32, #tpu.memory_space<vmem>>, vector<1x16xf32>,
        %get3A_441 = vector.shape_cast %get3A_440 : vector<1x16xf32> to vector<16xf32>
        %add3A_442 = arith.addf %add3A_435, %get3A_441 : vector<16xf32>
        %add3A_443 = arith.constant 7 : i32
        %add3A_444 = arith.addi %mul3A_58, %add3A_443 : i32
        %get3A_445 = arith.index_cast %add3A_444 : i32 to index
        %get3A_446 = arith.constant 64 : index
        %get3A_447 = tpu.vector_load %arg6[%get3A_445, %get3A_446] {strides = array<i32>} : memref<88x256xf32, #tpu.memory_space<vmem>>, vector<1x16xf32>,
        %get3A_448 = vector.shape_cast %get3A_447 : vector<1x16xf32> to vector<16xf32>
        %add3A_449 = arith.addf %add3A_442, %get3A_448 : vector<16xf32>
        %add3A_450 = arith.constant 8 : i32
        %add3A_451 = arith.addi %mul3A_58, %add3A_450 : i32
        %get3A_452 = arith.index_cast %add3A_451 : i32 to index
        %get3A_453 = arith.constant 64 : index
        %get3A_454 = tpu.vector_load %arg6[%get3A_452, %get3A_453] {strides = array<i32>} : memref<88x256xf32, #tpu.memory_space<vmem>>, vector<1x16xf32>,
        %get3A_455 = vector.shape_cast %get3A_454 : vector<1x16xf32> to vector<16xf32>
        %add3A_456 = arith.addf %add3A_449, %get3A_455 : vector<16xf32>
        %add3A_457 = arith.constant 9 : i32
        %add3A_458 = arith.addi %mul3A_58, %add3A_457 : i32
        %get3A_459 = arith.index_cast %add3A_458 : i32 to index
        %get3A_460 = arith.constant 64 : index
        %get3A_461 = tpu.vector_load %arg6[%get3A_459, %get3A_460] {strides = array<i32>} : memref<88x256xf32, #tpu.memory_space<vmem>>, vector<1x16xf32>,
        %get3A_462 = vector.shape_cast %get3A_461 : vector<1x16xf32> to vector<16xf32>
        %add3A_463 = arith.addf %add3A_456, %get3A_462 : vector<16xf32>
        %add3A_464 = arith.constant 10 : i32
        %add3A_465 = arith.addi %mul3A_58, %add3A_464 : i32
        %get3A_466 = arith.index_cast %add3A_465 : i32 to index
        %get3A_467 = arith.constant 64 : index
        %get3A_468 = tpu.vector_load %arg6[%get3A_466, %get3A_467] {strides = array<i32>} : memref<88x256xf32, #tpu.memory_space<vmem>>, vector<1x16xf32>,
        %get3A_469 = vector.shape_cast %get3A_468 : vector<1x16xf32> to vector<16xf32>
        %add3A_470 = arith.addf %add3A_463, %get3A_469 : vector<16xf32>
        %mul3A_471 = arith.constant 0.301511347 : f32
        %mul3A_472 = vector.broadcast %mul3A_471 : f32 to vector<16xf32>
        %mul3A_473 = arith.mulf %add3A_470, %mul3A_472 : vector<16xf32>
        %mul3A_474 = arith.constant 8 : i32
        %mul3A_475 = arith.muli %mul3A_18, %mul3A_474 : i32
        %add3A_476 = arith.addi %mul3A_475, %scan3A_55 : i32
        %swap3A_477 = arith.index_cast %add3A_476 : i32 to index
        %swap3A_478 = arith.constant 64 : index
        %swap3A_479 = tpu.vector_load %arg8[%swap3A_477, %swap3A_478] {strides = array<i32>} : memref<128x256xf32, #tpu.memory_space<vmem>>, vector<1x16xf32>,
        %swap3A_480 = vector.shape_cast %swap3A_479 : vector<1x16xf32> to vector<16xf32>
        %swap3A_481 = vector.shape_cast %mul3A_473 : vector<16xf32> to vector<1x16xf32>
        tpu.vector_store %arg8[%swap3A_477, %swap3A_478], %swap3A_481 {strides = array<i32>} : memref<128x256xf32, #tpu.memory_space<vmem>>, vector<1x16xf32>,
        %get3A_482 = arith.index_cast %mul3A_58 : i32 to index
        %get3A_483 = arith.constant 80 : index
        %get3A_484 = tpu.vector_load %arg6[%get3A_482, %get3A_483] {strides = array<i32>} : memref<88x256xf32, #tpu.memory_space<vmem>>, vector<1x16xf32>,
        %get3A_485 = vector.shape_cast %get3A_484 : vector<1x16xf32> to vector<16xf32>
        %add3A_486 = arith.constant 1 : i32
        %add3A_487 = arith.addi %mul3A_58, %add3A_486 : i32
        %get3A_488 = arith.index_cast %add3A_487 : i32 to index
        %get3A_489 = arith.constant 80 : index
        %get3A_490 = tpu.vector_load %arg6[%get3A_488, %get3A_489] {strides = array<i32>} : memref<88x256xf32, #tpu.memory_space<vmem>>, vector<1x16xf32>,
        %get3A_491 = vector.shape_cast %get3A_490 : vector<1x16xf32> to vector<16xf32>
        %add3A_492 = arith.addf %get3A_485, %get3A_491 : vector<16xf32>
        %add3A_493 = arith.constant 2 : i32
        %add3A_494 = arith.addi %mul3A_58, %add3A_493 : i32
        %get3A_495 = arith.index_cast %add3A_494 : i32 to index
        %get3A_496 = arith.constant 80 : index
        %get3A_497 = tpu.vector_load %arg6[%get3A_495, %get3A_496] {strides = array<i32>} : memref<88x256xf32, #tpu.memory_space<vmem>>, vector<1x16xf32>,
        %get3A_498 = vector.shape_cast %get3A_497 : vector<1x16xf32> to vector<16xf32>
        %add3A_499 = arith.addf %add3A_492, %get3A_498 : vector<16xf32>
        %add3A_500 = arith.constant 3 : i32
        %add3A_501 = arith.addi %mul3A_58, %add3A_500 : i32
        %get3A_502 = arith.index_cast %add3A_501 : i32 to index
        %get3A_503 = arith.constant 80 : index
        %get3A_504 = tpu.vector_load %arg6[%get3A_502, %get3A_503] {strides = array<i32>} : memref<88x256xf32, #tpu.memory_space<vmem>>, vector<1x16xf32>,
        %get3A_505 = vector.shape_cast %get3A_504 : vector<1x16xf32> to vector<16xf32>
        %add3A_506 = arith.addf %add3A_499, %get3A_505 : vector<16xf32>
        %add3A_507 = arith.constant 4 : i32
        %add3A_508 = arith.addi %mul3A_58, %add3A_507 : i32
        %get3A_509 = arith.index_cast %add3A_508 : i32 to index
        %get3A_510 = arith.constant 80 : index
        %get3A_511 = tpu.vector_load %arg6[%get3A_509, %get3A_510] {strides = array<i32>} : memref<88x256xf32, #tpu.memory_space<vmem>>, vector<1x16xf32>,
        %get3A_512 = vector.shape_cast %get3A_511 : vector<1x16xf32> to vector<16xf32>
        %add3A_513 = arith.addf %add3A_506, %get3A_512 : vector<16xf32>
        %add3A_514 = arith.constant 5 : i32
        %add3A_515 = arith.addi %mul3A_58, %add3A_514 : i32
        %get3A_516 = arith.index_cast %add3A_515 : i32 to index
        %get3A_517 = arith.constant 80 : index
        %get3A_518 = tpu.vector_load %arg6[%get3A_516, %get3A_517] {strides = array<i32>} : memref<88x256xf32, #tpu.memory_space<vmem>>, vector<1x16xf32>,
        %get3A_519 = vector.shape_cast %get3A_518 : vector<1x16xf32> to vector<16xf32>
        %add3A_520 = arith.addf %add3A_513, %get3A_519 : vector<16xf32>
        %add3A_521 = arith.constant 6 : i32
        %add3A_522 = arith.addi %mul3A_58, %add3A_521 : i32
        %get3A_523 = arith.index_cast %add3A_522 : i32 to index
        %get3A_524 = arith.constant 80 : index
        %get3A_525 = tpu.vector_load %arg6[%get3A_523, %get3A_524] {strides = array<i32>} : memref<88x256xf32, #tpu.memory_space<vmem>>, vector<1x16xf32>,
        %get3A_526 = vector.shape_cast %get3A_525 : vector<1x16xf32> to vector<16xf32>
        %add3A_527 = arith.addf %add3A_520, %get3A_526 : vector<16xf32>
        %add3A_528 = arith.constant 7 : i32
        %add3A_529 = arith.addi %mul3A_58, %add3A_528 : i32
        %get3A_530 = arith.index_cast %add3A_529 : i32 to index
        %get3A_531 = arith.constant 80 : index
        %get3A_532 = tpu.vector_load %arg6[%get3A_530, %get3A_531] {strides = array<i32>} : memref<88x256xf32, #tpu.memory_space<vmem>>, vector<1x16xf32>,
        %get3A_533 = vector.shape_cast %get3A_532 : vector<1x16xf32> to vector<16xf32>
        %add3A_534 = arith.addf %add3A_527, %get3A_533 : vector<16xf32>
        %add3A_535 = arith.constant 8 : i32
        %add3A_536 = arith.addi %mul3A_58, %add3A_535 : i32
        %get3A_537 = arith.index_cast %add3A_536 : i32 to index
        %get3A_538 = arith.constant 80 : index
        %get3A_539 = tpu.vector_load %arg6[%get3A_537, %get3A_538] {strides = array<i32>} : memref<88x256xf32, #tpu.memory_space<vmem>>, vector<1x16xf32>,
        %get3A_540 = vector.shape_cast %get3A_539 : vector<1x16xf32> to vector<16xf32>
        %add3A_541 = arith.addf %add3A_534, %get3A_540 : vector<16xf32>
        %add3A_542 = arith.constant 9 : i32
        %add3A_543 = arith.addi %mul3A_58, %add3A_542 : i32
        %get3A_544 = arith.index_cast %add3A_543 : i32 to index
        %get3A_545 = arith.constant 80 : index
        %get3A_546 = tpu.vector_load %arg6[%get3A_544, %get3A_545] {strides = array<i32>} : memref<88x256xf32, #tpu.memory_space<vmem>>, vector<1x16xf32>,
        %get3A_547 = vector.shape_cast %get3A_546 : vector<1x16xf32> to vector<16xf32>
        %add3A_548 = arith.addf %add3A_541, %get3A_547 : vector<16xf32>
        %add3A_549 = arith.constant 10 : i32
        %add3A_550 = arith.addi %mul3A_58, %add3A_549 : i32
        %get3A_551 = arith.index_cast %add3A_550 : i32 to index
        %get3A_552 = arith.constant 80 : index
        %get3A_553 = tpu.vector_load %arg6[%get3A_551, %get3A_552] {strides = array<i32>} : memref<88x256xf32, #tpu.memory_space<vmem>>, vector<1x16xf32>,
        %get3A_554 = vector.shape_cast %get3A_553 : vector<1x16xf32> to vector<16xf32>
        %add3A_555 = arith.addf %add3A_548, %get3A_554 : vector<16xf32>
        %mul3A_556 = arith.constant 0.301511347 : f32
        %mul3A_557 = vector.broadcast %mul3A_556 : f32 to vector<16xf32>
        %mul3A_558 = arith.mulf %add3A_555, %mul3A_557 : vector<16xf32>
        %mul3A_559 = arith.constant 8 : i32
        %mul3A_560 = arith.muli %mul3A_18, %mul3A_559 : i32
        %add3A_561 = arith.addi %mul3A_560, %scan3A_55 : i32
        %swap3A_562 = arith.index_cast %add3A_561 : i32 to index
        %swap3A_563 = arith.constant 80 : index
        %swap3A_564 = tpu.vector_load %arg8[%swap3A_562, %swap3A_563] {strides = array<i32>} : memref<128x256xf32, #tpu.memory_space<vmem>>, vector<1x16xf32>,
        %swap3A_565 = vector.shape_cast %swap3A_564 : vector<1x16xf32> to vector<16xf32>
        %swap3A_566 = vector.shape_cast %mul3A_558 : vector<16xf32> to vector<1x16xf32>
        tpu.vector_store %arg8[%swap3A_562, %swap3A_563], %swap3A_566 {strides = array<i32>} : memref<128x256xf32, #tpu.memory_space<vmem>>, vector<1x16xf32>,
        %get3A_567 = arith.index_cast %mul3A_58 : i32 to index
        %get3A_568 = arith.constant 96 : index
        %get3A_569 = tpu.vector_load %arg6[%get3A_567, %get3A_568] {strides = array<i32>} : memref<88x256xf32, #tpu.memory_space<vmem>>, vector<1x16xf32>,
        %get3A_570 = vector.shape_cast %get3A_569 : vector<1x16xf32> to vector<16xf32>
        %add3A_571 = arith.constant 1 : i32
        %add3A_572 = arith.addi %mul3A_58, %add3A_571 : i32
        %get3A_573 = arith.index_cast %add3A_572 : i32 to index
        %get3A_574 = arith.constant 96 : index
        %get3A_575 = tpu.vector_load %arg6[%get3A_573, %get3A_574] {strides = array<i32>} : memref<88x256xf32, #tpu.memory_space<vmem>>, vector<1x16xf32>,
        %get3A_576 = vector.shape_cast %get3A_575 : vector<1x16xf32> to vector<16xf32>
        %add3A_577 = arith.addf %get3A_570, %get3A_576 : vector<16xf32>
        %add3A_578 = arith.constant 2 : i32
        %add3A_579 = arith.addi %mul3A_58, %add3A_578 : i32
        %get3A_580 = arith.index_cast %add3A_579 : i32 to index
        %get3A_581 = arith.constant 96 : index
        %get3A_582 = tpu.vector_load %arg6[%get3A_580, %get3A_581] {strides = array<i32>} : memref<88x256xf32, #tpu.memory_space<vmem>>, vector<1x16xf32>,
        %get3A_583 = vector.shape_cast %get3A_582 : vector<1x16xf32> to vector<16xf32>
        %add3A_584 = arith.addf %add3A_577, %get3A_583 : vector<16xf32>
        %add3A_585 = arith.constant 3 : i32
        %add3A_586 = arith.addi %mul3A_58, %add3A_585 : i32
        %get3A_587 = arith.index_cast %add3A_586 : i32 to index
        %get3A_588 = arith.constant 96 : index
        %get3A_589 = tpu.vector_load %arg6[%get3A_587, %get3A_588] {strides = array<i32>} : memref<88x256xf32, #tpu.memory_space<vmem>>, vector<1x16xf32>,
        %get3A_590 = vector.shape_cast %get3A_589 : vector<1x16xf32> to vector<16xf32>
        %add3A_591 = arith.addf %add3A_584, %get3A_590 : vector<16xf32>
        %add3A_592 = arith.constant 4 : i32
        %add3A_593 = arith.addi %mul3A_58, %add3A_592 : i32
        %get3A_594 = arith.index_cast %add3A_593 : i32 to index
        %get3A_595 = arith.constant 96 : index
        %get3A_596 = tpu.vector_load %arg6[%get3A_594, %get3A_595] {strides = array<i32>} : memref<88x256xf32, #tpu.memory_space<vmem>>, vector<1x16xf32>,
        %get3A_597 = vector.shape_cast %get3A_596 : vector<1x16xf32> to vector<16xf32>
        %add3A_598 = arith.addf %add3A_591, %get3A_597 : vector<16xf32>
        %add3A_599 = arith.constant 5 : i32
        %add3A_600 = arith.addi %mul3A_58, %add3A_599 : i32
        %get3A_601 = arith.index_cast %add3A_600 : i32 to index
        %get3A_602 = arith.constant 96 : index
        %get3A_603 = tpu.vector_load %arg6[%get3A_601, %get3A_602] {strides = array<i32>} : memref<88x256xf32, #tpu.memory_space<vmem>>, vector<1x16xf32>,
        %get3A_604 = vector.shape_cast %get3A_603 : vector<1x16xf32> to vector<16xf32>
        %add3A_605 = arith.addf %add3A_598, %get3A_604 : vector<16xf32>
        %add3A_606 = arith.constant 6 : i32
        %add3A_607 = arith.addi %mul3A_58, %add3A_606 : i32
        %get3A_608 = arith.index_cast %add3A_607 : i32 to index
        %get3A_609 = arith.constant 96 : index
        %get3A_610 = tpu.vector_load %arg6[%get3A_608, %get3A_609] {strides = array<i32>} : memref<88x256xf32, #tpu.memory_space<vmem>>, vector<1x16xf32>,
        %get3A_611 = vector.shape_cast %get3A_610 : vector<1x16xf32> to vector<16xf32>
        %add3A_612 = arith.addf %add3A_605, %get3A_611 : vector<16xf32>
        %add3A_613 = arith.constant 7 : i32
        %add3A_614 = arith.addi %mul3A_58, %add3A_613 : i32
        %get3A_615 = arith.index_cast %add3A_614 : i32 to index
        %get3A_616 = arith.constant 96 : index
        %get3A_617 = tpu.vector_load %arg6[%get3A_615, %get3A_616] {strides = array<i32>} : memref<88x256xf32, #tpu.memory_space<vmem>>, vector<1x16xf32>,
        %get3A_618 = vector.shape_cast %get3A_617 : vector<1x16xf32> to vector<16xf32>
        %add3A_619 = arith.addf %add3A_612, %get3A_618 : vector<16xf32>
        %add3A_620 = arith.constant 8 : i32
        %add3A_621 = arith.addi %mul3A_58, %add3A_620 : i32
        %get3A_622 = arith.index_cast %add3A_621 : i32 to index
        %get3A_623 = arith.constant 96 : index
        %get3A_624 = tpu.vector_load %arg6[%get3A_622, %get3A_623] {strides = array<i32>} : memref<88x256xf32, #tpu.memory_space<vmem>>, vector<1x16xf32>,
        %get3A_625 = vector.shape_cast %get3A_624 : vector<1x16xf32> to vector<16xf32>
        %add3A_626 = arith.addf %add3A_619, %get3A_625 : vector<16xf32>
        %add3A_627 = arith.constant 9 : i32
        %add3A_628 = arith.addi %mul3A_58, %add3A_627 : i32
        %get3A_629 = arith.index_cast %add3A_628 : i32 to index
        %get3A_630 = arith.constant 96 : index
        %get3A_631 = tpu.vector_load %arg6[%get3A_629, %get3A_630] {strides = array<i32>} : memref<88x256xf32, #tpu.memory_space<vmem>>, vector<1x16xf32>,
        %get3A_632 = vector.shape_cast %get3A_631 : vector<1x16xf32> to vector<16xf32>
        %add3A_633 = arith.addf %add3A_626, %get3A_632 : vector<16xf32>
        %add3A_634 = arith.constant 10 : i32
        %add3A_635 = arith.addi %mul3A_58, %add3A_634 : i32
        %get3A_636 = arith.index_cast %add3A_635 : i32 to index
        %get3A_637 = arith.constant 96 : index
        %get3A_638 = tpu.vector_load %arg6[%get3A_636, %get3A_637] {strides = array<i32>} : memref<88x256xf32, #tpu.memory_space<vmem>>, vector<1x16xf32>,
        %get3A_639 = vector.shape_cast %get3A_638 : vector<1x16xf32> to vector<16xf32>
        %add3A_640 = arith.addf %add3A_633, %get3A_639 : vector<16xf32>
        %mul3A_641 = arith.constant 0.301511347 : f32
        %mul3A_642 = vector.broadcast %mul3A_641 : f32 to vector<16xf32>
        %mul3A_643 = arith.mulf %add3A_640, %mul3A_642 : vector<16xf32>
        %mul3A_644 = arith.constant 8 : i32
        %mul3A_645 = arith.muli %mul3A_18, %mul3A_644 : i32
        %add3A_646 = arith.addi %mul3A_645, %scan3A_55 : i32
        %swap3A_647 = arith.index_cast %add3A_646 : i32 to index
        %swap3A_648 = arith.constant 96 : index
        %swap3A_649 = tpu.vector_load %arg8[%swap3A_647, %swap3A_648] {strides = array<i32>} : memref<128x256xf32, #tpu.memory_space<vmem>>, vector<1x16xf32>,
        %swap3A_650 = vector.shape_cast %swap3A_649 : vector<1x16xf32> to vector<16xf32>
        %swap3A_651 = vector.shape_cast %mul3A_643 : vector<16xf32> to vector<1x16xf32>
        tpu.vector_store %arg8[%swap3A_647, %swap3A_648], %swap3A_651 {strides = array<i32>} : memref<128x256xf32, #tpu.memory_space<vmem>>, vector<1x16xf32>,
        %get3A_652 = arith.index_cast %mul3A_58 : i32 to index
        %get3A_653 = arith.constant 112 : index
        %get3A_654 = tpu.vector_load %arg6[%get3A_652, %get3A_653] {strides = array<i32>} : memref<88x256xf32, #tpu.memory_space<vmem>>, vector<1x16xf32>,
        %get3A_655 = vector.shape_cast %get3A_654 : vector<1x16xf32> to vector<16xf32>
        %add3A_656 = arith.constant 1 : i32
        %add3A_657 = arith.addi %mul3A_58, %add3A_656 : i32
        %get3A_658 = arith.index_cast %add3A_657 : i32 to index
        %get3A_659 = arith.constant 112 : index
        %get3A_660 = tpu.vector_load %arg6[%get3A_658, %get3A_659] {strides = array<i32>} : memref<88x256xf32, #tpu.memory_space<vmem>>, vector<1x16xf32>,
        %get3A_661 = vector.shape_cast %get3A_660 : vector<1x16xf32> to vector<16xf32>
        %add3A_662 = arith.addf %get3A_655, %get3A_661 : vector<16xf32>
        %add3A_663 = arith.constant 2 : i32
        %add3A_664 = arith.addi %mul3A_58, %add3A_663 : i32
        %get3A_665 = arith.index_cast %add3A_664 : i32 to index
        %get3A_666 = arith.constant 112 : index
        %get3A_667 = tpu.vector_load %arg6[%get3A_665, %get3A_666] {strides = array<i32>} : memref<88x256xf32, #tpu.memory_space<vmem>>, vector<1x16xf32>,
        %get3A_668 = vector.shape_cast %get3A_667 : vector<1x16xf32> to vector<16xf32>
        %add3A_669 = arith.addf %add3A_662, %get3A_668 : vector<16xf32>
        %add3A_670 = arith.constant 3 : i32
        %add3A_671 = arith.addi %mul3A_58, %add3A_670 : i32
        %get3A_672 = arith.index_cast %add3A_671 : i32 to index
        %get3A_673 = arith.constant 112 : index
        %get3A_674 = tpu.vector_load %arg6[%get3A_672, %get3A_673] {strides = array<i32>} : memref<88x256xf32, #tpu.memory_space<vmem>>, vector<1x16xf32>,
        %get3A_675 = vector.shape_cast %get3A_674 : vector<1x16xf32> to vector<16xf32>
        %add3A_676 = arith.addf %add3A_669, %get3A_675 : vector<16xf32>
        %add3A_677 = arith.constant 4 : i32
        %add3A_678 = arith.addi %mul3A_58, %add3A_677 : i32
        %get3A_679 = arith.index_cast %add3A_678 : i32 to index
        %get3A_680 = arith.constant 112 : index
        %get3A_681 = tpu.vector_load %arg6[%get3A_679, %get3A_680] {strides = array<i32>} : memref<88x256xf32, #tpu.memory_space<vmem>>, vector<1x16xf32>,
        %get3A_682 = vector.shape_cast %get3A_681 : vector<1x16xf32> to vector<16xf32>
        %add3A_683 = arith.addf %add3A_676, %get3A_682 : vector<16xf32>
        %add3A_684 = arith.constant 5 : i32
        %add3A_685 = arith.addi %mul3A_58, %add3A_684 : i32
        %get3A_686 = arith.index_cast %add3A_685 : i32 to index
        %get3A_687 = arith.constant 112 : index
        %get3A_688 = tpu.vector_load %arg6[%get3A_686, %get3A_687] {strides = array<i32>} : memref<88x256xf32, #tpu.memory_space<vmem>>, vector<1x16xf32>,
        %get3A_689 = vector.shape_cast %get3A_688 : vector<1x16xf32> to vector<16xf32>
        %add3A_690 = arith.addf %add3A_683, %get3A_689 : vector<16xf32>
        %add3A_691 = arith.constant 6 : i32
        %add3A_692 = arith.addi %mul3A_58, %add3A_691 : i32
        %get3A_693 = arith.index_cast %add3A_692 : i32 to index
        %get3A_694 = arith.constant 112 : index
        %get3A_695 = tpu.vector_load %arg6[%get3A_693, %get3A_694] {strides = array<i32>} : memref<88x256xf32, #tpu.memory_space<vmem>>, vector<1x16xf32>,
        %get3A_696 = vector.shape_cast %get3A_695 : vector<1x16xf32> to vector<16xf32>
        %add3A_697 = arith.addf %add3A_690, %get3A_696 : vector<16xf32>
        %add3A_698 = arith.constant 7 : i32
        %add3A_699 = arith.addi %mul3A_58, %add3A_698 : i32
        %get3A_700 = arith.index_cast %add3A_699 : i32 to index
        %get3A_701 = arith.constant 112 : index
        %get3A_702 = tpu.vector_load %arg6[%get3A_700, %get3A_701] {strides = array<i32>} : memref<88x256xf32, #tpu.memory_space<vmem>>, vector<1x16xf32>,
        %get3A_703 = vector.shape_cast %get3A_702 : vector<1x16xf32> to vector<16xf32>
        %add3A_704 = arith.addf %add3A_697, %get3A_703 : vector<16xf32>
        %add3A_705 = arith.constant 8 : i32
        %add3A_706 = arith.addi %mul3A_58, %add3A_705 : i32
        %get3A_707 = arith.index_cast %add3A_706 : i32 to index
        %get3A_708 = arith.constant 112 : index
        %get3A_709 = tpu.vector_load %arg6[%get3A_707, %get3A_708] {strides = array<i32>} : memref<88x256xf32, #tpu.memory_space<vmem>>, vector<1x16xf32>,
        %get3A_710 = vector.shape_cast %get3A_709 : vector<1x16xf32> to vector<16xf32>
        %add3A_711 = arith.addf %add3A_704, %get3A_710 : vector<16xf32>
        %add3A_712 = arith.constant 9 : i32
        %add3A_713 = arith.addi %mul3A_58, %add3A_712 : i32
        %get3A_714 = arith.index_cast %add3A_713 : i32 to index
        %get3A_715 = arith.constant 112 : index
        %get3A_716 = tpu.vector_load %arg6[%get3A_714, %get3A_715] {strides = array<i32>} : memref<88x256xf32, #tpu.memory_space<vmem>>, vector<1x16xf32>,
        %get3A_717 = vector.shape_cast %get3A_716 : vector<1x16xf32> to vector<16xf32>
        %add3A_718 = arith.addf %add3A_711, %get3A_717 : vector<16xf32>
        %add3A_719 = arith.constant 10 : i32
        %add3A_720 = arith.addi %mul3A_58, %add3A_719 : i32
        %get3A_721 = arith.index_cast %add3A_720 : i32 to index
        %get3A_722 = arith.constant 112 : index
        %get3A_723 = tpu.vector_load %arg6[%get3A_721, %get3A_722] {strides = array<i32>} : memref<88x256xf32, #tpu.memory_space<vmem>>, vector<1x16xf32>,
        %get3A_724 = vector.shape_cast %get3A_723 : vector<1x16xf32> to vector<16xf32>
        %add3A_725 = arith.addf %add3A_718, %get3A_724 : vector<16xf32>
        %mul3A_726 = arith.constant 0.301511347 : f32
        %mul3A_727 = vector.broadcast %mul3A_726 : f32 to vector<16xf32>
        %mul3A_728 = arith.mulf %add3A_725, %mul3A_727 : vector<16xf32>
        %mul3A_729 = arith.constant 8 : i32
        %mul3A_730 = arith.muli %mul3A_18, %mul3A_729 : i32
        %add3A_731 = arith.addi %mul3A_730, %scan3A_55 : i32
        %swap3A_732 = arith.index_cast %add3A_731 : i32 to index
        %swap3A_733 = arith.constant 112 : index
        %swap3A_734 = tpu.vector_load %arg8[%swap3A_732, %swap3A_733] {strides = array<i32>} : memref<128x256xf32, #tpu.memory_space<vmem>>, vector<1x16xf32>,
        %swap3A_735 = vector.shape_cast %swap3A_734 : vector<1x16xf32> to vector<16xf32>
        %swap3A_736 = vector.shape_cast %mul3A_728 : vector<16xf32> to vector<1x16xf32>
        tpu.vector_store %arg8[%swap3A_732, %swap3A_733], %swap3A_736 {strides = array<i32>} : memref<128x256xf32, #tpu.memory_space<vmem>>, vector<1x16xf32>,
        %get3A_737 = arith.index_cast %mul3A_58 : i32 to index
        %get3A_738 = arith.constant 128 : index
        %get3A_739 = tpu.vector_load %arg6[%get3A_737, %get3A_738] {strides = array<i32>} : memref<88x256xf32, #tpu.memory_space<vmem>>, vector<1x16xf32>,
        %get3A_740 = vector.shape_cast %get3A_739 : vector<1x16xf32> to vector<16xf32>
        %add3A_741 = arith.constant 1 : i32
        %add3A_742 = arith.addi %mul3A_58, %add3A_741 : i32
        %get3A_743 = arith.index_cast %add3A_742 : i32 to index
        %get3A_744 = arith.constant 128 : index
        %get3A_745 = tpu.vector_load %arg6[%get3A_743, %get3A_744] {strides = array<i32>} : memref<88x256xf32, #tpu.memory_space<vmem>>, vector<1x16xf32>,
        %get3A_746 = vector.shape_cast %get3A_745 : vector<1x16xf32> to vector<16xf32>
        %add3A_747 = arith.addf %get3A_740, %get3A_746 : vector<16xf32>
        %add3A_748 = arith.constant 2 : i32
        %add3A_749 = arith.addi %mul3A_58, %add3A_748 : i32
        %get3A_750 = arith.index_cast %add3A_749 : i32 to index
        %get3A_751 = arith.constant 128 : index
        %get3A_752 = tpu.vector_load %arg6[%get3A_750, %get3A_751] {strides = array<i32>} : memref<88x256xf32, #tpu.memory_space<vmem>>, vector<1x16xf32>,
        %get3A_753 = vector.shape_cast %get3A_752 : vector<1x16xf32> to vector<16xf32>
        %add3A_754 = arith.addf %add3A_747, %get3A_753 : vector<16xf32>
        %add3A_755 = arith.constant 3 : i32
        %add3A_756 = arith.addi %mul3A_58, %add3A_755 : i32
        %get3A_757 = arith.index_cast %add3A_756 : i32 to index
        %get3A_758 = arith.constant 128 : index
        %get3A_759 = tpu.vector_load %arg6[%get3A_757, %get3A_758] {strides = array<i32>} : memref<88x256xf32, #tpu.memory_space<vmem>>, vector<1x16xf32>,
        %get3A_760 = vector.shape_cast %get3A_759 : vector<1x16xf32> to vector<16xf32>
        %add3A_761 = arith.addf %add3A_754, %get3A_760 : vector<16xf32>
        %add3A_762 = arith.constant 4 : i32
        %add3A_763 = arith.addi %mul3A_58, %add3A_762 : i32
        %get3A_764 = arith.index_cast %add3A_763 : i32 to index
        %get3A_765 = arith.constant 128 : index
        %get3A_766 = tpu.vector_load %arg6[%get3A_764, %get3A_765] {strides = array<i32>} : memref<88x256xf32, #tpu.memory_space<vmem>>, vector<1x16xf32>,
        %get3A_767 = vector.shape_cast %get3A_766 : vector<1x16xf32> to vector<16xf32>
        %add3A_768 = arith.addf %add3A_761, %get3A_767 : vector<16xf32>
        %add3A_769 = arith.constant 5 : i32
        %add3A_770 = arith.addi %mul3A_58, %add3A_769 : i32
        %get3A_771 = arith.index_cast %add3A_770 : i32 to index
        %get3A_772 = arith.constant 128 : index
        %get3A_773 = tpu.vector_load %arg6[%get3A_771, %get3A_772] {strides = array<i32>} : memref<88x256xf32, #tpu.memory_space<vmem>>, vector<1x16xf32>,
        %get3A_774 = vector.shape_cast %get3A_773 : vector<1x16xf32> to vector<16xf32>
        %add3A_775 = arith.addf %add3A_768, %get3A_774 : vector<16xf32>
        %add3A_776 = arith.constant 6 : i32
        %add3A_777 = arith.addi %mul3A_58, %add3A_776 : i32
        %get3A_778 = arith.index_cast %add3A_777 : i32 to index
        %get3A_779 = arith.constant 128 : index
        %get3A_780 = tpu.vector_load %arg6[%get3A_778, %get3A_779] {strides = array<i32>} : memref<88x256xf32, #tpu.memory_space<vmem>>, vector<1x16xf32>,
        %get3A_781 = vector.shape_cast %get3A_780 : vector<1x16xf32> to vector<16xf32>
        %add3A_782 = arith.addf %add3A_775, %get3A_781 : vector<16xf32>
        %add3A_783 = arith.constant 7 : i32
        %add3A_784 = arith.addi %mul3A_58, %add3A_783 : i32
        %get3A_785 = arith.index_cast %add3A_784 : i32 to index
        %get3A_786 = arith.constant 128 : index
        %get3A_787 = tpu.vector_load %arg6[%get3A_785, %get3A_786] {strides = array<i32>} : memref<88x256xf32, #tpu.memory_space<vmem>>, vector<1x16xf32>,
        %get3A_788 = vector.shape_cast %get3A_787 : vector<1x16xf32> to vector<16xf32>
        %add3A_789 = arith.addf %add3A_782, %get3A_788 : vector<16xf32>
        %add3A_790 = arith.constant 8 : i32
        %add3A_791 = arith.addi %mul3A_58, %add3A_790 : i32
        %get3A_792 = arith.index_cast %add3A_791 : i32 to index
        %get3A_793 = arith.constant 128 : index
        %get3A_794 = tpu.vector_load %arg6[%get3A_792, %get3A_793] {strides = array<i32>} : memref<88x256xf32, #tpu.memory_space<vmem>>, vector<1x16xf32>,
        %get3A_795 = vector.shape_cast %get3A_794 : vector<1x16xf32> to vector<16xf32>
        %add3A_796 = arith.addf %add3A_789, %get3A_795 : vector<16xf32>
        %add3A_797 = arith.constant 9 : i32
        %add3A_798 = arith.addi %mul3A_58, %add3A_797 : i32
        %get3A_799 = arith.index_cast %add3A_798 : i32 to index
        %get3A_800 = arith.constant 128 : index
        %get3A_801 = tpu.vector_load %arg6[%get3A_799, %get3A_800] {strides = array<i32>} : memref<88x256xf32, #tpu.memory_space<vmem>>, vector<1x16xf32>,
        %get3A_802 = vector.shape_cast %get3A_801 : vector<1x16xf32> to vector<16xf32>
        %add3A_803 = arith.addf %add3A_796, %get3A_802 : vector<16xf32>
        %add3A_804 = arith.constant 10 : i32
        %add3A_805 = arith.addi %mul3A_58, %add3A_804 : i32
        %get3A_806 = arith.index_cast %add3A_805 : i32 to index
        %get3A_807 = arith.constant 128 : index
        %get3A_808 = tpu.vector_load %arg6[%get3A_806, %get3A_807] {strides = array<i32>} : memref<88x256xf32, #tpu.memory_space<vmem>>, vector<1x16xf32>,
        %get3A_809 = vector.shape_cast %get3A_808 : vector<1x16xf32> to vector<16xf32>
        %add3A_810 = arith.addf %add3A_803, %get3A_809 : vector<16xf32>
        %mul3A_811 = arith.constant 0.301511347 : f32
        %mul3A_812 = vector.broadcast %mul3A_811 : f32 to vector<16xf32>
        %mul3A_813 = arith.mulf %add3A_810, %mul3A_812 : vector<16xf32>
        %mul3A_814 = arith.constant 8 : i32
        %mul3A_815 = arith.muli %mul3A_18, %mul3A_814 : i32
        %add3A_816 = arith.addi %mul3A_815, %scan3A_55 : i32
        %swap3A_817 = arith.index_cast %add3A_816 : i32 to index
        %swap3A_818 = arith.constant 128 : index
        %swap3A_819 = tpu.vector_load %arg8[%swap3A_817, %swap3A_818] {strides = array<i32>} : memref<128x256xf32, #tpu.memory_space<vmem>>, vector<1x16xf32>,
        %swap3A_820 = vector.shape_cast %swap3A_819 : vector<1x16xf32> to vector<16xf32>
        %swap3A_821 = vector.shape_cast %mul3A_813 : vector<16xf32> to vector<1x16xf32>
        tpu.vector_store %arg8[%swap3A_817, %swap3A_818], %swap3A_821 {strides = array<i32>} : memref<128x256xf32, #tpu.memory_space<vmem>>, vector<1x16xf32>,
        %get3A_822 = arith.index_cast %mul3A_58 : i32 to index
        %get3A_823 = arith.constant 144 : index
        %get3A_824 = tpu.vector_load %arg6[%get3A_822, %get3A_823] {strides = array<i32>} : memref<88x256xf32, #tpu.memory_space<vmem>>, vector<1x16xf32>,
        %get3A_825 = vector.shape_cast %get3A_824 : vector<1x16xf32> to vector<16xf32>
        %add3A_826 = arith.constant 1 : i32
        %add3A_827 = arith.addi %mul3A_58, %add3A_826 : i32
        %get3A_828 = arith.index_cast %add3A_827 : i32 to index
        %get3A_829 = arith.constant 144 : index
        %get3A_830 = tpu.vector_load %arg6[%get3A_828, %get3A_829] {strides = array<i32>} : memref<88x256xf32, #tpu.memory_space<vmem>>, vector<1x16xf32>,
        %get3A_831 = vector.shape_cast %get3A_830 : vector<1x16xf32> to vector<16xf32>
        %add3A_832 = arith.addf %get3A_825, %get3A_831 : vector<16xf32>
        %add3A_833 = arith.constant 2 : i32
        %add3A_834 = arith.addi %mul3A_58, %add3A_833 : i32
        %get3A_835 = arith.index_cast %add3A_834 : i32 to index
        %get3A_836 = arith.constant 144 : index
        %get3A_837 = tpu.vector_load %arg6[%get3A_835, %get3A_836] {strides = array<i32>} : memref<88x256xf32, #tpu.memory_space<vmem>>, vector<1x16xf32>,
        %get3A_838 = vector.shape_cast %get3A_837 : vector<1x16xf32> to vector<16xf32>
        %add3A_839 = arith.addf %add3A_832, %get3A_838 : vector<16xf32>
        %add3A_840 = arith.constant 3 : i32
        %add3A_841 = arith.addi %mul3A_58, %add3A_840 : i32
        %get3A_842 = arith.index_cast %add3A_841 : i32 to index
        %get3A_843 = arith.constant 144 : index
        %get3A_844 = tpu.vector_load %arg6[%get3A_842, %get3A_843] {strides = array<i32>} : memref<88x256xf32, #tpu.memory_space<vmem>>, vector<1x16xf32>,
        %get3A_845 = vector.shape_cast %get3A_844 : vector<1x16xf32> to vector<16xf32>
        %add3A_846 = arith.addf %add3A_839, %get3A_845 : vector<16xf32>
        %add3A_847 = arith.constant 4 : i32
        %add3A_848 = arith.addi %mul3A_58, %add3A_847 : i32
        %get3A_849 = arith.index_cast %add3A_848 : i32 to index
        %get3A_850 = arith.constant 144 : index
        %get3A_851 = tpu.vector_load %arg6[%get3A_849, %get3A_850] {strides = array<i32>} : memref<88x256xf32, #tpu.memory_space<vmem>>, vector<1x16xf32>,
        %get3A_852 = vector.shape_cast %get3A_851 : vector<1x16xf32> to vector<16xf32>
        %add3A_853 = arith.addf %add3A_846, %get3A_852 : vector<16xf32>
        %add3A_854 = arith.constant 5 : i32
        %add3A_855 = arith.addi %mul3A_58, %add3A_854 : i32
        %get3A_856 = arith.index_cast %add3A_855 : i32 to index
        %get3A_857 = arith.constant 144 : index
        %get3A_858 = tpu.vector_load %arg6[%get3A_856, %get3A_857] {strides = array<i32>} : memref<88x256xf32, #tpu.memory_space<vmem>>, vector<1x16xf32>,
        %get3A_859 = vector.shape_cast %get3A_858 : vector<1x16xf32> to vector<16xf32>
        %add3A_860 = arith.addf %add3A_853, %get3A_859 : vector<16xf32>
        %add3A_861 = arith.constant 6 : i32
        %add3A_862 = arith.addi %mul3A_58, %add3A_861 : i32
        %get3A_863 = arith.index_cast %add3A_862 : i32 to index
        %get3A_864 = arith.constant 144 : index
        %get3A_865 = tpu.vector_load %arg6[%get3A_863, %get3A_864] {strides = array<i32>} : memref<88x256xf32, #tpu.memory_space<vmem>>, vector<1x16xf32>,
        %get3A_866 = vector.shape_cast %get3A_865 : vector<1x16xf32> to vector<16xf32>
        %add3A_867 = arith.addf %add3A_860, %get3A_866 : vector<16xf32>
        %add3A_868 = arith.constant 7 : i32
        %add3A_869 = arith.addi %mul3A_58, %add3A_868 : i32
        %get3A_870 = arith.index_cast %add3A_869 : i32 to index
        %get3A_871 = arith.constant 144 : index
        %get3A_872 = tpu.vector_load %arg6[%get3A_870, %get3A_871] {strides = array<i32>} : memref<88x256xf32, #tpu.memory_space<vmem>>, vector<1x16xf32>,
        %get3A_873 = vector.shape_cast %get3A_872 : vector<1x16xf32> to vector<16xf32>
        %add3A_874 = arith.addf %add3A_867, %get3A_873 : vector<16xf32>
        %add3A_875 = arith.constant 8 : i32
        %add3A_876 = arith.addi %mul3A_58, %add3A_875 : i32
        %get3A_877 = arith.index_cast %add3A_876 : i32 to index
        %get3A_878 = arith.constant 144 : index
        %get3A_879 = tpu.vector_load %arg6[%get3A_877, %get3A_878] {strides = array<i32>} : memref<88x256xf32, #tpu.memory_space<vmem>>, vector<1x16xf32>,
        %get3A_880 = vector.shape_cast %get3A_879 : vector<1x16xf32> to vector<16xf32>
        %add3A_881 = arith.addf %add3A_874, %get3A_880 : vector<16xf32>
        %add3A_882 = arith.constant 9 : i32
        %add3A_883 = arith.addi %mul3A_58, %add3A_882 : i32
        %get3A_884 = arith.index_cast %add3A_883 : i32 to index
        %get3A_885 = arith.constant 144 : index
        %get3A_886 = tpu.vector_load %arg6[%get3A_884, %get3A_885] {strides = array<i32>} : memref<88x256xf32, #tpu.memory_space<vmem>>, vector<1x16xf32>,
        %get3A_887 = vector.shape_cast %get3A_886 : vector<1x16xf32> to vector<16xf32>
        %add3A_888 = arith.addf %add3A_881, %get3A_887 : vector<16xf32>
        %add3A_889 = arith.constant 10 : i32
        %add3A_890 = arith.addi %mul3A_58, %add3A_889 : i32
        %get3A_891 = arith.index_cast %add3A_890 : i32 to index
        %get3A_892 = arith.constant 144 : index
        %get3A_893 = tpu.vector_load %arg6[%get3A_891, %get3A_892] {strides = array<i32>} : memref<88x256xf32, #tpu.memory_space<vmem>>, vector<1x16xf32>,
        %get3A_894 = vector.shape_cast %get3A_893 : vector<1x16xf32> to vector<16xf32>
        %add3A_895 = arith.addf %add3A_888, %get3A_894 : vector<16xf32>
        %mul3A_896 = arith.constant 0.301511347 : f32
        %mul3A_897 = vector.broadcast %mul3A_896 : f32 to vector<16xf32>
        %mul3A_898 = arith.mulf %add3A_895, %mul3A_897 : vector<16xf32>
        %mul3A_899 = arith.constant 8 : i32
        %mul3A_900 = arith.muli %mul3A_18, %mul3A_899 : i32
        %add3A_901 = arith.addi %mul3A_900, %scan3A_55 : i32
        %swap3A_902 = arith.index_cast %add3A_901 : i32 to index
        %swap3A_903 = arith.constant 144 : index
        %swap3A_904 = tpu.vector_load %arg8[%swap3A_902, %swap3A_903] {strides = array<i32>} : memref<128x256xf32, #tpu.memory_space<vmem>>, vector<1x16xf32>,
        %swap3A_905 = vector.shape_cast %swap3A_904 : vector<1x16xf32> to vector<16xf32>
        %swap3A_906 = vector.shape_cast %mul3A_898 : vector<16xf32> to vector<1x16xf32>
        tpu.vector_store %arg8[%swap3A_902, %swap3A_903], %swap3A_906 {strides = array<i32>} : memref<128x256xf32, #tpu.memory_space<vmem>>, vector<1x16xf32>,
        %get3A_907 = arith.index_cast %mul3A_58 : i32 to index
        %get3A_908 = arith.constant 160 : index
        %get3A_909 = tpu.vector_load %arg6[%get3A_907, %get3A_908] {strides = array<i32>} : memref<88x256xf32, #tpu.memory_space<vmem>>, vector<1x16xf32>,
        %get3A_910 = vector.shape_cast %get3A_909 : vector<1x16xf32> to vector<16xf32>
        %add3A_911 = arith.constant 1 : i32
        %add3A_912 = arith.addi %mul3A_58, %add3A_911 : i32
        %get3A_913 = arith.index_cast %add3A_912 : i32 to index
        %get3A_914 = arith.constant 160 : index
        %get3A_915 = tpu.vector_load %arg6[%get3A_913, %get3A_914] {strides = array<i32>} : memref<88x256xf32, #tpu.memory_space<vmem>>, vector<1x16xf32>,
        %get3A_916 = vector.shape_cast %get3A_915 : vector<1x16xf32> to vector<16xf32>
        %add3A_917 = arith.addf %get3A_910, %get3A_916 : vector<16xf32>
        %add3A_918 = arith.constant 2 : i32
        %add3A_919 = arith.addi %mul3A_58, %add3A_918 : i32
        %get3A_920 = arith.index_cast %add3A_919 : i32 to index
        %get3A_921 = arith.constant 160 : index
        %get3A_922 = tpu.vector_load %arg6[%get3A_920, %get3A_921] {strides = array<i32>} : memref<88x256xf32, #tpu.memory_space<vmem>>, vector<1x16xf32>,
        %get3A_923 = vector.shape_cast %get3A_922 : vector<1x16xf32> to vector<16xf32>
        %add3A_924 = arith.addf %add3A_917, %get3A_923 : vector<16xf32>
        %add3A_925 = arith.constant 3 : i32
        %add3A_926 = arith.addi %mul3A_58, %add3A_925 : i32
        %get3A_927 = arith.index_cast %add3A_926 : i32 to index
        %get3A_928 = arith.constant 160 : index
        %get3A_929 = tpu.vector_load %arg6[%get3A_927, %get3A_928] {strides = array<i32>} : memref<88x256xf32, #tpu.memory_space<vmem>>, vector<1x16xf32>,
        %get3A_930 = vector.shape_cast %get3A_929 : vector<1x16xf32> to vector<16xf32>
        %add3A_931 = arith.addf %add3A_924, %get3A_930 : vector<16xf32>
        %add3A_932 = arith.constant 4 : i32
        %add3A_933 = arith.addi %mul3A_58, %add3A_932 : i32
        %get3A_934 = arith.index_cast %add3A_933 : i32 to index
        %get3A_935 = arith.constant 160 : index
        %get3A_936 = tpu.vector_load %arg6[%get3A_934, %get3A_935] {strides = array<i32>} : memref<88x256xf32, #tpu.memory_space<vmem>>, vector<1x16xf32>,
        %get3A_937 = vector.shape_cast %get3A_936 : vector<1x16xf32> to vector<16xf32>
        %add3A_938 = arith.addf %add3A_931, %get3A_937 : vector<16xf32>
        %add3A_939 = arith.constant 5 : i32
        %add3A_940 = arith.addi %mul3A_58, %add3A_939 : i32
        %get3A_941 = arith.index_cast %add3A_940 : i32 to index
        %get3A_942 = arith.constant 160 : index
        %get3A_943 = tpu.vector_load %arg6[%get3A_941, %get3A_942] {strides = array<i32>} : memref<88x256xf32, #tpu.memory_space<vmem>>, vector<1x16xf32>,
        %get3A_944 = vector.shape_cast %get3A_943 : vector<1x16xf32> to vector<16xf32>
        %add3A_945 = arith.addf %add3A_938, %get3A_944 : vector<16xf32>
        %add3A_946 = arith.constant 6 : i32
        %add3A_947 = arith.addi %mul3A_58, %add3A_946 : i32
        %get3A_948 = arith.index_cast %add3A_947 : i32 to index
        %get3A_949 = arith.constant 160 : index
        %get3A_950 = tpu.vector_load %arg6[%get3A_948, %get3A_949] {strides = array<i32>} : memref<88x256xf32, #tpu.memory_space<vmem>>, vector<1x16xf32>,
        %get3A_951 = vector.shape_cast %get3A_950 : vector<1x16xf32> to vector<16xf32>
        %add3A_952 = arith.addf %add3A_945, %get3A_951 : vector<16xf32>
        %add3A_953 = arith.constant 7 : i32
        %add3A_954 = arith.addi %mul3A_58, %add3A_953 : i32
        %get3A_955 = arith.index_cast %add3A_954 : i32 to index
        %get3A_956 = arith.constant 160 : index
        %get3A_957 = tpu.vector_load %arg6[%get3A_955, %get3A_956] {strides = array<i32>} : memref<88x256xf32, #tpu.memory_space<vmem>>, vector<1x16xf32>,
        %get3A_958 = vector.shape_cast %get3A_957 : vector<1x16xf32> to vector<16xf32>
        %add3A_959 = arith.addf %add3A_952, %get3A_958 : vector<16xf32>
        %add3A_960 = arith.constant 8 : i32
        %add3A_961 = arith.addi %mul3A_58, %add3A_960 : i32
        %get3A_962 = arith.index_cast %add3A_961 : i32 to index
        %get3A_963 = arith.constant 160 : index
        %get3A_964 = tpu.vector_load %arg6[%get3A_962, %get3A_963] {strides = array<i32>} : memref<88x256xf32, #tpu.memory_space<vmem>>, vector<1x16xf32>,
        %get3A_965 = vector.shape_cast %get3A_964 : vector<1x16xf32> to vector<16xf32>
        %add3A_966 = arith.addf %add3A_959, %get3A_965 : vector<16xf32>
        %add3A_967 = arith.constant 9 : i32
        %add3A_968 = arith.addi %mul3A_58, %add3A_967 : i32
        %get3A_969 = arith.index_cast %add3A_968 : i32 to index
        %get3A_970 = arith.constant 160 : index
        %get3A_971 = tpu.vector_load %arg6[%get3A_969, %get3A_970] {strides = array<i32>} : memref<88x256xf32, #tpu.memory_space<vmem>>, vector<1x16xf32>,
        %get3A_972 = vector.shape_cast %get3A_971 : vector<1x16xf32> to vector<16xf32>
        %add3A_973 = arith.addf %add3A_966, %get3A_972 : vector<16xf32>
        %add3A_974 = arith.constant 10 : i32
        %add3A_975 = arith.addi %mul3A_58, %add3A_974 : i32
        %get3A_976 = arith.index_cast %add3A_975 : i32 to index
        %get3A_977 = arith.constant 160 : index
        %get3A_978 = tpu.vector_load %arg6[%get3A_976, %get3A_977] {strides = array<i32>} : memref<88x256xf32, #tpu.memory_space<vmem>>, vector<1x16xf32>,
        %get3A_979 = vector.shape_cast %get3A_978 : vector<1x16xf32> to vector<16xf32>
        %add3A_980 = arith.addf %add3A_973, %get3A_979 : vector<16xf32>
        %mul3A_981 = arith.constant 0.301511347 : f32
        %mul3A_982 = vector.broadcast %mul3A_981 : f32 to vector<16xf32>
        %mul3A_983 = arith.mulf %add3A_980, %mul3A_982 : vector<16xf32>
        %mul3A_984 = arith.constant 8 : i32
        %mul3A_985 = arith.muli %mul3A_18, %mul3A_984 : i32
        %add3A_986 = arith.addi %mul3A_985, %scan3A_55 : i32
        %swap3A_987 = arith.index_cast %add3A_986 : i32 to index
        %swap3A_988 = arith.constant 160 : index
        %swap3A_989 = tpu.vector_load %arg8[%swap3A_987, %swap3A_988] {strides = array<i32>} : memref<128x256xf32, #tpu.memory_space<vmem>>, vector<1x16xf32>,
        %swap3A_990 = vector.shape_cast %swap3A_989 : vector<1x16xf32> to vector<16xf32>
        %swap3A_991 = vector.shape_cast %mul3A_983 : vector<16xf32> to vector<1x16xf32>
        tpu.vector_store %arg8[%swap3A_987, %swap3A_988], %swap3A_991 {strides = array<i32>} : memref<128x256xf32, #tpu.memory_space<vmem>>, vector<1x16xf32>,
        %get3A_992 = arith.index_cast %mul3A_58 : i32 to index
        %get3A_993 = arith.constant 176 : index
        %get3A_994 = tpu.vector_load %arg6[%get3A_992, %get3A_993] {strides = array<i32>} : memref<88x256xf32, #tpu.memory_space<vmem>>, vector<1x16xf32>,
        %get3A_995 = vector.shape_cast %get3A_994 : vector<1x16xf32> to vector<16xf32>
        %add3A_996 = arith.constant 1 : i32
        %add3A_997 = arith.addi %mul3A_58, %add3A_996 : i32
        %get3A_998 = arith.index_cast %add3A_997 : i32 to index
        %get3A_999 = arith.constant 176 : index
        %get3A_1000 = tpu.vector_load %arg6[%get3A_998, %get3A_999] {strides = array<i32>} : memref<88x256xf32, #tpu.memory_space<vmem>>, vector<1x16xf32>,
        %get3A_1001 = vector.shape_cast %get3A_1000 : vector<1x16xf32> to vector<16xf32>
        %add3A_1002 = arith.addf %get3A_995, %get3A_1001 : vector<16xf32>
        %add3A_1003 = arith.constant 2 : i32
        %add3A_1004 = arith.addi %mul3A_58, %add3A_1003 : i32
        %get3A_1005 = arith.index_cast %add3A_1004 : i32 to index
        %get3A_1006 = arith.constant 176 : index
        %get3A_1007 = tpu.vector_load %arg6[%get3A_1005, %get3A_1006] {strides = array<i32>} : memref<88x256xf32, #tpu.memory_space<vmem>>, vector<1x16xf32>,
        %get3A_1008 = vector.shape_cast %get3A_1007 : vector<1x16xf32> to vector<16xf32>
        %add3A_1009 = arith.addf %add3A_1002, %get3A_1008 : vector<16xf32>
        %add3A_1010 = arith.constant 3 : i32
        %add3A_1011 = arith.addi %mul3A_58, %add3A_1010 : i32
        %get3A_1012 = arith.index_cast %add3A_1011 : i32 to index
        %get3A_1013 = arith.constant 176 : index
        %get3A_1014 = tpu.vector_load %arg6[%get3A_1012, %get3A_1013] {strides = array<i32>} : memref<88x256xf32, #tpu.memory_space<vmem>>, vector<1x16xf32>,
        %get3A_1015 = vector.shape_cast %get3A_1014 : vector<1x16xf32> to vector<16xf32>
        %add3A_1016 = arith.addf %add3A_1009, %get3A_1015 : vector<16xf32>
        %add3A_1017 = arith.constant 4 : i32
        %add3A_1018 = arith.addi %mul3A_58, %add3A_1017 : i32
        %get3A_1019 = arith.index_cast %add3A_1018 : i32 to index
        %get3A_1020 = arith.constant 176 : index
        %get3A_1021 = tpu.vector_load %arg6[%get3A_1019, %get3A_1020] {strides = array<i32>} : memref<88x256xf32, #tpu.memory_space<vmem>>, vector<1x16xf32>,
        %get3A_1022 = vector.shape_cast %get3A_1021 : vector<1x16xf32> to vector<16xf32>
        %add3A_1023 = arith.addf %add3A_1016, %get3A_1022 : vector<16xf32>
        %add3A_1024 = arith.constant 5 : i32
        %add3A_1025 = arith.addi %mul3A_58, %add3A_1024 : i32
        %get3A_1026 = arith.index_cast %add3A_1025 : i32 to index
        %get3A_1027 = arith.constant 176 : index
        %get3A_1028 = tpu.vector_load %arg6[%get3A_1026, %get3A_1027] {strides = array<i32>} : memref<88x256xf32, #tpu.memory_space<vmem>>, vector<1x16xf32>,
        %get3A_1029 = vector.shape_cast %get3A_1028 : vector<1x16xf32> to vector<16xf32>
        %add3A_1030 = arith.addf %add3A_1023, %get3A_1029 : vector<16xf32>
        %add3A_1031 = arith.constant 6 : i32
        %add3A_1032 = arith.addi %mul3A_58, %add3A_1031 : i32
        %get3A_1033 = arith.index_cast %add3A_1032 : i32 to index
        %get3A_1034 = arith.constant 176 : index
        %get3A_1035 = tpu.vector_load %arg6[%get3A_1033, %get3A_1034] {strides = array<i32>} : memref<88x256xf32, #tpu.memory_space<vmem>>, vector<1x16xf32>,
        %get3A_1036 = vector.shape_cast %get3A_1035 : vector<1x16xf32> to vector<16xf32>
        %add3A_1037 = arith.addf %add3A_1030, %get3A_1036 : vector<16xf32>
        %add3A_1038 = arith.constant 7 : i32
        %add3A_1039 = arith.addi %mul3A_58, %add3A_1038 : i32
        %get3A_1040 = arith.index_cast %add3A_1039 : i32 to index
        %get3A_1041 = arith.constant 176 : index
        %get3A_1042 = tpu.vector_load %arg6[%get3A_1040, %get3A_1041] {strides = array<i32>} : memref<88x256xf32, #tpu.memory_space<vmem>>, vector<1x16xf32>,
        %get3A_1043 = vector.shape_cast %get3A_1042 : vector<1x16xf32> to vector<16xf32>
        %add3A_1044 = arith.addf %add3A_1037, %get3A_1043 : vector<16xf32>
        %add3A_1045 = arith.constant 8 : i32
        %add3A_1046 = arith.addi %mul3A_58, %add3A_1045 : i32
        %get3A_1047 = arith.index_cast %add3A_1046 : i32 to index
        %get3A_1048 = arith.constant 176 : index
        %get3A_1049 = tpu.vector_load %arg6[%get3A_1047, %get3A_1048] {strides = array<i32>} : memref<88x256xf32, #tpu.memory_space<vmem>>, vector<1x16xf32>,
        %get3A_1050 = vector.shape_cast %get3A_1049 : vector<1x16xf32> to vector<16xf32>
        %add3A_1051 = arith.addf %add3A_1044, %get3A_1050 : vector<16xf32>
        %add3A_1052 = arith.constant 9 : i32
        %add3A_1053 = arith.addi %mul3A_58, %add3A_1052 : i32
        %get3A_1054 = arith.index_cast %add3A_1053 : i32 to index
        %get3A_1055 = arith.constant 176 : index
        %get3A_1056 = tpu.vector_load %arg6[%get3A_1054, %get3A_1055] {strides = array<i32>} : memref<88x256xf32, #tpu.memory_space<vmem>>, vector<1x16xf32>,
        %get3A_1057 = vector.shape_cast %get3A_1056 : vector<1x16xf32> to vector<16xf32>
        %add3A_1058 = arith.addf %add3A_1051, %get3A_1057 : vector<16xf32>
        %add3A_1059 = arith.constant 10 : i32
        %add3A_1060 = arith.addi %mul3A_58, %add3A_1059 : i32
        %get3A_1061 = arith.index_cast %add3A_1060 : i32 to index
        %get3A_1062 = arith.constant 176 : index
        %get3A_1063 = tpu.vector_load %arg6[%get3A_1061, %get3A_1062] {strides = array<i32>} : memref<88x256xf32, #tpu.memory_space<vmem>>, vector<1x16xf32>,
        %get3A_1064 = vector.shape_cast %get3A_1063 : vector<1x16xf32> to vector<16xf32>
        %add3A_1065 = arith.addf %add3A_1058, %get3A_1064 : vector<16xf32>
        %mul3A_1066 = arith.constant 0.301511347 : f32
        %mul3A_1067 = vector.broadcast %mul3A_1066 : f32 to vector<16xf32>
        %mul3A_1068 = arith.mulf %add3A_1065, %mul3A_1067 : vector<16xf32>
        %mul3A_1069 = arith.constant 8 : i32
        %mul3A_1070 = arith.muli %mul3A_18, %mul3A_1069 : i32
        %add3A_1071 = arith.addi %mul3A_1070, %scan3A_55 : i32
        %swap3A_1072 = arith.index_cast %add3A_1071 : i32 to index
        %swap3A_1073 = arith.constant 176 : index
        %swap3A_1074 = tpu.vector_load %arg8[%swap3A_1072, %swap3A_1073] {strides = array<i32>} : memref<128x256xf32, #tpu.memory_space<vmem>>, vector<1x16xf32>,
        %swap3A_1075 = vector.shape_cast %swap3A_1074 : vector<1x16xf32> to vector<16xf32>
        %swap3A_1076 = vector.shape_cast %mul3A_1068 : vector<16xf32> to vector<1x16xf32>
        tpu.vector_store %arg8[%swap3A_1072, %swap3A_1073], %swap3A_1076 {strides = array<i32>} : memref<128x256xf32, #tpu.memory_space<vmem>>, vector<1x16xf32>,
        %get3A_1077 = arith.index_cast %mul3A_58 : i32 to index
        %get3A_1078 = arith.constant 192 : index
        %get3A_1079 = tpu.vector_load %arg6[%get3A_1077, %get3A_1078] {strides = array<i32>} : memref<88x256xf32, #tpu.memory_space<vmem>>, vector<1x16xf32>,
        %get3A_1080 = vector.shape_cast %get3A_1079 : vector<1x16xf32> to vector<16xf32>
        %add3A_1081 = arith.constant 1 : i32
        %add3A_1082 = arith.addi %mul3A_58, %add3A_1081 : i32
        %get3A_1083 = arith.index_cast %add3A_1082 : i32 to index
        %get3A_1084 = arith.constant 192 : index
        %get3A_1085 = tpu.vector_load %arg6[%get3A_1083, %get3A_1084] {strides = array<i32>} : memref<88x256xf32, #tpu.memory_space<vmem>>, vector<1x16xf32>,
        %get3A_1086 = vector.shape_cast %get3A_1085 : vector<1x16xf32> to vector<16xf32>
        %add3A_1087 = arith.addf %get3A_1080, %get3A_1086 : vector<16xf32>
        %add3A_1088 = arith.constant 2 : i32
        %add3A_1089 = arith.addi %mul3A_58, %add3A_1088 : i32
        %get3A_1090 = arith.index_cast %add3A_1089 : i32 to index
        %get3A_1091 = arith.constant 192 : index
        %get3A_1092 = tpu.vector_load %arg6[%get3A_1090, %get3A_1091] {strides = array<i32>} : memref<88x256xf32, #tpu.memory_space<vmem>>, vector<1x16xf32>,
        %get3A_1093 = vector.shape_cast %get3A_1092 : vector<1x16xf32> to vector<16xf32>
        %add3A_1094 = arith.addf %add3A_1087, %get3A_1093 : vector<16xf32>
        %add3A_1095 = arith.constant 3 : i32
        %add3A_1096 = arith.addi %mul3A_58, %add3A_1095 : i32
        %get3A_1097 = arith.index_cast %add3A_1096 : i32 to index
        %get3A_1098 = arith.constant 192 : index
        %get3A_1099 = tpu.vector_load %arg6[%get3A_1097, %get3A_1098] {strides = array<i32>} : memref<88x256xf32, #tpu.memory_space<vmem>>, vector<1x16xf32>,
        %get3A_1100 = vector.shape_cast %get3A_1099 : vector<1x16xf32> to vector<16xf32>
        %add3A_1101 = arith.addf %add3A_1094, %get3A_1100 : vector<16xf32>
        %add3A_1102 = arith.constant 4 : i32
        %add3A_1103 = arith.addi %mul3A_58, %add3A_1102 : i32
        %get3A_1104 = arith.index_cast %add3A_1103 : i32 to index
        %get3A_1105 = arith.constant 192 : index
        %get3A_1106 = tpu.vector_load %arg6[%get3A_1104, %get3A_1105] {strides = array<i32>} : memref<88x256xf32, #tpu.memory_space<vmem>>, vector<1x16xf32>,
        %get3A_1107 = vector.shape_cast %get3A_1106 : vector<1x16xf32> to vector<16xf32>
        %add3A_1108 = arith.addf %add3A_1101, %get3A_1107 : vector<16xf32>
        %add3A_1109 = arith.constant 5 : i32
        %add3A_1110 = arith.addi %mul3A_58, %add3A_1109 : i32
        %get3A_1111 = arith.index_cast %add3A_1110 : i32 to index
        %get3A_1112 = arith.constant 192 : index
        %get3A_1113 = tpu.vector_load %arg6[%get3A_1111, %get3A_1112] {strides = array<i32>} : memref<88x256xf32, #tpu.memory_space<vmem>>, vector<1x16xf32>,
        %get3A_1114 = vector.shape_cast %get3A_1113 : vector<1x16xf32> to vector<16xf32>
        %add3A_1115 = arith.addf %add3A_1108, %get3A_1114 : vector<16xf32>
        %add3A_1116 = arith.constant 6 : i32
        %add3A_1117 = arith.addi %mul3A_58, %add3A_1116 : i32
        %get3A_1118 = arith.index_cast %add3A_1117 : i32 to index
        %get3A_1119 = arith.constant 192 : index
        %get3A_1120 = tpu.vector_load %arg6[%get3A_1118, %get3A_1119] {strides = array<i32>} : memref<88x256xf32, #tpu.memory_space<vmem>>, vector<1x16xf32>,
        %get3A_1121 = vector.shape_cast %get3A_1120 : vector<1x16xf32> to vector<16xf32>
        %add3A_1122 = arith.addf %add3A_1115, %get3A_1121 : vector<16xf32>
        %add3A_1123 = arith.constant 7 : i32
        %add3A_1124 = arith.addi %mul3A_58, %add3A_1123 : i32
        %get3A_1125 = arith.index_cast %add3A_1124 : i32 to index
        %get3A_1126 = arith.constant 192 : index
        %get3A_1127 = tpu.vector_load %arg6[%get3A_1125, %get3A_1126] {strides = array<i32>} : memref<88x256xf32, #tpu.memory_space<vmem>>, vector<1x16xf32>,
        %get3A_1128 = vector.shape_cast %get3A_1127 : vector<1x16xf32> to vector<16xf32>
        %add3A_1129 = arith.addf %add3A_1122, %get3A_1128 : vector<16xf32>
        %add3A_1130 = arith.constant 8 : i32
        %add3A_1131 = arith.addi %mul3A_58, %add3A_1130 : i32
        %get3A_1132 = arith.index_cast %add3A_1131 : i32 to index
        %get3A_1133 = arith.constant 192 : index
        %get3A_1134 = tpu.vector_load %arg6[%get3A_1132, %get3A_1133] {strides = array<i32>} : memref<88x256xf32, #tpu.memory_space<vmem>>, vector<1x16xf32>,
        %get3A_1135 = vector.shape_cast %get3A_1134 : vector<1x16xf32> to vector<16xf32>
        %add3A_1136 = arith.addf %add3A_1129, %get3A_1135 : vector<16xf32>
        %add3A_1137 = arith.constant 9 : i32
        %add3A_1138 = arith.addi %mul3A_58, %add3A_1137 : i32
        %get3A_1139 = arith.index_cast %add3A_1138 : i32 to index
        %get3A_1140 = arith.constant 192 : index
        %get3A_1141 = tpu.vector_load %arg6[%get3A_1139, %get3A_1140] {strides = array<i32>} : memref<88x256xf32, #tpu.memory_space<vmem>>, vector<1x16xf32>,
        %get3A_1142 = vector.shape_cast %get3A_1141 : vector<1x16xf32> to vector<16xf32>
        %add3A_1143 = arith.addf %add3A_1136, %get3A_1142 : vector<16xf32>
        %add3A_1144 = arith.constant 10 : i32
        %add3A_1145 = arith.addi %mul3A_58, %add3A_1144 : i32
        %get3A_1146 = arith.index_cast %add3A_1145 : i32 to index
        %get3A_1147 = arith.constant 192 : index
        %get3A_1148 = tpu.vector_load %arg6[%get3A_1146, %get3A_1147] {strides = array<i32>} : memref<88x256xf32, #tpu.memory_space<vmem>>, vector<1x16xf32>,
        %get3A_1149 = vector.shape_cast %get3A_1148 : vector<1x16xf32> to vector<16xf32>
        %add3A_1150 = arith.addf %add3A_1143, %get3A_1149 : vector<16xf32>
        %mul3A_1151 = arith.constant 0.301511347 : f32
        %mul3A_1152 = vector.broadcast %mul3A_1151 : f32 to vector<16xf32>
        %mul3A_1153 = arith.mulf %add3A_1150, %mul3A_1152 : vector<16xf32>
        %mul3A_1154 = arith.constant 8 : i32
        %mul3A_1155 = arith.muli %mul3A_18, %mul3A_1154 : i32
        %add3A_1156 = arith.addi %mul3A_1155, %scan3A_55 : i32
        %swap3A_1157 = arith.index_cast %add3A_1156 : i32 to index
        %swap3A_1158 = arith.constant 192 : index
        %swap3A_1159 = tpu.vector_load %arg8[%swap3A_1157, %swap3A_1158] {strides = array<i32>} : memref<128x256xf32, #tpu.memory_space<vmem>>, vector<1x16xf32>,
        %swap3A_1160 = vector.shape_cast %swap3A_1159 : vector<1x16xf32> to vector<16xf32>
        %swap3A_1161 = vector.shape_cast %mul3A_1153 : vector<16xf32> to vector<1x16xf32>
        tpu.vector_store %arg8[%swap3A_1157, %swap3A_1158], %swap3A_1161 {strides = array<i32>} : memref<128x256xf32, #tpu.memory_space<vmem>>, vector<1x16xf32>,
        %get3A_1162 = arith.index_cast %mul3A_58 : i32 to index
        %get3A_1163 = arith.constant 208 : index
        %get3A_1164 = tpu.vector_load %arg6[%get3A_1162, %get3A_1163] {strides = array<i32>} : memref<88x256xf32, #tpu.memory_space<vmem>>, vector<1x16xf32>,
        %get3A_1165 = vector.shape_cast %get3A_1164 : vector<1x16xf32> to vector<16xf32>
        %add3A_1166 = arith.constant 1 : i32
        %add3A_1167 = arith.addi %mul3A_58, %add3A_1166 : i32
        %get3A_1168 = arith.index_cast %add3A_1167 : i32 to index
        %get3A_1169 = arith.constant 208 : index
        %get3A_1170 = tpu.vector_load %arg6[%get3A_1168, %get3A_1169] {strides = array<i32>} : memref<88x256xf32, #tpu.memory_space<vmem>>, vector<1x16xf32>,
        %get3A_1171 = vector.shape_cast %get3A_1170 : vector<1x16xf32> to vector<16xf32>
        %add3A_1172 = arith.addf %get3A_1165, %get3A_1171 : vector<16xf32>
        %add3A_1173 = arith.constant 2 : i32
        %add3A_1174 = arith.addi %mul3A_58, %add3A_1173 : i32
        %get3A_1175 = arith.index_cast %add3A_1174 : i32 to index
        %get3A_1176 = arith.constant 208 : index
        %get3A_1177 = tpu.vector_load %arg6[%get3A_1175, %get3A_1176] {strides = array<i32>} : memref<88x256xf32, #tpu.memory_space<vmem>>, vector<1x16xf32>,
        %get3A_1178 = vector.shape_cast %get3A_1177 : vector<1x16xf32> to vector<16xf32>
        %add3A_1179 = arith.addf %add3A_1172, %get3A_1178 : vector<16xf32>
        %add3A_1180 = arith.constant 3 : i32
        %add3A_1181 = arith.addi %mul3A_58, %add3A_1180 : i32
        %get3A_1182 = arith.index_cast %add3A_1181 : i32 to index
        %get3A_1183 = arith.constant 208 : index
        %get3A_1184 = tpu.vector_load %arg6[%get3A_1182, %get3A_1183] {strides = array<i32>} : memref<88x256xf32, #tpu.memory_space<vmem>>, vector<1x16xf32>,
        %get3A_1185 = vector.shape_cast %get3A_1184 : vector<1x16xf32> to vector<16xf32>
        %add3A_1186 = arith.addf %add3A_1179, %get3A_1185 : vector<16xf32>
        %add3A_1187 = arith.constant 4 : i32
        %add3A_1188 = arith.addi %mul3A_58, %add3A_1187 : i32
        %get3A_1189 = arith.index_cast %add3A_1188 : i32 to index
        %get3A_1190 = arith.constant 208 : index
        %get3A_1191 = tpu.vector_load %arg6[%get3A_1189, %get3A_1190] {strides = array<i32>} : memref<88x256xf32, #tpu.memory_space<vmem>>, vector<1x16xf32>,
        %get3A_1192 = vector.shape_cast %get3A_1191 : vector<1x16xf32> to vector<16xf32>
        %add3A_1193 = arith.addf %add3A_1186, %get3A_1192 : vector<16xf32>
        %add3A_1194 = arith.constant 5 : i32
        %add3A_1195 = arith.addi %mul3A_58, %add3A_1194 : i32
        %get3A_1196 = arith.index_cast %add3A_1195 : i32 to index
        %get3A_1197 = arith.constant 208 : index
        %get3A_1198 = tpu.vector_load %arg6[%get3A_1196, %get3A_1197] {strides = array<i32>} : memref<88x256xf32, #tpu.memory_space<vmem>>, vector<1x16xf32>,
        %get3A_1199 = vector.shape_cast %get3A_1198 : vector<1x16xf32> to vector<16xf32>
        %add3A_1200 = arith.addf %add3A_1193, %get3A_1199 : vector<16xf32>
        %add3A_1201 = arith.constant 6 : i32
        %add3A_1202 = arith.addi %mul3A_58, %add3A_1201 : i32
        %get3A_1203 = arith.index_cast %add3A_1202 : i32 to index
        %get3A_1204 = arith.constant 208 : index
        %get3A_1205 = tpu.vector_load %arg6[%get3A_1203, %get3A_1204] {strides = array<i32>} : memref<88x256xf32, #tpu.memory_space<vmem>>, vector<1x16xf32>,
        %get3A_1206 = vector.shape_cast %get3A_1205 : vector<1x16xf32> to vector<16xf32>
        %add3A_1207 = arith.addf %add3A_1200, %get3A_1206 : vector<16xf32>
        %add3A_1208 = arith.constant 7 : i32
        %add3A_1209 = arith.addi %mul3A_58, %add3A_1208 : i32
        %get3A_1210 = arith.index_cast %add3A_1209 : i32 to index
        %get3A_1211 = arith.constant 208 : index
        %get3A_1212 = tpu.vector_load %arg6[%get3A_1210, %get3A_1211] {strides = array<i32>} : memref<88x256xf32, #tpu.memory_space<vmem>>, vector<1x16xf32>,
        %get3A_1213 = vector.shape_cast %get3A_1212 : vector<1x16xf32> to vector<16xf32>
        %add3A_1214 = arith.addf %add3A_1207, %get3A_1213 : vector<16xf32>
        %add3A_1215 = arith.constant 8 : i32
        %add3A_1216 = arith.addi %mul3A_58, %add3A_1215 : i32
        %get3A_1217 = arith.index_cast %add3A_1216 : i32 to index
        %get3A_1218 = arith.constant 208 : index
        %get3A_1219 = tpu.vector_load %arg6[%get3A_1217, %get3A_1218] {strides = array<i32>} : memref<88x256xf32, #tpu.memory_space<vmem>>, vector<1x16xf32>,
        %get3A_1220 = vector.shape_cast %get3A_1219 : vector<1x16xf32> to vector<16xf32>
        %add3A_1221 = arith.addf %add3A_1214, %get3A_1220 : vector<16xf32>
        %add3A_1222 = arith.constant 9 : i32
        %add3A_1223 = arith.addi %mul3A_58, %add3A_1222 : i32
        %get3A_1224 = arith.index_cast %add3A_1223 : i32 to index
        %get3A_1225 = arith.constant 208 : index
        %get3A_1226 = tpu.vector_load %arg6[%get3A_1224, %get3A_1225] {strides = array<i32>} : memref<88x256xf32, #tpu.memory_space<vmem>>, vector<1x16xf32>,
        %get3A_1227 = vector.shape_cast %get3A_1226 : vector<1x16xf32> to vector<16xf32>
        %add3A_1228 = arith.addf %add3A_1221, %get3A_1227 : vector<16xf32>
        %add3A_1229 = arith.constant 10 : i32
        %add3A_1230 = arith.addi %mul3A_58, %add3A_1229 : i32
        %get3A_1231 = arith.index_cast %add3A_1230 : i32 to index
        %get3A_1232 = arith.constant 208 : index
        %get3A_1233 = tpu.vector_load %arg6[%get3A_1231, %get3A_1232] {strides = array<i32>} : memref<88x256xf32, #tpu.memory_space<vmem>>, vector<1x16xf32>,
        %get3A_1234 = vector.shape_cast %get3A_1233 : vector<1x16xf32> to vector<16xf32>
        %add3A_1235 = arith.addf %add3A_1228, %get3A_1234 : vector<16xf32>
        %mul3A_1236 = arith.constant 0.301511347 : f32
        %mul3A_1237 = vector.broadcast %mul3A_1236 : f32 to vector<16xf32>
        %mul3A_1238 = arith.mulf %add3A_1235, %mul3A_1237 : vector<16xf32>
        %mul3A_1239 = arith.constant 8 : i32
        %mul3A_1240 = arith.muli %mul3A_18, %mul3A_1239 : i32
        %add3A_1241 = arith.addi %mul3A_1240, %scan3A_55 : i32
        %swap3A_1242 = arith.index_cast %add3A_1241 : i32 to index
        %swap3A_1243 = arith.constant 208 : index
        %swap3A_1244 = tpu.vector_load %arg8[%swap3A_1242, %swap3A_1243] {strides = array<i32>} : memref<128x256xf32, #tpu.memory_space<vmem>>, vector<1x16xf32>,
        %swap3A_1245 = vector.shape_cast %swap3A_1244 : vector<1x16xf32> to vector<16xf32>
        %swap3A_1246 = vector.shape_cast %mul3A_1238 : vector<16xf32> to vector<1x16xf32>
        tpu.vector_store %arg8[%swap3A_1242, %swap3A_1243], %swap3A_1246 {strides = array<i32>} : memref<128x256xf32, #tpu.memory_space<vmem>>, vector<1x16xf32>,
        %get3A_1247 = arith.index_cast %mul3A_58 : i32 to index
        %get3A_1248 = arith.constant 224 : index
        %get3A_1249 = tpu.vector_load %arg6[%get3A_1247, %get3A_1248] {strides = array<i32>} : memref<88x256xf32, #tpu.memory_space<vmem>>, vector<1x16xf32>,
        %get3A_1250 = vector.shape_cast %get3A_1249 : vector<1x16xf32> to vector<16xf32>
        %add3A_1251 = arith.constant 1 : i32
        %add3A_1252 = arith.addi %mul3A_58, %add3A_1251 : i32
        %get3A_1253 = arith.index_cast %add3A_1252 : i32 to index
        %get3A_1254 = arith.constant 224 : index
        %get3A_1255 = tpu.vector_load %arg6[%get3A_1253, %get3A_1254] {strides = array<i32>} : memref<88x256xf32, #tpu.memory_space<vmem>>, vector<1x16xf32>,
        %get3A_1256 = vector.shape_cast %get3A_1255 : vector<1x16xf32> to vector<16xf32>
        %add3A_1257 = arith.addf %get3A_1250, %get3A_1256 : vector<16xf32>
        %add3A_1258 = arith.constant 2 : i32
        %add3A_1259 = arith.addi %mul3A_58, %add3A_1258 : i32
        %get3A_1260 = arith.index_cast %add3A_1259 : i32 to index
        %get3A_1261 = arith.constant 224 : index
        %get3A_1262 = tpu.vector_load %arg6[%get3A_1260, %get3A_1261] {strides = array<i32>} : memref<88x256xf32, #tpu.memory_space<vmem>>, vector<1x16xf32>,
        %get3A_1263 = vector.shape_cast %get3A_1262 : vector<1x16xf32> to vector<16xf32>
        %add3A_1264 = arith.addf %add3A_1257, %get3A_1263 : vector<16xf32>
        %add3A_1265 = arith.constant 3 : i32
        %add3A_1266 = arith.addi %mul3A_58, %add3A_1265 : i32
        %get3A_1267 = arith.index_cast %add3A_1266 : i32 to index
        %get3A_1268 = arith.constant 224 : index
        %get3A_1269 = tpu.vector_load %arg6[%get3A_1267, %get3A_1268] {strides = array<i32>} : memref<88x256xf32, #tpu.memory_space<vmem>>, vector<1x16xf32>,
        %get3A_1270 = vector.shape_cast %get3A_1269 : vector<1x16xf32> to vector<16xf32>
        %add3A_1271 = arith.addf %add3A_1264, %get3A_1270 : vector<16xf32>
        %add3A_1272 = arith.constant 4 : i32
        %add3A_1273 = arith.addi %mul3A_58, %add3A_1272 : i32
        %get3A_1274 = arith.index_cast %add3A_1273 : i32 to index
        %get3A_1275 = arith.constant 224 : index
        %get3A_1276 = tpu.vector_load %arg6[%get3A_1274, %get3A_1275] {strides = array<i32>} : memref<88x256xf32, #tpu.memory_space<vmem>>, vector<1x16xf32>,
        %get3A_1277 = vector.shape_cast %get3A_1276 : vector<1x16xf32> to vector<16xf32>
        %add3A_1278 = arith.addf %add3A_1271, %get3A_1277 : vector<16xf32>
        %add3A_1279 = arith.constant 5 : i32
        %add3A_1280 = arith.addi %mul3A_58, %add3A_1279 : i32
        %get3A_1281 = arith.index_cast %add3A_1280 : i32 to index
        %get3A_1282 = arith.constant 224 : index
        %get3A_1283 = tpu.vector_load %arg6[%get3A_1281, %get3A_1282] {strides = array<i32>} : memref<88x256xf32, #tpu.memory_space<vmem>>, vector<1x16xf32>,
        %get3A_1284 = vector.shape_cast %get3A_1283 : vector<1x16xf32> to vector<16xf32>
        %add3A_1285 = arith.addf %add3A_1278, %get3A_1284 : vector<16xf32>
        %add3A_1286 = arith.constant 6 : i32
        %add3A_1287 = arith.addi %mul3A_58, %add3A_1286 : i32
        %get3A_1288 = arith.index_cast %add3A_1287 : i32 to index
        %get3A_1289 = arith.constant 224 : index
        %get3A_1290 = tpu.vector_load %arg6[%get3A_1288, %get3A_1289] {strides = array<i32>} : memref<88x256xf32, #tpu.memory_space<vmem>>, vector<1x16xf32>,
        %get3A_1291 = vector.shape_cast %get3A_1290 : vector<1x16xf32> to vector<16xf32>
        %add3A_1292 = arith.addf %add3A_1285, %get3A_1291 : vector<16xf32>
        %add3A_1293 = arith.constant 7 : i32
        %add3A_1294 = arith.addi %mul3A_58, %add3A_1293 : i32
        %get3A_1295 = arith.index_cast %add3A_1294 : i32 to index
        %get3A_1296 = arith.constant 224 : index
        %get3A_1297 = tpu.vector_load %arg6[%get3A_1295, %get3A_1296] {strides = array<i32>} : memref<88x256xf32, #tpu.memory_space<vmem>>, vector<1x16xf32>,
        %get3A_1298 = vector.shape_cast %get3A_1297 : vector<1x16xf32> to vector<16xf32>
        %add3A_1299 = arith.addf %add3A_1292, %get3A_1298 : vector<16xf32>
        %add3A_1300 = arith.constant 8 : i32
        %add3A_1301 = arith.addi %mul3A_58, %add3A_1300 : i32
        %get3A_1302 = arith.index_cast %add3A_1301 : i32 to index
        %get3A_1303 = arith.constant 224 : index
        %get3A_1304 = tpu.vector_load %arg6[%get3A_1302, %get3A_1303] {strides = array<i32>} : memref<88x256xf32, #tpu.memory_space<vmem>>, vector<1x16xf32>,
        %get3A_1305 = vector.shape_cast %get3A_1304 : vector<1x16xf32> to vector<16xf32>
        %add3A_1306 = arith.addf %add3A_1299, %get3A_1305 : vector<16xf32>
        %add3A_1307 = arith.constant 9 : i32
        %add3A_1308 = arith.addi %mul3A_58, %add3A_1307 : i32
        %get3A_1309 = arith.index_cast %add3A_1308 : i32 to index
        %get3A_1310 = arith.constant 224 : index
        %get3A_1311 = tpu.vector_load %arg6[%get3A_1309, %get3A_1310] {strides = array<i32>} : memref<88x256xf32, #tpu.memory_space<vmem>>, vector<1x16xf32>,
        %get3A_1312 = vector.shape_cast %get3A_1311 : vector<1x16xf32> to vector<16xf32>
        %add3A_1313 = arith.addf %add3A_1306, %get3A_1312 : vector<16xf32>
        %add3A_1314 = arith.constant 10 : i32
        %add3A_1315 = arith.addi %mul3A_58, %add3A_1314 : i32
        %get3A_1316 = arith.index_cast %add3A_1315 : i32 to index
        %get3A_1317 = arith.constant 224 : index
        %get3A_1318 = tpu.vector_load %arg6[%get3A_1316, %get3A_1317] {strides = array<i32>} : memref<88x256xf32, #tpu.memory_space<vmem>>, vector<1x16xf32>,
        %get3A_1319 = vector.shape_cast %get3A_1318 : vector<1x16xf32> to vector<16xf32>
        %add3A_1320 = arith.addf %add3A_1313, %get3A_1319 : vector<16xf32>
        %mul3A_1321 = arith.constant 0.301511347 : f32
        %mul3A_1322 = vector.broadcast %mul3A_1321 : f32 to vector<16xf32>
        %mul3A_1323 = arith.mulf %add3A_1320, %mul3A_1322 : vector<16xf32>
        %mul3A_1324 = arith.constant 8 : i32
        %mul3A_1325 = arith.muli %mul3A_18, %mul3A_1324 : i32
        %add3A_1326 = arith.addi %mul3A_1325, %scan3A_55 : i32
        %swap3A_1327 = arith.index_cast %add3A_1326 : i32 to index
        %swap3A_1328 = arith.constant 224 : index
        %swap3A_1329 = tpu.vector_load %arg8[%swap3A_1327, %swap3A_1328] {strides = array<i32>} : memref<128x256xf32, #tpu.memory_space<vmem>>, vector<1x16xf32>,
        %swap3A_1330 = vector.shape_cast %swap3A_1329 : vector<1x16xf32> to vector<16xf32>
        %swap3A_1331 = vector.shape_cast %mul3A_1323 : vector<16xf32> to vector<1x16xf32>
        tpu.vector_store %arg8[%swap3A_1327, %swap3A_1328], %swap3A_1331 {strides = array<i32>} : memref<128x256xf32, #tpu.memory_space<vmem>>, vector<1x16xf32>,
        %get3A_1332 = arith.index_cast %mul3A_58 : i32 to index
        %get3A_1333 = arith.constant 240 : index
        %get3A_1334 = tpu.vector_load %arg6[%get3A_1332, %get3A_1333] {strides = array<i32>} : memref<88x256xf32, #tpu.memory_space<vmem>>, vector<1x16xf32>,
        %get3A_1335 = vector.shape_cast %get3A_1334 : vector<1x16xf32> to vector<16xf32>
        %add3A_1336 = arith.constant 1 : i32
        %add3A_1337 = arith.addi %mul3A_58, %add3A_1336 : i32
        %get3A_1338 = arith.index_cast %add3A_1337 : i32 to index
        %get3A_1339 = arith.constant 240 : index
        %get3A_1340 = tpu.vector_load %arg6[%get3A_1338, %get3A_1339] {strides = array<i32>} : memref<88x256xf32, #tpu.memory_space<vmem>>, vector<1x16xf32>,
        %get3A_1341 = vector.shape_cast %get3A_1340 : vector<1x16xf32> to vector<16xf32>
        %add3A_1342 = arith.addf %get3A_1335, %get3A_1341 : vector<16xf32>
        %add3A_1343 = arith.constant 2 : i32
        %add3A_1344 = arith.addi %mul3A_58, %add3A_1343 : i32
        %get3A_1345 = arith.index_cast %add3A_1344 : i32 to index
        %get3A_1346 = arith.constant 240 : index
        %get3A_1347 = tpu.vector_load %arg6[%get3A_1345, %get3A_1346] {strides = array<i32>} : memref<88x256xf32, #tpu.memory_space<vmem>>, vector<1x16xf32>,
        %get3A_1348 = vector.shape_cast %get3A_1347 : vector<1x16xf32> to vector<16xf32>
        %add3A_1349 = arith.addf %add3A_1342, %get3A_1348 : vector<16xf32>
        %add3A_1350 = arith.constant 3 : i32
        %add3A_1351 = arith.addi %mul3A_58, %add3A_1350 : i32
        %get3A_1352 = arith.index_cast %add3A_1351 : i32 to index
        %get3A_1353 = arith.constant 240 : index
        %get3A_1354 = tpu.vector_load %arg6[%get3A_1352, %get3A_1353] {strides = array<i32>} : memref<88x256xf32, #tpu.memory_space<vmem>>, vector<1x16xf32>,
        %get3A_1355 = vector.shape_cast %get3A_1354 : vector<1x16xf32> to vector<16xf32>
        %add3A_1356 = arith.addf %add3A_1349, %get3A_1355 : vector<16xf32>
        %add3A_1357 = arith.constant 4 : i32
        %add3A_1358 = arith.addi %mul3A_58, %add3A_1357 : i32
        %get3A_1359 = arith.index_cast %add3A_1358 : i32 to index
        %get3A_1360 = arith.constant 240 : index
        %get3A_1361 = tpu.vector_load %arg6[%get3A_1359, %get3A_1360] {strides = array<i32>} : memref<88x256xf32, #tpu.memory_space<vmem>>, vector<1x16xf32>,
        %get3A_1362 = vector.shape_cast %get3A_1361 : vector<1x16xf32> to vector<16xf32>
        %add3A_1363 = arith.addf %add3A_1356, %get3A_1362 : vector<16xf32>
        %add3A_1364 = arith.constant 5 : i32
        %add3A_1365 = arith.addi %mul3A_58, %add3A_1364 : i32
        %get3A_1366 = arith.index_cast %add3A_1365 : i32 to index
        %get3A_1367 = arith.constant 240 : index
        %get3A_1368 = tpu.vector_load %arg6[%get3A_1366, %get3A_1367] {strides = array<i32>} : memref<88x256xf32, #tpu.memory_space<vmem>>, vector<1x16xf32>,
        %get3A_1369 = vector.shape_cast %get3A_1368 : vector<1x16xf32> to vector<16xf32>
        %add3A_1370 = arith.addf %add3A_1363, %get3A_1369 : vector<16xf32>
        %add3A_1371 = arith.constant 6 : i32
        %add3A_1372 = arith.addi %mul3A_58, %add3A_1371 : i32
        %get3A_1373 = arith.index_cast %add3A_1372 : i32 to index
        %get3A_1374 = arith.constant 240 : index
        %get3A_1375 = tpu.vector_load %arg6[%get3A_1373, %get3A_1374] {strides = array<i32>} : memref<88x256xf32, #tpu.memory_space<vmem>>, vector<1x16xf32>,
        %get3A_1376 = vector.shape_cast %get3A_1375 : vector<1x16xf32> to vector<16xf32>
        %add3A_1377 = arith.addf %add3A_1370, %get3A_1376 : vector<16xf32>
        %add3A_1378 = arith.constant 7 : i32
        %add3A_1379 = arith.addi %mul3A_58, %add3A_1378 : i32
        %get3A_1380 = arith.index_cast %add3A_1379 : i32 to index
        %get3A_1381 = arith.constant 240 : index
        %get3A_1382 = tpu.vector_load %arg6[%get3A_1380, %get3A_1381] {strides = array<i32>} : memref<88x256xf32, #tpu.memory_space<vmem>>, vector<1x16xf32>,
        %get3A_1383 = vector.shape_cast %get3A_1382 : vector<1x16xf32> to vector<16xf32>
        %add3A_1384 = arith.addf %add3A_1377, %get3A_1383 : vector<16xf32>
        %add3A_1385 = arith.constant 8 : i32
        %add3A_1386 = arith.addi %mul3A_58, %add3A_1385 : i32
        %get3A_1387 = arith.index_cast %add3A_1386 : i32 to index
        %get3A_1388 = arith.constant 240 : index
        %get3A_1389 = tpu.vector_load %arg6[%get3A_1387, %get3A_1388] {strides = array<i32>} : memref<88x256xf32, #tpu.memory_space<vmem>>, vector<1x16xf32>,
        %get3A_1390 = vector.shape_cast %get3A_1389 : vector<1x16xf32> to vector<16xf32>
        %add3A_1391 = arith.addf %add3A_1384, %get3A_1390 : vector<16xf32>
        %add3A_1392 = arith.constant 9 : i32
        %add3A_1393 = arith.addi %mul3A_58, %add3A_1392 : i32
        %get3A_1394 = arith.index_cast %add3A_1393 : i32 to index
        %get3A_1395 = arith.constant 240 : index
        %get3A_1396 = tpu.vector_load %arg6[%get3A_1394, %get3A_1395] {strides = array<i32>} : memref<88x256xf32, #tpu.memory_space<vmem>>, vector<1x16xf32>,
        %get3A_1397 = vector.shape_cast %get3A_1396 : vector<1x16xf32> to vector<16xf32>
        %add3A_1398 = arith.addf %add3A_1391, %get3A_1397 : vector<16xf32>
        %add3A_1399 = arith.constant 10 : i32
        %add3A_1400 = arith.addi %mul3A_58, %add3A_1399 : i32
        %get3A_1401 = arith.index_cast %add3A_1400 : i32 to index
        %get3A_1402 = arith.constant 240 : index
        %get3A_1403 = tpu.vector_load %arg6[%get3A_1401, %get3A_1402] {strides = array<i32>} : memref<88x256xf32, #tpu.memory_space<vmem>>, vector<1x16xf32>,
        %get3A_1404 = vector.shape_cast %get3A_1403 : vector<1x16xf32> to vector<16xf32>
        %add3A_1405 = arith.addf %add3A_1398, %get3A_1404 : vector<16xf32>
        %mul3A_1406 = arith.constant 0.301511347 : f32
        %mul3A_1407 = vector.broadcast %mul3A_1406 : f32 to vector<16xf32>
        %mul3A_1408 = arith.mulf %add3A_1405, %mul3A_1407 : vector<16xf32>
        %mul3A_1409 = arith.constant 8 : i32
        %mul3A_1410 = arith.muli %mul3A_18, %mul3A_1409 : i32
        %add3A_1411 = arith.addi %mul3A_1410, %scan3A_55 : i32
        %swap3A_1412 = arith.index_cast %add3A_1411 : i32 to index
        %swap3A_1413 = arith.constant 240 : index
        %swap3A_1414 = tpu.vector_load %arg8[%swap3A_1412, %swap3A_1413] {strides = array<i32>} : memref<128x256xf32, #tpu.memory_space<vmem>>, vector<1x16xf32>,
        %swap3A_1415 = vector.shape_cast %swap3A_1414 : vector<1x16xf32> to vector<16xf32>
        %swap3A_1416 = vector.shape_cast %mul3A_1408 : vector<16xf32> to vector<1x16xf32>
        tpu.vector_store %arg8[%swap3A_1412, %swap3A_1413], %swap3A_1416 {strides = array<i32>} : memref<128x256xf32, #tpu.memory_space<vmem>>, vector<1x16xf32>,
        %scan3A_1417 = arith.constant 0 : i32
        scf.yield %scan3A_1417 : i32
      }
      %scan3A_38 = arith.constant 8 : i32
      %lt3A = arith.constant 7 : i32
      %lt3A_39 = arith.cmpi slt, %scan3A_15, %lt3A : i32
      %convert_element_type3A = arith.extui %lt3A_39 : i1 to i32
      %cond3A = arith.constant 0 : i32
      %cond3A_40 = arith.cmpi ne, %convert_element_type3A, %cond3A : i32
      scf.if %cond3A_40 {
        %add3A_55 = arith.constant 2 : i32
        %add3A_56 = arith.addi %mul3A_18, %add3A_55 : i32
        %dma_start3A_57 = arith.constant 0 : i32
        %dma_start3A_58 = tpu.memref_slice %arg5[%add3A_56, %dma_start3A_57] : memref<16x88xi32, #tpu.memory_space<vmem>> -> memref<1x88xi32, #tpu.memory_space<vmem>>
        %dma_start3A_59 = tpu.memref_squeeze %dma_start3A_58 : memref<1x88xi32, #tpu.memory_space<vmem>> -> memref<88xi32, #tpu.memory_space<vmem>>
        %dma_start3A_60 = arith.constant 0 : i32
        %dma_start3A_61 = arith.constant 0 : i32
        %dma_start3A_62 = tpu.memref_slice %arg2[%dma_start3A_60, %dma_start3A_61] : memref<4096x256xf32, #tpu.memory_space<hbm>> -> memref<4096x256xf32, #tpu.memory_space<hbm>>
        tpu.enqueue_indirect_dma source(%dma_start3A_62 : memref<4096x256xf32, #tpu.memory_space<hbm>>) target(%arg6 : memref<88x256xf32, #tpu.memory_space<vmem>>) offsets(%dma_start3A_59 : memref<88xi32, #tpu.memory_space<vmem>>) semaphore(%arg9 : memref<!tpu.dma_semaphore, #tpu.memory_space<semaphore_mem>>)
      } else {
      }
      %dma_wait3A_41 = arith.constant 0 : i32
      %dma_wait3A_42 = tpu.memref_slice %arg5[%add3A_20, %dma_wait3A_41] : memref<16x88xi32, #tpu.memory_space<vmem>> -> memref<1x88xi32, #tpu.memory_space<vmem>>
      %dma_wait3A_43 = tpu.memref_squeeze %dma_wait3A_42 : memref<1x88xi32, #tpu.memory_space<vmem>> -> memref<88xi32, #tpu.memory_space<vmem>>
      %dma_wait3A_44 = arith.constant 0 : i32
      %dma_wait3A_45 = arith.constant 0 : i32
      %dma_wait3A_46 = tpu.memref_slice %arg2[%dma_wait3A_44, %dma_wait3A_45] : memref<4096x256xf32, #tpu.memory_space<hbm>> -> memref<4096x256xf32, #tpu.memory_space<hbm>>
      tpu.wait_indirect_dma semaphore(%arg10 : memref<!tpu.dma_semaphore, #tpu.memory_space<semaphore_mem>>) src(%dma_wait3A_46 : memref<4096x256xf32, #tpu.memory_space<hbm>>) dst(%arg7 : memref<88x256xf32, #tpu.memory_space<vmem>>)
      %scan3A_47 = arith.constant 0 : i32
      %scan3A_48 = arith.constant 0 : i32
      %scan3A_49 = arith.constant 8 : i32
      %scan3A_50 = arith.addi %scan3A_48, %scan3A_49 : i32
      %scan3A_51 = arith.constant 1 : i32
      %scan3A_52 = scf.for %scan3A_55 = %scan3A_48 to %scan3A_50 step %scan3A_51 iter_args(%scan3A_56 = %scan3A_47) -> (i32)  : i32 {
        %mul3A_57 = arith.constant 11 : i32
        %mul3A_58 = arith.muli %scan3A_55, %mul3A_57 : i32
        %get3A = arith.index_cast %mul3A_58 : i32 to index
        %get3A_59 = arith.constant 0 : index
        %get3A_60 = tpu.vector_load %arg7[%get3A, %get3A_59] {strides = array<i32>} : memref<88x256xf32, #tpu.memory_space<vmem>>, vector<1x16xf32>,
        %get3A_61 = vector.shape_cast %get3A_60 : vector<1x16xf32> to vector<16xf32>
        %add3A_62 = arith.constant 1 : i32
        %add3A_63 = arith.addi %mul3A_58, %add3A_62 : i32
        %get3A_64 = arith.index_cast %add3A_63 : i32 to index
        %get3A_65 = arith.constant 0 : index
        %get3A_66 = tpu.vector_load %arg7[%get3A_64, %get3A_65] {strides = array<i32>} : memref<88x256xf32, #tpu.memory_space<vmem>>, vector<1x16xf32>,
        %get3A_67 = vector.shape_cast %get3A_66 : vector<1x16xf32> to vector<16xf32>
        %add3A_68 = arith.addf %get3A_61, %get3A_67 : vector<16xf32>
        %add3A_69 = arith.constant 2 : i32
        %add3A_70 = arith.addi %mul3A_58, %add3A_69 : i32
        %get3A_71 = arith.index_cast %add3A_70 : i32 to index
        %get3A_72 = arith.constant 0 : index
        %get3A_73 = tpu.vector_load %arg7[%get3A_71, %get3A_72] {strides = array<i32>} : memref<88x256xf32, #tpu.memory_space<vmem>>, vector<1x16xf32>,
        %get3A_74 = vector.shape_cast %get3A_73 : vector<1x16xf32> to vector<16xf32>
        %add3A_75 = arith.addf %add3A_68, %get3A_74 : vector<16xf32>
        %add3A_76 = arith.constant 3 : i32
        %add3A_77 = arith.addi %mul3A_58, %add3A_76 : i32
        %get3A_78 = arith.index_cast %add3A_77 : i32 to index
        %get3A_79 = arith.constant 0 : index
        %get3A_80 = tpu.vector_load %arg7[%get3A_78, %get3A_79] {strides = array<i32>} : memref<88x256xf32, #tpu.memory_space<vmem>>, vector<1x16xf32>,
        %get3A_81 = vector.shape_cast %get3A_80 : vector<1x16xf32> to vector<16xf32>
        %add3A_82 = arith.addf %add3A_75, %get3A_81 : vector<16xf32>
        %add3A_83 = arith.constant 4 : i32
        %add3A_84 = arith.addi %mul3A_58, %add3A_83 : i32
        %get3A_85 = arith.index_cast %add3A_84 : i32 to index
        %get3A_86 = arith.constant 0 : index
        %get3A_87 = tpu.vector_load %arg7[%get3A_85, %get3A_86] {strides = array<i32>} : memref<88x256xf32, #tpu.memory_space<vmem>>, vector<1x16xf32>,
        %get3A_88 = vector.shape_cast %get3A_87 : vector<1x16xf32> to vector<16xf32>
        %add3A_89 = arith.addf %add3A_82, %get3A_88 : vector<16xf32>
        %add3A_90 = arith.constant 5 : i32
        %add3A_91 = arith.addi %mul3A_58, %add3A_90 : i32
        %get3A_92 = arith.index_cast %add3A_91 : i32 to index
        %get3A_93 = arith.constant 0 : index
        %get3A_94 = tpu.vector_load %arg7[%get3A_92, %get3A_93] {strides = array<i32>} : memref<88x256xf32, #tpu.memory_space<vmem>>, vector<1x16xf32>,
        %get3A_95 = vector.shape_cast %get3A_94 : vector<1x16xf32> to vector<16xf32>
        %add3A_96 = arith.addf %add3A_89, %get3A_95 : vector<16xf32>
        %add3A_97 = arith.constant 6 : i32
        %add3A_98 = arith.addi %mul3A_58, %add3A_97 : i32
        %get3A_99 = arith.index_cast %add3A_98 : i32 to index
        %get3A_100 = arith.constant 0 : index
        %get3A_101 = tpu.vector_load %arg7[%get3A_99, %get3A_100] {strides = array<i32>} : memref<88x256xf32, #tpu.memory_space<vmem>>, vector<1x16xf32>,
        %get3A_102 = vector.shape_cast %get3A_101 : vector<1x16xf32> to vector<16xf32>
        %add3A_103 = arith.addf %add3A_96, %get3A_102 : vector<16xf32>
        %add3A_104 = arith.constant 7 : i32
        %add3A_105 = arith.addi %mul3A_58, %add3A_104 : i32
        %get3A_106 = arith.index_cast %add3A_105 : i32 to index
        %get3A_107 = arith.constant 0 : index
        %get3A_108 = tpu.vector_load %arg7[%get3A_106, %get3A_107] {strides = array<i32>} : memref<88x256xf32, #tpu.memory_space<vmem>>, vector<1x16xf32>,
        %get3A_109 = vector.shape_cast %get3A_108 : vector<1x16xf32> to vector<16xf32>
        %add3A_110 = arith.addf %add3A_103, %get3A_109 : vector<16xf32>
        %add3A_111 = arith.constant 8 : i32
        %add3A_112 = arith.addi %mul3A_58, %add3A_111 : i32
        %get3A_113 = arith.index_cast %add3A_112 : i32 to index
        %get3A_114 = arith.constant 0 : index
        %get3A_115 = tpu.vector_load %arg7[%get3A_113, %get3A_114] {strides = array<i32>} : memref<88x256xf32, #tpu.memory_space<vmem>>, vector<1x16xf32>,
        %get3A_116 = vector.shape_cast %get3A_115 : vector<1x16xf32> to vector<16xf32>
        %add3A_117 = arith.addf %add3A_110, %get3A_116 : vector<16xf32>
        %add3A_118 = arith.constant 9 : i32
        %add3A_119 = arith.addi %mul3A_58, %add3A_118 : i32
        %get3A_120 = arith.index_cast %add3A_119 : i32 to index
        %get3A_121 = arith.constant 0 : index
        %get3A_122 = tpu.vector_load %arg7[%get3A_120, %get3A_121] {strides = array<i32>} : memref<88x256xf32, #tpu.memory_space<vmem>>, vector<1x16xf32>,
        %get3A_123 = vector.shape_cast %get3A_122 : vector<1x16xf32> to vector<16xf32>
        %add3A_124 = arith.addf %add3A_117, %get3A_123 : vector<16xf32>
        %add3A_125 = arith.constant 10 : i32
        %add3A_126 = arith.addi %mul3A_58, %add3A_125 : i32
        %get3A_127 = arith.index_cast %add3A_126 : i32 to index
        %get3A_128 = arith.constant 0 : index
        %get3A_129 = tpu.vector_load %arg7[%get3A_127, %get3A_128] {strides = array<i32>} : memref<88x256xf32, #tpu.memory_space<vmem>>, vector<1x16xf32>,
        %get3A_130 = vector.shape_cast %get3A_129 : vector<1x16xf32> to vector<16xf32>
        %add3A_131 = arith.addf %add3A_124, %get3A_130 : vector<16xf32>
        %mul3A_132 = arith.constant 0.301511347 : f32
        %mul3A_133 = vector.broadcast %mul3A_132 : f32 to vector<16xf32>
        %mul3A_134 = arith.mulf %add3A_131, %mul3A_133 : vector<16xf32>
        %mul3A_135 = arith.constant 8 : i32
        %mul3A_136 = arith.muli %add3A_20, %mul3A_135 : i32
        %add3A_137 = arith.addi %mul3A_136, %scan3A_55 : i32
        %swap3A = arith.index_cast %add3A_137 : i32 to index
        %swap3A_138 = arith.constant 0 : index
        %swap3A_139 = tpu.vector_load %arg8[%swap3A, %swap3A_138] {strides = array<i32>} : memref<128x256xf32, #tpu.memory_space<vmem>>, vector<1x16xf32>,
        %swap3A_140 = vector.shape_cast %swap3A_139 : vector<1x16xf32> to vector<16xf32>
        %swap3A_141 = vector.shape_cast %mul3A_134 : vector<16xf32> to vector<1x16xf32>
        tpu.vector_store %arg8[%swap3A, %swap3A_138], %swap3A_141 {strides = array<i32>} : memref<128x256xf32, #tpu.memory_space<vmem>>, vector<1x16xf32>,
        %get3A_142 = arith.index_cast %mul3A_58 : i32 to index
        %get3A_143 = arith.constant 16 : index
        %get3A_144 = tpu.vector_load %arg7[%get3A_142, %get3A_143] {strides = array<i32>} : memref<88x256xf32, #tpu.memory_space<vmem>>, vector<1x16xf32>,
        %get3A_145 = vector.shape_cast %get3A_144 : vector<1x16xf32> to vector<16xf32>
        %add3A_146 = arith.constant 1 : i32
        %add3A_147 = arith.addi %mul3A_58, %add3A_146 : i32
        %get3A_148 = arith.index_cast %add3A_147 : i32 to index
        %get3A_149 = arith.constant 16 : index
        %get3A_150 = tpu.vector_load %arg7[%get3A_148, %get3A_149] {strides = array<i32>} : memref<88x256xf32, #tpu.memory_space<vmem>>, vector<1x16xf32>,
        %get3A_151 = vector.shape_cast %get3A_150 : vector<1x16xf32> to vector<16xf32>
        %add3A_152 = arith.addf %get3A_145, %get3A_151 : vector<16xf32>
        %add3A_153 = arith.constant 2 : i32
        %add3A_154 = arith.addi %mul3A_58, %add3A_153 : i32
        %get3A_155 = arith.index_cast %add3A_154 : i32 to index
        %get3A_156 = arith.constant 16 : index
        %get3A_157 = tpu.vector_load %arg7[%get3A_155, %get3A_156] {strides = array<i32>} : memref<88x256xf32, #tpu.memory_space<vmem>>, vector<1x16xf32>,
        %get3A_158 = vector.shape_cast %get3A_157 : vector<1x16xf32> to vector<16xf32>
        %add3A_159 = arith.addf %add3A_152, %get3A_158 : vector<16xf32>
        %add3A_160 = arith.constant 3 : i32
        %add3A_161 = arith.addi %mul3A_58, %add3A_160 : i32
        %get3A_162 = arith.index_cast %add3A_161 : i32 to index
        %get3A_163 = arith.constant 16 : index
        %get3A_164 = tpu.vector_load %arg7[%get3A_162, %get3A_163] {strides = array<i32>} : memref<88x256xf32, #tpu.memory_space<vmem>>, vector<1x16xf32>,
        %get3A_165 = vector.shape_cast %get3A_164 : vector<1x16xf32> to vector<16xf32>
        %add3A_166 = arith.addf %add3A_159, %get3A_165 : vector<16xf32>
        %add3A_167 = arith.constant 4 : i32
        %add3A_168 = arith.addi %mul3A_58, %add3A_167 : i32
        %get3A_169 = arith.index_cast %add3A_168 : i32 to index
        %get3A_170 = arith.constant 16 : index
        %get3A_171 = tpu.vector_load %arg7[%get3A_169, %get3A_170] {strides = array<i32>} : memref<88x256xf32, #tpu.memory_space<vmem>>, vector<1x16xf32>,
        %get3A_172 = vector.shape_cast %get3A_171 : vector<1x16xf32> to vector<16xf32>
        %add3A_173 = arith.addf %add3A_166, %get3A_172 : vector<16xf32>
        %add3A_174 = arith.constant 5 : i32
        %add3A_175 = arith.addi %mul3A_58, %add3A_174 : i32
        %get3A_176 = arith.index_cast %add3A_175 : i32 to index
        %get3A_177 = arith.constant 16 : index
        %get3A_178 = tpu.vector_load %arg7[%get3A_176, %get3A_177] {strides = array<i32>} : memref<88x256xf32, #tpu.memory_space<vmem>>, vector<1x16xf32>,
        %get3A_179 = vector.shape_cast %get3A_178 : vector<1x16xf32> to vector<16xf32>
        %add3A_180 = arith.addf %add3A_173, %get3A_179 : vector<16xf32>
        %add3A_181 = arith.constant 6 : i32
        %add3A_182 = arith.addi %mul3A_58, %add3A_181 : i32
        %get3A_183 = arith.index_cast %add3A_182 : i32 to index
        %get3A_184 = arith.constant 16 : index
        %get3A_185 = tpu.vector_load %arg7[%get3A_183, %get3A_184] {strides = array<i32>} : memref<88x256xf32, #tpu.memory_space<vmem>>, vector<1x16xf32>,
        %get3A_186 = vector.shape_cast %get3A_185 : vector<1x16xf32> to vector<16xf32>
        %add3A_187 = arith.addf %add3A_180, %get3A_186 : vector<16xf32>
        %add3A_188 = arith.constant 7 : i32
        %add3A_189 = arith.addi %mul3A_58, %add3A_188 : i32
        %get3A_190 = arith.index_cast %add3A_189 : i32 to index
        %get3A_191 = arith.constant 16 : index
        %get3A_192 = tpu.vector_load %arg7[%get3A_190, %get3A_191] {strides = array<i32>} : memref<88x256xf32, #tpu.memory_space<vmem>>, vector<1x16xf32>,
        %get3A_193 = vector.shape_cast %get3A_192 : vector<1x16xf32> to vector<16xf32>
        %add3A_194 = arith.addf %add3A_187, %get3A_193 : vector<16xf32>
        %add3A_195 = arith.constant 8 : i32
        %add3A_196 = arith.addi %mul3A_58, %add3A_195 : i32
        %get3A_197 = arith.index_cast %add3A_196 : i32 to index
        %get3A_198 = arith.constant 16 : index
        %get3A_199 = tpu.vector_load %arg7[%get3A_197, %get3A_198] {strides = array<i32>} : memref<88x256xf32, #tpu.memory_space<vmem>>, vector<1x16xf32>,
        %get3A_200 = vector.shape_cast %get3A_199 : vector<1x16xf32> to vector<16xf32>
        %add3A_201 = arith.addf %add3A_194, %get3A_200 : vector<16xf32>
        %add3A_202 = arith.constant 9 : i32
        %add3A_203 = arith.addi %mul3A_58, %add3A_202 : i32
        %get3A_204 = arith.index_cast %add3A_203 : i32 to index
        %get3A_205 = arith.constant 16 : index
        %get3A_206 = tpu.vector_load %arg7[%get3A_204, %get3A_205] {strides = array<i32>} : memref<88x256xf32, #tpu.memory_space<vmem>>, vector<1x16xf32>,
        %get3A_207 = vector.shape_cast %get3A_206 : vector<1x16xf32> to vector<16xf32>
        %add3A_208 = arith.addf %add3A_201, %get3A_207 : vector<16xf32>
        %add3A_209 = arith.constant 10 : i32
        %add3A_210 = arith.addi %mul3A_58, %add3A_209 : i32
        %get3A_211 = arith.index_cast %add3A_210 : i32 to index
        %get3A_212 = arith.constant 16 : index
        %get3A_213 = tpu.vector_load %arg7[%get3A_211, %get3A_212] {strides = array<i32>} : memref<88x256xf32, #tpu.memory_space<vmem>>, vector<1x16xf32>,
        %get3A_214 = vector.shape_cast %get3A_213 : vector<1x16xf32> to vector<16xf32>
        %add3A_215 = arith.addf %add3A_208, %get3A_214 : vector<16xf32>
        %mul3A_216 = arith.constant 0.301511347 : f32
        %mul3A_217 = vector.broadcast %mul3A_216 : f32 to vector<16xf32>
        %mul3A_218 = arith.mulf %add3A_215, %mul3A_217 : vector<16xf32>
        %mul3A_219 = arith.constant 8 : i32
        %mul3A_220 = arith.muli %add3A_20, %mul3A_219 : i32
        %add3A_221 = arith.addi %mul3A_220, %scan3A_55 : i32
        %swap3A_222 = arith.index_cast %add3A_221 : i32 to index
        %swap3A_223 = arith.constant 16 : index
        %swap3A_224 = tpu.vector_load %arg8[%swap3A_222, %swap3A_223] {strides = array<i32>} : memref<128x256xf32, #tpu.memory_space<vmem>>, vector<1x16xf32>,
        %swap3A_225 = vector.shape_cast %swap3A_224 : vector<1x16xf32> to vector<16xf32>
        %swap3A_226 = vector.shape_cast %mul3A_218 : vector<16xf32> to vector<1x16xf32>
        tpu.vector_store %arg8[%swap3A_222, %swap3A_223], %swap3A_226 {strides = array<i32>} : memref<128x256xf32, #tpu.memory_space<vmem>>, vector<1x16xf32>,
        %get3A_227 = arith.index_cast %mul3A_58 : i32 to index
        %get3A_228 = arith.constant 32 : index
        %get3A_229 = tpu.vector_load %arg7[%get3A_227, %get3A_228] {strides = array<i32>} : memref<88x256xf32, #tpu.memory_space<vmem>>, vector<1x16xf32>,
        %get3A_230 = vector.shape_cast %get3A_229 : vector<1x16xf32> to vector<16xf32>
        %add3A_231 = arith.constant 1 : i32
        %add3A_232 = arith.addi %mul3A_58, %add3A_231 : i32
        %get3A_233 = arith.index_cast %add3A_232 : i32 to index
        %get3A_234 = arith.constant 32 : index
        %get3A_235 = tpu.vector_load %arg7[%get3A_233, %get3A_234] {strides = array<i32>} : memref<88x256xf32, #tpu.memory_space<vmem>>, vector<1x16xf32>,
        %get3A_236 = vector.shape_cast %get3A_235 : vector<1x16xf32> to vector<16xf32>
        %add3A_237 = arith.addf %get3A_230, %get3A_236 : vector<16xf32>
        %add3A_238 = arith.constant 2 : i32
        %add3A_239 = arith.addi %mul3A_58, %add3A_238 : i32
        %get3A_240 = arith.index_cast %add3A_239 : i32 to index
        %get3A_241 = arith.constant 32 : index
        %get3A_242 = tpu.vector_load %arg7[%get3A_240, %get3A_241] {strides = array<i32>} : memref<88x256xf32, #tpu.memory_space<vmem>>, vector<1x16xf32>,
        %get3A_243 = vector.shape_cast %get3A_242 : vector<1x16xf32> to vector<16xf32>
        %add3A_244 = arith.addf %add3A_237, %get3A_243 : vector<16xf32>
        %add3A_245 = arith.constant 3 : i32
        %add3A_246 = arith.addi %mul3A_58, %add3A_245 : i32
        %get3A_247 = arith.index_cast %add3A_246 : i32 to index
        %get3A_248 = arith.constant 32 : index
        %get3A_249 = tpu.vector_load %arg7[%get3A_247, %get3A_248] {strides = array<i32>} : memref<88x256xf32, #tpu.memory_space<vmem>>, vector<1x16xf32>,
        %get3A_250 = vector.shape_cast %get3A_249 : vector<1x16xf32> to vector<16xf32>
        %add3A_251 = arith.addf %add3A_244, %get3A_250 : vector<16xf32>
        %add3A_252 = arith.constant 4 : i32
        %add3A_253 = arith.addi %mul3A_58, %add3A_252 : i32
        %get3A_254 = arith.index_cast %add3A_253 : i32 to index
        %get3A_255 = arith.constant 32 : index
        %get3A_256 = tpu.vector_load %arg7[%get3A_254, %get3A_255] {strides = array<i32>} : memref<88x256xf32, #tpu.memory_space<vmem>>, vector<1x16xf32>,
        %get3A_257 = vector.shape_cast %get3A_256 : vector<1x16xf32> to vector<16xf32>
        %add3A_258 = arith.addf %add3A_251, %get3A_257 : vector<16xf32>
        %add3A_259 = arith.constant 5 : i32
        %add3A_260 = arith.addi %mul3A_58, %add3A_259 : i32
        %get3A_261 = arith.index_cast %add3A_260 : i32 to index
        %get3A_262 = arith.constant 32 : index
        %get3A_263 = tpu.vector_load %arg7[%get3A_261, %get3A_262] {strides = array<i32>} : memref<88x256xf32, #tpu.memory_space<vmem>>, vector<1x16xf32>,
        %get3A_264 = vector.shape_cast %get3A_263 : vector<1x16xf32> to vector<16xf32>
        %add3A_265 = arith.addf %add3A_258, %get3A_264 : vector<16xf32>
        %add3A_266 = arith.constant 6 : i32
        %add3A_267 = arith.addi %mul3A_58, %add3A_266 : i32
        %get3A_268 = arith.index_cast %add3A_267 : i32 to index
        %get3A_269 = arith.constant 32 : index
        %get3A_270 = tpu.vector_load %arg7[%get3A_268, %get3A_269] {strides = array<i32>} : memref<88x256xf32, #tpu.memory_space<vmem>>, vector<1x16xf32>,
        %get3A_271 = vector.shape_cast %get3A_270 : vector<1x16xf32> to vector<16xf32>
        %add3A_272 = arith.addf %add3A_265, %get3A_271 : vector<16xf32>
        %add3A_273 = arith.constant 7 : i32
        %add3A_274 = arith.addi %mul3A_58, %add3A_273 : i32
        %get3A_275 = arith.index_cast %add3A_274 : i32 to index
        %get3A_276 = arith.constant 32 : index
        %get3A_277 = tpu.vector_load %arg7[%get3A_275, %get3A_276] {strides = array<i32>} : memref<88x256xf32, #tpu.memory_space<vmem>>, vector<1x16xf32>,
        %get3A_278 = vector.shape_cast %get3A_277 : vector<1x16xf32> to vector<16xf32>
        %add3A_279 = arith.addf %add3A_272, %get3A_278 : vector<16xf32>
        %add3A_280 = arith.constant 8 : i32
        %add3A_281 = arith.addi %mul3A_58, %add3A_280 : i32
        %get3A_282 = arith.index_cast %add3A_281 : i32 to index
        %get3A_283 = arith.constant 32 : index
        %get3A_284 = tpu.vector_load %arg7[%get3A_282, %get3A_283] {strides = array<i32>} : memref<88x256xf32, #tpu.memory_space<vmem>>, vector<1x16xf32>,
        %get3A_285 = vector.shape_cast %get3A_284 : vector<1x16xf32> to vector<16xf32>
        %add3A_286 = arith.addf %add3A_279, %get3A_285 : vector<16xf32>
        %add3A_287 = arith.constant 9 : i32
        %add3A_288 = arith.addi %mul3A_58, %add3A_287 : i32
        %get3A_289 = arith.index_cast %add3A_288 : i32 to index
        %get3A_290 = arith.constant 32 : index
        %get3A_291 = tpu.vector_load %arg7[%get3A_289, %get3A_290] {strides = array<i32>} : memref<88x256xf32, #tpu.memory_space<vmem>>, vector<1x16xf32>,
        %get3A_292 = vector.shape_cast %get3A_291 : vector<1x16xf32> to vector<16xf32>
        %add3A_293 = arith.addf %add3A_286, %get3A_292 : vector<16xf32>
        %add3A_294 = arith.constant 10 : i32
        %add3A_295 = arith.addi %mul3A_58, %add3A_294 : i32
        %get3A_296 = arith.index_cast %add3A_295 : i32 to index
        %get3A_297 = arith.constant 32 : index
        %get3A_298 = tpu.vector_load %arg7[%get3A_296, %get3A_297] {strides = array<i32>} : memref<88x256xf32, #tpu.memory_space<vmem>>, vector<1x16xf32>,
        %get3A_299 = vector.shape_cast %get3A_298 : vector<1x16xf32> to vector<16xf32>
        %add3A_300 = arith.addf %add3A_293, %get3A_299 : vector<16xf32>
        %mul3A_301 = arith.constant 0.301511347 : f32
        %mul3A_302 = vector.broadcast %mul3A_301 : f32 to vector<16xf32>
        %mul3A_303 = arith.mulf %add3A_300, %mul3A_302 : vector<16xf32>
        %mul3A_304 = arith.constant 8 : i32
        %mul3A_305 = arith.muli %add3A_20, %mul3A_304 : i32
        %add3A_306 = arith.addi %mul3A_305, %scan3A_55 : i32
        %swap3A_307 = arith.index_cast %add3A_306 : i32 to index
        %swap3A_308 = arith.constant 32 : index
        %swap3A_309 = tpu.vector_load %arg8[%swap3A_307, %swap3A_308] {strides = array<i32>} : memref<128x256xf32, #tpu.memory_space<vmem>>, vector<1x16xf32>,
        %swap3A_310 = vector.shape_cast %swap3A_309 : vector<1x16xf32> to vector<16xf32>
        %swap3A_311 = vector.shape_cast %mul3A_303 : vector<16xf32> to vector<1x16xf32>
        tpu.vector_store %arg8[%swap3A_307, %swap3A_308], %swap3A_311 {strides = array<i32>} : memref<128x256xf32, #tpu.memory_space<vmem>>, vector<1x16xf32>,
        %get3A_312 = arith.index_cast %mul3A_58 : i32 to index
        %get3A_313 = arith.constant 48 : index
        %get3A_314 = tpu.vector_load %arg7[%get3A_312, %get3A_313] {strides = array<i32>} : memref<88x256xf32, #tpu.memory_space<vmem>>, vector<1x16xf32>,
        %get3A_315 = vector.shape_cast %get3A_314 : vector<1x16xf32> to vector<16xf32>
        %add3A_316 = arith.constant 1 : i32
        %add3A_317 = arith.addi %mul3A_58, %add3A_316 : i32
        %get3A_318 = arith.index_cast %add3A_317 : i32 to index
        %get3A_319 = arith.constant 48 : index
        %get3A_320 = tpu.vector_load %arg7[%get3A_318, %get3A_319] {strides = array<i32>} : memref<88x256xf32, #tpu.memory_space<vmem>>, vector<1x16xf32>,
        %get3A_321 = vector.shape_cast %get3A_320 : vector<1x16xf32> to vector<16xf32>
        %add3A_322 = arith.addf %get3A_315, %get3A_321 : vector<16xf32>
        %add3A_323 = arith.constant 2 : i32
        %add3A_324 = arith.addi %mul3A_58, %add3A_323 : i32
        %get3A_325 = arith.index_cast %add3A_324 : i32 to index
        %get3A_326 = arith.constant 48 : index
        %get3A_327 = tpu.vector_load %arg7[%get3A_325, %get3A_326] {strides = array<i32>} : memref<88x256xf32, #tpu.memory_space<vmem>>, vector<1x16xf32>,
        %get3A_328 = vector.shape_cast %get3A_327 : vector<1x16xf32> to vector<16xf32>
        %add3A_329 = arith.addf %add3A_322, %get3A_328 : vector<16xf32>
        %add3A_330 = arith.constant 3 : i32
        %add3A_331 = arith.addi %mul3A_58, %add3A_330 : i32
        %get3A_332 = arith.index_cast %add3A_331 : i32 to index
        %get3A_333 = arith.constant 48 : index
        %get3A_334 = tpu.vector_load %arg7[%get3A_332, %get3A_333] {strides = array<i32>} : memref<88x256xf32, #tpu.memory_space<vmem>>, vector<1x16xf32>,
        %get3A_335 = vector.shape_cast %get3A_334 : vector<1x16xf32> to vector<16xf32>
        %add3A_336 = arith.addf %add3A_329, %get3A_335 : vector<16xf32>
        %add3A_337 = arith.constant 4 : i32
        %add3A_338 = arith.addi %mul3A_58, %add3A_337 : i32
        %get3A_339 = arith.index_cast %add3A_338 : i32 to index
        %get3A_340 = arith.constant 48 : index
        %get3A_341 = tpu.vector_load %arg7[%get3A_339, %get3A_340] {strides = array<i32>} : memref<88x256xf32, #tpu.memory_space<vmem>>, vector<1x16xf32>,
        %get3A_342 = vector.shape_cast %get3A_341 : vector<1x16xf32> to vector<16xf32>
        %add3A_343 = arith.addf %add3A_336, %get3A_342 : vector<16xf32>
        %add3A_344 = arith.constant 5 : i32
        %add3A_345 = arith.addi %mul3A_58, %add3A_344 : i32
        %get3A_346 = arith.index_cast %add3A_345 : i32 to index
        %get3A_347 = arith.constant 48 : index
        %get3A_348 = tpu.vector_load %arg7[%get3A_346, %get3A_347] {strides = array<i32>} : memref<88x256xf32, #tpu.memory_space<vmem>>, vector<1x16xf32>,
        %get3A_349 = vector.shape_cast %get3A_348 : vector<1x16xf32> to vector<16xf32>
        %add3A_350 = arith.addf %add3A_343, %get3A_349 : vector<16xf32>
        %add3A_351 = arith.constant 6 : i32
        %add3A_352 = arith.addi %mul3A_58, %add3A_351 : i32
        %get3A_353 = arith.index_cast %add3A_352 : i32 to index
        %get3A_354 = arith.constant 48 : index
        %get3A_355 = tpu.vector_load %arg7[%get3A_353, %get3A_354] {strides = array<i32>} : memref<88x256xf32, #tpu.memory_space<vmem>>, vector<1x16xf32>,
        %get3A_356 = vector.shape_cast %get3A_355 : vector<1x16xf32> to vector<16xf32>
        %add3A_357 = arith.addf %add3A_350, %get3A_356 : vector<16xf32>
        %add3A_358 = arith.constant 7 : i32
        %add3A_359 = arith.addi %mul3A_58, %add3A_358 : i32
        %get3A_360 = arith.index_cast %add3A_359 : i32 to index
        %get3A_361 = arith.constant 48 : index
        %get3A_362 = tpu.vector_load %arg7[%get3A_360, %get3A_361] {strides = array<i32>} : memref<88x256xf32, #tpu.memory_space<vmem>>, vector<1x16xf32>,
        %get3A_363 = vector.shape_cast %get3A_362 : vector<1x16xf32> to vector<16xf32>
        %add3A_364 = arith.addf %add3A_357, %get3A_363 : vector<16xf32>
        %add3A_365 = arith.constant 8 : i32
        %add3A_366 = arith.addi %mul3A_58, %add3A_365 : i32
        %get3A_367 = arith.index_cast %add3A_366 : i32 to index
        %get3A_368 = arith.constant 48 : index
        %get3A_369 = tpu.vector_load %arg7[%get3A_367, %get3A_368] {strides = array<i32>} : memref<88x256xf32, #tpu.memory_space<vmem>>, vector<1x16xf32>,
        %get3A_370 = vector.shape_cast %get3A_369 : vector<1x16xf32> to vector<16xf32>
        %add3A_371 = arith.addf %add3A_364, %get3A_370 : vector<16xf32>
        %add3A_372 = arith.constant 9 : i32
        %add3A_373 = arith.addi %mul3A_58, %add3A_372 : i32
        %get3A_374 = arith.index_cast %add3A_373 : i32 to index
        %get3A_375 = arith.constant 48 : index
        %get3A_376 = tpu.vector_load %arg7[%get3A_374, %get3A_375] {strides = array<i32>} : memref<88x256xf32, #tpu.memory_space<vmem>>, vector<1x16xf32>,
        %get3A_377 = vector.shape_cast %get3A_376 : vector<1x16xf32> to vector<16xf32>
        %add3A_378 = arith.addf %add3A_371, %get3A_377 : vector<16xf32>
        %add3A_379 = arith.constant 10 : i32
        %add3A_380 = arith.addi %mul3A_58, %add3A_379 : i32
        %get3A_381 = arith.index_cast %add3A_380 : i32 to index
        %get3A_382 = arith.constant 48 : index
        %get3A_383 = tpu.vector_load %arg7[%get3A_381, %get3A_382] {strides = array<i32>} : memref<88x256xf32, #tpu.memory_space<vmem>>, vector<1x16xf32>,
        %get3A_384 = vector.shape_cast %get3A_383 : vector<1x16xf32> to vector<16xf32>
        %add3A_385 = arith.addf %add3A_378, %get3A_384 : vector<16xf32>
        %mul3A_386 = arith.constant 0.301511347 : f32
        %mul3A_387 = vector.broadcast %mul3A_386 : f32 to vector<16xf32>
        %mul3A_388 = arith.mulf %add3A_385, %mul3A_387 : vector<16xf32>
        %mul3A_389 = arith.constant 8 : i32
        %mul3A_390 = arith.muli %add3A_20, %mul3A_389 : i32
        %add3A_391 = arith.addi %mul3A_390, %scan3A_55 : i32
        %swap3A_392 = arith.index_cast %add3A_391 : i32 to index
        %swap3A_393 = arith.constant 48 : index
        %swap3A_394 = tpu.vector_load %arg8[%swap3A_392, %swap3A_393] {strides = array<i32>} : memref<128x256xf32, #tpu.memory_space<vmem>>, vector<1x16xf32>,
        %swap3A_395 = vector.shape_cast %swap3A_394 : vector<1x16xf32> to vector<16xf32>
        %swap3A_396 = vector.shape_cast %mul3A_388 : vector<16xf32> to vector<1x16xf32>
        tpu.vector_store %arg8[%swap3A_392, %swap3A_393], %swap3A_396 {strides = array<i32>} : memref<128x256xf32, #tpu.memory_space<vmem>>, vector<1x16xf32>,
        %get3A_397 = arith.index_cast %mul3A_58 : i32 to index
        %get3A_398 = arith.constant 64 : index
        %get3A_399 = tpu.vector_load %arg7[%get3A_397, %get3A_398] {strides = array<i32>} : memref<88x256xf32, #tpu.memory_space<vmem>>, vector<1x16xf32>,
        %get3A_400 = vector.shape_cast %get3A_399 : vector<1x16xf32> to vector<16xf32>
        %add3A_401 = arith.constant 1 : i32
        %add3A_402 = arith.addi %mul3A_58, %add3A_401 : i32
        %get3A_403 = arith.index_cast %add3A_402 : i32 to index
        %get3A_404 = arith.constant 64 : index
        %get3A_405 = tpu.vector_load %arg7[%get3A_403, %get3A_404] {strides = array<i32>} : memref<88x256xf32, #tpu.memory_space<vmem>>, vector<1x16xf32>,
        %get3A_406 = vector.shape_cast %get3A_405 : vector<1x16xf32> to vector<16xf32>
        %add3A_407 = arith.addf %get3A_400, %get3A_406 : vector<16xf32>
        %add3A_408 = arith.constant 2 : i32
        %add3A_409 = arith.addi %mul3A_58, %add3A_408 : i32
        %get3A_410 = arith.index_cast %add3A_409 : i32 to index
        %get3A_411 = arith.constant 64 : index
        %get3A_412 = tpu.vector_load %arg7[%get3A_410, %get3A_411] {strides = array<i32>} : memref<88x256xf32, #tpu.memory_space<vmem>>, vector<1x16xf32>,
        %get3A_413 = vector.shape_cast %get3A_412 : vector<1x16xf32> to vector<16xf32>
        %add3A_414 = arith.addf %add3A_407, %get3A_413 : vector<16xf32>
        %add3A_415 = arith.constant 3 : i32
        %add3A_416 = arith.addi %mul3A_58, %add3A_415 : i32
        %get3A_417 = arith.index_cast %add3A_416 : i32 to index
        %get3A_418 = arith.constant 64 : index
        %get3A_419 = tpu.vector_load %arg7[%get3A_417, %get3A_418] {strides = array<i32>} : memref<88x256xf32, #tpu.memory_space<vmem>>, vector<1x16xf32>,
        %get3A_420 = vector.shape_cast %get3A_419 : vector<1x16xf32> to vector<16xf32>
        %add3A_421 = arith.addf %add3A_414, %get3A_420 : vector<16xf32>
        %add3A_422 = arith.constant 4 : i32
        %add3A_423 = arith.addi %mul3A_58, %add3A_422 : i32
        %get3A_424 = arith.index_cast %add3A_423 : i32 to index
        %get3A_425 = arith.constant 64 : index
        %get3A_426 = tpu.vector_load %arg7[%get3A_424, %get3A_425] {strides = array<i32>} : memref<88x256xf32, #tpu.memory_space<vmem>>, vector<1x16xf32>,
        %get3A_427 = vector.shape_cast %get3A_426 : vector<1x16xf32> to vector<16xf32>
        %add3A_428 = arith.addf %add3A_421, %get3A_427 : vector<16xf32>
        %add3A_429 = arith.constant 5 : i32
        %add3A_430 = arith.addi %mul3A_58, %add3A_429 : i32
        %get3A_431 = arith.index_cast %add3A_430 : i32 to index
        %get3A_432 = arith.constant 64 : index
        %get3A_433 = tpu.vector_load %arg7[%get3A_431, %get3A_432] {strides = array<i32>} : memref<88x256xf32, #tpu.memory_space<vmem>>, vector<1x16xf32>,
        %get3A_434 = vector.shape_cast %get3A_433 : vector<1x16xf32> to vector<16xf32>
        %add3A_435 = arith.addf %add3A_428, %get3A_434 : vector<16xf32>
        %add3A_436 = arith.constant 6 : i32
        %add3A_437 = arith.addi %mul3A_58, %add3A_436 : i32
        %get3A_438 = arith.index_cast %add3A_437 : i32 to index
        %get3A_439 = arith.constant 64 : index
        %get3A_440 = tpu.vector_load %arg7[%get3A_438, %get3A_439] {strides = array<i32>} : memref<88x256xf32, #tpu.memory_space<vmem>>, vector<1x16xf32>,
        %get3A_441 = vector.shape_cast %get3A_440 : vector<1x16xf32> to vector<16xf32>
        %add3A_442 = arith.addf %add3A_435, %get3A_441 : vector<16xf32>
        %add3A_443 = arith.constant 7 : i32
        %add3A_444 = arith.addi %mul3A_58, %add3A_443 : i32
        %get3A_445 = arith.index_cast %add3A_444 : i32 to index
        %get3A_446 = arith.constant 64 : index
        %get3A_447 = tpu.vector_load %arg7[%get3A_445, %get3A_446] {strides = array<i32>} : memref<88x256xf32, #tpu.memory_space<vmem>>, vector<1x16xf32>,
        %get3A_448 = vector.shape_cast %get3A_447 : vector<1x16xf32> to vector<16xf32>
        %add3A_449 = arith.addf %add3A_442, %get3A_448 : vector<16xf32>
        %add3A_450 = arith.constant 8 : i32
        %add3A_451 = arith.addi %mul3A_58, %add3A_450 : i32
        %get3A_452 = arith.index_cast %add3A_451 : i32 to index
        %get3A_453 = arith.constant 64 : index
        %get3A_454 = tpu.vector_load %arg7[%get3A_452, %get3A_453] {strides = array<i32>} : memref<88x256xf32, #tpu.memory_space<vmem>>, vector<1x16xf32>,
        %get3A_455 = vector.shape_cast %get3A_454 : vector<1x16xf32> to vector<16xf32>
        %add3A_456 = arith.addf %add3A_449, %get3A_455 : vector<16xf32>
        %add3A_457 = arith.constant 9 : i32
        %add3A_458 = arith.addi %mul3A_58, %add3A_457 : i32
        %get3A_459 = arith.index_cast %add3A_458 : i32 to index
        %get3A_460 = arith.constant 64 : index
        %get3A_461 = tpu.vector_load %arg7[%get3A_459, %get3A_460] {strides = array<i32>} : memref<88x256xf32, #tpu.memory_space<vmem>>, vector<1x16xf32>,
        %get3A_462 = vector.shape_cast %get3A_461 : vector<1x16xf32> to vector<16xf32>
        %add3A_463 = arith.addf %add3A_456, %get3A_462 : vector<16xf32>
        %add3A_464 = arith.constant 10 : i32
        %add3A_465 = arith.addi %mul3A_58, %add3A_464 : i32
        %get3A_466 = arith.index_cast %add3A_465 : i32 to index
        %get3A_467 = arith.constant 64 : index
        %get3A_468 = tpu.vector_load %arg7[%get3A_466, %get3A_467] {strides = array<i32>} : memref<88x256xf32, #tpu.memory_space<vmem>>, vector<1x16xf32>,
        %get3A_469 = vector.shape_cast %get3A_468 : vector<1x16xf32> to vector<16xf32>
        %add3A_470 = arith.addf %add3A_463, %get3A_469 : vector<16xf32>
        %mul3A_471 = arith.constant 0.301511347 : f32
        %mul3A_472 = vector.broadcast %mul3A_471 : f32 to vector<16xf32>
        %mul3A_473 = arith.mulf %add3A_470, %mul3A_472 : vector<16xf32>
        %mul3A_474 = arith.constant 8 : i32
        %mul3A_475 = arith.muli %add3A_20, %mul3A_474 : i32
        %add3A_476 = arith.addi %mul3A_475, %scan3A_55 : i32
        %swap3A_477 = arith.index_cast %add3A_476 : i32 to index
        %swap3A_478 = arith.constant 64 : index
        %swap3A_479 = tpu.vector_load %arg8[%swap3A_477, %swap3A_478] {strides = array<i32>} : memref<128x256xf32, #tpu.memory_space<vmem>>, vector<1x16xf32>,
        %swap3A_480 = vector.shape_cast %swap3A_479 : vector<1x16xf32> to vector<16xf32>
        %swap3A_481 = vector.shape_cast %mul3A_473 : vector<16xf32> to vector<1x16xf32>
        tpu.vector_store %arg8[%swap3A_477, %swap3A_478], %swap3A_481 {strides = array<i32>} : memref<128x256xf32, #tpu.memory_space<vmem>>, vector<1x16xf32>,
        %get3A_482 = arith.index_cast %mul3A_58 : i32 to index
        %get3A_483 = arith.constant 80 : index
        %get3A_484 = tpu.vector_load %arg7[%get3A_482, %get3A_483] {strides = array<i32>} : memref<88x256xf32, #tpu.memory_space<vmem>>, vector<1x16xf32>,
        %get3A_485 = vector.shape_cast %get3A_484 : vector<1x16xf32> to vector<16xf32>
        %add3A_486 = arith.constant 1 : i32
        %add3A_487 = arith.addi %mul3A_58, %add3A_486 : i32
        %get3A_488 = arith.index_cast %add3A_487 : i32 to index
        %get3A_489 = arith.constant 80 : index
        %get3A_490 = tpu.vector_load %arg7[%get3A_488, %get3A_489] {strides = array<i32>} : memref<88x256xf32, #tpu.memory_space<vmem>>, vector<1x16xf32>,
        %get3A_491 = vector.shape_cast %get3A_490 : vector<1x16xf32> to vector<16xf32>
        %add3A_492 = arith.addf %get3A_485, %get3A_491 : vector<16xf32>
        %add3A_493 = arith.constant 2 : i32
        %add3A_494 = arith.addi %mul3A_58, %add3A_493 : i32
        %get3A_495 = arith.index_cast %add3A_494 : i32 to index
        %get3A_496 = arith.constant 80 : index
        %get3A_497 = tpu.vector_load %arg7[%get3A_495, %get3A_496] {strides = array<i32>} : memref<88x256xf32, #tpu.memory_space<vmem>>, vector<1x16xf32>,
        %get3A_498 = vector.shape_cast %get3A_497 : vector<1x16xf32> to vector<16xf32>
        %add3A_499 = arith.addf %add3A_492, %get3A_498 : vector<16xf32>
        %add3A_500 = arith.constant 3 : i32
        %add3A_501 = arith.addi %mul3A_58, %add3A_500 : i32
        %get3A_502 = arith.index_cast %add3A_501 : i32 to index
        %get3A_503 = arith.constant 80 : index
        %get3A_504 = tpu.vector_load %arg7[%get3A_502, %get3A_503] {strides = array<i32>} : memref<88x256xf32, #tpu.memory_space<vmem>>, vector<1x16xf32>,
        %get3A_505 = vector.shape_cast %get3A_504 : vector<1x16xf32> to vector<16xf32>
        %add3A_506 = arith.addf %add3A_499, %get3A_505 : vector<16xf32>
        %add3A_507 = arith.constant 4 : i32
        %add3A_508 = arith.addi %mul3A_58, %add3A_507 : i32
        %get3A_509 = arith.index_cast %add3A_508 : i32 to index
        %get3A_510 = arith.constant 80 : index
        %get3A_511 = tpu.vector_load %arg7[%get3A_509, %get3A_510] {strides = array<i32>} : memref<88x256xf32, #tpu.memory_space<vmem>>, vector<1x16xf32>,
        %get3A_512 = vector.shape_cast %get3A_511 : vector<1x16xf32> to vector<16xf32>
        %add3A_513 = arith.addf %add3A_506, %get3A_512 : vector<16xf32>
        %add3A_514 = arith.constant 5 : i32
        %add3A_515 = arith.addi %mul3A_58, %add3A_514 : i32
        %get3A_516 = arith.index_cast %add3A_515 : i32 to index
        %get3A_517 = arith.constant 80 : index
        %get3A_518 = tpu.vector_load %arg7[%get3A_516, %get3A_517] {strides = array<i32>} : memref<88x256xf32, #tpu.memory_space<vmem>>, vector<1x16xf32>,
        %get3A_519 = vector.shape_cast %get3A_518 : vector<1x16xf32> to vector<16xf32>
        %add3A_520 = arith.addf %add3A_513, %get3A_519 : vector<16xf32>
        %add3A_521 = arith.constant 6 : i32
        %add3A_522 = arith.addi %mul3A_58, %add3A_521 : i32
        %get3A_523 = arith.index_cast %add3A_522 : i32 to index
        %get3A_524 = arith.constant 80 : index
        %get3A_525 = tpu.vector_load %arg7[%get3A_523, %get3A_524] {strides = array<i32>} : memref<88x256xf32, #tpu.memory_space<vmem>>, vector<1x16xf32>,
        %get3A_526 = vector.shape_cast %get3A_525 : vector<1x16xf32> to vector<16xf32>
        %add3A_527 = arith.addf %add3A_520, %get3A_526 : vector<16xf32>
        %add3A_528 = arith.constant 7 : i32
        %add3A_529 = arith.addi %mul3A_58, %add3A_528 : i32
        %get3A_530 = arith.index_cast %add3A_529 : i32 to index
        %get3A_531 = arith.constant 80 : index
        %get3A_532 = tpu.vector_load %arg7[%get3A_530, %get3A_531] {strides = array<i32>} : memref<88x256xf32, #tpu.memory_space<vmem>>, vector<1x16xf32>,
        %get3A_533 = vector.shape_cast %get3A_532 : vector<1x16xf32> to vector<16xf32>
        %add3A_534 = arith.addf %add3A_527, %get3A_533 : vector<16xf32>
        %add3A_535 = arith.constant 8 : i32
        %add3A_536 = arith.addi %mul3A_58, %add3A_535 : i32
        %get3A_537 = arith.index_cast %add3A_536 : i32 to index
        %get3A_538 = arith.constant 80 : index
        %get3A_539 = tpu.vector_load %arg7[%get3A_537, %get3A_538] {strides = array<i32>} : memref<88x256xf32, #tpu.memory_space<vmem>>, vector<1x16xf32>,
        %get3A_540 = vector.shape_cast %get3A_539 : vector<1x16xf32> to vector<16xf32>
        %add3A_541 = arith.addf %add3A_534, %get3A_540 : vector<16xf32>
        %add3A_542 = arith.constant 9 : i32
        %add3A_543 = arith.addi %mul3A_58, %add3A_542 : i32
        %get3A_544 = arith.index_cast %add3A_543 : i32 to index
        %get3A_545 = arith.constant 80 : index
        %get3A_546 = tpu.vector_load %arg7[%get3A_544, %get3A_545] {strides = array<i32>} : memref<88x256xf32, #tpu.memory_space<vmem>>, vector<1x16xf32>,
        %get3A_547 = vector.shape_cast %get3A_546 : vector<1x16xf32> to vector<16xf32>
        %add3A_548 = arith.addf %add3A_541, %get3A_547 : vector<16xf32>
        %add3A_549 = arith.constant 10 : i32
        %add3A_550 = arith.addi %mul3A_58, %add3A_549 : i32
        %get3A_551 = arith.index_cast %add3A_550 : i32 to index
        %get3A_552 = arith.constant 80 : index
        %get3A_553 = tpu.vector_load %arg7[%get3A_551, %get3A_552] {strides = array<i32>} : memref<88x256xf32, #tpu.memory_space<vmem>>, vector<1x16xf32>,
        %get3A_554 = vector.shape_cast %get3A_553 : vector<1x16xf32> to vector<16xf32>
        %add3A_555 = arith.addf %add3A_548, %get3A_554 : vector<16xf32>
        %mul3A_556 = arith.constant 0.301511347 : f32
        %mul3A_557 = vector.broadcast %mul3A_556 : f32 to vector<16xf32>
        %mul3A_558 = arith.mulf %add3A_555, %mul3A_557 : vector<16xf32>
        %mul3A_559 = arith.constant 8 : i32
        %mul3A_560 = arith.muli %add3A_20, %mul3A_559 : i32
        %add3A_561 = arith.addi %mul3A_560, %scan3A_55 : i32
        %swap3A_562 = arith.index_cast %add3A_561 : i32 to index
        %swap3A_563 = arith.constant 80 : index
        %swap3A_564 = tpu.vector_load %arg8[%swap3A_562, %swap3A_563] {strides = array<i32>} : memref<128x256xf32, #tpu.memory_space<vmem>>, vector<1x16xf32>,
        %swap3A_565 = vector.shape_cast %swap3A_564 : vector<1x16xf32> to vector<16xf32>
        %swap3A_566 = vector.shape_cast %mul3A_558 : vector<16xf32> to vector<1x16xf32>
        tpu.vector_store %arg8[%swap3A_562, %swap3A_563], %swap3A_566 {strides = array<i32>} : memref<128x256xf32, #tpu.memory_space<vmem>>, vector<1x16xf32>,
        %get3A_567 = arith.index_cast %mul3A_58 : i32 to index
        %get3A_568 = arith.constant 96 : index
        %get3A_569 = tpu.vector_load %arg7[%get3A_567, %get3A_568] {strides = array<i32>} : memref<88x256xf32, #tpu.memory_space<vmem>>, vector<1x16xf32>,
        %get3A_570 = vector.shape_cast %get3A_569 : vector<1x16xf32> to vector<16xf32>
        %add3A_571 = arith.constant 1 : i32
        %add3A_572 = arith.addi %mul3A_58, %add3A_571 : i32
        %get3A_573 = arith.index_cast %add3A_572 : i32 to index
        %get3A_574 = arith.constant 96 : index
        %get3A_575 = tpu.vector_load %arg7[%get3A_573, %get3A_574] {strides = array<i32>} : memref<88x256xf32, #tpu.memory_space<vmem>>, vector<1x16xf32>,
        %get3A_576 = vector.shape_cast %get3A_575 : vector<1x16xf32> to vector<16xf32>
        %add3A_577 = arith.addf %get3A_570, %get3A_576 : vector<16xf32>
        %add3A_578 = arith.constant 2 : i32
        %add3A_579 = arith.addi %mul3A_58, %add3A_578 : i32
        %get3A_580 = arith.index_cast %add3A_579 : i32 to index
        %get3A_581 = arith.constant 96 : index
        %get3A_582 = tpu.vector_load %arg7[%get3A_580, %get3A_581] {strides = array<i32>} : memref<88x256xf32, #tpu.memory_space<vmem>>, vector<1x16xf32>,
        %get3A_583 = vector.shape_cast %get3A_582 : vector<1x16xf32> to vector<16xf32>
        %add3A_584 = arith.addf %add3A_577, %get3A_583 : vector<16xf32>
        %add3A_585 = arith.constant 3 : i32
        %add3A_586 = arith.addi %mul3A_58, %add3A_585 : i32
        %get3A_587 = arith.index_cast %add3A_586 : i32 to index
        %get3A_588 = arith.constant 96 : index
        %get3A_589 = tpu.vector_load %arg7[%get3A_587, %get3A_588] {strides = array<i32>} : memref<88x256xf32, #tpu.memory_space<vmem>>, vector<1x16xf32>,
        %get3A_590 = vector.shape_cast %get3A_589 : vector<1x16xf32> to vector<16xf32>
        %add3A_591 = arith.addf %add3A_584, %get3A_590 : vector<16xf32>
        %add3A_592 = arith.constant 4 : i32
        %add3A_593 = arith.addi %mul3A_58, %add3A_592 : i32
        %get3A_594 = arith.index_cast %add3A_593 : i32 to index
        %get3A_595 = arith.constant 96 : index
        %get3A_596 = tpu.vector_load %arg7[%get3A_594, %get3A_595] {strides = array<i32>} : memref<88x256xf32, #tpu.memory_space<vmem>>, vector<1x16xf32>,
        %get3A_597 = vector.shape_cast %get3A_596 : vector<1x16xf32> to vector<16xf32>
        %add3A_598 = arith.addf %add3A_591, %get3A_597 : vector<16xf32>
        %add3A_599 = arith.constant 5 : i32
        %add3A_600 = arith.addi %mul3A_58, %add3A_599 : i32
        %get3A_601 = arith.index_cast %add3A_600 : i32 to index
        %get3A_602 = arith.constant 96 : index
        %get3A_603 = tpu.vector_load %arg7[%get3A_601, %get3A_602] {strides = array<i32>} : memref<88x256xf32, #tpu.memory_space<vmem>>, vector<1x16xf32>,
        %get3A_604 = vector.shape_cast %get3A_603 : vector<1x16xf32> to vector<16xf32>
        %add3A_605 = arith.addf %add3A_598, %get3A_604 : vector<16xf32>
        %add3A_606 = arith.constant 6 : i32
        %add3A_607 = arith.addi %mul3A_58, %add3A_606 : i32
        %get3A_608 = arith.index_cast %add3A_607 : i32 to index
        %get3A_609 = arith.constant 96 : index
        %get3A_610 = tpu.vector_load %arg7[%get3A_608, %get3A_609] {strides = array<i32>} : memref<88x256xf32, #tpu.memory_space<vmem>>, vector<1x16xf32>,
        %get3A_611 = vector.shape_cast %get3A_610 : vector<1x16xf32> to vector<16xf32>
        %add3A_612 = arith.addf %add3A_605, %get3A_611 : vector<16xf32>
        %add3A_613 = arith.constant 7 : i32
        %add3A_614 = arith.addi %mul3A_58, %add3A_613 : i32
        %get3A_615 = arith.index_cast %add3A_614 : i32 to index
        %get3A_616 = arith.constant 96 : index
        %get3A_617 = tpu.vector_load %arg7[%get3A_615, %get3A_616] {strides = array<i32>} : memref<88x256xf32, #tpu.memory_space<vmem>>, vector<1x16xf32>,
        %get3A_618 = vector.shape_cast %get3A_617 : vector<1x16xf32> to vector<16xf32>
        %add3A_619 = arith.addf %add3A_612, %get3A_618 : vector<16xf32>
        %add3A_620 = arith.constant 8 : i32
        %add3A_621 = arith.addi %mul3A_58, %add3A_620 : i32
        %get3A_622 = arith.index_cast %add3A_621 : i32 to index
        %get3A_623 = arith.constant 96 : index
        %get3A_624 = tpu.vector_load %arg7[%get3A_622, %get3A_623] {strides = array<i32>} : memref<88x256xf32, #tpu.memory_space<vmem>>, vector<1x16xf32>,
        %get3A_625 = vector.shape_cast %get3A_624 : vector<1x16xf32> to vector<16xf32>
        %add3A_626 = arith.addf %add3A_619, %get3A_625 : vector<16xf32>
        %add3A_627 = arith.constant 9 : i32
        %add3A_628 = arith.addi %mul3A_58, %add3A_627 : i32
        %get3A_629 = arith.index_cast %add3A_628 : i32 to index
        %get3A_630 = arith.constant 96 : index
        %get3A_631 = tpu.vector_load %arg7[%get3A_629, %get3A_630] {strides = array<i32>} : memref<88x256xf32, #tpu.memory_space<vmem>>, vector<1x16xf32>,
        %get3A_632 = vector.shape_cast %get3A_631 : vector<1x16xf32> to vector<16xf32>
        %add3A_633 = arith.addf %add3A_626, %get3A_632 : vector<16xf32>
        %add3A_634 = arith.constant 10 : i32
        %add3A_635 = arith.addi %mul3A_58, %add3A_634 : i32
        %get3A_636 = arith.index_cast %add3A_635 : i32 to index
        %get3A_637 = arith.constant 96 : index
        %get3A_638 = tpu.vector_load %arg7[%get3A_636, %get3A_637] {strides = array<i32>} : memref<88x256xf32, #tpu.memory_space<vmem>>, vector<1x16xf32>,
        %get3A_639 = vector.shape_cast %get3A_638 : vector<1x16xf32> to vector<16xf32>
        %add3A_640 = arith.addf %add3A_633, %get3A_639 : vector<16xf32>
        %mul3A_641 = arith.constant 0.301511347 : f32
        %mul3A_642 = vector.broadcast %mul3A_641 : f32 to vector<16xf32>
        %mul3A_643 = arith.mulf %add3A_640, %mul3A_642 : vector<16xf32>
        %mul3A_644 = arith.constant 8 : i32
        %mul3A_645 = arith.muli %add3A_20, %mul3A_644 : i32
        %add3A_646 = arith.addi %mul3A_645, %scan3A_55 : i32
        %swap3A_647 = arith.index_cast %add3A_646 : i32 to index
        %swap3A_648 = arith.constant 96 : index
        %swap3A_649 = tpu.vector_load %arg8[%swap3A_647, %swap3A_648] {strides = array<i32>} : memref<128x256xf32, #tpu.memory_space<vmem>>, vector<1x16xf32>,
        %swap3A_650 = vector.shape_cast %swap3A_649 : vector<1x16xf32> to vector<16xf32>
        %swap3A_651 = vector.shape_cast %mul3A_643 : vector<16xf32> to vector<1x16xf32>
        tpu.vector_store %arg8[%swap3A_647, %swap3A_648], %swap3A_651 {strides = array<i32>} : memref<128x256xf32, #tpu.memory_space<vmem>>, vector<1x16xf32>,
        %get3A_652 = arith.index_cast %mul3A_58 : i32 to index
        %get3A_653 = arith.constant 112 : index
        %get3A_654 = tpu.vector_load %arg7[%get3A_652, %get3A_653] {strides = array<i32>} : memref<88x256xf32, #tpu.memory_space<vmem>>, vector<1x16xf32>,
        %get3A_655 = vector.shape_cast %get3A_654 : vector<1x16xf32> to vector<16xf32>
        %add3A_656 = arith.constant 1 : i32
        %add3A_657 = arith.addi %mul3A_58, %add3A_656 : i32
        %get3A_658 = arith.index_cast %add3A_657 : i32 to index
        %get3A_659 = arith.constant 112 : index
        %get3A_660 = tpu.vector_load %arg7[%get3A_658, %get3A_659] {strides = array<i32>} : memref<88x256xf32, #tpu.memory_space<vmem>>, vector<1x16xf32>,
        %get3A_661 = vector.shape_cast %get3A_660 : vector<1x16xf32> to vector<16xf32>
        %add3A_662 = arith.addf %get3A_655, %get3A_661 : vector<16xf32>
        %add3A_663 = arith.constant 2 : i32
        %add3A_664 = arith.addi %mul3A_58, %add3A_663 : i32
        %get3A_665 = arith.index_cast %add3A_664 : i32 to index
        %get3A_666 = arith.constant 112 : index
        %get3A_667 = tpu.vector_load %arg7[%get3A_665, %get3A_666] {strides = array<i32>} : memref<88x256xf32, #tpu.memory_space<vmem>>, vector<1x16xf32>,
        %get3A_668 = vector.shape_cast %get3A_667 : vector<1x16xf32> to vector<16xf32>
        %add3A_669 = arith.addf %add3A_662, %get3A_668 : vector<16xf32>
        %add3A_670 = arith.constant 3 : i32
        %add3A_671 = arith.addi %mul3A_58, %add3A_670 : i32
        %get3A_672 = arith.index_cast %add3A_671 : i32 to index
        %get3A_673 = arith.constant 112 : index
        %get3A_674 = tpu.vector_load %arg7[%get3A_672, %get3A_673] {strides = array<i32>} : memref<88x256xf32, #tpu.memory_space<vmem>>, vector<1x16xf32>,
        %get3A_675 = vector.shape_cast %get3A_674 : vector<1x16xf32> to vector<16xf32>
        %add3A_676 = arith.addf %add3A_669, %get3A_675 : vector<16xf32>
        %add3A_677 = arith.constant 4 : i32
        %add3A_678 = arith.addi %mul3A_58, %add3A_677 : i32
        %get3A_679 = arith.index_cast %add3A_678 : i32 to index
        %get3A_680 = arith.constant 112 : index
        %get3A_681 = tpu.vector_load %arg7[%get3A_679, %get3A_680] {strides = array<i32>} : memref<88x256xf32, #tpu.memory_space<vmem>>, vector<1x16xf32>,
        %get3A_682 = vector.shape_cast %get3A_681 : vector<1x16xf32> to vector<16xf32>
        %add3A_683 = arith.addf %add3A_676, %get3A_682 : vector<16xf32>
        %add3A_684 = arith.constant 5 : i32
        %add3A_685 = arith.addi %mul3A_58, %add3A_684 : i32
        %get3A_686 = arith.index_cast %add3A_685 : i32 to index
        %get3A_687 = arith.constant 112 : index
        %get3A_688 = tpu.vector_load %arg7[%get3A_686, %get3A_687] {strides = array<i32>} : memref<88x256xf32, #tpu.memory_space<vmem>>, vector<1x16xf32>,
        %get3A_689 = vector.shape_cast %get3A_688 : vector<1x16xf32> to vector<16xf32>
        %add3A_690 = arith.addf %add3A_683, %get3A_689 : vector<16xf32>
        %add3A_691 = arith.constant 6 : i32
        %add3A_692 = arith.addi %mul3A_58, %add3A_691 : i32
        %get3A_693 = arith.index_cast %add3A_692 : i32 to index
        %get3A_694 = arith.constant 112 : index
        %get3A_695 = tpu.vector_load %arg7[%get3A_693, %get3A_694] {strides = array<i32>} : memref<88x256xf32, #tpu.memory_space<vmem>>, vector<1x16xf32>,
        %get3A_696 = vector.shape_cast %get3A_695 : vector<1x16xf32> to vector<16xf32>
        %add3A_697 = arith.addf %add3A_690, %get3A_696 : vector<16xf32>
        %add3A_698 = arith.constant 7 : i32
        %add3A_699 = arith.addi %mul3A_58, %add3A_698 : i32
        %get3A_700 = arith.index_cast %add3A_699 : i32 to index
        %get3A_701 = arith.constant 112 : index
        %get3A_702 = tpu.vector_load %arg7[%get3A_700, %get3A_701] {strides = array<i32>} : memref<88x256xf32, #tpu.memory_space<vmem>>, vector<1x16xf32>,
        %get3A_703 = vector.shape_cast %get3A_702 : vector<1x16xf32> to vector<16xf32>
        %add3A_704 = arith.addf %add3A_697, %get3A_703 : vector<16xf32>
        %add3A_705 = arith.constant 8 : i32
        %add3A_706 = arith.addi %mul3A_58, %add3A_705 : i32
        %get3A_707 = arith.index_cast %add3A_706 : i32 to index
        %get3A_708 = arith.constant 112 : index
        %get3A_709 = tpu.vector_load %arg7[%get3A_707, %get3A_708] {strides = array<i32>} : memref<88x256xf32, #tpu.memory_space<vmem>>, vector<1x16xf32>,
        %get3A_710 = vector.shape_cast %get3A_709 : vector<1x16xf32> to vector<16xf32>
        %add3A_711 = arith.addf %add3A_704, %get3A_710 : vector<16xf32>
        %add3A_712 = arith.constant 9 : i32
        %add3A_713 = arith.addi %mul3A_58, %add3A_712 : i32
        %get3A_714 = arith.index_cast %add3A_713 : i32 to index
        %get3A_715 = arith.constant 112 : index
        %get3A_716 = tpu.vector_load %arg7[%get3A_714, %get3A_715] {strides = array<i32>} : memref<88x256xf32, #tpu.memory_space<vmem>>, vector<1x16xf32>,
        %get3A_717 = vector.shape_cast %get3A_716 : vector<1x16xf32> to vector<16xf32>
        %add3A_718 = arith.addf %add3A_711, %get3A_717 : vector<16xf32>
        %add3A_719 = arith.constant 10 : i32
        %add3A_720 = arith.addi %mul3A_58, %add3A_719 : i32
        %get3A_721 = arith.index_cast %add3A_720 : i32 to index
        %get3A_722 = arith.constant 112 : index
        %get3A_723 = tpu.vector_load %arg7[%get3A_721, %get3A_722] {strides = array<i32>} : memref<88x256xf32, #tpu.memory_space<vmem>>, vector<1x16xf32>,
        %get3A_724 = vector.shape_cast %get3A_723 : vector<1x16xf32> to vector<16xf32>
        %add3A_725 = arith.addf %add3A_718, %get3A_724 : vector<16xf32>
        %mul3A_726 = arith.constant 0.301511347 : f32
        %mul3A_727 = vector.broadcast %mul3A_726 : f32 to vector<16xf32>
        %mul3A_728 = arith.mulf %add3A_725, %mul3A_727 : vector<16xf32>
        %mul3A_729 = arith.constant 8 : i32
        %mul3A_730 = arith.muli %add3A_20, %mul3A_729 : i32
        %add3A_731 = arith.addi %mul3A_730, %scan3A_55 : i32
        %swap3A_732 = arith.index_cast %add3A_731 : i32 to index
        %swap3A_733 = arith.constant 112 : index
        %swap3A_734 = tpu.vector_load %arg8[%swap3A_732, %swap3A_733] {strides = array<i32>} : memref<128x256xf32, #tpu.memory_space<vmem>>, vector<1x16xf32>,
        %swap3A_735 = vector.shape_cast %swap3A_734 : vector<1x16xf32> to vector<16xf32>
        %swap3A_736 = vector.shape_cast %mul3A_728 : vector<16xf32> to vector<1x16xf32>
        tpu.vector_store %arg8[%swap3A_732, %swap3A_733], %swap3A_736 {strides = array<i32>} : memref<128x256xf32, #tpu.memory_space<vmem>>, vector<1x16xf32>,
        %get3A_737 = arith.index_cast %mul3A_58 : i32 to index
        %get3A_738 = arith.constant 128 : index
        %get3A_739 = tpu.vector_load %arg7[%get3A_737, %get3A_738] {strides = array<i32>} : memref<88x256xf32, #tpu.memory_space<vmem>>, vector<1x16xf32>,
        %get3A_740 = vector.shape_cast %get3A_739 : vector<1x16xf32> to vector<16xf32>
        %add3A_741 = arith.constant 1 : i32
        %add3A_742 = arith.addi %mul3A_58, %add3A_741 : i32
        %get3A_743 = arith.index_cast %add3A_742 : i32 to index
        %get3A_744 = arith.constant 128 : index
        %get3A_745 = tpu.vector_load %arg7[%get3A_743, %get3A_744] {strides = array<i32>} : memref<88x256xf32, #tpu.memory_space<vmem>>, vector<1x16xf32>,
        %get3A_746 = vector.shape_cast %get3A_745 : vector<1x16xf32> to vector<16xf32>
        %add3A_747 = arith.addf %get3A_740, %get3A_746 : vector<16xf32>
        %add3A_748 = arith.constant 2 : i32
        %add3A_749 = arith.addi %mul3A_58, %add3A_748 : i32
        %get3A_750 = arith.index_cast %add3A_749 : i32 to index
        %get3A_751 = arith.constant 128 : index
        %get3A_752 = tpu.vector_load %arg7[%get3A_750, %get3A_751] {strides = array<i32>} : memref<88x256xf32, #tpu.memory_space<vmem>>, vector<1x16xf32>,
        %get3A_753 = vector.shape_cast %get3A_752 : vector<1x16xf32> to vector<16xf32>
        %add3A_754 = arith.addf %add3A_747, %get3A_753 : vector<16xf32>
        %add3A_755 = arith.constant 3 : i32
        %add3A_756 = arith.addi %mul3A_58, %add3A_755 : i32
        %get3A_757 = arith.index_cast %add3A_756 : i32 to index
        %get3A_758 = arith.constant 128 : index
        %get3A_759 = tpu.vector_load %arg7[%get3A_757, %get3A_758] {strides = array<i32>} : memref<88x256xf32, #tpu.memory_space<vmem>>, vector<1x16xf32>,
        %get3A_760 = vector.shape_cast %get3A_759 : vector<1x16xf32> to vector<16xf32>
        %add3A_761 = arith.addf %add3A_754, %get3A_760 : vector<16xf32>
        %add3A_762 = arith.constant 4 : i32
        %add3A_763 = arith.addi %mul3A_58, %add3A_762 : i32
        %get3A_764 = arith.index_cast %add3A_763 : i32 to index
        %get3A_765 = arith.constant 128 : index
        %get3A_766 = tpu.vector_load %arg7[%get3A_764, %get3A_765] {strides = array<i32>} : memref<88x256xf32, #tpu.memory_space<vmem>>, vector<1x16xf32>,
        %get3A_767 = vector.shape_cast %get3A_766 : vector<1x16xf32> to vector<16xf32>
        %add3A_768 = arith.addf %add3A_761, %get3A_767 : vector<16xf32>
        %add3A_769 = arith.constant 5 : i32
        %add3A_770 = arith.addi %mul3A_58, %add3A_769 : i32
        %get3A_771 = arith.index_cast %add3A_770 : i32 to index
        %get3A_772 = arith.constant 128 : index
        %get3A_773 = tpu.vector_load %arg7[%get3A_771, %get3A_772] {strides = array<i32>} : memref<88x256xf32, #tpu.memory_space<vmem>>, vector<1x16xf32>,
        %get3A_774 = vector.shape_cast %get3A_773 : vector<1x16xf32> to vector<16xf32>
        %add3A_775 = arith.addf %add3A_768, %get3A_774 : vector<16xf32>
        %add3A_776 = arith.constant 6 : i32
        %add3A_777 = arith.addi %mul3A_58, %add3A_776 : i32
        %get3A_778 = arith.index_cast %add3A_777 : i32 to index
        %get3A_779 = arith.constant 128 : index
        %get3A_780 = tpu.vector_load %arg7[%get3A_778, %get3A_779] {strides = array<i32>} : memref<88x256xf32, #tpu.memory_space<vmem>>, vector<1x16xf32>,
        %get3A_781 = vector.shape_cast %get3A_780 : vector<1x16xf32> to vector<16xf32>
        %add3A_782 = arith.addf %add3A_775, %get3A_781 : vector<16xf32>
        %add3A_783 = arith.constant 7 : i32
        %add3A_784 = arith.addi %mul3A_58, %add3A_783 : i32
        %get3A_785 = arith.index_cast %add3A_784 : i32 to index
        %get3A_786 = arith.constant 128 : index
        %get3A_787 = tpu.vector_load %arg7[%get3A_785, %get3A_786] {strides = array<i32>} : memref<88x256xf32, #tpu.memory_space<vmem>>, vector<1x16xf32>,
        %get3A_788 = vector.shape_cast %get3A_787 : vector<1x16xf32> to vector<16xf32>
        %add3A_789 = arith.addf %add3A_782, %get3A_788 : vector<16xf32>
        %add3A_790 = arith.constant 8 : i32
        %add3A_791 = arith.addi %mul3A_58, %add3A_790 : i32
        %get3A_792 = arith.index_cast %add3A_791 : i32 to index
        %get3A_793 = arith.constant 128 : index
        %get3A_794 = tpu.vector_load %arg7[%get3A_792, %get3A_793] {strides = array<i32>} : memref<88x256xf32, #tpu.memory_space<vmem>>, vector<1x16xf32>,
        %get3A_795 = vector.shape_cast %get3A_794 : vector<1x16xf32> to vector<16xf32>
        %add3A_796 = arith.addf %add3A_789, %get3A_795 : vector<16xf32>
        %add3A_797 = arith.constant 9 : i32
        %add3A_798 = arith.addi %mul3A_58, %add3A_797 : i32
        %get3A_799 = arith.index_cast %add3A_798 : i32 to index
        %get3A_800 = arith.constant 128 : index
        %get3A_801 = tpu.vector_load %arg7[%get3A_799, %get3A_800] {strides = array<i32>} : memref<88x256xf32, #tpu.memory_space<vmem>>, vector<1x16xf32>,
        %get3A_802 = vector.shape_cast %get3A_801 : vector<1x16xf32> to vector<16xf32>
        %add3A_803 = arith.addf %add3A_796, %get3A_802 : vector<16xf32>
        %add3A_804 = arith.constant 10 : i32
        %add3A_805 = arith.addi %mul3A_58, %add3A_804 : i32
        %get3A_806 = arith.index_cast %add3A_805 : i32 to index
        %get3A_807 = arith.constant 128 : index
        %get3A_808 = tpu.vector_load %arg7[%get3A_806, %get3A_807] {strides = array<i32>} : memref<88x256xf32, #tpu.memory_space<vmem>>, vector<1x16xf32>,
        %get3A_809 = vector.shape_cast %get3A_808 : vector<1x16xf32> to vector<16xf32>
        %add3A_810 = arith.addf %add3A_803, %get3A_809 : vector<16xf32>
        %mul3A_811 = arith.constant 0.301511347 : f32
        %mul3A_812 = vector.broadcast %mul3A_811 : f32 to vector<16xf32>
        %mul3A_813 = arith.mulf %add3A_810, %mul3A_812 : vector<16xf32>
        %mul3A_814 = arith.constant 8 : i32
        %mul3A_815 = arith.muli %add3A_20, %mul3A_814 : i32
        %add3A_816 = arith.addi %mul3A_815, %scan3A_55 : i32
        %swap3A_817 = arith.index_cast %add3A_816 : i32 to index
        %swap3A_818 = arith.constant 128 : index
        %swap3A_819 = tpu.vector_load %arg8[%swap3A_817, %swap3A_818] {strides = array<i32>} : memref<128x256xf32, #tpu.memory_space<vmem>>, vector<1x16xf32>,
        %swap3A_820 = vector.shape_cast %swap3A_819 : vector<1x16xf32> to vector<16xf32>
        %swap3A_821 = vector.shape_cast %mul3A_813 : vector<16xf32> to vector<1x16xf32>
        tpu.vector_store %arg8[%swap3A_817, %swap3A_818], %swap3A_821 {strides = array<i32>} : memref<128x256xf32, #tpu.memory_space<vmem>>, vector<1x16xf32>,
        %get3A_822 = arith.index_cast %mul3A_58 : i32 to index
        %get3A_823 = arith.constant 144 : index
        %get3A_824 = tpu.vector_load %arg7[%get3A_822, %get3A_823] {strides = array<i32>} : memref<88x256xf32, #tpu.memory_space<vmem>>, vector<1x16xf32>,
        %get3A_825 = vector.shape_cast %get3A_824 : vector<1x16xf32> to vector<16xf32>
        %add3A_826 = arith.constant 1 : i32
        %add3A_827 = arith.addi %mul3A_58, %add3A_826 : i32
        %get3A_828 = arith.index_cast %add3A_827 : i32 to index
        %get3A_829 = arith.constant 144 : index
        %get3A_830 = tpu.vector_load %arg7[%get3A_828, %get3A_829] {strides = array<i32>} : memref<88x256xf32, #tpu.memory_space<vmem>>, vector<1x16xf32>,
        %get3A_831 = vector.shape_cast %get3A_830 : vector<1x16xf32> to vector<16xf32>
        %add3A_832 = arith.addf %get3A_825, %get3A_831 : vector<16xf32>
        %add3A_833 = arith.constant 2 : i32
        %add3A_834 = arith.addi %mul3A_58, %add3A_833 : i32
        %get3A_835 = arith.index_cast %add3A_834 : i32 to index
        %get3A_836 = arith.constant 144 : index
        %get3A_837 = tpu.vector_load %arg7[%get3A_835, %get3A_836] {strides = array<i32>} : memref<88x256xf32, #tpu.memory_space<vmem>>, vector<1x16xf32>,
        %get3A_838 = vector.shape_cast %get3A_837 : vector<1x16xf32> to vector<16xf32>
        %add3A_839 = arith.addf %add3A_832, %get3A_838 : vector<16xf32>
        %add3A_840 = arith.constant 3 : i32
        %add3A_841 = arith.addi %mul3A_58, %add3A_840 : i32
        %get3A_842 = arith.index_cast %add3A_841 : i32 to index
        %get3A_843 = arith.constant 144 : index
        %get3A_844 = tpu.vector_load %arg7[%get3A_842, %get3A_843] {strides = array<i32>} : memref<88x256xf32, #tpu.memory_space<vmem>>, vector<1x16xf32>,
        %get3A_845 = vector.shape_cast %get3A_844 : vector<1x16xf32> to vector<16xf32>
        %add3A_846 = arith.addf %add3A_839, %get3A_845 : vector<16xf32>
        %add3A_847 = arith.constant 4 : i32
        %add3A_848 = arith.addi %mul3A_58, %add3A_847 : i32
        %get3A_849 = arith.index_cast %add3A_848 : i32 to index
        %get3A_850 = arith.constant 144 : index
        %get3A_851 = tpu.vector_load %arg7[%get3A_849, %get3A_850] {strides = array<i32>} : memref<88x256xf32, #tpu.memory_space<vmem>>, vector<1x16xf32>,
        %get3A_852 = vector.shape_cast %get3A_851 : vector<1x16xf32> to vector<16xf32>
        %add3A_853 = arith.addf %add3A_846, %get3A_852 : vector<16xf32>
        %add3A_854 = arith.constant 5 : i32
        %add3A_855 = arith.addi %mul3A_58, %add3A_854 : i32
        %get3A_856 = arith.index_cast %add3A_855 : i32 to index
        %get3A_857 = arith.constant 144 : index
        %get3A_858 = tpu.vector_load %arg7[%get3A_856, %get3A_857] {strides = array<i32>} : memref<88x256xf32, #tpu.memory_space<vmem>>, vector<1x16xf32>,
        %get3A_859 = vector.shape_cast %get3A_858 : vector<1x16xf32> to vector<16xf32>
        %add3A_860 = arith.addf %add3A_853, %get3A_859 : vector<16xf32>
        %add3A_861 = arith.constant 6 : i32
        %add3A_862 = arith.addi %mul3A_58, %add3A_861 : i32
        %get3A_863 = arith.index_cast %add3A_862 : i32 to index
        %get3A_864 = arith.constant 144 : index
        %get3A_865 = tpu.vector_load %arg7[%get3A_863, %get3A_864] {strides = array<i32>} : memref<88x256xf32, #tpu.memory_space<vmem>>, vector<1x16xf32>,
        %get3A_866 = vector.shape_cast %get3A_865 : vector<1x16xf32> to vector<16xf32>
        %add3A_867 = arith.addf %add3A_860, %get3A_866 : vector<16xf32>
        %add3A_868 = arith.constant 7 : i32
        %add3A_869 = arith.addi %mul3A_58, %add3A_868 : i32
        %get3A_870 = arith.index_cast %add3A_869 : i32 to index
        %get3A_871 = arith.constant 144 : index
        %get3A_872 = tpu.vector_load %arg7[%get3A_870, %get3A_871] {strides = array<i32>} : memref<88x256xf32, #tpu.memory_space<vmem>>, vector<1x16xf32>,
        %get3A_873 = vector.shape_cast %get3A_872 : vector<1x16xf32> to vector<16xf32>
        %add3A_874 = arith.addf %add3A_867, %get3A_873 : vector<16xf32>
        %add3A_875 = arith.constant 8 : i32
        %add3A_876 = arith.addi %mul3A_58, %add3A_875 : i32
        %get3A_877 = arith.index_cast %add3A_876 : i32 to index
        %get3A_878 = arith.constant 144 : index
        %get3A_879 = tpu.vector_load %arg7[%get3A_877, %get3A_878] {strides = array<i32>} : memref<88x256xf32, #tpu.memory_space<vmem>>, vector<1x16xf32>,
        %get3A_880 = vector.shape_cast %get3A_879 : vector<1x16xf32> to vector<16xf32>
        %add3A_881 = arith.addf %add3A_874, %get3A_880 : vector<16xf32>
        %add3A_882 = arith.constant 9 : i32
        %add3A_883 = arith.addi %mul3A_58, %add3A_882 : i32
        %get3A_884 = arith.index_cast %add3A_883 : i32 to index
        %get3A_885 = arith.constant 144 : index
        %get3A_886 = tpu.vector_load %arg7[%get3A_884, %get3A_885] {strides = array<i32>} : memref<88x256xf32, #tpu.memory_space<vmem>>, vector<1x16xf32>,
        %get3A_887 = vector.shape_cast %get3A_886 : vector<1x16xf32> to vector<16xf32>
        %add3A_888 = arith.addf %add3A_881, %get3A_887 : vector<16xf32>
        %add3A_889 = arith.constant 10 : i32
        %add3A_890 = arith.addi %mul3A_58, %add3A_889 : i32
        %get3A_891 = arith.index_cast %add3A_890 : i32 to index
        %get3A_892 = arith.constant 144 : index
        %get3A_893 = tpu.vector_load %arg7[%get3A_891, %get3A_892] {strides = array<i32>} : memref<88x256xf32, #tpu.memory_space<vmem>>, vector<1x16xf32>,
        %get3A_894 = vector.shape_cast %get3A_893 : vector<1x16xf32> to vector<16xf32>
        %add3A_895 = arith.addf %add3A_888, %get3A_894 : vector<16xf32>
        %mul3A_896 = arith.constant 0.301511347 : f32
        %mul3A_897 = vector.broadcast %mul3A_896 : f32 to vector<16xf32>
        %mul3A_898 = arith.mulf %add3A_895, %mul3A_897 : vector<16xf32>
        %mul3A_899 = arith.constant 8 : i32
        %mul3A_900 = arith.muli %add3A_20, %mul3A_899 : i32
        %add3A_901 = arith.addi %mul3A_900, %scan3A_55 : i32
        %swap3A_902 = arith.index_cast %add3A_901 : i32 to index
        %swap3A_903 = arith.constant 144 : index
        %swap3A_904 = tpu.vector_load %arg8[%swap3A_902, %swap3A_903] {strides = array<i32>} : memref<128x256xf32, #tpu.memory_space<vmem>>, vector<1x16xf32>,
        %swap3A_905 = vector.shape_cast %swap3A_904 : vector<1x16xf32> to vector<16xf32>
        %swap3A_906 = vector.shape_cast %mul3A_898 : vector<16xf32> to vector<1x16xf32>
        tpu.vector_store %arg8[%swap3A_902, %swap3A_903], %swap3A_906 {strides = array<i32>} : memref<128x256xf32, #tpu.memory_space<vmem>>, vector<1x16xf32>,
        %get3A_907 = arith.index_cast %mul3A_58 : i32 to index
        %get3A_908 = arith.constant 160 : index
        %get3A_909 = tpu.vector_load %arg7[%get3A_907, %get3A_908] {strides = array<i32>} : memref<88x256xf32, #tpu.memory_space<vmem>>, vector<1x16xf32>,
        %get3A_910 = vector.shape_cast %get3A_909 : vector<1x16xf32> to vector<16xf32>
        %add3A_911 = arith.constant 1 : i32
        %add3A_912 = arith.addi %mul3A_58, %add3A_911 : i32
        %get3A_913 = arith.index_cast %add3A_912 : i32 to index
        %get3A_914 = arith.constant 160 : index
        %get3A_915 = tpu.vector_load %arg7[%get3A_913, %get3A_914] {strides = array<i32>} : memref<88x256xf32, #tpu.memory_space<vmem>>, vector<1x16xf32>,
        %get3A_916 = vector.shape_cast %get3A_915 : vector<1x16xf32> to vector<16xf32>
        %add3A_917 = arith.addf %get3A_910, %get3A_916 : vector<16xf32>
        %add3A_918 = arith.constant 2 : i32
        %add3A_919 = arith.addi %mul3A_58, %add3A_918 : i32
        %get3A_920 = arith.index_cast %add3A_919 : i32 to index
        %get3A_921 = arith.constant 160 : index
        %get3A_922 = tpu.vector_load %arg7[%get3A_920, %get3A_921] {strides = array<i32>} : memref<88x256xf32, #tpu.memory_space<vmem>>, vector<1x16xf32>,
        %get3A_923 = vector.shape_cast %get3A_922 : vector<1x16xf32> to vector<16xf32>
        %add3A_924 = arith.addf %add3A_917, %get3A_923 : vector<16xf32>
        %add3A_925 = arith.constant 3 : i32
        %add3A_926 = arith.addi %mul3A_58, %add3A_925 : i32
        %get3A_927 = arith.index_cast %add3A_926 : i32 to index
        %get3A_928 = arith.constant 160 : index
        %get3A_929 = tpu.vector_load %arg7[%get3A_927, %get3A_928] {strides = array<i32>} : memref<88x256xf32, #tpu.memory_space<vmem>>, vector<1x16xf32>,
        %get3A_930 = vector.shape_cast %get3A_929 : vector<1x16xf32> to vector<16xf32>
        %add3A_931 = arith.addf %add3A_924, %get3A_930 : vector<16xf32>
        %add3A_932 = arith.constant 4 : i32
        %add3A_933 = arith.addi %mul3A_58, %add3A_932 : i32
        %get3A_934 = arith.index_cast %add3A_933 : i32 to index
        %get3A_935 = arith.constant 160 : index
        %get3A_936 = tpu.vector_load %arg7[%get3A_934, %get3A_935] {strides = array<i32>} : memref<88x256xf32, #tpu.memory_space<vmem>>, vector<1x16xf32>,
        %get3A_937 = vector.shape_cast %get3A_936 : vector<1x16xf32> to vector<16xf32>
        %add3A_938 = arith.addf %add3A_931, %get3A_937 : vector<16xf32>
        %add3A_939 = arith.constant 5 : i32
        %add3A_940 = arith.addi %mul3A_58, %add3A_939 : i32
        %get3A_941 = arith.index_cast %add3A_940 : i32 to index
        %get3A_942 = arith.constant 160 : index
        %get3A_943 = tpu.vector_load %arg7[%get3A_941, %get3A_942] {strides = array<i32>} : memref<88x256xf32, #tpu.memory_space<vmem>>, vector<1x16xf32>,
        %get3A_944 = vector.shape_cast %get3A_943 : vector<1x16xf32> to vector<16xf32>
        %add3A_945 = arith.addf %add3A_938, %get3A_944 : vector<16xf32>
        %add3A_946 = arith.constant 6 : i32
        %add3A_947 = arith.addi %mul3A_58, %add3A_946 : i32
        %get3A_948 = arith.index_cast %add3A_947 : i32 to index
        %get3A_949 = arith.constant 160 : index
        %get3A_950 = tpu.vector_load %arg7[%get3A_948, %get3A_949] {strides = array<i32>} : memref<88x256xf32, #tpu.memory_space<vmem>>, vector<1x16xf32>,
        %get3A_951 = vector.shape_cast %get3A_950 : vector<1x16xf32> to vector<16xf32>
        %add3A_952 = arith.addf %add3A_945, %get3A_951 : vector<16xf32>
        %add3A_953 = arith.constant 7 : i32
        %add3A_954 = arith.addi %mul3A_58, %add3A_953 : i32
        %get3A_955 = arith.index_cast %add3A_954 : i32 to index
        %get3A_956 = arith.constant 160 : index
        %get3A_957 = tpu.vector_load %arg7[%get3A_955, %get3A_956] {strides = array<i32>} : memref<88x256xf32, #tpu.memory_space<vmem>>, vector<1x16xf32>,
        %get3A_958 = vector.shape_cast %get3A_957 : vector<1x16xf32> to vector<16xf32>
        %add3A_959 = arith.addf %add3A_952, %get3A_958 : vector<16xf32>
        %add3A_960 = arith.constant 8 : i32
        %add3A_961 = arith.addi %mul3A_58, %add3A_960 : i32
        %get3A_962 = arith.index_cast %add3A_961 : i32 to index
        %get3A_963 = arith.constant 160 : index
        %get3A_964 = tpu.vector_load %arg7[%get3A_962, %get3A_963] {strides = array<i32>} : memref<88x256xf32, #tpu.memory_space<vmem>>, vector<1x16xf32>,
        %get3A_965 = vector.shape_cast %get3A_964 : vector<1x16xf32> to vector<16xf32>
        %add3A_966 = arith.addf %add3A_959, %get3A_965 : vector<16xf32>
        %add3A_967 = arith.constant 9 : i32
        %add3A_968 = arith.addi %mul3A_58, %add3A_967 : i32
        %get3A_969 = arith.index_cast %add3A_968 : i32 to index
        %get3A_970 = arith.constant 160 : index
        %get3A_971 = tpu.vector_load %arg7[%get3A_969, %get3A_970] {strides = array<i32>} : memref<88x256xf32, #tpu.memory_space<vmem>>, vector<1x16xf32>,
        %get3A_972 = vector.shape_cast %get3A_971 : vector<1x16xf32> to vector<16xf32>
        %add3A_973 = arith.addf %add3A_966, %get3A_972 : vector<16xf32>
        %add3A_974 = arith.constant 10 : i32
        %add3A_975 = arith.addi %mul3A_58, %add3A_974 : i32
        %get3A_976 = arith.index_cast %add3A_975 : i32 to index
        %get3A_977 = arith.constant 160 : index
        %get3A_978 = tpu.vector_load %arg7[%get3A_976, %get3A_977] {strides = array<i32>} : memref<88x256xf32, #tpu.memory_space<vmem>>, vector<1x16xf32>,
        %get3A_979 = vector.shape_cast %get3A_978 : vector<1x16xf32> to vector<16xf32>
        %add3A_980 = arith.addf %add3A_973, %get3A_979 : vector<16xf32>
        %mul3A_981 = arith.constant 0.301511347 : f32
        %mul3A_982 = vector.broadcast %mul3A_981 : f32 to vector<16xf32>
        %mul3A_983 = arith.mulf %add3A_980, %mul3A_982 : vector<16xf32>
        %mul3A_984 = arith.constant 8 : i32
        %mul3A_985 = arith.muli %add3A_20, %mul3A_984 : i32
        %add3A_986 = arith.addi %mul3A_985, %scan3A_55 : i32
        %swap3A_987 = arith.index_cast %add3A_986 : i32 to index
        %swap3A_988 = arith.constant 160 : index
        %swap3A_989 = tpu.vector_load %arg8[%swap3A_987, %swap3A_988] {strides = array<i32>} : memref<128x256xf32, #tpu.memory_space<vmem>>, vector<1x16xf32>,
        %swap3A_990 = vector.shape_cast %swap3A_989 : vector<1x16xf32> to vector<16xf32>
        %swap3A_991 = vector.shape_cast %mul3A_983 : vector<16xf32> to vector<1x16xf32>
        tpu.vector_store %arg8[%swap3A_987, %swap3A_988], %swap3A_991 {strides = array<i32>} : memref<128x256xf32, #tpu.memory_space<vmem>>, vector<1x16xf32>,
        %get3A_992 = arith.index_cast %mul3A_58 : i32 to index
        %get3A_993 = arith.constant 176 : index
        %get3A_994 = tpu.vector_load %arg7[%get3A_992, %get3A_993] {strides = array<i32>} : memref<88x256xf32, #tpu.memory_space<vmem>>, vector<1x16xf32>,
        %get3A_995 = vector.shape_cast %get3A_994 : vector<1x16xf32> to vector<16xf32>
        %add3A_996 = arith.constant 1 : i32
        %add3A_997 = arith.addi %mul3A_58, %add3A_996 : i32
        %get3A_998 = arith.index_cast %add3A_997 : i32 to index
        %get3A_999 = arith.constant 176 : index
        %get3A_1000 = tpu.vector_load %arg7[%get3A_998, %get3A_999] {strides = array<i32>} : memref<88x256xf32, #tpu.memory_space<vmem>>, vector<1x16xf32>,
        %get3A_1001 = vector.shape_cast %get3A_1000 : vector<1x16xf32> to vector<16xf32>
        %add3A_1002 = arith.addf %get3A_995, %get3A_1001 : vector<16xf32>
        %add3A_1003 = arith.constant 2 : i32
        %add3A_1004 = arith.addi %mul3A_58, %add3A_1003 : i32
        %get3A_1005 = arith.index_cast %add3A_1004 : i32 to index
        %get3A_1006 = arith.constant 176 : index
        %get3A_1007 = tpu.vector_load %arg7[%get3A_1005, %get3A_1006] {strides = array<i32>} : memref<88x256xf32, #tpu.memory_space<vmem>>, vector<1x16xf32>,
        %get3A_1008 = vector.shape_cast %get3A_1007 : vector<1x16xf32> to vector<16xf32>
        %add3A_1009 = arith.addf %add3A_1002, %get3A_1008 : vector<16xf32>
        %add3A_1010 = arith.constant 3 : i32
        %add3A_1011 = arith.addi %mul3A_58, %add3A_1010 : i32
        %get3A_1012 = arith.index_cast %add3A_1011 : i32 to index
        %get3A_1013 = arith.constant 176 : index
        %get3A_1014 = tpu.vector_load %arg7[%get3A_1012, %get3A_1013] {strides = array<i32>} : memref<88x256xf32, #tpu.memory_space<vmem>>, vector<1x16xf32>,
        %get3A_1015 = vector.shape_cast %get3A_1014 : vector<1x16xf32> to vector<16xf32>
        %add3A_1016 = arith.addf %add3A_1009, %get3A_1015 : vector<16xf32>
        %add3A_1017 = arith.constant 4 : i32
        %add3A_1018 = arith.addi %mul3A_58, %add3A_1017 : i32
        %get3A_1019 = arith.index_cast %add3A_1018 : i32 to index
        %get3A_1020 = arith.constant 176 : index
        %get3A_1021 = tpu.vector_load %arg7[%get3A_1019, %get3A_1020] {strides = array<i32>} : memref<88x256xf32, #tpu.memory_space<vmem>>, vector<1x16xf32>,
        %get3A_1022 = vector.shape_cast %get3A_1021 : vector<1x16xf32> to vector<16xf32>
        %add3A_1023 = arith.addf %add3A_1016, %get3A_1022 : vector<16xf32>
        %add3A_1024 = arith.constant 5 : i32
        %add3A_1025 = arith.addi %mul3A_58, %add3A_1024 : i32
        %get3A_1026 = arith.index_cast %add3A_1025 : i32 to index
        %get3A_1027 = arith.constant 176 : index
        %get3A_1028 = tpu.vector_load %arg7[%get3A_1026, %get3A_1027] {strides = array<i32>} : memref<88x256xf32, #tpu.memory_space<vmem>>, vector<1x16xf32>,
        %get3A_1029 = vector.shape_cast %get3A_1028 : vector<1x16xf32> to vector<16xf32>
        %add3A_1030 = arith.addf %add3A_1023, %get3A_1029 : vector<16xf32>
        %add3A_1031 = arith.constant 6 : i32
        %add3A_1032 = arith.addi %mul3A_58, %add3A_1031 : i32
        %get3A_1033 = arith.index_cast %add3A_1032 : i32 to index
        %get3A_1034 = arith.constant 176 : index
        %get3A_1035 = tpu.vector_load %arg7[%get3A_1033, %get3A_1034] {strides = array<i32>} : memref<88x256xf32, #tpu.memory_space<vmem>>, vector<1x16xf32>,
        %get3A_1036 = vector.shape_cast %get3A_1035 : vector<1x16xf32> to vector<16xf32>
        %add3A_1037 = arith.addf %add3A_1030, %get3A_1036 : vector<16xf32>
        %add3A_1038 = arith.constant 7 : i32
        %add3A_1039 = arith.addi %mul3A_58, %add3A_1038 : i32
        %get3A_1040 = arith.index_cast %add3A_1039 : i32 to index
        %get3A_1041 = arith.constant 176 : index
        %get3A_1042 = tpu.vector_load %arg7[%get3A_1040, %get3A_1041] {strides = array<i32>} : memref<88x256xf32, #tpu.memory_space<vmem>>, vector<1x16xf32>,
        %get3A_1043 = vector.shape_cast %get3A_1042 : vector<1x16xf32> to vector<16xf32>
        %add3A_1044 = arith.addf %add3A_1037, %get3A_1043 : vector<16xf32>
        %add3A_1045 = arith.constant 8 : i32
        %add3A_1046 = arith.addi %mul3A_58, %add3A_1045 : i32
        %get3A_1047 = arith.index_cast %add3A_1046 : i32 to index
        %get3A_1048 = arith.constant 176 : index
        %get3A_1049 = tpu.vector_load %arg7[%get3A_1047, %get3A_1048] {strides = array<i32>} : memref<88x256xf32, #tpu.memory_space<vmem>>, vector<1x16xf32>,
        %get3A_1050 = vector.shape_cast %get3A_1049 : vector<1x16xf32> to vector<16xf32>
        %add3A_1051 = arith.addf %add3A_1044, %get3A_1050 : vector<16xf32>
        %add3A_1052 = arith.constant 9 : i32
        %add3A_1053 = arith.addi %mul3A_58, %add3A_1052 : i32
        %get3A_1054 = arith.index_cast %add3A_1053 : i32 to index
        %get3A_1055 = arith.constant 176 : index
        %get3A_1056 = tpu.vector_load %arg7[%get3A_1054, %get3A_1055] {strides = array<i32>} : memref<88x256xf32, #tpu.memory_space<vmem>>, vector<1x16xf32>,
        %get3A_1057 = vector.shape_cast %get3A_1056 : vector<1x16xf32> to vector<16xf32>
        %add3A_1058 = arith.addf %add3A_1051, %get3A_1057 : vector<16xf32>
        %add3A_1059 = arith.constant 10 : i32
        %add3A_1060 = arith.addi %mul3A_58, %add3A_1059 : i32
        %get3A_1061 = arith.index_cast %add3A_1060 : i32 to index
        %get3A_1062 = arith.constant 176 : index
        %get3A_1063 = tpu.vector_load %arg7[%get3A_1061, %get3A_1062] {strides = array<i32>} : memref<88x256xf32, #tpu.memory_space<vmem>>, vector<1x16xf32>,
        %get3A_1064 = vector.shape_cast %get3A_1063 : vector<1x16xf32> to vector<16xf32>
        %add3A_1065 = arith.addf %add3A_1058, %get3A_1064 : vector<16xf32>
        %mul3A_1066 = arith.constant 0.301511347 : f32
        %mul3A_1067 = vector.broadcast %mul3A_1066 : f32 to vector<16xf32>
        %mul3A_1068 = arith.mulf %add3A_1065, %mul3A_1067 : vector<16xf32>
        %mul3A_1069 = arith.constant 8 : i32
        %mul3A_1070 = arith.muli %add3A_20, %mul3A_1069 : i32
        %add3A_1071 = arith.addi %mul3A_1070, %scan3A_55 : i32
        %swap3A_1072 = arith.index_cast %add3A_1071 : i32 to index
        %swap3A_1073 = arith.constant 176 : index
        %swap3A_1074 = tpu.vector_load %arg8[%swap3A_1072, %swap3A_1073] {strides = array<i32>} : memref<128x256xf32, #tpu.memory_space<vmem>>, vector<1x16xf32>,
        %swap3A_1075 = vector.shape_cast %swap3A_1074 : vector<1x16xf32> to vector<16xf32>
        %swap3A_1076 = vector.shape_cast %mul3A_1068 : vector<16xf32> to vector<1x16xf32>
        tpu.vector_store %arg8[%swap3A_1072, %swap3A_1073], %swap3A_1076 {strides = array<i32>} : memref<128x256xf32, #tpu.memory_space<vmem>>, vector<1x16xf32>,
        %get3A_1077 = arith.index_cast %mul3A_58 : i32 to index
        %get3A_1078 = arith.constant 192 : index
        %get3A_1079 = tpu.vector_load %arg7[%get3A_1077, %get3A_1078] {strides = array<i32>} : memref<88x256xf32, #tpu.memory_space<vmem>>, vector<1x16xf32>,
        %get3A_1080 = vector.shape_cast %get3A_1079 : vector<1x16xf32> to vector<16xf32>
        %add3A_1081 = arith.constant 1 : i32
        %add3A_1082 = arith.addi %mul3A_58, %add3A_1081 : i32
        %get3A_1083 = arith.index_cast %add3A_1082 : i32 to index
        %get3A_1084 = arith.constant 192 : index
        %get3A_1085 = tpu.vector_load %arg7[%get3A_1083, %get3A_1084] {strides = array<i32>} : memref<88x256xf32, #tpu.memory_space<vmem>>, vector<1x16xf32>,
        %get3A_1086 = vector.shape_cast %get3A_1085 : vector<1x16xf32> to vector<16xf32>
        %add3A_1087 = arith.addf %get3A_1080, %get3A_1086 : vector<16xf32>
        %add3A_1088 = arith.constant 2 : i32
        %add3A_1089 = arith.addi %mul3A_58, %add3A_1088 : i32
        %get3A_1090 = arith.index_cast %add3A_1089 : i32 to index
        %get3A_1091 = arith.constant 192 : index
        %get3A_1092 = tpu.vector_load %arg7[%get3A_1090, %get3A_1091] {strides = array<i32>} : memref<88x256xf32, #tpu.memory_space<vmem>>, vector<1x16xf32>,
        %get3A_1093 = vector.shape_cast %get3A_1092 : vector<1x16xf32> to vector<16xf32>
        %add3A_1094 = arith.addf %add3A_1087, %get3A_1093 : vector<16xf32>
        %add3A_1095 = arith.constant 3 : i32
        %add3A_1096 = arith.addi %mul3A_58, %add3A_1095 : i32
        %get3A_1097 = arith.index_cast %add3A_1096 : i32 to index
        %get3A_1098 = arith.constant 192 : index
        %get3A_1099 = tpu.vector_load %arg7[%get3A_1097, %get3A_1098] {strides = array<i32>} : memref<88x256xf32, #tpu.memory_space<vmem>>, vector<1x16xf32>,
        %get3A_1100 = vector.shape_cast %get3A_1099 : vector<1x16xf32> to vector<16xf32>
        %add3A_1101 = arith.addf %add3A_1094, %get3A_1100 : vector<16xf32>
        %add3A_1102 = arith.constant 4 : i32
        %add3A_1103 = arith.addi %mul3A_58, %add3A_1102 : i32
        %get3A_1104 = arith.index_cast %add3A_1103 : i32 to index
        %get3A_1105 = arith.constant 192 : index
        %get3A_1106 = tpu.vector_load %arg7[%get3A_1104, %get3A_1105] {strides = array<i32>} : memref<88x256xf32, #tpu.memory_space<vmem>>, vector<1x16xf32>,
        %get3A_1107 = vector.shape_cast %get3A_1106 : vector<1x16xf32> to vector<16xf32>
        %add3A_1108 = arith.addf %add3A_1101, %get3A_1107 : vector<16xf32>
        %add3A_1109 = arith.constant 5 : i32
        %add3A_1110 = arith.addi %mul3A_58, %add3A_1109 : i32
        %get3A_1111 = arith.index_cast %add3A_1110 : i32 to index
        %get3A_1112 = arith.constant 192 : index
        %get3A_1113 = tpu.vector_load %arg7[%get3A_1111, %get3A_1112] {strides = array<i32>} : memref<88x256xf32, #tpu.memory_space<vmem>>, vector<1x16xf32>,
        %get3A_1114 = vector.shape_cast %get3A_1113 : vector<1x16xf32> to vector<16xf32>
        %add3A_1115 = arith.addf %add3A_1108, %get3A_1114 : vector<16xf32>
        %add3A_1116 = arith.constant 6 : i32
        %add3A_1117 = arith.addi %mul3A_58, %add3A_1116 : i32
        %get3A_1118 = arith.index_cast %add3A_1117 : i32 to index
        %get3A_1119 = arith.constant 192 : index
        %get3A_1120 = tpu.vector_load %arg7[%get3A_1118, %get3A_1119] {strides = array<i32>} : memref<88x256xf32, #tpu.memory_space<vmem>>, vector<1x16xf32>,
        %get3A_1121 = vector.shape_cast %get3A_1120 : vector<1x16xf32> to vector<16xf32>
        %add3A_1122 = arith.addf %add3A_1115, %get3A_1121 : vector<16xf32>
        %add3A_1123 = arith.constant 7 : i32
        %add3A_1124 = arith.addi %mul3A_58, %add3A_1123 : i32
        %get3A_1125 = arith.index_cast %add3A_1124 : i32 to index
        %get3A_1126 = arith.constant 192 : index
        %get3A_1127 = tpu.vector_load %arg7[%get3A_1125, %get3A_1126] {strides = array<i32>} : memref<88x256xf32, #tpu.memory_space<vmem>>, vector<1x16xf32>,
        %get3A_1128 = vector.shape_cast %get3A_1127 : vector<1x16xf32> to vector<16xf32>
        %add3A_1129 = arith.addf %add3A_1122, %get3A_1128 : vector<16xf32>
        %add3A_1130 = arith.constant 8 : i32
        %add3A_1131 = arith.addi %mul3A_58, %add3A_1130 : i32
        %get3A_1132 = arith.index_cast %add3A_1131 : i32 to index
        %get3A_1133 = arith.constant 192 : index
        %get3A_1134 = tpu.vector_load %arg7[%get3A_1132, %get3A_1133] {strides = array<i32>} : memref<88x256xf32, #tpu.memory_space<vmem>>, vector<1x16xf32>,
        %get3A_1135 = vector.shape_cast %get3A_1134 : vector<1x16xf32> to vector<16xf32>
        %add3A_1136 = arith.addf %add3A_1129, %get3A_1135 : vector<16xf32>
        %add3A_1137 = arith.constant 9 : i32
        %add3A_1138 = arith.addi %mul3A_58, %add3A_1137 : i32
        %get3A_1139 = arith.index_cast %add3A_1138 : i32 to index
        %get3A_1140 = arith.constant 192 : index
        %get3A_1141 = tpu.vector_load %arg7[%get3A_1139, %get3A_1140] {strides = array<i32>} : memref<88x256xf32, #tpu.memory_space<vmem>>, vector<1x16xf32>,
        %get3A_1142 = vector.shape_cast %get3A_1141 : vector<1x16xf32> to vector<16xf32>
        %add3A_1143 = arith.addf %add3A_1136, %get3A_1142 : vector<16xf32>
        %add3A_1144 = arith.constant 10 : i32
        %add3A_1145 = arith.addi %mul3A_58, %add3A_1144 : i32
        %get3A_1146 = arith.index_cast %add3A_1145 : i32 to index
        %get3A_1147 = arith.constant 192 : index
        %get3A_1148 = tpu.vector_load %arg7[%get3A_1146, %get3A_1147] {strides = array<i32>} : memref<88x256xf32, #tpu.memory_space<vmem>>, vector<1x16xf32>,
        %get3A_1149 = vector.shape_cast %get3A_1148 : vector<1x16xf32> to vector<16xf32>
        %add3A_1150 = arith.addf %add3A_1143, %get3A_1149 : vector<16xf32>
        %mul3A_1151 = arith.constant 0.301511347 : f32
        %mul3A_1152 = vector.broadcast %mul3A_1151 : f32 to vector<16xf32>
        %mul3A_1153 = arith.mulf %add3A_1150, %mul3A_1152 : vector<16xf32>
        %mul3A_1154 = arith.constant 8 : i32
        %mul3A_1155 = arith.muli %add3A_20, %mul3A_1154 : i32
        %add3A_1156 = arith.addi %mul3A_1155, %scan3A_55 : i32
        %swap3A_1157 = arith.index_cast %add3A_1156 : i32 to index
        %swap3A_1158 = arith.constant 192 : index
        %swap3A_1159 = tpu.vector_load %arg8[%swap3A_1157, %swap3A_1158] {strides = array<i32>} : memref<128x256xf32, #tpu.memory_space<vmem>>, vector<1x16xf32>,
        %swap3A_1160 = vector.shape_cast %swap3A_1159 : vector<1x16xf32> to vector<16xf32>
        %swap3A_1161 = vector.shape_cast %mul3A_1153 : vector<16xf32> to vector<1x16xf32>
        tpu.vector_store %arg8[%swap3A_1157, %swap3A_1158], %swap3A_1161 {strides = array<i32>} : memref<128x256xf32, #tpu.memory_space<vmem>>, vector<1x16xf32>,
        %get3A_1162 = arith.index_cast %mul3A_58 : i32 to index
        %get3A_1163 = arith.constant 208 : index
        %get3A_1164 = tpu.vector_load %arg7[%get3A_1162, %get3A_1163] {strides = array<i32>} : memref<88x256xf32, #tpu.memory_space<vmem>>, vector<1x16xf32>,
        %get3A_1165 = vector.shape_cast %get3A_1164 : vector<1x16xf32> to vector<16xf32>
        %add3A_1166 = arith.constant 1 : i32
        %add3A_1167 = arith.addi %mul3A_58, %add3A_1166 : i32
        %get3A_1168 = arith.index_cast %add3A_1167 : i32 to index
        %get3A_1169 = arith.constant 208 : index
        %get3A_1170 = tpu.vector_load %arg7[%get3A_1168, %get3A_1169] {strides = array<i32>} : memref<88x256xf32, #tpu.memory_space<vmem>>, vector<1x16xf32>,
        %get3A_1171 = vector.shape_cast %get3A_1170 : vector<1x16xf32> to vector<16xf32>
        %add3A_1172 = arith.addf %get3A_1165, %get3A_1171 : vector<16xf32>
        %add3A_1173 = arith.constant 2 : i32
        %add3A_1174 = arith.addi %mul3A_58, %add3A_1173 : i32
        %get3A_1175 = arith.index_cast %add3A_1174 : i32 to index
        %get3A_1176 = arith.constant 208 : index
        %get3A_1177 = tpu.vector_load %arg7[%get3A_1175, %get3A_1176] {strides = array<i32>} : memref<88x256xf32, #tpu.memory_space<vmem>>, vector<1x16xf32>,
        %get3A_1178 = vector.shape_cast %get3A_1177 : vector<1x16xf32> to vector<16xf32>
        %add3A_1179 = arith.addf %add3A_1172, %get3A_1178 : vector<16xf32>
        %add3A_1180 = arith.constant 3 : i32
        %add3A_1181 = arith.addi %mul3A_58, %add3A_1180 : i32
        %get3A_1182 = arith.index_cast %add3A_1181 : i32 to index
        %get3A_1183 = arith.constant 208 : index
        %get3A_1184 = tpu.vector_load %arg7[%get3A_1182, %get3A_1183] {strides = array<i32>} : memref<88x256xf32, #tpu.memory_space<vmem>>, vector<1x16xf32>,
        %get3A_1185 = vector.shape_cast %get3A_1184 : vector<1x16xf32> to vector<16xf32>
        %add3A_1186 = arith.addf %add3A_1179, %get3A_1185 : vector<16xf32>
        %add3A_1187 = arith.constant 4 : i32
        %add3A_1188 = arith.addi %mul3A_58, %add3A_1187 : i32
        %get3A_1189 = arith.index_cast %add3A_1188 : i32 to index
        %get3A_1190 = arith.constant 208 : index
        %get3A_1191 = tpu.vector_load %arg7[%get3A_1189, %get3A_1190] {strides = array<i32>} : memref<88x256xf32, #tpu.memory_space<vmem>>, vector<1x16xf32>,
        %get3A_1192 = vector.shape_cast %get3A_1191 : vector<1x16xf32> to vector<16xf32>
        %add3A_1193 = arith.addf %add3A_1186, %get3A_1192 : vector<16xf32>
        %add3A_1194 = arith.constant 5 : i32
        %add3A_1195 = arith.addi %mul3A_58, %add3A_1194 : i32
        %get3A_1196 = arith.index_cast %add3A_1195 : i32 to index
        %get3A_1197 = arith.constant 208 : index
        %get3A_1198 = tpu.vector_load %arg7[%get3A_1196, %get3A_1197] {strides = array<i32>} : memref<88x256xf32, #tpu.memory_space<vmem>>, vector<1x16xf32>,
        %get3A_1199 = vector.shape_cast %get3A_1198 : vector<1x16xf32> to vector<16xf32>
        %add3A_1200 = arith.addf %add3A_1193, %get3A_1199 : vector<16xf32>
        %add3A_1201 = arith.constant 6 : i32
        %add3A_1202 = arith.addi %mul3A_58, %add3A_1201 : i32
        %get3A_1203 = arith.index_cast %add3A_1202 : i32 to index
        %get3A_1204 = arith.constant 208 : index
        %get3A_1205 = tpu.vector_load %arg7[%get3A_1203, %get3A_1204] {strides = array<i32>} : memref<88x256xf32, #tpu.memory_space<vmem>>, vector<1x16xf32>,
        %get3A_1206 = vector.shape_cast %get3A_1205 : vector<1x16xf32> to vector<16xf32>
        %add3A_1207 = arith.addf %add3A_1200, %get3A_1206 : vector<16xf32>
        %add3A_1208 = arith.constant 7 : i32
        %add3A_1209 = arith.addi %mul3A_58, %add3A_1208 : i32
        %get3A_1210 = arith.index_cast %add3A_1209 : i32 to index
        %get3A_1211 = arith.constant 208 : index
        %get3A_1212 = tpu.vector_load %arg7[%get3A_1210, %get3A_1211] {strides = array<i32>} : memref<88x256xf32, #tpu.memory_space<vmem>>, vector<1x16xf32>,
        %get3A_1213 = vector.shape_cast %get3A_1212 : vector<1x16xf32> to vector<16xf32>
        %add3A_1214 = arith.addf %add3A_1207, %get3A_1213 : vector<16xf32>
        %add3A_1215 = arith.constant 8 : i32
        %add3A_1216 = arith.addi %mul3A_58, %add3A_1215 : i32
        %get3A_1217 = arith.index_cast %add3A_1216 : i32 to index
        %get3A_1218 = arith.constant 208 : index
        %get3A_1219 = tpu.vector_load %arg7[%get3A_1217, %get3A_1218] {strides = array<i32>} : memref<88x256xf32, #tpu.memory_space<vmem>>, vector<1x16xf32>,
        %get3A_1220 = vector.shape_cast %get3A_1219 : vector<1x16xf32> to vector<16xf32>
        %add3A_1221 = arith.addf %add3A_1214, %get3A_1220 : vector<16xf32>
        %add3A_1222 = arith.constant 9 : i32
        %add3A_1223 = arith.addi %mul3A_58, %add3A_1222 : i32
        %get3A_1224 = arith.index_cast %add3A_1223 : i32 to index
        %get3A_1225 = arith.constant 208 : index
        %get3A_1226 = tpu.vector_load %arg7[%get3A_1224, %get3A_1225] {strides = array<i32>} : memref<88x256xf32, #tpu.memory_space<vmem>>, vector<1x16xf32>,
        %get3A_1227 = vector.shape_cast %get3A_1226 : vector<1x16xf32> to vector<16xf32>
        %add3A_1228 = arith.addf %add3A_1221, %get3A_1227 : vector<16xf32>
        %add3A_1229 = arith.constant 10 : i32
        %add3A_1230 = arith.addi %mul3A_58, %add3A_1229 : i32
        %get3A_1231 = arith.index_cast %add3A_1230 : i32 to index
        %get3A_1232 = arith.constant 208 : index
        %get3A_1233 = tpu.vector_load %arg7[%get3A_1231, %get3A_1232] {strides = array<i32>} : memref<88x256xf32, #tpu.memory_space<vmem>>, vector<1x16xf32>,
        %get3A_1234 = vector.shape_cast %get3A_1233 : vector<1x16xf32> to vector<16xf32>
        %add3A_1235 = arith.addf %add3A_1228, %get3A_1234 : vector<16xf32>
        %mul3A_1236 = arith.constant 0.301511347 : f32
        %mul3A_1237 = vector.broadcast %mul3A_1236 : f32 to vector<16xf32>
        %mul3A_1238 = arith.mulf %add3A_1235, %mul3A_1237 : vector<16xf32>
        %mul3A_1239 = arith.constant 8 : i32
        %mul3A_1240 = arith.muli %add3A_20, %mul3A_1239 : i32
        %add3A_1241 = arith.addi %mul3A_1240, %scan3A_55 : i32
        %swap3A_1242 = arith.index_cast %add3A_1241 : i32 to index
        %swap3A_1243 = arith.constant 208 : index
        %swap3A_1244 = tpu.vector_load %arg8[%swap3A_1242, %swap3A_1243] {strides = array<i32>} : memref<128x256xf32, #tpu.memory_space<vmem>>, vector<1x16xf32>,
        %swap3A_1245 = vector.shape_cast %swap3A_1244 : vector<1x16xf32> to vector<16xf32>
        %swap3A_1246 = vector.shape_cast %mul3A_1238 : vector<16xf32> to vector<1x16xf32>
        tpu.vector_store %arg8[%swap3A_1242, %swap3A_1243], %swap3A_1246 {strides = array<i32>} : memref<128x256xf32, #tpu.memory_space<vmem>>, vector<1x16xf32>,
        %get3A_1247 = arith.index_cast %mul3A_58 : i32 to index
        %get3A_1248 = arith.constant 224 : index
        %get3A_1249 = tpu.vector_load %arg7[%get3A_1247, %get3A_1248] {strides = array<i32>} : memref<88x256xf32, #tpu.memory_space<vmem>>, vector<1x16xf32>,
        %get3A_1250 = vector.shape_cast %get3A_1249 : vector<1x16xf32> to vector<16xf32>
        %add3A_1251 = arith.constant 1 : i32
        %add3A_1252 = arith.addi %mul3A_58, %add3A_1251 : i32
        %get3A_1253 = arith.index_cast %add3A_1252 : i32 to index
        %get3A_1254 = arith.constant 224 : index
        %get3A_1255 = tpu.vector_load %arg7[%get3A_1253, %get3A_1254] {strides = array<i32>} : memref<88x256xf32, #tpu.memory_space<vmem>>, vector<1x16xf32>,
        %get3A_1256 = vector.shape_cast %get3A_1255 : vector<1x16xf32> to vector<16xf32>
        %add3A_1257 = arith.addf %get3A_1250, %get3A_1256 : vector<16xf32>
        %add3A_1258 = arith.constant 2 : i32
        %add3A_1259 = arith.addi %mul3A_58, %add3A_1258 : i32
        %get3A_1260 = arith.index_cast %add3A_1259 : i32 to index
        %get3A_1261 = arith.constant 224 : index
        %get3A_1262 = tpu.vector_load %arg7[%get3A_1260, %get3A_1261] {strides = array<i32>} : memref<88x256xf32, #tpu.memory_space<vmem>>, vector<1x16xf32>,
        %get3A_1263 = vector.shape_cast %get3A_1262 : vector<1x16xf32> to vector<16xf32>
        %add3A_1264 = arith.addf %add3A_1257, %get3A_1263 : vector<16xf32>
        %add3A_1265 = arith.constant 3 : i32
        %add3A_1266 = arith.addi %mul3A_58, %add3A_1265 : i32
        %get3A_1267 = arith.index_cast %add3A_1266 : i32 to index
        %get3A_1268 = arith.constant 224 : index
        %get3A_1269 = tpu.vector_load %arg7[%get3A_1267, %get3A_1268] {strides = array<i32>} : memref<88x256xf32, #tpu.memory_space<vmem>>, vector<1x16xf32>,
        %get3A_1270 = vector.shape_cast %get3A_1269 : vector<1x16xf32> to vector<16xf32>
        %add3A_1271 = arith.addf %add3A_1264, %get3A_1270 : vector<16xf32>
        %add3A_1272 = arith.constant 4 : i32
        %add3A_1273 = arith.addi %mul3A_58, %add3A_1272 : i32
        %get3A_1274 = arith.index_cast %add3A_1273 : i32 to index
        %get3A_1275 = arith.constant 224 : index
        %get3A_1276 = tpu.vector_load %arg7[%get3A_1274, %get3A_1275] {strides = array<i32>} : memref<88x256xf32, #tpu.memory_space<vmem>>, vector<1x16xf32>,
        %get3A_1277 = vector.shape_cast %get3A_1276 : vector<1x16xf32> to vector<16xf32>
        %add3A_1278 = arith.addf %add3A_1271, %get3A_1277 : vector<16xf32>
        %add3A_1279 = arith.constant 5 : i32
        %add3A_1280 = arith.addi %mul3A_58, %add3A_1279 : i32
        %get3A_1281 = arith.index_cast %add3A_1280 : i32 to index
        %get3A_1282 = arith.constant 224 : index
        %get3A_1283 = tpu.vector_load %arg7[%get3A_1281, %get3A_1282] {strides = array<i32>} : memref<88x256xf32, #tpu.memory_space<vmem>>, vector<1x16xf32>,
        %get3A_1284 = vector.shape_cast %get3A_1283 : vector<1x16xf32> to vector<16xf32>
        %add3A_1285 = arith.addf %add3A_1278, %get3A_1284 : vector<16xf32>
        %add3A_1286 = arith.constant 6 : i32
        %add3A_1287 = arith.addi %mul3A_58, %add3A_1286 : i32
        %get3A_1288 = arith.index_cast %add3A_1287 : i32 to index
        %get3A_1289 = arith.constant 224 : index
        %get3A_1290 = tpu.vector_load %arg7[%get3A_1288, %get3A_1289] {strides = array<i32>} : memref<88x256xf32, #tpu.memory_space<vmem>>, vector<1x16xf32>,
        %get3A_1291 = vector.shape_cast %get3A_1290 : vector<1x16xf32> to vector<16xf32>
        %add3A_1292 = arith.addf %add3A_1285, %get3A_1291 : vector<16xf32>
        %add3A_1293 = arith.constant 7 : i32
        %add3A_1294 = arith.addi %mul3A_58, %add3A_1293 : i32
        %get3A_1295 = arith.index_cast %add3A_1294 : i32 to index
        %get3A_1296 = arith.constant 224 : index
        %get3A_1297 = tpu.vector_load %arg7[%get3A_1295, %get3A_1296] {strides = array<i32>} : memref<88x256xf32, #tpu.memory_space<vmem>>, vector<1x16xf32>,
        %get3A_1298 = vector.shape_cast %get3A_1297 : vector<1x16xf32> to vector<16xf32>
        %add3A_1299 = arith.addf %add3A_1292, %get3A_1298 : vector<16xf32>
        %add3A_1300 = arith.constant 8 : i32
        %add3A_1301 = arith.addi %mul3A_58, %add3A_1300 : i32
        %get3A_1302 = arith.index_cast %add3A_1301 : i32 to index
        %get3A_1303 = arith.constant 224 : index
        %get3A_1304 = tpu.vector_load %arg7[%get3A_1302, %get3A_1303] {strides = array<i32>} : memref<88x256xf32, #tpu.memory_space<vmem>>, vector<1x16xf32>,
        %get3A_1305 = vector.shape_cast %get3A_1304 : vector<1x16xf32> to vector<16xf32>
        %add3A_1306 = arith.addf %add3A_1299, %get3A_1305 : vector<16xf32>
        %add3A_1307 = arith.constant 9 : i32
        %add3A_1308 = arith.addi %mul3A_58, %add3A_1307 : i32
        %get3A_1309 = arith.index_cast %add3A_1308 : i32 to index
        %get3A_1310 = arith.constant 224 : index
        %get3A_1311 = tpu.vector_load %arg7[%get3A_1309, %get3A_1310] {strides = array<i32>} : memref<88x256xf32, #tpu.memory_space<vmem>>, vector<1x16xf32>,
        %get3A_1312 = vector.shape_cast %get3A_1311 : vector<1x16xf32> to vector<16xf32>
        %add3A_1313 = arith.addf %add3A_1306, %get3A_1312 : vector<16xf32>
        %add3A_1314 = arith.constant 10 : i32
        %add3A_1315 = arith.addi %mul3A_58, %add3A_1314 : i32
        %get3A_1316 = arith.index_cast %add3A_1315 : i32 to index
        %get3A_1317 = arith.constant 224 : index
        %get3A_1318 = tpu.vector_load %arg7[%get3A_1316, %get3A_1317] {strides = array<i32>} : memref<88x256xf32, #tpu.memory_space<vmem>>, vector<1x16xf32>,
        %get3A_1319 = vector.shape_cast %get3A_1318 : vector<1x16xf32> to vector<16xf32>
        %add3A_1320 = arith.addf %add3A_1313, %get3A_1319 : vector<16xf32>
        %mul3A_1321 = arith.constant 0.301511347 : f32
        %mul3A_1322 = vector.broadcast %mul3A_1321 : f32 to vector<16xf32>
        %mul3A_1323 = arith.mulf %add3A_1320, %mul3A_1322 : vector<16xf32>
        %mul3A_1324 = arith.constant 8 : i32
        %mul3A_1325 = arith.muli %add3A_20, %mul3A_1324 : i32
        %add3A_1326 = arith.addi %mul3A_1325, %scan3A_55 : i32
        %swap3A_1327 = arith.index_cast %add3A_1326 : i32 to index
        %swap3A_1328 = arith.constant 224 : index
        %swap3A_1329 = tpu.vector_load %arg8[%swap3A_1327, %swap3A_1328] {strides = array<i32>} : memref<128x256xf32, #tpu.memory_space<vmem>>, vector<1x16xf32>,
        %swap3A_1330 = vector.shape_cast %swap3A_1329 : vector<1x16xf32> to vector<16xf32>
        %swap3A_1331 = vector.shape_cast %mul3A_1323 : vector<16xf32> to vector<1x16xf32>
        tpu.vector_store %arg8[%swap3A_1327, %swap3A_1328], %swap3A_1331 {strides = array<i32>} : memref<128x256xf32, #tpu.memory_space<vmem>>, vector<1x16xf32>,
        %get3A_1332 = arith.index_cast %mul3A_58 : i32 to index
        %get3A_1333 = arith.constant 240 : index
        %get3A_1334 = tpu.vector_load %arg7[%get3A_1332, %get3A_1333] {strides = array<i32>} : memref<88x256xf32, #tpu.memory_space<vmem>>, vector<1x16xf32>,
        %get3A_1335 = vector.shape_cast %get3A_1334 : vector<1x16xf32> to vector<16xf32>
        %add3A_1336 = arith.constant 1 : i32
        %add3A_1337 = arith.addi %mul3A_58, %add3A_1336 : i32
        %get3A_1338 = arith.index_cast %add3A_1337 : i32 to index
        %get3A_1339 = arith.constant 240 : index
        %get3A_1340 = tpu.vector_load %arg7[%get3A_1338, %get3A_1339] {strides = array<i32>} : memref<88x256xf32, #tpu.memory_space<vmem>>, vector<1x16xf32>,
        %get3A_1341 = vector.shape_cast %get3A_1340 : vector<1x16xf32> to vector<16xf32>
        %add3A_1342 = arith.addf %get3A_1335, %get3A_1341 : vector<16xf32>
        %add3A_1343 = arith.constant 2 : i32
        %add3A_1344 = arith.addi %mul3A_58, %add3A_1343 : i32
        %get3A_1345 = arith.index_cast %add3A_1344 : i32 to index
        %get3A_1346 = arith.constant 240 : index
        %get3A_1347 = tpu.vector_load %arg7[%get3A_1345, %get3A_1346] {strides = array<i32>} : memref<88x256xf32, #tpu.memory_space<vmem>>, vector<1x16xf32>,
        %get3A_1348 = vector.shape_cast %get3A_1347 : vector<1x16xf32> to vector<16xf32>
        %add3A_1349 = arith.addf %add3A_1342, %get3A_1348 : vector<16xf32>
        %add3A_1350 = arith.constant 3 : i32
        %add3A_1351 = arith.addi %mul3A_58, %add3A_1350 : i32
        %get3A_1352 = arith.index_cast %add3A_1351 : i32 to index
        %get3A_1353 = arith.constant 240 : index
        %get3A_1354 = tpu.vector_load %arg7[%get3A_1352, %get3A_1353] {strides = array<i32>} : memref<88x256xf32, #tpu.memory_space<vmem>>, vector<1x16xf32>,
        %get3A_1355 = vector.shape_cast %get3A_1354 : vector<1x16xf32> to vector<16xf32>
        %add3A_1356 = arith.addf %add3A_1349, %get3A_1355 : vector<16xf32>
        %add3A_1357 = arith.constant 4 : i32
        %add3A_1358 = arith.addi %mul3A_58, %add3A_1357 : i32
        %get3A_1359 = arith.index_cast %add3A_1358 : i32 to index
        %get3A_1360 = arith.constant 240 : index
        %get3A_1361 = tpu.vector_load %arg7[%get3A_1359, %get3A_1360] {strides = array<i32>} : memref<88x256xf32, #tpu.memory_space<vmem>>, vector<1x16xf32>,
        %get3A_1362 = vector.shape_cast %get3A_1361 : vector<1x16xf32> to vector<16xf32>
        %add3A_1363 = arith.addf %add3A_1356, %get3A_1362 : vector<16xf32>
        %add3A_1364 = arith.constant 5 : i32
        %add3A_1365 = arith.addi %mul3A_58, %add3A_1364 : i32
        %get3A_1366 = arith.index_cast %add3A_1365 : i32 to index
        %get3A_1367 = arith.constant 240 : index
        %get3A_1368 = tpu.vector_load %arg7[%get3A_1366, %get3A_1367] {strides = array<i32>} : memref<88x256xf32, #tpu.memory_space<vmem>>, vector<1x16xf32>,
        %get3A_1369 = vector.shape_cast %get3A_1368 : vector<1x16xf32> to vector<16xf32>
        %add3A_1370 = arith.addf %add3A_1363, %get3A_1369 : vector<16xf32>
        %add3A_1371 = arith.constant 6 : i32
        %add3A_1372 = arith.addi %mul3A_58, %add3A_1371 : i32
        %get3A_1373 = arith.index_cast %add3A_1372 : i32 to index
        %get3A_1374 = arith.constant 240 : index
        %get3A_1375 = tpu.vector_load %arg7[%get3A_1373, %get3A_1374] {strides = array<i32>} : memref<88x256xf32, #tpu.memory_space<vmem>>, vector<1x16xf32>,
        %get3A_1376 = vector.shape_cast %get3A_1375 : vector<1x16xf32> to vector<16xf32>
        %add3A_1377 = arith.addf %add3A_1370, %get3A_1376 : vector<16xf32>
        %add3A_1378 = arith.constant 7 : i32
        %add3A_1379 = arith.addi %mul3A_58, %add3A_1378 : i32
        %get3A_1380 = arith.index_cast %add3A_1379 : i32 to index
        %get3A_1381 = arith.constant 240 : index
        %get3A_1382 = tpu.vector_load %arg7[%get3A_1380, %get3A_1381] {strides = array<i32>} : memref<88x256xf32, #tpu.memory_space<vmem>>, vector<1x16xf32>,
        %get3A_1383 = vector.shape_cast %get3A_1382 : vector<1x16xf32> to vector<16xf32>
        %add3A_1384 = arith.addf %add3A_1377, %get3A_1383 : vector<16xf32>
        %add3A_1385 = arith.constant 8 : i32
        %add3A_1386 = arith.addi %mul3A_58, %add3A_1385 : i32
        %get3A_1387 = arith.index_cast %add3A_1386 : i32 to index
        %get3A_1388 = arith.constant 240 : index
        %get3A_1389 = tpu.vector_load %arg7[%get3A_1387, %get3A_1388] {strides = array<i32>} : memref<88x256xf32, #tpu.memory_space<vmem>>, vector<1x16xf32>,
        %get3A_1390 = vector.shape_cast %get3A_1389 : vector<1x16xf32> to vector<16xf32>
        %add3A_1391 = arith.addf %add3A_1384, %get3A_1390 : vector<16xf32>
        %add3A_1392 = arith.constant 9 : i32
        %add3A_1393 = arith.addi %mul3A_58, %add3A_1392 : i32
        %get3A_1394 = arith.index_cast %add3A_1393 : i32 to index
        %get3A_1395 = arith.constant 240 : index
        %get3A_1396 = tpu.vector_load %arg7[%get3A_1394, %get3A_1395] {strides = array<i32>} : memref<88x256xf32, #tpu.memory_space<vmem>>, vector<1x16xf32>,
        %get3A_1397 = vector.shape_cast %get3A_1396 : vector<1x16xf32> to vector<16xf32>
        %add3A_1398 = arith.addf %add3A_1391, %get3A_1397 : vector<16xf32>
        %add3A_1399 = arith.constant 10 : i32
        %add3A_1400 = arith.addi %mul3A_58, %add3A_1399 : i32
        %get3A_1401 = arith.index_cast %add3A_1400 : i32 to index
        %get3A_1402 = arith.constant 240 : index
        %get3A_1403 = tpu.vector_load %arg7[%get3A_1401, %get3A_1402] {strides = array<i32>} : memref<88x256xf32, #tpu.memory_space<vmem>>, vector<1x16xf32>,
        %get3A_1404 = vector.shape_cast %get3A_1403 : vector<1x16xf32> to vector<16xf32>
        %add3A_1405 = arith.addf %add3A_1398, %get3A_1404 : vector<16xf32>
        %mul3A_1406 = arith.constant 0.301511347 : f32
        %mul3A_1407 = vector.broadcast %mul3A_1406 : f32 to vector<16xf32>
        %mul3A_1408 = arith.mulf %add3A_1405, %mul3A_1407 : vector<16xf32>
        %mul3A_1409 = arith.constant 8 : i32
        %mul3A_1410 = arith.muli %add3A_20, %mul3A_1409 : i32
        %add3A_1411 = arith.addi %mul3A_1410, %scan3A_55 : i32
        %swap3A_1412 = arith.index_cast %add3A_1411 : i32 to index
        %swap3A_1413 = arith.constant 240 : index
        %swap3A_1414 = tpu.vector_load %arg8[%swap3A_1412, %swap3A_1413] {strides = array<i32>} : memref<128x256xf32, #tpu.memory_space<vmem>>, vector<1x16xf32>,
        %swap3A_1415 = vector.shape_cast %swap3A_1414 : vector<1x16xf32> to vector<16xf32>
        %swap3A_1416 = vector.shape_cast %mul3A_1408 : vector<16xf32> to vector<1x16xf32>
        tpu.vector_store %arg8[%swap3A_1412, %swap3A_1413], %swap3A_1416 {strides = array<i32>} : memref<128x256xf32, #tpu.memory_space<vmem>>, vector<1x16xf32>,
        %scan3A_1417 = arith.constant 0 : i32
        scf.yield %scan3A_1417 : i32
      }
      %scan3A_53 = arith.constant 8 : i32
      %scan3A_54 = arith.constant 0 : i32
      scf.yield %scan3A_54 : i32
    }
    %scan3A_12 = arith.constant 8 : i32
    %mul3A_13 = arith.constant 128 : i32
    %mul3A_14 = arith.muli %add3A, %mul3A_13 : i32
    "tpu.region"() ({
      %run_scoped3A = tpu.sem_alloc : memref<!tpu.dma_semaphore, #tpu.memory_space<semaphore_mem>>
      %dma_start3A_15 = arith.constant 0 : i32
      %dma_start3A_16 = tpu.memref_slice %arg4[%mul3A_14, %dma_start3A_15] : memref<4096x256xf32, #tpu.memory_space<hbm>> -> memref<128x256xf32, #tpu.memory_space<hbm>>
      %dma_start3A_17 = arith.constant 0 : i32
      %dma_start3A_18 = tpu.memref_slice %arg4[%mul3A_14, %dma_start3A_17] : memref<4096x256xf32, #tpu.memory_space<hbm>> -> memref<128x256xf32, #tpu.memory_space<hbm>>
      tpu.enqueue_dma source(%arg8 : memref<128x256xf32, #tpu.memory_space<vmem>>) target(%dma_start3A_18 : memref<128x256xf32, #tpu.memory_space<hbm>>) target_semaphore(%run_scoped3A : memref<!tpu.dma_semaphore, #tpu.memory_space<semaphore_mem>>)
      %dma_wait3A = arith.constant 0 : i32
      %dma_wait3A_19 = tpu.memref_slice %arg4[%mul3A_14, %dma_wait3A] : memref<4096x256xf32, #tpu.memory_space<hbm>> -> memref<128x256xf32, #tpu.memory_space<hbm>>
      %dma_wait3A_20 = arith.constant 0 : i32
      %dma_wait3A_21 = tpu.memref_slice %arg4[%mul3A_14, %dma_wait3A_20] : memref<4096x256xf32, #tpu.memory_space<hbm>> -> memref<128x256xf32, #tpu.memory_space<hbm>>
      tpu.wait_dma2 semaphore(%run_scoped3A : memref<!tpu.dma_semaphore, #tpu.memory_space<semaphore_mem>>) src(%arg8 : memref<128x256xf32, #tpu.memory_space<vmem>>) dst(%dma_wait3A_21 : memref<128x256xf32, #tpu.memory_space<hbm>>)
      tpu.yield
    }) : () -> ()
    return
  }
}

module attributes {stable_mosaic.version = 14 : i64} {
  func.func @_k2a_body(%arg0: i32, %arg1: memref<4096x256xf32, #tpu.memory_space<vmem>>, %arg2: memref<4096x1xf32, #tpu.memory_space<vmem>>, %arg3: memref<4096x256xf32, #tpu.memory_space<vmem>>) attributes {dimension_semantics = [#tpu.dimension_semantics<arbitrary>], iteration_bounds = array<i64: 1>, scalar_prefetch = 0 : i64, scratch_operands = 0 : i64, tpu.core_type = #tpu.core_type<tc>, window_params = [{pipeline_mode = #tpu.pipeline_mode<synchronous>, transform_indices = @transform_0, window_bounds = array<i64: 4096, 256>}, {pipeline_mode = #tpu.pipeline_mode<synchronous>, transform_indices = @transform_1, window_bounds = array<i64: 4096, 1>}, {pipeline_mode = #tpu.pipeline_mode<synchronous>, transform_indices = @transform_2, window_bounds = array<i64: 4096, 256>}]} {
    %get3A = arith.constant 0 : index
    %get3A_0 = arith.constant 0 : index
    %get3A_1 = vector.load %arg1[%get3A, %get3A_0] : memref<4096x256xf32, #tpu.memory_space<vmem>>, vector<4096x256xf32>
    %get3A_2 = arith.constant 0 : index
    %get3A_3 = arith.constant 0 : index
    %get3A_4 = vector.load %arg2[%get3A_2, %get3A_3] : memref<4096x1xf32, #tpu.memory_space<vmem>>, vector<4096x1xf32>
    %rsqrt3A = math.rsqrt %get3A_4 : vector<4096x1xf32>
    %mul3A = vector.broadcast %rsqrt3A : vector<4096x1xf32> to vector<4096x256xf32>
    %mul3A_5 = arith.mulf %get3A_1, %mul3A : vector<4096x256xf32>
    %swap3A = arith.constant 0 : index
    %swap3A_6 = arith.constant 0 : index
    %swap3A_7 = vector.load %arg3[%swap3A, %swap3A_6] : memref<4096x256xf32, #tpu.memory_space<vmem>>, vector<4096x256xf32>
    tpu.vector_store %arg3[%swap3A, %swap3A_6], %mul3A_5 {strides = array<i32>} : memref<4096x256xf32, #tpu.memory_space<vmem>>, vector<4096x256xf32>,
    return
  }
  func.func @transform_0(%arg0: i32) -> (i32, i32) {
    %c0_i32 = arith.constant 0 : i32
    %c0_i32_0 = arith.constant 0 : i32
    %c0_i32_1 = arith.constant 0 : i32
    return %c0_i32, %c0_i32_0 : i32, i32
  }
  func.func @transform_1(%arg0: i32) -> (i32, i32) {
    %c0_i32 = arith.constant 0 : i32
    %c0_i32_0 = arith.constant 0 : i32
    %c0_i32_1 = arith.constant 0 : i32
    return %c0_i32, %c0_i32_0 : i32, i32
  }
  func.func @transform_2(%arg0: i32) -> (i32, i32) {
    %c0_i32 = arith.constant 0 : i32
    %c0_i32_0 = arith.constant 0 : i32
    %c0_i32_1 = arith.constant 0 : i32
    return %c0_i32, %c0_i32_0 : i32, i32
  }
}

module attributes {stable_mosaic.version = 14 : i64} {
  func.func @_k1_body(%arg0: i32, %arg1: memref<256x784xf32, #tpu.memory_space<vmem>>, %arg2: memref<4096x784xf32, #tpu.memory_space<vmem>>, %arg3: memref<784x256xf32, #tpu.memory_space<vmem>>, %arg4: memref<4096x256xf32, #tpu.memory_space<vmem>>, %arg5: memref<4096x1xf32, #tpu.memory_space<vmem>>, %arg6: memref<256x256xf32, #tpu.memory_space<vmem>>, %arg7: memref<256x11xi32, #tpu.memory_space<vmem>>) attributes {dimension_semantics = [#tpu.dimension_semantics<arbitrary>], iteration_bounds = array<i64: 16>, scalar_prefetch = 0 : i64, scratch_operands = 0 : i64, tpu.core_type = #tpu.core_type<tc>, window_params = [{transform_indices = @transform_0, window_bounds = array<i64: 256, 784>}, {pipeline_mode = #tpu.pipeline_mode<synchronous>, transform_indices = @transform_1, window_bounds = array<i64: 4096, 784>}, {pipeline_mode = #tpu.pipeline_mode<synchronous>, transform_indices = @transform_2, window_bounds = array<i64: 784, 256>}, {transform_indices = @transform_3, window_bounds = array<i64: 4096, 256>}, {pipeline_mode = #tpu.pipeline_mode<synchronous>, transform_indices = @transform_4, window_bounds = array<i64: 4096, 1>}, {transform_indices = @transform_5, window_bounds = array<i64: 256, 256>}, {transform_indices = @transform_6, window_bounds = array<i64: 256, 11>}]} {
    %get3A = arith.constant 0 : index
    %get3A_0 = arith.constant 0 : index
    %get3A_1 = vector.load %arg2[%get3A, %get3A_0] : memref<4096x784xf32, #tpu.memory_space<vmem>>, vector<4096x784xf32>
    %get3A_2 = arith.constant 0 : index
    %get3A_3 = arith.constant 0 : index
    %get3A_4 = vector.load %arg1[%get3A_2, %get3A_3] : memref<256x784xf32, #tpu.memory_space<vmem>>, vector<256x784xf32>
    %mul3A = arith.mulf %get3A_1, %get3A_1 : vector<4096x784xf32>
    %reduce_sum3A = arith.constant dense<0.000000e+00> : vector<4096xf32>
    %reduce_sum3A_5 = vector.multi_reduction <add>, %mul3A, %reduce_sum3A [1] : vector<4096x784xf32> to vector<4096xf32>
    %mul3A_6 = arith.mulf %get3A_4, %get3A_4 : vector<256x784xf32>
    %reduce_sum3A_7 = arith.constant dense<0.000000e+00> : vector<256xf32>
    %reduce_sum3A_8 = vector.multi_reduction <add>, %mul3A_6, %reduce_sum3A_7 [1] : vector<256x784xf32> to vector<256xf32>
    %broadcast_in_dim3A = vector.shape_cast %reduce_sum3A_8 : vector<256xf32> to vector<256x1xf32>
    %dot_general3A = arith.constant dense<0.000000e+00> : vector<256x4096xf32>
    %dot_general3A_9 = tpu.matmul %get3A_4, %get3A_1, %dot_general3A {dimension_numbers = #tpu.dot_dimension_numbers<[1], [1], [0], [0], [0, 0, 1, 0], [], []>, transpose_lhs_hint = false} : vector<256x784xf32>, vector<4096x784xf32>, vector<256x4096xf32> -> vector<256x4096xf32>
    %broadcast_in_dim3A_10 = vector.shape_cast %reduce_sum3A_5 : vector<4096xf32> to vector<1x4096xf32>
    %add3A = vector.broadcast %broadcast_in_dim3A : vector<256x1xf32> to vector<256x4096xf32>
    %add3A_11 = vector.broadcast %broadcast_in_dim3A_10 : vector<1x4096xf32> to vector<256x4096xf32>
    %add3A_12 = arith.addf %add3A, %add3A_11 : vector<256x4096xf32>
    %mul3A_13 = arith.constant 2.000000e+00 : f32
    %mul3A_14 = vector.broadcast %mul3A_13 : f32 to vector<256x4096xf32>
    %mul3A_15 = arith.mulf %mul3A_14, %dot_general3A_9 : vector<256x4096xf32>
    %sub3A = arith.subf %add3A_12, %mul3A_15 : vector<256x4096xf32>
    %abs3A = math.absf %sub3A : vector<256x4096xf32>
    %iota3A = tpu.iota {dimensions = array<i32: 1>} : vector<256x4096xi32>
    %reduce_min3A = arith.constant dense<0x7F800000> : vector<256xf32>
    %reduce_min3A_16 = vector.multi_reduction <minimumf>, %abs3A, %reduce_min3A [1] : vector<256x4096xf32> to vector<256xf32>
    %broadcast_in_dim3A_17 = vector.shape_cast %reduce_min3A_16 : vector<256xf32> to vector<256x1xf32>
    %eq3A = vector.broadcast %broadcast_in_dim3A_17 : vector<256x1xf32> to vector<256x4096xf32>
    %eq3A_18 = arith.cmpf oeq, %abs3A, %eq3A : vector<256x4096xf32>
    %jit3A = arith.constant 4096 : i32
    %broadcast_in_dim3A_19 = vector.broadcast %jit3A : i32 to vector<256x4096xi32>
    %select_n3A = arith.select %eq3A_18, %iota3A, %broadcast_in_dim3A_19 : vector<256x4096xi1>, vector<256x4096xi32>
    %reduce_min3A_20 = arith.constant dense<2147483647> : vector<256xi32>
    %reduce_min3A_21 = vector.multi_reduction <minsi>, %select_n3A, %reduce_min3A_20 [1] : vector<256x4096xi32> to vector<256xi32>
    %broadcast_in_dim3A_22 = vector.shape_cast %reduce_min3A_21 : vector<256xi32> to vector<256x1xi32>
    %eq3A_23 = vector.broadcast %broadcast_in_dim3A_22 : vector<256x1xi32> to vector<256x4096xi32>
    %eq3A_24 = arith.cmpi eq, %iota3A, %eq3A_23 : vector<256x4096xi32>
    %jit3A_25 = arith.constant 3.000000e+38 : f32
    %broadcast_in_dim3A_26 = vector.broadcast %jit3A_25 : f32 to vector<256x4096xf32>
    %select_n3A_27 = arith.select %eq3A_24, %broadcast_in_dim3A_26, %abs3A : vector<256x4096xi1>, vector<256x4096xf32>
    %reduce_min3A_28 = arith.constant dense<0x7F800000> : vector<256xf32>
    %reduce_min3A_29 = vector.multi_reduction <minimumf>, %select_n3A_27, %reduce_min3A_28 [1] : vector<256x4096xf32> to vector<256xf32>
    %broadcast_in_dim3A_30 = vector.shape_cast %reduce_min3A_29 : vector<256xf32> to vector<256x1xf32>
    %eq3A_31 = vector.broadcast %broadcast_in_dim3A_30 : vector<256x1xf32> to vector<256x4096xf32>
    %eq3A_32 = arith.cmpf oeq, %select_n3A_27, %eq3A_31 : vector<256x4096xf32>
    %jit3A_33 = arith.constant 4096 : i32
    %broadcast_in_dim3A_34 = vector.broadcast %jit3A_33 : i32 to vector<256x4096xi32>
    %select_n3A_35 = arith.select %eq3A_32, %iota3A, %broadcast_in_dim3A_34 : vector<256x4096xi1>, vector<256x4096xi32>
    %reduce_min3A_36 = arith.constant dense<2147483647> : vector<256xi32>
    %reduce_min3A_37 = vector.multi_reduction <minsi>, %select_n3A_35, %reduce_min3A_36 [1] : vector<256x4096xi32> to vector<256xi32>
    %broadcast_in_dim3A_38 = vector.shape_cast %reduce_min3A_37 : vector<256xi32> to vector<256x1xi32>
    %eq3A_39 = vector.broadcast %broadcast_in_dim3A_38 : vector<256x1xi32> to vector<256x4096xi32>
    %eq3A_40 = arith.cmpi eq, %iota3A, %eq3A_39 : vector<256x4096xi32>
    %jit3A_41 = arith.constant 3.000000e+38 : f32
    %broadcast_in_dim3A_42 = vector.broadcast %jit3A_41 : f32 to vector<256x4096xf32>
    %select_n3A_43 = arith.select %eq3A_40, %broadcast_in_dim3A_42, %select_n3A_27 : vector<256x4096xi1>, vector<256x4096xf32>
    %reduce_min3A_44 = arith.constant dense<0x7F800000> : vector<256xf32>
    %reduce_min3A_45 = vector.multi_reduction <minimumf>, %select_n3A_43, %reduce_min3A_44 [1] : vector<256x4096xf32> to vector<256xf32>
    %broadcast_in_dim3A_46 = vector.shape_cast %reduce_min3A_45 : vector<256xf32> to vector<256x1xf32>
    %eq3A_47 = vector.broadcast %broadcast_in_dim3A_46 : vector<256x1xf32> to vector<256x4096xf32>
    %eq3A_48 = arith.cmpf oeq, %select_n3A_43, %eq3A_47 : vector<256x4096xf32>
    %jit3A_49 = arith.constant 4096 : i32
    %broadcast_in_dim3A_50 = vector.broadcast %jit3A_49 : i32 to vector<256x4096xi32>
    %select_n3A_51 = arith.select %eq3A_48, %iota3A, %broadcast_in_dim3A_50 : vector<256x4096xi1>, vector<256x4096xi32>
    %reduce_min3A_52 = arith.constant dense<2147483647> : vector<256xi32>
    %reduce_min3A_53 = vector.multi_reduction <minsi>, %select_n3A_51, %reduce_min3A_52 [1] : vector<256x4096xi32> to vector<256xi32>
    %broadcast_in_dim3A_54 = vector.shape_cast %reduce_min3A_53 : vector<256xi32> to vector<256x1xi32>
    %eq3A_55 = vector.broadcast %broadcast_in_dim3A_54 : vector<256x1xi32> to vector<256x4096xi32>
    %eq3A_56 = arith.cmpi eq, %iota3A, %eq3A_55 : vector<256x4096xi32>
    %jit3A_57 = arith.constant 3.000000e+38 : f32
    %broadcast_in_dim3A_58 = vector.broadcast %jit3A_57 : f32 to vector<256x4096xf32>
    %select_n3A_59 = arith.select %eq3A_56, %broadcast_in_dim3A_58, %select_n3A_43 : vector<256x4096xi1>, vector<256x4096xf32>
    %reduce_min3A_60 = arith.constant dense<0x7F800000> : vector<256xf32>
    %reduce_min3A_61 = vector.multi_reduction <minimumf>, %select_n3A_59, %reduce_min3A_60 [1] : vector<256x4096xf32> to vector<256xf32>
    %broadcast_in_dim3A_62 = vector.shape_cast %reduce_min3A_61 : vector<256xf32> to vector<256x1xf32>
    %eq3A_63 = vector.broadcast %broadcast_in_dim3A_62 : vector<256x1xf32> to vector<256x4096xf32>
    %eq3A_64 = arith.cmpf oeq, %select_n3A_59, %eq3A_63 : vector<256x4096xf32>
    %jit3A_65 = arith.constant 4096 : i32
    %broadcast_in_dim3A_66 = vector.broadcast %jit3A_65 : i32 to vector<256x4096xi32>
    %select_n3A_67 = arith.select %eq3A_64, %iota3A, %broadcast_in_dim3A_66 : vector<256x4096xi1>, vector<256x4096xi32>
    %reduce_min3A_68 = arith.constant dense<2147483647> : vector<256xi32>
    %reduce_min3A_69 = vector.multi_reduction <minsi>, %select_n3A_67, %reduce_min3A_68 [1] : vector<256x4096xi32> to vector<256xi32>
    %broadcast_in_dim3A_70 = vector.shape_cast %reduce_min3A_69 : vector<256xi32> to vector<256x1xi32>
    %eq3A_71 = vector.broadcast %broadcast_in_dim3A_70 : vector<256x1xi32> to vector<256x4096xi32>
    %eq3A_72 = arith.cmpi eq, %iota3A, %eq3A_71 : vector<256x4096xi32>
    %jit3A_73 = arith.constant 3.000000e+38 : f32
    %broadcast_in_dim3A_74 = vector.broadcast %jit3A_73 : f32 to vector<256x4096xf32>
    %select_n3A_75 = arith.select %eq3A_72, %broadcast_in_dim3A_74, %select_n3A_59 : vector<256x4096xi1>, vector<256x4096xf32>
    %reduce_min3A_76 = arith.constant dense<0x7F800000> : vector<256xf32>
    %reduce_min3A_77 = vector.multi_reduction <minimumf>, %select_n3A_75, %reduce_min3A_76 [1] : vector<256x4096xf32> to vector<256xf32>
    %broadcast_in_dim3A_78 = vector.shape_cast %reduce_min3A_77 : vector<256xf32> to vector<256x1xf32>
    %eq3A_79 = vector.broadcast %broadcast_in_dim3A_78 : vector<256x1xf32> to vector<256x4096xf32>
    %eq3A_80 = arith.cmpf oeq, %select_n3A_75, %eq3A_79 : vector<256x4096xf32>
    %jit3A_81 = arith.constant 4096 : i32
    %broadcast_in_dim3A_82 = vector.broadcast %jit3A_81 : i32 to vector<256x4096xi32>
    %select_n3A_83 = arith.select %eq3A_80, %iota3A, %broadcast_in_dim3A_82 : vector<256x4096xi1>, vector<256x4096xi32>
    %reduce_min3A_84 = arith.constant dense<2147483647> : vector<256xi32>
    %reduce_min3A_85 = vector.multi_reduction <minsi>, %select_n3A_83, %reduce_min3A_84 [1] : vector<256x4096xi32> to vector<256xi32>
    %broadcast_in_dim3A_86 = vector.shape_cast %reduce_min3A_85 : vector<256xi32> to vector<256x1xi32>
    %eq3A_87 = vector.broadcast %broadcast_in_dim3A_86 : vector<256x1xi32> to vector<256x4096xi32>
    %eq3A_88 = arith.cmpi eq, %iota3A, %eq3A_87 : vector<256x4096xi32>
    %jit3A_89 = arith.constant 3.000000e+38 : f32
    %broadcast_in_dim3A_90 = vector.broadcast %jit3A_89 : f32 to vector<256x4096xf32>
    %select_n3A_91 = arith.select %eq3A_88, %broadcast_in_dim3A_90, %select_n3A_75 : vector<256x4096xi1>, vector<256x4096xf32>
    %reduce_min3A_92 = arith.constant dense<0x7F800000> : vector<256xf32>
    %reduce_min3A_93 = vector.multi_reduction <minimumf>, %select_n3A_91, %reduce_min3A_92 [1] : vector<256x4096xf32> to vector<256xf32>
    %broadcast_in_dim3A_94 = vector.shape_cast %reduce_min3A_93 : vector<256xf32> to vector<256x1xf32>
    %eq3A_95 = vector.broadcast %broadcast_in_dim3A_94 : vector<256x1xf32> to vector<256x4096xf32>
    %eq3A_96 = arith.cmpf oeq, %select_n3A_91, %eq3A_95 : vector<256x4096xf32>
    %jit3A_97 = arith.constant 4096 : i32
    %broadcast_in_dim3A_98 = vector.broadcast %jit3A_97 : i32 to vector<256x4096xi32>
    %select_n3A_99 = arith.select %eq3A_96, %iota3A, %broadcast_in_dim3A_98 : vector<256x4096xi1>, vector<256x4096xi32>
    %reduce_min3A_100 = arith.constant dense<2147483647> : vector<256xi32>
    %reduce_min3A_101 = vector.multi_reduction <minsi>, %select_n3A_99, %reduce_min3A_100 [1] : vector<256x4096xi32> to vector<256xi32>
    %broadcast_in_dim3A_102 = vector.shape_cast %reduce_min3A_101 : vector<256xi32> to vector<256x1xi32>
    %eq3A_103 = vector.broadcast %broadcast_in_dim3A_102 : vector<256x1xi32> to vector<256x4096xi32>
    %eq3A_104 = arith.cmpi eq, %iota3A, %eq3A_103 : vector<256x4096xi32>
    %jit3A_105 = arith.constant 3.000000e+38 : f32
    %broadcast_in_dim3A_106 = vector.broadcast %jit3A_105 : f32 to vector<256x4096xf32>
    %select_n3A_107 = arith.select %eq3A_104, %broadcast_in_dim3A_106, %select_n3A_91 : vector<256x4096xi1>, vector<256x4096xf32>
    %reduce_min3A_108 = arith.constant dense<0x7F800000> : vector<256xf32>
    %reduce_min3A_109 = vector.multi_reduction <minimumf>, %select_n3A_107, %reduce_min3A_108 [1] : vector<256x4096xf32> to vector<256xf32>
    %broadcast_in_dim3A_110 = vector.shape_cast %reduce_min3A_109 : vector<256xf32> to vector<256x1xf32>
    %eq3A_111 = vector.broadcast %broadcast_in_dim3A_110 : vector<256x1xf32> to vector<256x4096xf32>
    %eq3A_112 = arith.cmpf oeq, %select_n3A_107, %eq3A_111 : vector<256x4096xf32>
    %jit3A_113 = arith.constant 4096 : i32
    %broadcast_in_dim3A_114 = vector.broadcast %jit3A_113 : i32 to vector<256x4096xi32>
    %select_n3A_115 = arith.select %eq3A_112, %iota3A, %broadcast_in_dim3A_114 : vector<256x4096xi1>, vector<256x4096xi32>
    %reduce_min3A_116 = arith.constant dense<2147483647> : vector<256xi32>
    %reduce_min3A_117 = vector.multi_reduction <minsi>, %select_n3A_115, %reduce_min3A_116 [1] : vector<256x4096xi32> to vector<256xi32>
    %broadcast_in_dim3A_118 = vector.shape_cast %reduce_min3A_117 : vector<256xi32> to vector<256x1xi32>
    %eq3A_119 = vector.broadcast %broadcast_in_dim3A_118 : vector<256x1xi32> to vector<256x4096xi32>
    %eq3A_120 = arith.cmpi eq, %iota3A, %eq3A_119 : vector<256x4096xi32>
    %jit3A_121 = arith.constant 3.000000e+38 : f32
    %broadcast_in_dim3A_122 = vector.broadcast %jit3A_121 : f32 to vector<256x4096xf32>
    %select_n3A_123 = arith.select %eq3A_120, %broadcast_in_dim3A_122, %select_n3A_107 : vector<256x4096xi1>, vector<256x4096xf32>
    %reduce_min3A_124 = arith.constant dense<0x7F800000> : vector<256xf32>
    %reduce_min3A_125 = vector.multi_reduction <minimumf>, %select_n3A_123, %reduce_min3A_124 [1] : vector<256x4096xf32> to vector<256xf32>
    %broadcast_in_dim3A_126 = vector.shape_cast %reduce_min3A_125 : vector<256xf32> to vector<256x1xf32>
    %eq3A_127 = vector.broadcast %broadcast_in_dim3A_126 : vector<256x1xf32> to vector<256x4096xf32>
    %eq3A_128 = arith.cmpf oeq, %select_n3A_123, %eq3A_127 : vector<256x4096xf32>
    %jit3A_129 = arith.constant 4096 : i32
    %broadcast_in_dim3A_130 = vector.broadcast %jit3A_129 : i32 to vector<256x4096xi32>
    %select_n3A_131 = arith.select %eq3A_128, %iota3A, %broadcast_in_dim3A_130 : vector<256x4096xi1>, vector<256x4096xi32>
    %reduce_min3A_132 = arith.constant dense<2147483647> : vector<256xi32>
    %reduce_min3A_133 = vector.multi_reduction <minsi>, %select_n3A_131, %reduce_min3A_132 [1] : vector<256x4096xi32> to vector<256xi32>
    %broadcast_in_dim3A_134 = vector.shape_cast %reduce_min3A_133 : vector<256xi32> to vector<256x1xi32>
    %eq3A_135 = vector.broadcast %broadcast_in_dim3A_134 : vector<256x1xi32> to vector<256x4096xi32>
    %eq3A_136 = arith.cmpi eq, %iota3A, %eq3A_135 : vector<256x4096xi32>
    %jit3A_137 = arith.constant 3.000000e+38 : f32
    %broadcast_in_dim3A_138 = vector.broadcast %jit3A_137 : f32 to vector<256x4096xf32>
    %select_n3A_139 = arith.select %eq3A_136, %broadcast_in_dim3A_138, %select_n3A_123 : vector<256x4096xi1>, vector<256x4096xf32>
    %reduce_min3A_140 = arith.constant dense<0x7F800000> : vector<256xf32>
    %reduce_min3A_141 = vector.multi_reduction <minimumf>, %select_n3A_139, %reduce_min3A_140 [1] : vector<256x4096xf32> to vector<256xf32>
    %broadcast_in_dim3A_142 = vector.shape_cast %reduce_min3A_141 : vector<256xf32> to vector<256x1xf32>
    %eq3A_143 = vector.broadcast %broadcast_in_dim3A_142 : vector<256x1xf32> to vector<256x4096xf32>
    %eq3A_144 = arith.cmpf oeq, %select_n3A_139, %eq3A_143 : vector<256x4096xf32>
    %jit3A_145 = arith.constant 4096 : i32
    %broadcast_in_dim3A_146 = vector.broadcast %jit3A_145 : i32 to vector<256x4096xi32>
    %select_n3A_147 = arith.select %eq3A_144, %iota3A, %broadcast_in_dim3A_146 : vector<256x4096xi1>, vector<256x4096xi32>
    %reduce_min3A_148 = arith.constant dense<2147483647> : vector<256xi32>
    %reduce_min3A_149 = vector.multi_reduction <minsi>, %select_n3A_147, %reduce_min3A_148 [1] : vector<256x4096xi32> to vector<256xi32>
    %broadcast_in_dim3A_150 = vector.shape_cast %reduce_min3A_149 : vector<256xi32> to vector<256x1xi32>
    %eq3A_151 = vector.broadcast %broadcast_in_dim3A_150 : vector<256x1xi32> to vector<256x4096xi32>
    %eq3A_152 = arith.cmpi eq, %iota3A, %eq3A_151 : vector<256x4096xi32>
    %jit3A_153 = arith.constant 3.000000e+38 : f32
    %broadcast_in_dim3A_154 = vector.broadcast %jit3A_153 : f32 to vector<256x4096xf32>
    %select_n3A_155 = arith.select %eq3A_152, %broadcast_in_dim3A_154, %select_n3A_139 : vector<256x4096xi1>, vector<256x4096xf32>
    %reduce_min3A_156 = arith.constant dense<0x7F800000> : vector<256xf32>
    %reduce_min3A_157 = vector.multi_reduction <minimumf>, %select_n3A_155, %reduce_min3A_156 [1] : vector<256x4096xf32> to vector<256xf32>
    %broadcast_in_dim3A_158 = vector.shape_cast %reduce_min3A_157 : vector<256xf32> to vector<256x1xf32>
    %eq3A_159 = vector.broadcast %broadcast_in_dim3A_158 : vector<256x1xf32> to vector<256x4096xf32>
    %eq3A_160 = arith.cmpf oeq, %select_n3A_155, %eq3A_159 : vector<256x4096xf32>
    %jit3A_161 = arith.constant 4096 : i32
    %broadcast_in_dim3A_162 = vector.broadcast %jit3A_161 : i32 to vector<256x4096xi32>
    %select_n3A_163 = arith.select %eq3A_160, %iota3A, %broadcast_in_dim3A_162 : vector<256x4096xi1>, vector<256x4096xi32>
    %reduce_min3A_164 = arith.constant dense<2147483647> : vector<256xi32>
    %reduce_min3A_165 = vector.multi_reduction <minsi>, %select_n3A_163, %reduce_min3A_164 [1] : vector<256x4096xi32> to vector<256xi32>
    %broadcast_in_dim3A_166 = vector.shape_cast %reduce_min3A_165 : vector<256xi32> to vector<256x1xi32>
    %eq3A_167 = vector.broadcast %broadcast_in_dim3A_166 : vector<256x1xi32> to vector<256x4096xi32>
    %eq3A_168 = arith.cmpi eq, %iota3A, %eq3A_167 : vector<256x4096xi32>
    %jit3A_169 = arith.constant 3.000000e+38 : f32
    %broadcast_in_dim3A_170 = vector.broadcast %jit3A_169 : f32 to vector<256x4096xf32>
    %select_n3A_171 = arith.select %eq3A_168, %broadcast_in_dim3A_170, %select_n3A_155 : vector<256x4096xi1>, vector<256x4096xf32>
    %reduce_min3A_172 = arith.constant dense<0x7F800000> : vector<256xf32>
    %reduce_min3A_173 = vector.multi_reduction <minimumf>, %select_n3A_171, %reduce_min3A_172 [1] : vector<256x4096xf32> to vector<256xf32>
    %broadcast_in_dim3A_174 = vector.shape_cast %reduce_min3A_173 : vector<256xf32> to vector<256x1xf32>
    %eq3A_175 = vector.broadcast %broadcast_in_dim3A_174 : vector<256x1xf32> to vector<256x4096xf32>
    %eq3A_176 = arith.cmpf oeq, %select_n3A_171, %eq3A_175 : vector<256x4096xf32>
    %jit3A_177 = arith.constant 4096 : i32
    %broadcast_in_dim3A_178 = vector.broadcast %jit3A_177 : i32 to vector<256x4096xi32>
    %select_n3A_179 = arith.select %eq3A_176, %iota3A, %broadcast_in_dim3A_178 : vector<256x4096xi1>, vector<256x4096xi32>
    %reduce_min3A_180 = arith.constant dense<2147483647> : vector<256xi32>
    %reduce_min3A_181 = vector.multi_reduction <minsi>, %select_n3A_179, %reduce_min3A_180 [1] : vector<256x4096xi32> to vector<256xi32>
    %broadcast_in_dim3A_182 = vector.shape_cast %reduce_min3A_181 : vector<256xi32> to vector<256x1xi32>
    %eq3A_183 = vector.broadcast %broadcast_in_dim3A_182 : vector<256x1xi32> to vector<256x4096xi32>
    %eq3A_184 = arith.cmpi eq, %iota3A, %eq3A_183 : vector<256x4096xi32>
    %jit3A_185 = arith.constant 3.000000e+38 : f32
    %broadcast_in_dim3A_186 = vector.broadcast %jit3A_185 : f32 to vector<256x4096xf32>
    %select_n3A_187 = arith.select %eq3A_184, %broadcast_in_dim3A_186, %select_n3A_171 : vector<256x4096xi1>, vector<256x4096xf32>
    %concatenate3A = tpu.concatenate %broadcast_in_dim3A_22, %broadcast_in_dim3A_38, %broadcast_in_dim3A_54, %broadcast_in_dim3A_70, %broadcast_in_dim3A_86, %broadcast_in_dim3A_102, %broadcast_in_dim3A_118, %broadcast_in_dim3A_134, %broadcast_in_dim3A_150, %broadcast_in_dim3A_166, %broadcast_in_dim3A_182 in 1 : vector<256x1xi32>, vector<256x1xi32>, vector<256x1xi32>, vector<256x1xi32>, vector<256x1xi32>, vector<256x1xi32>, vector<256x1xi32>, vector<256x1xi32>, vector<256x1xi32>, vector<256x1xi32>, vector<256x1xi32> -> vector<256x11xi32>
    %swap3A = arith.constant 0 : index
    %swap3A_188 = arith.constant 0 : index
    %swap3A_189 = vector.load %arg7[%swap3A, %swap3A_188] : memref<256x11xi32, #tpu.memory_space<vmem>>, vector<256x11xi32>
    tpu.vector_store %arg7[%swap3A, %swap3A_188], %concatenate3A {strides = array<i32>} : memref<256x11xi32, #tpu.memory_space<vmem>>, vector<256x11xi32>,
    %eq3A_190 = arith.constant 3.000000e+38 : f32
    %eq3A_191 = vector.broadcast %eq3A_190 : f32 to vector<256x4096xf32>
    %eq3A_192 = arith.cmpf oeq, %select_n3A_187, %eq3A_191 : vector<256x4096xf32>
    %jit3A_193 = arith.constant 1.000000e+00 : f32
    %jit3A_194 = arith.constant 0.000000e+00 : f32
    %broadcast_in_dim3A_195 = vector.broadcast %jit3A_193 : f32 to vector<256x4096xf32>
    %broadcast_in_dim3A_196 = vector.broadcast %jit3A_194 : f32 to vector<256x4096xf32>
    %select_n3A_197 = arith.select %eq3A_192, %broadcast_in_dim3A_195, %broadcast_in_dim3A_196 : vector<256x4096xi1>, vector<256x4096xf32>
    %transpose3A = tpu.transpose %select_n3A_197, [1, 0] : vector<256x4096xf32> -> vector<4096x256xf32>
    %swap3A_198 = arith.constant 0 : index
    %swap3A_199 = arith.constant 0 : index
    %swap3A_200 = vector.load %arg4[%swap3A_198, %swap3A_199] : memref<4096x256xf32, #tpu.memory_space<vmem>>, vector<4096x256xf32>
    tpu.vector_store %arg4[%swap3A_198, %swap3A_199], %transpose3A {strides = array<i32>} : memref<4096x256xf32, #tpu.memory_space<vmem>>, vector<4096x256xf32>,
    %reduce_sum3A_201 = arith.constant dense<0.000000e+00> : vector<4096xf32>
    %reduce_sum3A_202 = vector.multi_reduction <add>, %transpose3A, %reduce_sum3A_201 [1] : vector<4096x256xf32> to vector<4096xf32>
    %broadcast_in_dim3A_203 = vector.shape_cast %reduce_sum3A_202 : vector<4096xf32> to vector<4096x1xf32>
    %eq3A_204 = arith.constant 0 : i32
    %eq3A_205 = arith.cmpi eq, %arg0, %eq3A_204 : i32
    %convert_element_type3A = arith.extui %eq3A_205 : i1 to i32
    %cond3A = arith.constant 0 : i32
    %cond3A_206 = arith.cmpi ne, %convert_element_type3A, %cond3A : i32
    scf.if %cond3A_206 {
      %broadcast_in_dim3A_222 = arith.constant 0.000000e+00 : f32
      %broadcast_in_dim3A_223 = vector.broadcast %broadcast_in_dim3A_222 : f32 to vector<4096x1xf32>
      %swap3A_224 = arith.constant 0 : index
      %swap3A_225 = arith.constant 0 : index
      %swap3A_226 = vector.load %arg5[%swap3A_224, %swap3A_225] : memref<4096x1xf32, #tpu.memory_space<vmem>>, vector<4096x1xf32>
      tpu.vector_store %arg5[%swap3A_224, %swap3A_225], %broadcast_in_dim3A_223 {strides = array<i32>} : memref<4096x1xf32, #tpu.memory_space<vmem>>, vector<4096x1xf32>,
    } else {
    }
    %get3A_207 = arith.constant 0 : index
    %get3A_208 = arith.constant 0 : index
    %get3A_209 = vector.load %arg5[%get3A_207, %get3A_208] : memref<4096x1xf32, #tpu.memory_space<vmem>>, vector<4096x1xf32>
    %add3A_210 = arith.addf %get3A_209, %broadcast_in_dim3A_203 : vector<4096x1xf32>
    %swap3A_211 = arith.constant 0 : index
    %swap3A_212 = arith.constant 0 : index
    %swap3A_213 = vector.load %arg5[%swap3A_211, %swap3A_212] : memref<4096x1xf32, #tpu.memory_space<vmem>>, vector<4096x1xf32>
    tpu.vector_store %arg5[%swap3A_211, %swap3A_212], %add3A_210 {strides = array<i32>} : memref<4096x1xf32, #tpu.memory_space<vmem>>, vector<4096x1xf32>,
    %get3A_214 = arith.constant 0 : index
    %get3A_215 = arith.constant 0 : index
    %get3A_216 = vector.load %arg3[%get3A_214, %get3A_215] : memref<784x256xf32, #tpu.memory_space<vmem>>, vector<784x256xf32>
    %dot_general3A_217 = arith.constant dense<0.000000e+00> : vector<256x256xf32>
    %dot_general3A_218 = tpu.matmul %get3A_4, %get3A_216, %dot_general3A_217 {dimension_numbers = #tpu.dot_dimension_numbers<[1], [0], [0], [1], [0, 0, 1, 1], [], []>, transpose_lhs_hint = false} : vector<256x784xf32>, vector<784x256xf32>, vector<256x256xf32> -> vector<256x256xf32>
    %swap3A_219 = arith.constant 0 : index
    %swap3A_220 = arith.constant 0 : index
    %swap3A_221 = vector.load %arg6[%swap3A_219, %swap3A_220] : memref<256x256xf32, #tpu.memory_space<vmem>>, vector<256x256xf32>
    tpu.vector_store %arg6[%swap3A_219, %swap3A_220], %dot_general3A_218 {strides = array<i32>} : memref<256x256xf32, #tpu.memory_space<vmem>>, vector<256x256xf32>,
    return
  }
  func.func @transform_0(%arg0: i32) -> (i32, i32) {
    %c0_i32 = arith.constant 0 : i32
    %c0_i32_0 = arith.constant 0 : i32
    return %arg0, %c0_i32 : i32, i32
  }
  func.func @transform_1(%arg0: i32) -> (i32, i32) {
    %c0_i32 = arith.constant 0 : i32
    %c0_i32_0 = arith.constant 0 : i32
    %c0_i32_1 = arith.constant 0 : i32
    return %c0_i32, %c0_i32_0 : i32, i32
  }
  func.func @transform_2(%arg0: i32) -> (i32, i32) {
    %c0_i32 = arith.constant 0 : i32
    %c0_i32_0 = arith.constant 0 : i32
    %c0_i32_1 = arith.constant 0 : i32
    return %c0_i32, %c0_i32_0 : i32, i32
  }
  func.func @transform_3(%arg0: i32) -> (i32, i32) {
    %c0_i32 = arith.constant 0 : i32
    %c0_i32_0 = arith.constant 0 : i32
    return %c0_i32, %arg0 : i32, i32
  }
  func.func @transform_4(%arg0: i32) -> (i32, i32) {
    %c0_i32 = arith.constant 0 : i32
    %c0_i32_0 = arith.constant 0 : i32
    %c0_i32_1 = arith.constant 0 : i32
    return %c0_i32, %c0_i32_0 : i32, i32
  }
  func.func @transform_5(%arg0: i32) -> (i32, i32) {
    %c0_i32 = arith.constant 0 : i32
    %c0_i32_0 = arith.constant 0 : i32
    return %arg0, %c0_i32 : i32, i32
  }
  func.func @transform_6(%arg0: i32) -> (i32, i32) {
    %c0_i32 = arith.constant 0 : i32
    %c0_i32_0 = arith.constant 0 : i32
    return %arg0, %c0_i32 : i32, i32
  }
}

module attributes {stable_mosaic.version = 14 : i64} {
  func.func @_k3_body(%arg0: i32, %arg1: memref<256x4096xf32, #tpu.memory_space<vmem>>, %arg2: memref<4096x256xf32, #tpu.memory_space<vmem>>, %arg3: memref<256x1xf32, #tpu.memory_space<vmem>>, %arg4: memref<256x256xf32, #tpu.memory_space<vmem>>) attributes {dimension_semantics = [#tpu.dimension_semantics<arbitrary>], iteration_bounds = array<i64: 16>, scalar_prefetch = 0 : i64, scratch_operands = 0 : i64, tpu.core_type = #tpu.core_type<tc>, window_params = [{transform_indices = @transform_0, window_bounds = array<i64: 256, 4096>}, {pipeline_mode = #tpu.pipeline_mode<synchronous>, transform_indices = @transform_1, window_bounds = array<i64: 4096, 256>}, {transform_indices = @transform_2, window_bounds = array<i64: 256, 1>}, {transform_indices = @transform_3, window_bounds = array<i64: 256, 256>}]} {
    %get3A = arith.constant 0 : index
    %get3A_0 = arith.constant 0 : index
    %get3A_1 = vector.load %arg1[%get3A, %get3A_0] : memref<256x4096xf32, #tpu.memory_space<vmem>>, vector<256x4096xf32>
    %get3A_2 = arith.constant 0 : index
    %get3A_3 = arith.constant 0 : index
    %get3A_4 = vector.load %arg2[%get3A_2, %get3A_3] : memref<4096x256xf32, #tpu.memory_space<vmem>>, vector<4096x256xf32>
    %dot_general3A = arith.constant dense<0.000000e+00> : vector<256x256xf32>
    %dot_general3A_5 = tpu.matmul %get3A_1, %get3A_4, %dot_general3A {dimension_numbers = #tpu.dot_dimension_numbers<[1], [0], [0], [1], [0, 0, 1, 1], [], []>, transpose_lhs_hint = false} : vector<256x4096xf32>, vector<4096x256xf32>, vector<256x256xf32> -> vector<256x256xf32>
    %get3A_6 = arith.constant 0 : index
    %get3A_7 = arith.constant 0 : index
    %get3A_8 = vector.load %arg3[%get3A_6, %get3A_7] : memref<256x1xf32, #tpu.memory_space<vmem>>, vector<256x1xf32>
    %rsqrt3A = math.rsqrt %get3A_8 : vector<256x1xf32>
    %mul3A = vector.broadcast %rsqrt3A : vector<256x1xf32> to vector<256x256xf32>
    %mul3A_9 = arith.mulf %dot_general3A_5, %mul3A : vector<256x256xf32>
    %mul3A_10 = arith.constant 0.301511347 : f32
    %mul3A_11 = vector.broadcast %mul3A_10 : f32 to vector<256x256xf32>
    %mul3A_12 = arith.mulf %mul3A_9, %mul3A_11 : vector<256x256xf32>
    %swap3A = arith.constant 0 : index
    %swap3A_13 = arith.constant 0 : index
    %swap3A_14 = vector.load %arg4[%swap3A, %swap3A_13] : memref<256x256xf32, #tpu.memory_space<vmem>>, vector<256x256xf32>
    tpu.vector_store %arg4[%swap3A, %swap3A_13], %mul3A_12 {strides = array<i32>} : memref<256x256xf32, #tpu.memory_space<vmem>>, vector<256x256xf32>,
    return
  }
  func.func @transform_0(%arg0: i32) -> (i32, i32) {
    %c0_i32 = arith.constant 0 : i32
    %c0_i32_0 = arith.constant 0 : i32
    return %arg0, %c0_i32 : i32, i32
  }
  func.func @transform_1(%arg0: i32) -> (i32, i32) {
    %c0_i32 = arith.constant 0 : i32
    %c0_i32_0 = arith.constant 0 : i32
    %c0_i32_1 = arith.constant 0 : i32
    return %c0_i32, %c0_i32_0 : i32, i32
  }
  func.func @transform_2(%arg0: i32) -> (i32, i32) {
    %c0_i32 = arith.constant 0 : i32
    %c0_i32_0 = arith.constant 0 : i32
    return %arg0, %c0_i32 : i32, i32
  }
  func.func @transform_3(%arg0: i32) -> (i32, i32) {
    %c0_i32 = arith.constant 0 : i32
    %c0_i32_0 = arith.constant 0 : i32
    return %arg0, %c0_i32 : i32, i32
  }
}

</mosaic_0001>

<sc_bundles>
// kernel: kernel.6.cloned.1.call-start
scs
__scs_entry_jumppad:
0x0: {  	(pc) =	sbr.rel $0x88, $3  }
0x1: {  	(tag) =	ssettag $0x0;
	lr =	simm.s32 $0x1  }
0x2: {  	[smem:$0x3F9F] =	sst lr;
	_ =	strace $0xD0000000  }
0x3: {  	_ = 	snop  }
0x4: {  	_ = 	snop  }
0x5: {  	_ = 	snop  }
0x6: {  	_ = 	snop  }
0x7: {  	_ = 	snop  }
__scs_overlays_trampoline_lowered:
0x8: {  	[smem:$0x3FAE] =	sst s0  }
0x9: {  	[smem:$0x3FAF] =	sst s1  }
0xa: {  	[smem:$0x3FB0] =	sst s2  }
0xb: {  	[smem:$0x3FB1] =	sst s3  }
0xc: {  	[smem:$0x3FB2] =	sst s4  }
0xd: {  	[smem:$0x3FB3] =	sst s5  }
0xe: {  	[smem:$0x3FB4] =	sst s6  }
0xf: {  	[smem:$0x3FB5] =	sst s7  }
0x10: {  	[smem:$0x3FB6] =	sst s8  }
0x11: {  	[smem:$0x3FB7] =	sst s9;
	s0 =	simm.s32 @!p0 $0x0  }
0x12: {  	s1 =	sld [smem:$0x3F9D];
	s0 =	simm.s32 @p0 $0x1  }
0x13: {  	[smem:$0x3FB8] =	sst s0;
	s0 =	simm.s32 @!p1 $0x0  }
0x14: {  	s2 =	sld [smem:$0x3F9C];
	s0 =	simm.s32 @p1 $0x1  }
0x15: {  	[smem:$0x3FB9] =	sst s0;
	s0 =	simm.s32 @!p2 $0x0  }
0x16: {  	s3 =	sld [smem:$0x3FDB];
	s0 =	simm.s32 @p2 $0x1  }
0x17: {  	s4 =	simm.s32 $0x1BF5;
	[smem:$0x3FBB] =	sst s0  }
0x18: {  	s0 =	sld [smem:$0x3F9E];
	_ =	swait.ge [sflag:s4], $0x0  }
0x19: {  	s7 =	sld [smem:$0x3F9F]  }
0x1a: {  	s8 =	sadd.s32 $0xFFFFE003, lr  }
0x1b: {  	s9 =	sadd.s32 $0xFFFFFEF7, lr;
	s5 =	simm.s32 $0xFFFFFFFF;
	p2 =	slt.u32 s8, $0xFFFFF086  }
0x1c: {  	p1 =	slt.u32 s9, $0xF7A;
	s5 =	simm.s32 @!p2 $0x0  }
0x1d: {  	s5 =	simm.s32 @p1 $0x1;
	p0 =	seq.s32 s7, s2  }
0x1e: {  	s7 =	smul.u32 @!p0 $0xF7A, s2;
	p2 =	seq.s32 @!p0 s5, $0x0  }
0x1f: {  	s9 =	smul.u32 $0xF7A, s1;
	s8 =	simm.s32 @!p0 $0x1BF5;
	p2 =	por !p2, p0  }
0x20: {  	[sflag:s8] =	ssyncset.s32 @!p0 $0xFFFFF086;
	s6 =	sadd.s32 @!p0 s3, s7;
	s7 =	simm.s32 @!p0 $0x108  }
0x21: {  	s3 =	sadd.s32 s3, s9;
	s6 =	sadd.s32 @!p0 $0x88, s6;
	s7 =	simm.s32 @p2 $0x1082  }
0x22: {  	[simem:s7], [sflag:s8] =	dma.local @!p0 [hbm:s6], $0xF7A  }
0x23: {  	s9 =	sor.u32 $0xD0000000, s2;
	s6 =	simm.s32 $0x108;
	_ =	swait.ge @!p0 [sflag:s8], $0x0  }
0x24: {  	s3 =	sadd.s32 $0x88, s3;
	s6 =	simm.s32 @!p1 $0x1082;
	[sflag:s4] =	ssyncset.s32 $0xFFFFF086  }
0x25: {  	[simem:s6], [sflag:s4] =	dma.local [hbm:s3], $0xF7A  }
0x26: {  	[smem:$0x3F9F] =	sst s1;
	(tag) =	ssettag s2;
	_ =	strace s9  }
0x27: {  	s1 =	sld [smem:$0x3FAF]  }
0x28: {  	s2 =	sld [smem:$0x3FB0]  }
0x29: {  	s4 =	sld [smem:$0x3FB2]  }
0x2a: {  	p0 =	seq.s32 s5, $0x0;
	s5 =	sld [smem:$0x3FB3]  }
0x2b: {  	s6 =	sld [smem:$0x3FB4]  }
0x2c: {  	s7 =	sld [smem:$0x3FB5]  }
0x2d: {  	s3 =	simm.s32 $0x108;
	s8 =	sld [smem:$0x3FB6]  }
0x2e: {  	s3 =	simm.s32 @!p0 $0x1082;
	s9 =	sld [smem:$0x3FB7]  }
0x2f: {  	lr =	sadd.s32 s0, s3;
	s0 =	sld [smem:$0x3FAE]  }
0x30: {  	s3 =	sld [smem:$0x3FB1]  }
0x31: {  	[smem:$0x3FBA] =	sst s10  }
0x32: {  	s10 =	sld [smem:$0x3FB8];
	_ =	sdelay $0x3  }
0x33: {  	p0 =	seq.s32 s10, $0x1;
	s10 =	sld [smem:$0x3FBA];
	_ =	sdelay $0x3  }
0x34: {  	[smem:$0x3FBA] =	sst s10  }
0x35: {  	s10 =	sld [smem:$0x3FB9];
	_ =	sdelay $0x3  }
0x36: {  	p1 =	seq.s32 s10, $0x1;
	s10 =	sld [smem:$0x3FBA];
	_ =	sdelay $0x3  }
0x37: {  	[smem:$0x3FBA] =	sst s10  }
0x38: {  	s10 =	sld [smem:$0x3FBB]  }
0x39: {  	_ = 	snop;
	(pc) =	sbr.ind lr, $3  }
0x3a: {  	_ = 	snop  }
0x3b: {  	_ = 	snop  }
0x3c: {  	p2 =	seq.s32 s10, $0x1;
	s10 =	sld [smem:$0x3FBA]  }
0x3d: {  	_ =	shalt  }
0x3e: {  	_ =	shalt  }
0x3f: {  	_ =	shalt  }
0x40: {  	_ =	shalt  }
0x41: {  	_ =	shalt  }
0x42: {  	_ =	shalt  }
0x43: {  	_ =	shalt  }
0x44: {  	_ =	shalt  }
0x45: {  	_ =	shalt  }
0x46: {  	_ =	shalt  }
0x47: {  	_ =	shalt  }
0x48: {  	_ =	shalt  }
0x49: {  	_ =	shalt  }
0x4a: {  	_ =	shalt  }
0x4b: {  	_ =	shalt  }
0x4c: {  	_ =	shalt  }
0x4d: {  	_ =	shalt  }
0x4e: {  	_ =	shalt  }
0x4f: {  	_ =	shalt  }
0x50: {  	_ =	shalt  }
0x51: {  	_ =	shalt  }
0x52: {  	_ =	shalt  }
0x53: {  	_ =	shalt  }
0x54: {  	_ =	shalt  }
0x55: {  	_ =	shalt  }
0x56: {  	_ =	shalt  }
0x57: {  	_ =	shalt  }
0x58: {  	_ =	shalt  }
0x59: {  	_ =	shalt  }
0x5a: {  	_ =	shalt  }
0x5b: {  	_ =	shalt  }
0x5c: {  	_ =	shalt  }
0x5d: {  	_ =	shalt  }
0x5e: {  	_ =	shalt  }
0x5f: {  	_ =	shalt  }
0x60: {  	_ =	shalt  }
0x61: {  	_ =	shalt  }
0x62: {  	_ =	shalt  }
0x63: {  	_ =	shalt  }
0x64: {  	_ =	shalt  }
0x65: {  	_ =	shalt  }
0x66: {  	_ =	shalt  }
0x67: {  	_ =	shalt  }
0x68: {  	_ =	shalt  }
0x69: {  	_ =	shalt  }
0x6a: {  	_ =	shalt  }
0x6b: {  	_ =	shalt  }
0x6c: {  	_ =	shalt  }
0x6d: {  	_ =	shalt  }
0x6e: {  	_ =	shalt  }
0x6f: {  	_ =	shalt  }
0x70: {  	_ =	shalt  }
0x71: {  	_ =	shalt  }
0x72: {  	_ =	shalt  }
0x73: {  	_ =	shalt  }
0x74: {  	_ =	shalt  }
0x75: {  	_ =	shalt  }
0x76: {  	_ =	shalt  }
0x77: {  	_ =	shalt  }
0x78: {  	_ =	shalt  }
0x79: {  	_ =	shalt  }
0x7a: {  	_ =	shalt  }
0x7b: {  	_ =	shalt  }
0x7c: {  	_ =	shalt  }
0x7d: {  	_ =	shalt  }
0x7e: {  	_ =	shalt  }
0x7f: {  	_ =	shalt  }
0x80: {  	_ =	shalt  }
0x81: {  	_ =	shalt  }
0x82: {  	_ =	shalt  }
0x83: {  	_ =	shalt  }
0x84: {  	_ =	shalt  }
0x85: {  	_ =	shalt  }
0x86: {  	_ =	shalt  }
0x87: {  	_ =	shalt  }
.Lfunc_end0:
.L_simem_size_0:
called_computation_lowered:
.L_overlay_start_0:
0x88: {  	s2 =	sld [smem:$0x3FD9]  }
0x89: {  	s3 =	sld [smem:$0x3FFE];
	_ =	sdelay $0x1  }
0x8a: {  	s1 =	srdreg.scid  }
0x8b: {  	s0 =	sand.u32 $0x1, s1  }
0x8c: {  	s14 =	sshll.u32 s0, $0xA;
	s2 =	sadd.s32 s3, s2  }
0x8d: {  	s2 =	sadd.s32 s2, s14  }
0x8e: {  	[smem:$0x3FC6] =	sst s2  }
0x8f: {  	_ = 	snop  }
0x90: {  	s2 =	sld [smem:$0x3FD0];
	_ =	sdelay $0x2  }
0x91: {  	s15 =	simm.s32 $0xA;
	s4 =	simm.s32 $0x10  }
0x92: {  	[smem:s4], [sflag:s15] =	dma.local [hbm:s2], $0x1  }
0x93: {  	_ =	swait.eq [sflag:s15], $0x1  }
0x94: {  	[sflag:s15] =	ssyncset.done $0x0  }
0x95: {  	s16 =	sld [smem:$0x10];
	[sflag:s15] =	ssyncadd.s32 $0xFFFFFFFF  }
0x96: {  	s17 =	sld [smem:$0x11];
	(tm) =	ssettm $0x1  }
0x97: {  	s18 =	sld [smem:$0x3FFB];
	_ =	sdelay $0x3  }
0x98: {  	_ =	strace s18  }
0x99: {  	s4 =	sld [smem:$0x3FFC];
	_ =	sdelay $0x3  }
0x9a: {  	_ =	strace s4  }
0x9b: {  	s4 =	sld [smem:$0x3FFD];
	_ =	sdelay $0x3  }
0x9c: {  	_ =	strace s4  }
0x9d: {  	_ =	strace $0x8FFFFFFF  }
0x9e: {  	s19 =	sld [smem:$0x3FDB];
	_ =	sdelay $0x1  }
0x9f: {  	s5 =	simm.s32 $_scs_section_size  }
0xa0: {  	s6 =	simm.s32 $_size__tile_overlayer_lowered;
	s7 =	simm.s32 $_tile_overlayer_lowered  }
0xa1: {  	s22 =	simm.s32 $0x1BFF;
	s21 =	sshll.u32 s7, $0x1;
	s4 =	sadd.s32 s5, s19  }
0xa2: {  	s8 =	simm.s32 $0x0;
	s20 =	sshll.u32 s6, $0x1;
	s6 =	sadd.s32 s21, s4  }
0xa3: {  	[timem:s8], [sflag:s22] =	dma.local [hbm:s6], s20  }
0xa4: {  	_ =	swait.ge [sflag:s22], s20  }
0xa5: {  	s5 =	ssub.s32 $0x0, s20;
	[sflag:s22] =	ssyncset.done $0x0  }
0xa6: {  	[sflag:s22] =	ssyncadd.s32 s5;
	_ =	sdelay $0x1  }
0xa7: {  	s23 =	simm.s32 $0x1B8B  }
0xa8: {  	_ =	swait.ge [sflag:s23], $0x1  }
0xa9: {  	[sflag:s23] =	ssyncset.done $0x0  }
0xaa: {  	s25 =	simm.s32 $0x1B8E;
	s24 =	sld [smem:$0x3FFE];
	[sflag:s23] =	ssyncadd.s32 $0xFFFFFFFF  }
0xab: {  	s26 =	simm.s32 $execute0_lowered;
	[smem:$0x3FD2] =	sst s25  }
0xac: {  	s6 =	sshll.u32 s26, $0x1;
	_ =	strace $0x80000046;
	[dreg:$0x1] =	wrdreg $0xFFFFFFFF  }
0xad: {  	s28 =	simm.s32 $_size_execute0_lowered;
	s4 =	sadd.s32 s4, s6;
	[dreg:$0x0] =	wrdreg $0x0  }
0xae: {  	s6 =	sshll.u32 s28, $0x1;
	[dreg:$0x2] =	wrdreg s4  }
0xaf: {  	[dreg:$0x3] =	wrdreg s6  }
0xb0: {  	[dreg:$0x4] =	wrdreg $0xC0  }
0xb1: {  	_ =	task [dreg:s8], $0x5FFFF  }
0xb2: {  	[dreg:$0x1] =	wrdreg $0xFFFFFFFF  }
0xb3: {  	[dreg:$0x0] =	wrdreg $0x60  }
0xb4: {  	[dreg:$0x2] =	wrdreg s17  }
0xb5: {  	[dreg:$0x3] =	wrdreg s24  }
0xb6: {  	[dreg:$0x4] =	wrdreg s16  }
0xb7: {  	[dreg:$0x5] =	wrdreg $0x9  }
0xb8: {  	_ =	task.clear_ibuf [dreg:s8], $0x6FFFF;
	_ =	strace $0x90000046  }
0xb9: {  	s29 =	simm.s32 $0x9;
	_ =	strace $0x80000048  }
0xba: {  	_ =	swait.ge [sflag:s29], $0x1  }
0xbb: {  	[sflag:s29] =	ssyncadd.s32 $0xFFFFFFFF  }
0xbc: {  	_ =	strace $0x90000048  }
0xbd: {  	_ =	sfence  }
0xbe: {  	s30 =	sld [smem:$0x0];
	_ =	sdelay $0x2  }
0xbf: {  	s31 =	sshll.u32 s1, $0xD;
	s1 =	sshrl.u32 s1, $0x2  }
0xc0: {  	s3 =	sand.u32 $0x4000, s31;
	s1 =	sadd.s32 s1, s30  }
0xc1: {  	s0 =	sor.u32 s3, s0;
	s1 =	sshll.u32 s1, $0x11  }
0xc2: {  	s0 =	sor.u32 s1, s0  }
0xc3: {  	s0 =	sadd.s32 $0x8F2B, s0  }
0xc4: {  	[sflag:s0] =	ssyncadd.remote.s32 $0x1  }
0xc5: {  	_ =	sfence.sel $0xFFFF  }
0xc6: {  	[dreg:$0x0] =	wrdreg $0xFFFFFFFF;
	(pc) =	sbr.abs _section_cstart, $3  }
0xc7: {  	[dreg:$0x1] =	wrdreg $0xFFFFFFFF  }
0xc8: {  	_ =	task.clear_ibuf [dreg:s8], $0x2FFFF;
	_ =	strace $0x9FFFFFFF  }
0xc9: {  	(tm) =	ssettm $0x7FFFFFFF  }
tec
execute0_lowered:
.L_overlay_start_1:
0x0: {  	(tag) =	ssettag $0x1  }
0x1: {  	s1 =	rddreg [dreg:$0x0]  }
0x2: {  	s0 =	rddreg [dreg:$0x1]  }
0x3: {  	s2 =	rddreg [dreg:$0x2]  }
0x4: {  	s4 =	srdreg.scid;
	s5 =	stileid.u32  }
0x5: {  	s3 =	simm.s32 $0x0;
	s22 =	simm.s32 $0x7800;
	s23 =	simm.s32 $0x8000  }
0x6: {  	s24 =	simm.s32 $0x8800;
	s28 =	simm.s32 $0xA000;
	s29 =	simm.s32 $0xA800  }
0x7: {  	s30 =	simm.s32 $0xB000;
	s4 =	sand.u32 $0x1, s4;
	s5 =	sshll.u32 s5, $0x1  }
0x8: {  	s31 =	simm.s32 $0x1;
	[smem:$0x7FF] =	sst s3;
	s5 =	sor.u32 s4, s5  }
0x9: {  	s4 =	ssub.s32 $0x2, s4;
	_ =	strace $0x80000047;
	s6 =	sshll.u32 s5, $0x8  }
0xa: {  	s7 =	sshrl.u32 s4, $0x1;
	s5 =	sshll.u32 s5, $0xC;
	s0 =	sadd.s32 s6, s0  }
0xb: {  	s4 =	ssub.s32 s4, s7;
	s25 =	sadd.s32 s2, s5;
	s5 =	simm.s32 $0x0  }
0xc: {  	v2 =	vlaneseq.u32;
	s0 =	sadd.s32 $0xC00, s0;
	[dreg:$0x5] =	wrdreg s25;
	s26 =	smax.u32 s4, $0x1  }
0xd: {  	vm0 =	vmmov $0xffff;
	v1 =	vshrl.u32 v2, $0x3;
	s4 =	simm.s32 $0x3;
	s25 =	simm.s32 $0x9000;
	[dreg:$0x4] =	wrdreg s0  }
0xe: {  	v0 =	vand.u32 $0x7, v2;
	v2 =	vor.u32 $0x8, v2;
	v1 =	vmul.u32 $0x8, v1;
	[dreg:$0x6] =	wrdreg s26;
	s26 =	simm.s32 $0x9800;
	s0 =	simm.s32 $0x2  }
.LBB2_1:
0xf: {  	[dreg:$0x7] =	wrdreg s5  }
0x10: {  	s2 =	rddreg [dreg:$0x4]  }
0x11: {  	[tilespmem:s3], [sflag:$0x3] =	stream.linear.gather [hbm4b:s2+s3], $0x800, $0x38;
	[tilespmem:$0x13800] =	vst v63  }
0x12: {  	_ =	swait.ge [sflag:s4], $0x800  }
0x13: {  	[sflag:s4] =	ssyncset.done $0x0  }
0x14: {  	[sflag:s4] =	ssyncadd.s32 $0xFFFFF800  }
0x15: {  	v3 =	vld [tilespmem:$0x0];
	_ =	sdelay $0x4  }
0x16: {  	v4 =	vshll.u32 v3, $0x1  }
0x17: {  	v3 =	vand.u32 $0x7, v3;
	v4 =	vand.u32 $0xFFFFFFF0, v4  }
0x18: {  	v3 =	vor.u32 v3, v4  }
0x19: {  	v4 =	vperm.xlane v3, v0;
	_ =	sdelay $0x1  }
0x1a: {  	v3 =	vperm.xlane v3, v2;
	v4 =	vadd.s32 v1, v4;
	_ =	sdelay $0x1  }
0x1b: {  	v3 =	vadd.s32 v1, v3;
	_ =	sdelay $0x1  }
0x1c: {  	s11 =	simm.s32 $0x800  }
0x1d: {  	[tilespmem:s11], [sflag:$0x1] =	stream.indirect_vreg.gather [hbm4b:s1+s3], $0x80, v4, vm0, $0xb8;
	[tilespmem:$0x13800] =	vst v63  }
0x1e: {  	s12 =	simm.s32 $0x1000  }
0x1f: {  	[tilespmem:s12], [sflag:$0x1] =	stream.indirect_vreg.gather [hbm4b:s1+s3], $0x80, v3, vm0, $0xb8;
	[tilespmem:$0x13800] =	vst v63  }
0x20: {  	v3 =	vld [tilespmem:$0x10];
	_ =	sdelay $0x4  }
0x21: {  	v59 =	vshll.u32 v3, $0x1  }
0x22: {  	v3 =	vand.u32 $0x7, v3;
	v4 =	vand.u32 $0xFFFFFFF0, v59  }
0x23: {  	v3 =	vor.u32 v3, v4  }
0x24: {  	v4 =	vperm.xlane v3, v0;
	_ =	sdelay $0x1  }
0x25: {  	v3 =	vperm.xlane v3, v2;
	v4 =	vadd.s32 v1, v4;
	_ =	sdelay $0x1  }
0x26: {  	v3 =	vadd.s32 v1, v3;
	_ =	sdelay $0x1  }
0x27: {  	s13 =	simm.s32 $0x1800  }
0x28: {  	[tilespmem:s13], [sflag:$0x1] =	stream.indirect_vreg.gather [hbm4b:s1+s3], $0x80, v4, vm0, $0xb8;
	[tilespmem:$0x13800] =	vst v63  }
0x29: {  	s14 =	simm.s32 $0x2000  }
0x2a: {  	[tilespmem:s14], [sflag:$0x1] =	stream.indirect_vreg.gather [hbm4b:s1+s3], $0x80, v3, vm0, $0xb8;
	[tilespmem:$0x13800] =	vst v63  }
0x2b: {  	v3 =	vld [tilespmem:$0x20];
	_ =	sdelay $0x4  }
0x2c: {  	v60 =	vshll.u32 v3, $0x1  }
0x2d: {  	v3 =	vand.u32 $0x7, v3;
	v4 =	vand.u32 $0xFFFFFFF0, v60  }
0x2e: {  	v3 =	vor.u32 v3, v4  }
0x2f: {  	v4 =	vperm.xlane v3, v0;
	_ =	sdelay $0x1  }
0x30: {  	v3 =	vperm.xlane v3, v2;
	v4 =	vadd.s32 v1, v4;
	_ =	sdelay $0x1  }
0x31: {  	v3 =	vadd.s32 v1, v3;
	_ =	sdelay $0x1  }
0x32: {  	s15 =	simm.s32 $0x2800  }
0x33: {  	[tilespmem:s15], [sflag:$0x1] =	stream.indirect_vreg.gather [hbm4b:s1+s3], $0x80, v4, vm0, $0xb8;
	[tilespmem:$0x13800] =	vst v63  }
0x34: {  	s16 =	simm.s32 $0x3000  }
0x35: {  	[tilespmem:s16], [sflag:$0x1] =	stream.indirect_vreg.gather [hbm4b:s1+s3], $0x80, v3, vm0, $0xb8;
	[tilespmem:$0x13800] =	vst v63  }
0x36: {  	v3 =	vld [tilespmem:$0x30];
	_ =	sdelay $0x4  }
0x37: {  	v61 =	vshll.u32 v3, $0x1  }
0x38: {  	v3 =	vand.u32 $0x7, v3;
	v4 =	vand.u32 $0xFFFFFFF0, v61  }
0x39: {  	v3 =	vor.u32 v3, v4  }
0x3a: {  	v4 =	vperm.xlane v3, v0;
	_ =	sdelay $0x1  }
0x3b: {  	v3 =	vperm.xlane v3, v2;
	v4 =	vadd.s32 v1, v4;
	_ =	sdelay $0x1  }
0x3c: {  	v3 =	vadd.s32 v1, v3;
	_ =	sdelay $0x1  }
0x3d: {  	s17 =	simm.s32 $0x3800  }
0x3e: {  	[tilespmem:s17], [sflag:$0x1] =	stream.indirect_vreg.gather [hbm4b:s1+s3], $0x80, v4, vm0, $0xb8;
	[tilespmem:$0x13800] =	vst v63  }
0x3f: {  	s18 =	simm.s32 $0x4000  }
0x40: {  	[tilespmem:s18], [sflag:$0x1] =	stream.indirect_vreg.gather [hbm4b:s1+s3], $0x80, v3, vm0, $0xb8;
	[tilespmem:$0x13800] =	vst v63  }
0x41: {  	v3 =	vld [tilespmem:$0x40];
	_ =	sdelay $0x4  }
0x42: {  	v62 =	vshll.u32 v3, $0x1  }
0x43: {  	v3 =	vand.u32 $0x7, v3;
	v4 =	vand.u32 $0xFFFFFFF0, v62  }
0x44: {  	v3 =	vor.u32 v3, v4  }
0x45: {  	v4 =	vperm.xlane v3, v0;
	_ =	sdelay $0x1  }
0x46: {  	v3 =	vperm.xlane v3, v2;
	v4 =	vadd.s32 v1, v4;
	_ =	sdelay $0x1  }
0x47: {  	v3 =	vadd.s32 v1, v3;
	_ =	sdelay $0x1  }
0x48: {  	s19 =	simm.s32 $0x4800  }
0x49: {  	[tilespmem:s19], [sflag:$0x1] =	stream.indirect_vreg.gather [hbm4b:s1+s3], $0x80, v4, vm0, $0xb8;
	[tilespmem:$0x13800] =	vst v63  }
0x4a: {  	s20 =	simm.s32 $0x5000  }
0x4b: {  	[tilespmem:s20], [sflag:$0x1] =	stream.indirect_vreg.gather [hbm4b:s1+s3], $0x80, v3, vm0, $0xb8;
	[tilespmem:$0x13800] =	vst v63  }
0x4c: {  	v3 =	vld.msk [tilespmem:$0x50], $0xff;
	_ =	sdelay $0x4  }
0x4d: {  	v63 =	vshll.u32 v3, $0x1  }
0x4e: {  	v3 =	vand.u32 $0x7, v3;
	v4 =	vand.u32 $0xFFFFFFF0, v63  }
0x4f: {  	v3 =	vor.u32 v3, v4  }
0x50: {  	v3 =	vperm.xlane v3, v0;
	_ =	sdelay $0x1  }
0x51: {  	v3 =	vadd.s32 v1, v3;
	_ =	sdelay $0x2  }
0x52: {  	s21 =	simm.s32 $0x5800  }
0x53: {  	s9 =	simm.s32 $0xBC00;
	s5 =	simm.s32 $0xC470;
	s6 =	simm.s32 $0x0  }
0x54: {  	[tilespmem:s21], [sflag:$0x1] =	stream.indirect_vreg.gather [hbm4b:s1+s3], $0x80, v3, vm0, $0xb8;
	[tilespmem:$0x13800] =	vst v63  }
.LBB2_2:
0x55: {  	s7 =	sshll.u32 s6, $0x8  }
0x56: {  	s2 =	sor.u32 $0x80, s7  }
0x57: {  	s4 =	sand.u32 $0x3FFFFF80, s2  }
0x58: {  	v3 =	vld [tilespmem:s4+$0x0];
	_ =	sdelay $0x4  }
0x59: {  	v4 =	vshll.u32 v3, $0x1  }
0x5a: {  	v3 =	vand.u32 $0x7, v3;
	v4 =	vand.u32 $0xFFFFFFF0, v4  }
0x5b: {  	v3 =	vor.u32 v3, v4  }
0x5c: {  	v4 =	vperm.xlane v3, v0;
	_ =	sdelay $0x1  }
0x5d: {  	v3 =	vperm.xlane v3, v2;
	v4 =	vadd.s32 v1, v4;
	_ =	sdelay $0x1  }
0x5e: {  	v3 =	vadd.s32 v1, v3;
	_ =	sdelay $0x1  }
0x5f: {  	s8 =	simm.s32 $0x6000;
	s2 =	simm.s32 $0x0  }
0x60: {  	[tilespmem:s8], [sflag:$0x2] =	stream.indirect_vreg.gather [hbm4b:s1+s2], $0x80, v4, vm0, $0xb8;
	[tilespmem:$0x13800] =	vst v63  }
0x61: {  	s20 =	simm.s32 $0x6800  }
0x62: {  	[tilespmem:s20], [sflag:$0x2] =	stream.indirect_vreg.gather [hbm4b:s1+s2], $0x80, v3, vm0, $0xb8;
	[tilespmem:$0x13800] =	vst v63  }
0x63: {  	v3 =	vld [tilespmem:s4+$0x10];
	_ =	sdelay $0x4  }
0x64: {  	v59 =	vshll.u32 v3, $0x1  }
0x65: {  	v3 =	vand.u32 $0x7, v3;
	v4 =	vand.u32 $0xFFFFFFF0, v59  }
0x66: {  	v3 =	vor.u32 v3, v4  }
0x67: {  	v4 =	vperm.xlane v3, v0;
	_ =	sdelay $0x1  }
0x68: {  	v3 =	vperm.xlane v3, v2;
	v4 =	vadd.s32 v1, v4;
	_ =	sdelay $0x1  }
0x69: {  	v3 =	vadd.s32 v1, v3;
	_ =	sdelay $0x1  }
0x6a: {  	s21 =	simm.s32 $0x7000  }
0x6b: {  	[tilespmem:s21], [sflag:$0x2] =	stream.indirect_vreg.gather [hbm4b:s1+s2], $0x80, v4, vm0, $0xb8;
	[tilespmem:$0x13800] =	vst v63  }
0x6c: {  	_ = 	snop  }
0x6d: {  	[tilespmem:s22], [sflag:$0x2] =	stream.indirect_vreg.gather [hbm4b:s1+s2], $0x80, v3, vm0, $0xb8;
	[tilespmem:$0x13800] =	vst v63  }
0x6e: {  	v3 =	vld [tilespmem:s4+$0x20];
	_ =	sdelay $0x4  }
0x6f: {  	v60 =	vshll.u32 v3, $0x1  }
0x70: {  	v3 =	vand.u32 $0x7, v3;
	v4 =	vand.u32 $0xFFFFFFF0, v60  }
0x71: {  	v3 =	vor.u32 v3, v4  }
0x72: {  	v4 =	vperm.xlane v3, v0;
	_ =	sdelay $0x1  }
0x73: {  	v3 =	vperm.xlane v3, v2;
	v4 =	vadd.s32 v1, v4;
	_ =	sdelay $0x1  }
0x74: {  	v3 =	vadd.s32 v1, v3;
	_ =	sdelay $0x2  }
0x75: {  	[tilespmem:s23], [sflag:$0x2] =	stream.indirect_vreg.gather [hbm4b:s1+s2], $0x80, v4, vm0, $0xb8;
	[tilespmem:$0x13800] =	vst v63  }
0x76: {  	_ = 	snop  }
0x77: {  	[tilespmem:s24], [sflag:$0x2] =	stream.indirect_vreg.gather [hbm4b:s1+s2], $0x80, v3, vm0, $0xb8;
	[tilespmem:$0x13800] =	vst v63  }
0x78: {  	v3 =	vld [tilespmem:s4+$0x30];
	_ =	sdelay $0x4  }
0x79: {  	v61 =	vshll.u32 v3, $0x1  }
0x7a: {  	v3 =	vand.u32 $0x7, v3;
	v4 =	vand.u32 $0xFFFFFFF0, v61  }
0x7b: {  	v3 =	vor.u32 v3, v4  }
0x7c: {  	v4 =	vperm.xlane v3, v0;
	_ =	sdelay $0x1  }
0x7d: {  	v3 =	vperm.xlane v3, v2;
	v4 =	vadd.s32 v1, v4;
	_ =	sdelay $0x1  }
0x7e: {  	v3 =	vadd.s32 v1, v3;
	_ =	sdelay $0x2  }
0x7f: {  	[tilespmem:s25], [sflag:$0x2] =	stream.indirect_vreg.gather [hbm4b:s1+s2], $0x80, v4, vm0, $0xb8;
	[tilespmem:$0x13800] =	vst v63  }
0x80: {  	_ = 	snop  }
0x81: {  	[tilespmem:s26], [sflag:$0x2] =	stream.indirect_vreg.gather [hbm4b:s1+s2], $0x80, v3, vm0, $0xb8;
	[tilespmem:$0x13800] =	vst v63  }
0x82: {  	v3 =	vld [tilespmem:s4+$0x40];
	_ =	sdelay $0x4  }
0x83: {  	v62 =	vshll.u32 v3, $0x1  }
0x84: {  	v3 =	vand.u32 $0x7, v3;
	v4 =	vand.u32 $0xFFFFFFF0, v62  }
0x85: {  	v3 =	vor.u32 v3, v4  }
0x86: {  	v4 =	vperm.xlane v3, v0;
	_ =	sdelay $0x1  }
0x87: {  	v3 =	vperm.xlane v3, v2;
	v4 =	vadd.s32 v1, v4;
	_ =	sdelay $0x1  }
0x88: {  	v3 =	vadd.s32 v1, v3;
	_ =	sdelay $0x2  }
0x89: {  	[tilespmem:s28], [sflag:$0x2] =	stream.indirect_vreg.gather [hbm4b:s1+s2], $0x80, v4, vm0, $0xb8;
	[tilespmem:$0x13800] =	vst v63  }
0x8a: {  	s4 =	sor.u32 $0x50, s4  }
0x8b: {  	[tilespmem:s29], [sflag:$0x2] =	stream.indirect_vreg.gather [hbm4b:s1+s2], $0x80, v3, vm0, $0xb8;
	[tilespmem:$0x13800] =	vst v63  }
0x8c: {  	v3 =	vld.msk [tilespmem:s4+$0x0], $0xff;
	_ =	sdelay $0x4  }
0x8d: {  	v63 =	vshll.u32 v3, $0x1  }
0x8e: {  	v3 =	vand.u32 $0x7, v3;
	v4 =	vand.u32 $0xFFFFFFF0, v63  }
0x8f: {  	v3 =	vor.u32 v3, v4  }
0x90: {  	v3 =	vperm.xlane v3, v0;
	_ =	sdelay $0x1  }
0x91: {  	v3 =	vadd.s32 v1, v3;
	_ =	sdelay $0x4  }
0x92: {  	[tilespmem:s30], [sflag:$0x2] =	stream.indirect_vreg.gather [hbm4b:s1+s2], $0x80, v3, vm0, $0xb8;
	[tilespmem:$0x13800] =	vst v63  }
0x93: {  	_ =	swait.ge [sflag:s31], $0x5800  }
0x94: {  	s10 =	simm.s32 $0x0;
	[sflag:s31] =	ssyncset.done $0x0  }
0x95: {  	s8 =	simm.s32 $0x500;
	s4 =	smov.u32 s9;
	[sflag:s31] =	ssyncadd.s32 $0xFFFFA800  }
.LBB2_3:
0x96: {  	s11 =	sand.u32 $0x7800, s10  }
0x97: {  	s12 =	sand.u32 $0x380, s2;
	s13 =	sadd.s32 $0x100, s10;
	s14 =	sadd.s32 $0xFFFFFB80, s8  }
0x98: {  	s11 =	sor.u32 s12, s11;
	s20 =	sand.u32 $0xF800, s13;
	s21 =	sand.u32 $0x380, s14  }
0x99: {  	s15 =	sadd.s32 $0xFFFFFC00, s8;
	s14 =	sadd.s32 $0x200, s10;
	v3 =	vld [tilespmem:s11+$0x800];
	s12 =	sor.u32 s21, s20  }
0x9a: {  	s13 =	sand.u32 $0xF800, s14;
	s14 =	sand.u32 $0x380, s15;
	v4 =	vld [tilespmem:s12+$0x800]  }
0x9b: {  	s16 =	sadd.s32 $0x300, s10;
	s15 =	sadd.s32 $0xFFFFFC80, s8;
	s13 =	sor.u32 s14, s13  }
0x9c: {  	s14 =	sand.u32 $0xF800, s16;
	s15 =	sand.u32 $0x380, s15;
	v5 =	vld [tilespmem:s13+$0x800]  }
0x9d: {  	s17 =	sadd.s32 $0x400, s10;
	s16 =	sadd.s32 $0xFFFFFD00, s8;
	s14 =	sor.u32 s15, s14  }
0x9e: {  	s15 =	sand.u32 $0xF800, s17;
	s16 =	sand.u32 $0x380, s16;
	v6 =	vld [tilespmem:s14+$0x800]  }
0x9f: {  	s18 =	sadd.s32 $0x500, s10;
	s17 =	sadd.s32 $0xFFFFFD80, s8;
	s15 =	sor.u32 s16, s15;
	v3 =	vadd.f32 v4, v3  }
0xa0: {  	s16 =	sand.u32 $0xF800, s18;
	s17 =	sand.u32 $0x380, s17;
	v18 =	vld [tilespmem:s15+$0x800]  }
0xa1: {  	s19 =	sadd.s32 $0x600, s10;
	s18 =	sadd.s32 $0xFFFFFE00, s8;
	s16 =	sor.u32 s17, s16;
	v3 =	vadd.f32 v5, v3  }
0xa2: {  	s17 =	sand.u32 $0xF800, s19;
	s18 =	sand.u32 $0x380, s18;
	v19 =	vld [tilespmem:s16+$0x800]  }
0xa3: {  	s20 =	sadd.s32 $0x700, s10;
	s19 =	sadd.s32 $0xFFFFFE80, s8;
	s17 =	sor.u32 s18, s17;
	v3 =	vadd.f32 v6, v3  }
0xa4: {  	s18 =	sand.u32 $0xF800, s20;
	s19 =	sand.u32 $0x380, s19;
	v20 =	vld [tilespmem:s17+$0x800]  }
0xa5: {  	s18 =	sor.u32 s19, s18;
	v3 =	vadd.f32 v18, v3  }
0xa6: {  	v21 =	vld [tilespmem:s18+$0x800]  }
0xa7: {  	s21 =	sadd.s32 $0x900, s10;
	s20 =	sadd.s32 $0xFFFFFF80, s8;
	v3 =	vadd.f32 v19, v3  }
0xa8: {  	v22 =	vld [tilespmem:s11+$0x1000];
	s19 =	sand.u32 $0xF800, s21;
	s20 =	sand.u32 $0x380, s20  }
0xa9: {  	s21 =	sadd.s32 $0xA00, s10;
	s19 =	sor.u32 s20, s19;
	v3 =	vadd.f32 v20, v3  }
0xaa: {  	s20 =	sand.u32 $0xF800, s21;
	s21 =	sand.u32 $0x380, s8;
	v23 =	vld [tilespmem:s19+$0x800]  }
0xab: {  	s20 =	sor.u32 s21, s20;
	v3 =	vadd.f32 v21, v3  }
0xac: {  	v24 =	vld [tilespmem:s20+$0x800]  }
0xad: {  	v3 =	vadd.f32 v22, v3;
	_ =	sdelay $0x1  }
0xae: {  	v3 =	vadd.f32 v23, v3;
	_ =	sdelay $0x1  }
0xaf: {  	v3 =	vadd.f32 v24, v3;
	_ =	sdelay $0x1  }
0xb0: {  	v3 =	vmul.f32 $3.015113470e-01, v3;
	_ =	sdelay $0x1  }
0xb1: {  	[tilespmem:s4+$0xFFFFFC00] =	vst v3  }
0xb2: {  	v3 =	vld [tilespmem:s11+$0x810]  }
0xb3: {  	v25 =	vld [tilespmem:s12+$0x810];
	_ =	sdelay $0x1  }
0xb4: {  	v26 =	vld [tilespmem:s13+$0x810];
	_ =	sdelay $0x1  }
0xb5: {  	v27 =	vld [tilespmem:s14+$0x810]  }
0xb6: {  	v3 =	vadd.f32 v25, v3  }
0xb7: {  	v28 =	vld [tilespmem:s15+$0x810]  }
0xb8: {  	v3 =	vadd.f32 v26, v3  }
0xb9: {  	v29 =	vld [tilespmem:s16+$0x810]  }
0xba: {  	v3 =	vadd.f32 v27, v3  }
0xbb: {  	v30 =	vld [tilespmem:s17+$0x810]  }
0xbc: {  	v3 =	vadd.f32 v28, v3  }
0xbd: {  	v31 =	vld [tilespmem:s18+$0x810]  }
0xbe: {  	v3 =	vadd.f32 v29, v3  }
0xbf: {  	v32 =	vld [tilespmem:s11+$0x1010]  }
0xc0: {  	v3 =	vadd.f32 v30, v3  }
0xc1: {  	v33 =	vld [tilespmem:s19+$0x810]  }
0xc2: {  	v3 =	vadd.f32 v31, v3  }
0xc3: {  	v34 =	vld [tilespmem:s20+$0x810]  }
0xc4: {  	v3 =	vadd.f32 v32, v3;
	_ =	sdelay $0x1  }
0xc5: {  	v3 =	vadd.f32 v33, v3;
	_ =	sdelay $0x1  }
0xc6: {  	v3 =	vadd.f32 v34, v3;
	_ =	sdelay $0x1  }
0xc7: {  	v3 =	vmul.f32 $3.015113470e-01, v3;
	_ =	sdelay $0x1  }
0xc8: {  	[tilespmem:s4+$0xFFFFFC10] =	vst v3  }
0xc9: {  	v3 =	vld [tilespmem:s11+$0x820]  }
0xca: {  	v35 =	vld [tilespmem:s12+$0x820];
	_ =	sdelay $0x1  }
0xcb: {  	v36 =	vld [tilespmem:s13+$0x820];
	_ =	sdelay $0x1  }
0xcc: {  	v37 =	vld [tilespmem:s14+$0x820]  }
0xcd: {  	v3 =	vadd.f32 v35, v3  }
0xce: {  	v38 =	vld [tilespmem:s15+$0x820]  }
0xcf: {  	v3 =	vadd.f32 v36, v3  }
0xd0: {  	v39 =	vld [tilespmem:s16+$0x820]  }
0xd1: {  	v3 =	vadd.f32 v37, v3  }
0xd2: {  	v40 =	vld [tilespmem:s17+$0x820]  }
0xd3: {  	v3 =	vadd.f32 v38, v3  }
0xd4: {  	v41 =	vld [tilespmem:s18+$0x820]  }
0xd5: {  	v3 =	vadd.f32 v39, v3  }
0xd6: {  	v42 =	vld [tilespmem:s11+$0x1020]  }
0xd7: {  	v3 =	vadd.f32 v40, v3  }
0xd8: {  	v43 =	vld [tilespmem:s19+$0x820]  }
0xd9: {  	v3 =	vadd.f32 v41, v3  }
0xda: {  	v44 =	vld [tilespmem:s20+$0x820]  }
0xdb: {  	v3 =	vadd.f32 v42, v3;
	_ =	sdelay $0x1  }
0xdc: {  	v3 =	vadd.f32 v43, v3;
	_ =	sdelay $0x1  }
0xdd: {  	v3 =	vadd.f32 v44, v3;
	_ =	sdelay $0x1  }
0xde: {  	v3 =	vmul.f32 $3.015113470e-01, v3;
	_ =	sdelay $0x1  }
0xdf: {  	[tilespmem:s4+$0xFFFFFC20] =	vst v3  }
0xe0: {  	v3 =	vld [tilespmem:s11+$0x830]  }
0xe1: {  	v45 =	vld [tilespmem:s12+$0x830];
	_ =	sdelay $0x1  }
0xe2: {  	v46 =	vld [tilespmem:s13+$0x830];
	_ =	sdelay $0x1  }
0xe3: {  	v47 =	vld [tilespmem:s14+$0x830]  }
0xe4: {  	v3 =	vadd.f32 v45, v3  }
0xe5: {  	v48 =	vld [tilespmem:s15+$0x830]  }
0xe6: {  	v3 =	vadd.f32 v46, v3  }
0xe7: {  	v49 =	vld [tilespmem:s16+$0x830]  }
0xe8: {  	v3 =	vadd.f32 v47, v3  }
0xe9: {  	v50 =	vld [tilespmem:s17+$0x830]  }
0xea: {  	v3 =	vadd.f32 v48, v3  }
0xeb: {  	v51 =	vld [tilespmem:s18+$0x830]  }
0xec: {  	v3 =	vadd.f32 v49, v3  }
0xed: {  	v52 =	vld [tilespmem:s11+$0x1030]  }
0xee: {  	v3 =	vadd.f32 v50, v3  }
0xef: {  	v53 =	vld [tilespmem:s19+$0x830]  }
0xf0: {  	v3 =	vadd.f32 v51, v3  }
0xf1: {  	v54 =	vld [tilespmem:s20+$0x830]  }
0xf2: {  	v3 =	vadd.f32 v52, v3;
	_ =	sdelay $0x1  }
0xf3: {  	v3 =	vadd.f32 v53, v3;
	_ =	sdelay $0x1  }
0xf4: {  	v3 =	vadd.f32 v54, v3;
	_ =	sdelay $0x1  }
0xf5: {  	v3 =	vmul.f32 $3.015113470e-01, v3;
	_ =	sdelay $0x1  }
0xf6: {  	[tilespmem:s4+$0xFFFFFC30] =	vst v3  }
0xf7: {  	v3 =	vld [tilespmem:s11+$0x840]  }
0xf8: {  	v55 =	vld [tilespmem:s12+$0x840];
	_ =	sdelay $0x1  }
0xf9: {  	v56 =	vld [tilespmem:s13+$0x840];
	_ =	sdelay $0x1  }
0xfa: {  	v57 =	vld [tilespmem:s14+$0x840]  }
0xfb: {  	v3 =	vadd.f32 v55, v3  }
0xfc: {  	v58 =	vld [tilespmem:s15+$0x840]  }
0xfd: {  	v3 =	vadd.f32 v56, v3  }
0xfe: {  	v59 =	vld [tilespmem:s16+$0x840]  }
0xff: {  	v3 =	vadd.f32 v57, v3  }
0x100: {  	v60 =	vld [tilespmem:s17+$0x840]  }
0x101: {  	v3 =	vadd.f32 v58, v3  }
0x102: {  	v61 =	vld [tilespmem:s18+$0x840]  }
0x103: {  	v3 =	vadd.f32 v59, v3  }
0x104: {  	v62 =	vld [tilespmem:s11+$0x1040]  }
0x105: {  	v3 =	vadd.f32 v60, v3  }
0x106: {  	v63 =	vld [tilespmem:s19+$0x840]  }
0x107: {  	v3 =	vadd.f32 v61, v3  }
0x108: {  	v8 =	vld [tilespmem:s20+$0x840]  }
0x109: {  	v3 =	vadd.f32 v62, v3;
	_ =	sdelay $0x1  }
0x10a: {  	v3 =	vadd.f32 v63, v3;
	_ =	sdelay $0x1  }
0x10b: {  	v3 =	vadd.f32 v8, v3;
	_ =	sdelay $0x1  }
0x10c: {  	v3 =	vmul.f32 $3.015113470e-01, v3;
	_ =	sdelay $0x1  }
0x10d: {  	[tilespmem:s4+$0xFFFFFC40] =	vst v3  }
0x10e: {  	v3 =	vld [tilespmem:s11+$0x850]  }
0x10f: {  	v9 =	vld [tilespmem:s12+$0x850];
	_ =	sdelay $0x1  }
0x110: {  	v10 =	vld [tilespmem:s13+$0x850];
	_ =	sdelay $0x1  }
0x111: {  	v11 =	vld [tilespmem:s14+$0x850]  }
0x112: {  	v3 =	vadd.f32 v9, v3  }
0x113: {  	v12 =	vld [tilespmem:s15+$0x850]  }
0x114: {  	v3 =	vadd.f32 v10, v3  }
0x115: {  	v13 =	vld [tilespmem:s16+$0x850]  }
0x116: {  	v3 =	vadd.f32 v11, v3  }
0x117: {  	v14 =	vld [tilespmem:s17+$0x850]  }
0x118: {  	v3 =	vadd.f32 v12, v3  }
0x119: {  	v15 =	vld [tilespmem:s18+$0x850]  }
0x11a: {  	v3 =	vadd.f32 v13, v3  }
0x11b: {  	v16 =	vld [tilespmem:s11+$0x1050]  }
0x11c: {  	v3 =	vadd.f32 v14, v3  }
0x11d: {  	v17 =	vld [tilespmem:s19+$0x850]  }
0x11e: {  	v3 =	vadd.f32 v15, v3  }
0x11f: {  	v18 =	vld [tilespmem:s20+$0x850]  }
0x120: {  	v3 =	vadd.f32 v16, v3;
	_ =	sdelay $0x1  }
0x121: {  	v3 =	vadd.f32 v17, v3;
	_ =	sdelay $0x1  }
0x122: {  	v3 =	vadd.f32 v18, v3;
	_ =	sdelay $0x1  }
0x123: {  	v3 =	vmul.f32 $3.015113470e-01, v3;
	_ =	sdelay $0x1  }
0x124: {  	[tilespmem:s4+$0xFFFFFC50] =	vst v3  }
0x125: {  	v3 =	vld [tilespmem:s11+$0x860]  }
0x126: {  	v19 =	vld [tilespmem:s12+$0x860];
	_ =	sdelay $0x1  }
0x127: {  	v20 =	vld [tilespmem:s13+$0x860];
	_ =	sdelay $0x1  }
0x128: {  	v21 =	vld [tilespmem:s14+$0x860]  }
0x129: {  	v3 =	vadd.f32 v19, v3  }
0x12a: {  	v22 =	vld [tilespmem:s15+$0x860]  }
0x12b: {  	v3 =	vadd.f32 v20, v3  }
0x12c: {  	v23 =	vld [tilespmem:s16+$0x860]  }
0x12d: {  	v3 =	vadd.f32 v21, v3  }
0x12e: {  	v24 =	vld [tilespmem:s17+$0x860]  }
0x12f: {  	v3 =	vadd.f32 v22, v3  }
0x130: {  	v25 =	vld [tilespmem:s18+$0x860]  }
0x131: {  	v3 =	vadd.f32 v23, v3  }
0x132: {  	v26 =	vld [tilespmem:s11+$0x1060]  }
0x133: {  	v3 =	vadd.f32 v24, v3  }
0x134: {  	v27 =	vld [tilespmem:s19+$0x860]  }
0x135: {  	v3 =	vadd.f32 v25, v3  }
0x136: {  	v28 =	vld [tilespmem:s20+$0x860]  }
0x137: {  	v3 =	vadd.f32 v26, v3;
	_ =	sdelay $0x1  }
0x138: {  	v3 =	vadd.f32 v27, v3;
	_ =	sdelay $0x1  }
0x139: {  	v3 =	vadd.f32 v28, v3;
	_ =	sdelay $0x1  }
0x13a: {  	v3 =	vmul.f32 $3.015113470e-01, v3;
	_ =	sdelay $0x1  }
0x13b: {  	[tilespmem:s4+$0xFFFFFC60] =	vst v3  }
0x13c: {  	v3 =	vld [tilespmem:s11+$0x870]  }
0x13d: {  	v29 =	vld [tilespmem:s12+$0x870];
	_ =	sdelay $0x1  }
0x13e: {  	v30 =	vld [tilespmem:s13+$0x870];
	_ =	sdelay $0x1  }
0x13f: {  	v31 =	vld [tilespmem:s14+$0x870]  }
0x140: {  	v3 =	vadd.f32 v29, v3  }
0x141: {  	v32 =	vld [tilespmem:s15+$0x870]  }
0x142: {  	v3 =	vadd.f32 v30, v3  }
0x143: {  	v33 =	vld [tilespmem:s16+$0x870]  }
0x144: {  	v3 =	vadd.f32 v31, v3  }
0x145: {  	v34 =	vld [tilespmem:s17+$0x870]  }
0x146: {  	v3 =	vadd.f32 v32, v3  }
0x147: {  	v35 =	vld [tilespmem:s18+$0x870]  }
0x148: {  	v3 =	vadd.f32 v33, v3  }
0x149: {  	v36 =	vld [tilespmem:s11+$0x1070]  }
0x14a: {  	v3 =	vadd.f32 v34, v3  }
0x14b: {  	v37 =	vld [tilespmem:s19+$0x870]  }
0x14c: {  	v3 =	vadd.f32 v35, v3  }
0x14d: {  	v38 =	vld [tilespmem:s20+$0x870]  }
0x14e: {  	v3 =	vadd.f32 v36, v3;
	_ =	sdelay $0x1  }
0x14f: {  	v3 =	vadd.f32 v37, v3;
	_ =	sdelay $0x1  }
0x150: {  	v3 =	vadd.f32 v38, v3;
	_ =	sdelay $0x1  }
0x151: {  	v3 =	vmul.f32 $3.015113470e-01, v3;
	_ =	sdelay $0x1  }
0x152: {  	[tilespmem:s4+$0xFFFFFC70] =	vst v3  }
0x153: {  	v3 =	vld [tilespmem:s11+$0xC00]  }
0x154: {  	v39 =	vld [tilespmem:s12+$0xC00];
	_ =	sdelay $0x1  }
0x155: {  	v40 =	vld [tilespmem:s13+$0xC00];
	_ =	sdelay $0x1  }
0x156: {  	v41 =	vld [tilespmem:s14+$0xC00]  }
0x157: {  	v3 =	vadd.f32 v39, v3  }
0x158: {  	v42 =	vld [tilespmem:s15+$0xC00]  }
0x159: {  	v3 =	vadd.f32 v40, v3  }
0x15a: {  	v43 =	vld [tilespmem:s16+$0xC00]  }
0x15b: {  	v3 =	vadd.f32 v41, v3  }
0x15c: {  	v44 =	vld [tilespmem:s17+$0xC00]  }
0x15d: {  	v3 =	vadd.f32 v42, v3  }
0x15e: {  	v45 =	vld [tilespmem:s18+$0xC00]  }
0x15f: {  	v3 =	vadd.f32 v43, v3  }
0x160: {  	v46 =	vld [tilespmem:s11+$0x1400]  }
0x161: {  	v3 =	vadd.f32 v44, v3  }
0x162: {  	v47 =	vld [tilespmem:s19+$0xC00]  }
0x163: {  	v3 =	vadd.f32 v45, v3  }
0x164: {  	v48 =	vld [tilespmem:s20+$0xC00]  }
0x165: {  	v3 =	vadd.f32 v46, v3;
	_ =	sdelay $0x1  }
0x166: {  	v3 =	vadd.f32 v47, v3;
	_ =	sdelay $0x1  }
0x167: {  	v3 =	vadd.f32 v48, v3;
	_ =	sdelay $0x1  }
0x168: {  	v3 =	vmul.f32 $3.015113470e-01, v3;
	_ =	sdelay $0x1  }
0x169: {  	[tilespmem:s4+$0x0] =	vst v3  }
0x16a: {  	v3 =	vld [tilespmem:s11+$0xC10]  }
0x16b: {  	v49 =	vld [tilespmem:s12+$0xC10];
	_ =	sdelay $0x1  }
0x16c: {  	v50 =	vld [tilespmem:s13+$0xC10];
	_ =	sdelay $0x1  }
0x16d: {  	v51 =	vld [tilespmem:s14+$0xC10]  }
0x16e: {  	v3 =	vadd.f32 v49, v3  }
0x16f: {  	v52 =	vld [tilespmem:s15+$0xC10]  }
0x170: {  	v3 =	vadd.f32 v50, v3  }
0x171: {  	v53 =	vld [tilespmem:s16+$0xC10]  }
0x172: {  	v3 =	vadd.f32 v51, v3  }
0x173: {  	v54 =	vld [tilespmem:s17+$0xC10]  }
0x174: {  	v3 =	vadd.f32 v52, v3  }
0x175: {  	v55 =	vld [tilespmem:s18+$0xC10]  }
0x176: {  	v3 =	vadd.f32 v53, v3  }
0x177: {  	v56 =	vld [tilespmem:s11+$0x1410]  }
0x178: {  	v3 =	vadd.f32 v54, v3  }
0x179: {  	v57 =	vld [tilespmem:s19+$0xC10]  }
0x17a: {  	v3 =	vadd.f32 v55, v3  }
0x17b: {  	v58 =	vld [tilespmem:s20+$0xC10]  }
0x17c: {  	v3 =	vadd.f32 v56, v3;
	_ =	sdelay $0x1  }
0x17d: {  	v3 =	vadd.f32 v57, v3;
	_ =	sdelay $0x1  }
0x17e: {  	v3 =	vadd.f32 v58, v3;
	_ =	sdelay $0x1  }
0x17f: {  	v3 =	vmul.f32 $3.015113470e-01, v3;
	_ =	sdelay $0x1  }
0x180: {  	[tilespmem:s4+$0x10] =	vst v3  }
0x181: {  	v3 =	vld [tilespmem:s11+$0xC20]  }
0x182: {  	v59 =	vld [tilespmem:s12+$0xC20];
	_ =	sdelay $0x1  }
0x183: {  	v60 =	vld [tilespmem:s13+$0xC20];
	_ =	sdelay $0x1  }
0x184: {  	v61 =	vld [tilespmem:s14+$0xC20]  }
0x185: {  	v3 =	vadd.f32 v59, v3  }
0x186: {  	v62 =	vld [tilespmem:s15+$0xC20]  }
0x187: {  	v3 =	vadd.f32 v60, v3  }
0x188: {  	v63 =	vld [tilespmem:s16+$0xC20]  }
0x189: {  	v3 =	vadd.f32 v61, v3  }
0x18a: {  	v9 =	vld [tilespmem:s17+$0xC20]  }
0x18b: {  	v3 =	vadd.f32 v62, v3  }
0x18c: {  	v10 =	vld [tilespmem:s18+$0xC20]  }
0x18d: {  	v3 =	vadd.f32 v63, v3  }
0x18e: {  	v11 =	vld [tilespmem:s11+$0x1420]  }
0x18f: {  	v3 =	vadd.f32 v9, v3  }
0x190: {  	v12 =	vld [tilespmem:s19+$0xC20]  }
0x191: {  	v3 =	vadd.f32 v10, v3  }
0x192: {  	v13 =	vld [tilespmem:s20+$0xC20]  }
0x193: {  	v3 =	vadd.f32 v11, v3;
	_ =	sdelay $0x1  }
0x194: {  	v3 =	vadd.f32 v12, v3;
	_ =	sdelay $0x1  }
0x195: {  	v3 =	vadd.f32 v13, v3;
	_ =	sdelay $0x1  }
0x196: {  	v3 =	vmul.f32 $3.015113470e-01, v3;
	_ =	sdelay $0x1  }
0x197: {  	[tilespmem:s4+$0x20] =	vst v3  }
0x198: {  	v3 =	vld [tilespmem:s11+$0xC30]  }
0x199: {  	v14 =	vld [tilespmem:s12+$0xC30];
	_ =	sdelay $0x1  }
0x19a: {  	v15 =	vld [tilespmem:s13+$0xC30];
	_ =	sdelay $0x1  }
0x19b: {  	v16 =	vld [tilespmem:s14+$0xC30]  }
0x19c: {  	v3 =	vadd.f32 v14, v3  }
0x19d: {  	v17 =	vld [tilespmem:s15+$0xC30]  }
0x19e: {  	v3 =	vadd.f32 v15, v3  }
0x19f: {  	v18 =	vld [tilespmem:s16+$0xC30]  }
0x1a0: {  	v3 =	vadd.f32 v16, v3  }
0x1a1: {  	v19 =	vld [tilespmem:s17+$0xC30]  }
0x1a2: {  	v3 =	vadd.f32 v17, v3  }
0x1a3: {  	v20 =	vld [tilespmem:s18+$0xC30]  }
0x1a4: {  	v3 =	vadd.f32 v18, v3  }
0x1a5: {  	v21 =	vld [tilespmem:s11+$0x1430]  }
0x1a6: {  	v3 =	vadd.f32 v19, v3  }
0x1a7: {  	v22 =	vld [tilespmem:s19+$0xC30]  }
0x1a8: {  	v3 =	vadd.f32 v20, v3  }
0x1a9: {  	v23 =	vld [tilespmem:s20+$0xC30]  }
0x1aa: {  	v3 =	vadd.f32 v21, v3;
	_ =	sdelay $0x1  }
0x1ab: {  	v3 =	vadd.f32 v22, v3;
	_ =	sdelay $0x1  }
0x1ac: {  	v3 =	vadd.f32 v23, v3;
	_ =	sdelay $0x1  }
0x1ad: {  	v3 =	vmul.f32 $3.015113470e-01, v3;
	_ =	sdelay $0x1  }
0x1ae: {  	[tilespmem:s4+$0x30] =	vst v3  }
0x1af: {  	v3 =	vld [tilespmem:s11+$0xC40]  }
0x1b0: {  	v24 =	vld [tilespmem:s12+$0xC40];
	_ =	sdelay $0x1  }
0x1b1: {  	v25 =	vld [tilespmem:s13+$0xC40];
	_ =	sdelay $0x1  }
0x1b2: {  	v26 =	vld [tilespmem:s14+$0xC40]  }
0x1b3: {  	v3 =	vadd.f32 v24, v3  }
0x1b4: {  	v27 =	vld [tilespmem:s15+$0xC40]  }
0x1b5: {  	v3 =	vadd.f32 v25, v3  }
0x1b6: {  	v28 =	vld [tilespmem:s16+$0xC40]  }
0x1b7: {  	v3 =	vadd.f32 v26, v3  }
0x1b8: {  	v29 =	vld [tilespmem:s17+$0xC40]  }
0x1b9: {  	v3 =	vadd.f32 v27, v3  }
0x1ba: {  	v30 =	vld [tilespmem:s18+$0xC40]  }
0x1bb: {  	v3 =	vadd.f32 v28, v3  }
0x1bc: {  	v31 =	vld [tilespmem:s11+$0x1440]  }
0x1bd: {  	v3 =	vadd.f32 v29, v3  }
0x1be: {  	v32 =	vld [tilespmem:s19+$0xC40]  }
0x1bf: {  	v3 =	vadd.f32 v30, v3  }
0x1c0: {  	v33 =	vld [tilespmem:s20+$0xC40]  }
0x1c1: {  	v3 =	vadd.f32 v31, v3;
	_ =	sdelay $0x1  }
0x1c2: {  	v3 =	vadd.f32 v32, v3;
	_ =	sdelay $0x1  }
0x1c3: {  	v3 =	vadd.f32 v33, v3;
	_ =	sdelay $0x1  }
0x1c4: {  	v3 =	vmul.f32 $3.015113470e-01, v3;
	_ =	sdelay $0x1  }
0x1c5: {  	[tilespmem:s4+$0x40] =	vst v3  }
0x1c6: {  	v3 =	vld [tilespmem:s11+$0xC50]  }
0x1c7: {  	v34 =	vld [tilespmem:s12+$0xC50];
	_ =	sdelay $0x1  }
0x1c8: {  	v35 =	vld [tilespmem:s13+$0xC50];
	_ =	sdelay $0x1  }
0x1c9: {  	v36 =	vld [tilespmem:s14+$0xC50]  }
0x1ca: {  	v3 =	vadd.f32 v34, v3  }
0x1cb: {  	v37 =	vld [tilespmem:s15+$0xC50]  }
0x1cc: {  	v3 =	vadd.f32 v35, v3  }
0x1cd: {  	v38 =	vld [tilespmem:s16+$0xC50]  }
0x1ce: {  	v3 =	vadd.f32 v36, v3  }
0x1cf: {  	v39 =	vld [tilespmem:s17+$0xC50]  }
0x1d0: {  	v3 =	vadd.f32 v37, v3  }
0x1d1: {  	v40 =	vld [tilespmem:s18+$0xC50]  }
0x1d2: {  	v3 =	vadd.f32 v38, v3  }
0x1d3: {  	v41 =	vld [tilespmem:s11+$0x1450]  }
0x1d4: {  	v3 =	vadd.f32 v39, v3  }
0x1d5: {  	v42 =	vld [tilespmem:s19+$0xC50]  }
0x1d6: {  	v3 =	vadd.f32 v40, v3  }
0x1d7: {  	v43 =	vld [tilespmem:s20+$0xC50]  }
0x1d8: {  	v3 =	vadd.f32 v41, v3;
	_ =	sdelay $0x1  }
0x1d9: {  	v3 =	vadd.f32 v42, v3;
	_ =	sdelay $0x1  }
0x1da: {  	v3 =	vadd.f32 v43, v3;
	_ =	sdelay $0x1  }
0x1db: {  	v3 =	vmul.f32 $3.015113470e-01, v3;
	_ =	sdelay $0x1  }
0x1dc: {  	[tilespmem:s4+$0x50] =	vst v3  }
0x1dd: {  	v3 =	vld [tilespmem:s11+$0xC60]  }
0x1de: {  	v44 =	vld [tilespmem:s12+$0xC60];
	_ =	sdelay $0x1  }
0x1df: {  	v45 =	vld [tilespmem:s13+$0xC60];
	_ =	sdelay $0x1  }
0x1e0: {  	v46 =	vld [tilespmem:s14+$0xC60]  }
0x1e1: {  	v3 =	vadd.f32 v44, v3  }
0x1e2: {  	v47 =	vld [tilespmem:s15+$0xC60]  }
0x1e3: {  	v3 =	vadd.f32 v45, v3  }
0x1e4: {  	v48 =	vld [tilespmem:s16+$0xC60]  }
0x1e5: {  	v3 =	vadd.f32 v46, v3  }
0x1e6: {  	v49 =	vld [tilespmem:s17+$0xC60]  }
0x1e7: {  	v3 =	vadd.f32 v47, v3  }
0x1e8: {  	v50 =	vld [tilespmem:s18+$0xC60]  }
0x1e9: {  	v3 =	vadd.f32 v48, v3  }
0x1ea: {  	v51 =	vld [tilespmem:s11+$0x1460]  }
0x1eb: {  	v3 =	vadd.f32 v49, v3  }
0x1ec: {  	v52 =	vld [tilespmem:s19+$0xC60]  }
0x1ed: {  	v3 =	vadd.f32 v50, v3  }
0x1ee: {  	v53 =	vld [tilespmem:s20+$0xC60]  }
0x1ef: {  	v3 =	vadd.f32 v51, v3;
	_ =	sdelay $0x1  }
0x1f0: {  	v3 =	vadd.f32 v52, v3;
	_ =	sdelay $0x1  }
0x1f1: {  	v3 =	vadd.f32 v53, v3;
	_ =	sdelay $0x1  }
0x1f2: {  	v3 =	vmul.f32 $3.015113470e-01, v3;
	_ =	sdelay $0x1  }
0x1f3: {  	[tilespmem:s4+$0x60] =	vst v3  }
0x1f4: {  	v3 =	vld [tilespmem:s11+$0xC70]  }
0x1f5: {  	v54 =	vld [tilespmem:s12+$0xC70];
	_ =	sdelay $0x1  }
0x1f6: {  	v55 =	vld [tilespmem:s13+$0xC70];
	_ =	sdelay $0x1  }
0x1f7: {  	v56 =	vld [tilespmem:s14+$0xC70]  }
0x1f8: {  	v3 =	vadd.f32 v54, v3  }
0x1f9: {  	v57 =	vld [tilespmem:s15+$0xC70]  }
0x1fa: {  	v3 =	vadd.f32 v55, v3  }
0x1fb: {  	v58 =	vld [tilespmem:s16+$0xC70]  }
0x1fc: {  	v3 =	vadd.f32 v56, v3  }
0x1fd: {  	v59 =	vld [tilespmem:s17+$0xC70]  }
0x1fe: {  	v3 =	vadd.f32 v57, v3  }
0x1ff: {  	v60 =	vld [tilespmem:s18+$0xC70]  }
0x200: {  	v3 =	vadd.f32 v58, v3  }
0x201: {  	v61 =	vld [tilespmem:s11+$0x1470]  }
0x202: {  	v3 =	vadd.f32 v59, v3  }
0x203: {  	v62 =	vld [tilespmem:s19+$0xC70]  }
0x204: {  	v3 =	vadd.f32 v60, v3  }
0x205: {  	v63 =	vld [tilespmem:s20+$0xC70]  }
0x206: {  	v3 =	vadd.f32 v61, v3;
	_ =	sdelay $0x1  }
0x207: {  	v3 =	vadd.f32 v62, v3  }
0x208: {  	p0 =	sne.s32 s10, $0x4D00  }
.Ltmp0:
0x209: {  	v3 =	vadd.f32 v63, v3;
	(pc) =	sbr.rel @p0 .LBB2_3-.Ltmp0, $4  }
0x20a: {  	_ = 	snop  }
0x20b: {  	v3 =	vmul.f32 $3.015113470e-01, v3  }
0x20c: {  	s2 =	sadd.s32 $0x180, s2  }
0x20d: {  	s10 =	sadd.s32 $0xB00, s10;
	s8 =	sadd.s32 $0x580, s8;
	[tilespmem:s4+$0x70] =	vst v3;
	s4 =	sadd.s32 $0x80, s4  }
0x20e: {  	p0 =	seq.s32 s6, $0x7  }
.Ltmp1:
0x20f: {  	_ = 	snop;
	(pc) =	sbr.rel @p0 .LBB2_6-.Ltmp1, $1  }
0x210: {  	_ =	sdelay $0x3  }
0x211: {  	s2 =	sand.u32 $0x3FFFFF00, s7  }
0x212: {  	v3 =	vld [tilespmem:s2+$0x100];
	_ =	sdelay $0x4  }
0x213: {  	v4 =	vshll.u32 v3, $0x1  }
0x214: {  	v3 =	vand.u32 $0x7, v3;
	v4 =	vand.u32 $0xFFFFFFF0, v4  }
0x215: {  	v3 =	vor.u32 v3, v4  }
0x216: {  	v4 =	vperm.xlane v3, v0;
	_ =	sdelay $0x1  }
0x217: {  	v3 =	vperm.xlane v3, v2;
	v4 =	vadd.s32 v1, v4;
	_ =	sdelay $0x1  }
0x218: {  	v3 =	vadd.s32 v1, v3;
	_ =	sdelay $0x1  }
0x219: {  	s4 =	simm.s32 $0x800  }
0x21a: {  	[tilespmem:s4], [sflag:$0x1] =	stream.indirect_vreg.gather [hbm4b:s1+s3], $0x80, v4, vm0, $0xb8;
	[tilespmem:$0x13800] =	vst v63  }
0x21b: {  	s12 =	simm.s32 $0x1000  }
0x21c: {  	[tilespmem:s12], [sflag:$0x1] =	stream.indirect_vreg.gather [hbm4b:s1+s3], $0x80, v3, vm0, $0xb8;
	[tilespmem:$0x13800] =	vst v63  }
0x21d: {  	v3 =	vld [tilespmem:s2+$0x110];
	_ =	sdelay $0x4  }
0x21e: {  	v59 =	vshll.u32 v3, $0x1  }
0x21f: {  	v3 =	vand.u32 $0x7, v3;
	v4 =	vand.u32 $0xFFFFFFF0, v59  }
0x220: {  	v3 =	vor.u32 v3, v4  }
0x221: {  	v4 =	vperm.xlane v3, v0;
	_ =	sdelay $0x1  }
0x222: {  	v3 =	vperm.xlane v3, v2;
	v4 =	vadd.s32 v1, v4;
	_ =	sdelay $0x1  }
0x223: {  	v3 =	vadd.s32 v1, v3;
	_ =	sdelay $0x1  }
0x224: {  	s13 =	simm.s32 $0x1800  }
0x225: {  	[tilespmem:s13], [sflag:$0x1] =	stream.indirect_vreg.gather [hbm4b:s1+s3], $0x80, v4, vm0, $0xb8;
	[tilespmem:$0x13800] =	vst v63  }
0x226: {  	s14 =	simm.s32 $0x2000  }
0x227: {  	[tilespmem:s14], [sflag:$0x1] =	stream.indirect_vreg.gather [hbm4b:s1+s3], $0x80, v3, vm0, $0xb8;
	[tilespmem:$0x13800] =	vst v63  }
0x228: {  	v3 =	vld [tilespmem:s2+$0x120];
	_ =	sdelay $0x4  }
0x229: {  	v60 =	vshll.u32 v3, $0x1  }
0x22a: {  	v3 =	vand.u32 $0x7, v3;
	v4 =	vand.u32 $0xFFFFFFF0, v60  }
0x22b: {  	v3 =	vor.u32 v3, v4  }
0x22c: {  	v4 =	vperm.xlane v3, v0;
	_ =	sdelay $0x1  }
0x22d: {  	v3 =	vperm.xlane v3, v2;
	v4 =	vadd.s32 v1, v4;
	_ =	sdelay $0x1  }
0x22e: {  	v3 =	vadd.s32 v1, v3;
	_ =	sdelay $0x1  }
0x22f: {  	s15 =	simm.s32 $0x2800  }
0x230: {  	[tilespmem:s15], [sflag:$0x1] =	stream.indirect_vreg.gather [hbm4b:s1+s3], $0x80, v4, vm0, $0xb8;
	[tilespmem:$0x13800] =	vst v63  }
0x231: {  	s16 =	simm.s32 $0x3000  }
0x232: {  	[tilespmem:s16], [sflag:$0x1] =	stream.indirect_vreg.gather [hbm4b:s1+s3], $0x80, v3, vm0, $0xb8;
	[tilespmem:$0x13800] =	vst v63  }
0x233: {  	v3 =	vld [tilespmem:s2+$0x130];
	_ =	sdelay $0x4  }
0x234: {  	v61 =	vshll.u32 v3, $0x1  }
0x235: {  	v3 =	vand.u32 $0x7, v3;
	v4 =	vand.u32 $0xFFFFFFF0, v61  }
0x236: {  	v3 =	vor.u32 v3, v4  }
0x237: {  	v4 =	vperm.xlane v3, v0;
	_ =	sdelay $0x1  }
0x238: {  	v3 =	vperm.xlane v3, v2;
	v4 =	vadd.s32 v1, v4;
	_ =	sdelay $0x1  }
0x239: {  	v3 =	vadd.s32 v1, v3;
	_ =	sdelay $0x1  }
0x23a: {  	s17 =	simm.s32 $0x3800  }
0x23b: {  	[tilespmem:s17], [sflag:$0x1] =	stream.indirect_vreg.gather [hbm4b:s1+s3], $0x80, v4, vm0, $0xb8;
	[tilespmem:$0x13800] =	vst v63  }
0x23c: {  	s18 =	simm.s32 $0x4000  }
0x23d: {  	[tilespmem:s18], [sflag:$0x1] =	stream.indirect_vreg.gather [hbm4b:s1+s3], $0x80, v3, vm0, $0xb8;
	[tilespmem:$0x13800] =	vst v63  }
0x23e: {  	v3 =	vld [tilespmem:s2+$0x140];
	_ =	sdelay $0x4  }
0x23f: {  	v62 =	vshll.u32 v3, $0x1  }
0x240: {  	v3 =	vand.u32 $0x7, v3;
	v4 =	vand.u32 $0xFFFFFFF0, v62  }
0x241: {  	v3 =	vor.u32 v3, v4  }
0x242: {  	v4 =	vperm.xlane v3, v0;
	_ =	sdelay $0x1  }
0x243: {  	v3 =	vperm.xlane v3, v2;
	v4 =	vadd.s32 v1, v4;
	_ =	sdelay $0x1  }
0x244: {  	v3 =	vadd.s32 v1, v3;
	_ =	sdelay $0x1  }
0x245: {  	s19 =	simm.s32 $0x4800  }
0x246: {  	[tilespmem:s19], [sflag:$0x1] =	stream.indirect_vreg.gather [hbm4b:s1+s3], $0x80, v4, vm0, $0xb8;
	[tilespmem:$0x13800] =	vst v63  }
0x247: {  	s20 =	simm.s32 $0x5000  }
0x248: {  	[tilespmem:s20], [sflag:$0x1] =	stream.indirect_vreg.gather [hbm4b:s1+s3], $0x80, v3, vm0, $0xb8;
	[tilespmem:$0x13800] =	vst v63  }
0x249: {  	v3 =	vld.msk [tilespmem:s2+$0x150], $0xff;
	_ =	sdelay $0x4  }
0x24a: {  	v63 =	vshll.u32 v3, $0x1  }
0x24b: {  	v3 =	vand.u32 $0x7, v3;
	v4 =	vand.u32 $0xFFFFFFF0, v63  }
0x24c: {  	v3 =	vor.u32 v3, v4  }
0x24d: {  	v3 =	vperm.xlane v3, v0;
	_ =	sdelay $0x1  }
0x24e: {  	v3 =	vadd.s32 v1, v3;
	_ =	sdelay $0x3  }
0x24f: {  	s21 =	simm.s32 $0x5800  }
0x250: {  	[tilespmem:s21], [sflag:$0x1] =	stream.indirect_vreg.gather [hbm4b:s1+s3], $0x80, v3, vm0, $0xb8;
	[tilespmem:$0x13800] =	vst v63  }
.LBB2_6:
0x251: {  	_ =	swait.ge [sflag:s0], $0x5800  }
0x252: {  	s2 =	simm.s32 $0x0;
	s7 =	simm.s32 $0x500;
	[sflag:s0] =	ssyncset.done $0x0  }
0x253: {  	s4 =	smov.u32 s5;
	s8 =	simm.s32 $0x0;
	[sflag:s0] =	ssyncadd.s32 $0xFFFFA800  }
.LBB2_7:
0x254: {  	s10 =	sand.u32 $0x7800, s8  }
0x255: {  	s11 =	sand.u32 $0x380, s2;
	s12 =	sadd.s32 $0x100, s8;
	s13 =	sadd.s32 $0xFFFFFB80, s7  }
0x256: {  	s10 =	sor.u32 s11, s10;
	s20 =	sand.u32 $0xF800, s12;
	s21 =	sand.u32 $0x380, s13  }
0x257: {  	s14 =	sadd.s32 $0xFFFFFC00, s7;
	s13 =	sadd.s32 $0x200, s8;
	v3 =	vld [tilespmem:s10+$0x6000];
	s11 =	sor.u32 s21, s20  }
0x258: {  	s12 =	sand.u32 $0xF800, s13;
	s13 =	sand.u32 $0x380, s14;
	v4 =	vld [tilespmem:s11+$0x6000]  }
0x259: {  	s15 =	sadd.s32 $0x300, s8;
	s14 =	sadd.s32 $0xFFFFFC80, s7;
	s12 =	sor.u32 s13, s12  }
0x25a: {  	s13 =	sand.u32 $0xF800, s15;
	s14 =	sand.u32 $0x380, s14;
	v5 =	vld [tilespmem:s12+$0x6000]  }
0x25b: {  	s16 =	sadd.s32 $0x400, s8;
	s15 =	sadd.s32 $0xFFFFFD00, s7;
	s13 =	sor.u32 s14, s13  }
0x25c: {  	s14 =	sand.u32 $0xF800, s16;
	s15 =	sand.u32 $0x380, s15;
	v6 =	vld [tilespmem:s13+$0x6000]  }
0x25d: {  	s17 =	sadd.s32 $0x500, s8;
	s16 =	sadd.s32 $0xFFFFFD80, s7;
	s14 =	sor.u32 s15, s14;
	v3 =	vadd.f32 v4, v3  }
0x25e: {  	s15 =	sand.u32 $0xF800, s17;
	s16 =	sand.u32 $0x380, s16;
	v18 =	vld [tilespmem:s14+$0x6000]  }
0x25f: {  	s18 =	sadd.s32 $0x600, s8;
	s17 =	sadd.s32 $0xFFFFFE00, s7;
	s15 =	sor.u32 s16, s15;
	v3 =	vadd.f32 v5, v3  }
0x260: {  	s16 =	sand.u32 $0xF800, s18;
	s17 =	sand.u32 $0x380, s17;
	v19 =	vld [tilespmem:s15+$0x6000]  }
0x261: {  	s19 =	sadd.s32 $0x700, s8;
	s18 =	sadd.s32 $0xFFFFFE80, s7;
	s16 =	sor.u32 s17, s16;
	v3 =	vadd.f32 v6, v3  }
0x262: {  	s17 =	sand.u32 $0xF800, s19;
	s18 =	sand.u32 $0x380, s18;
	v20 =	vld [tilespmem:s16+$0x6000]  }
0x263: {  	s17 =	sor.u32 s18, s17;
	v3 =	vadd.f32 v18, v3  }
0x264: {  	v21 =	vld [tilespmem:s17+$0x6000]  }
0x265: {  	s20 =	sadd.s32 $0x900, s8;
	s19 =	sadd.s32 $0xFFFFFF80, s7;
	v3 =	vadd.f32 v19, v3  }
0x266: {  	v22 =	vld [tilespmem:s10+$0x6800];
	s18 =	sand.u32 $0xF800, s20;
	s19 =	sand.u32 $0x380, s19  }
0x267: {  	s21 =	sadd.s32 $0xA00, s8;
	s18 =	sor.u32 s19, s18;
	v3 =	vadd.f32 v20, v3  }
0x268: {  	s20 =	sand.u32 $0x380, s7;
	s19 =	sand.u32 $0xF800, s21;
	v23 =	vld [tilespmem:s18+$0x6000]  }
0x269: {  	s19 =	sor.u32 s20, s19;
	v3 =	vadd.f32 v21, v3  }
0x26a: {  	v24 =	vld [tilespmem:s19+$0x6000]  }
0x26b: {  	v3 =	vadd.f32 v22, v3;
	_ =	sdelay $0x1  }
0x26c: {  	v3 =	vadd.f32 v23, v3;
	_ =	sdelay $0x1  }
0x26d: {  	v3 =	vadd.f32 v24, v3;
	_ =	sdelay $0x1  }
0x26e: {  	v3 =	vmul.f32 $3.015113470e-01, v3;
	_ =	sdelay $0x1  }
0x26f: {  	[tilespmem:s4+$0xFFFFFB90] =	vst v3  }
0x270: {  	v3 =	vld [tilespmem:s10+$0x6010]  }
0x271: {  	v25 =	vld [tilespmem:s11+$0x6010];
	_ =	sdelay $0x1  }
0x272: {  	v26 =	vld [tilespmem:s12+$0x6010];
	_ =	sdelay $0x1  }
0x273: {  	v27 =	vld [tilespmem:s13+$0x6010]  }
0x274: {  	v3 =	vadd.f32 v25, v3  }
0x275: {  	v28 =	vld [tilespmem:s14+$0x6010]  }
0x276: {  	v3 =	vadd.f32 v26, v3  }
0x277: {  	v29 =	vld [tilespmem:s15+$0x6010]  }
0x278: {  	v3 =	vadd.f32 v27, v3  }
0x279: {  	v30 =	vld [tilespmem:s16+$0x6010]  }
0x27a: {  	v3 =	vadd.f32 v28, v3  }
0x27b: {  	v31 =	vld [tilespmem:s17+$0x6010]  }
0x27c: {  	v3 =	vadd.f32 v29, v3  }
0x27d: {  	v32 =	vld [tilespmem:s10+$0x6810]  }
0x27e: {  	v3 =	vadd.f32 v30, v3  }
0x27f: {  	v33 =	vld [tilespmem:s18+$0x6010]  }
0x280: {  	v3 =	vadd.f32 v31, v3  }
0x281: {  	v34 =	vld [tilespmem:s19+$0x6010]  }
0x282: {  	v3 =	vadd.f32 v32, v3;
	_ =	sdelay $0x1  }
0x283: {  	v3 =	vadd.f32 v33, v3;
	_ =	sdelay $0x1  }
0x284: {  	v3 =	vadd.f32 v34, v3;
	_ =	sdelay $0x1  }
0x285: {  	v3 =	vmul.f32 $3.015113470e-01, v3;
	_ =	sdelay $0x1  }
0x286: {  	[tilespmem:s4+$0xFFFFFBA0] =	vst v3  }
0x287: {  	v3 =	vld [tilespmem:s10+$0x6020]  }
0x288: {  	v35 =	vld [tilespmem:s11+$0x6020];
	_ =	sdelay $0x1  }
0x289: {  	v36 =	vld [tilespmem:s12+$0x6020];
	_ =	sdelay $0x1  }
0x28a: {  	v37 =	vld [tilespmem:s13+$0x6020]  }
0x28b: {  	v3 =	vadd.f32 v35, v3  }
0x28c: {  	v38 =	vld [tilespmem:s14+$0x6020]  }
0x28d: {  	v3 =	vadd.f32 v36, v3  }
0x28e: {  	v39 =	vld [tilespmem:s15+$0x6020]  }
0x28f: {  	v3 =	vadd.f32 v37, v3  }
0x290: {  	v40 =	vld [tilespmem:s16+$0x6020]  }
0x291: {  	v3 =	vadd.f32 v38, v3  }
0x292: {  	v41 =	vld [tilespmem:s17+$0x6020]  }
0x293: {  	v3 =	vadd.f32 v39, v3  }
0x294: {  	v42 =	vld [tilespmem:s10+$0x6820]  }
0x295: {  	v3 =	vadd.f32 v40, v3  }
0x296: {  	v43 =	vld [tilespmem:s18+$0x6020]  }
0x297: {  	v3 =	vadd.f32 v41, v3  }
0x298: {  	v44 =	vld [tilespmem:s19+$0x6020]  }
0x299: {  	v3 =	vadd.f32 v42, v3;
	_ =	sdelay $0x1  }
0x29a: {  	v3 =	vadd.f32 v43, v3;
	_ =	sdelay $0x1  }
0x29b: {  	v3 =	vadd.f32 v44, v3;
	_ =	sdelay $0x1  }
0x29c: {  	v3 =	vmul.f32 $3.015113470e-01, v3;
	_ =	sdelay $0x1  }
0x29d: {  	[tilespmem:s4+$0xFFFFFBB0] =	vst v3  }
0x29e: {  	v3 =	vld [tilespmem:s10+$0x6030]  }
0x29f: {  	v45 =	vld [tilespmem:s11+$0x6030];
	_ =	sdelay $0x1  }
0x2a0: {  	v46 =	vld [tilespmem:s12+$0x6030];
	_ =	sdelay $0x1  }
0x2a1: {  	v47 =	vld [tilespmem:s13+$0x6030]  }
0x2a2: {  	v3 =	vadd.f32 v45, v3  }
0x2a3: {  	v48 =	vld [tilespmem:s14+$0x6030]  }
0x2a4: {  	v3 =	vadd.f32 v46, v3  }
0x2a5: {  	v49 =	vld [tilespmem:s15+$0x6030]  }
0x2a6: {  	v3 =	vadd.f32 v47, v3  }
0x2a7: {  	v50 =	vld [tilespmem:s16+$0x6030]  }
0x2a8: {  	v3 =	vadd.f32 v48, v3  }
0x2a9: {  	v51 =	vld [tilespmem:s17+$0x6030]  }
0x2aa: {  	v3 =	vadd.f32 v49, v3  }
0x2ab: {  	v52 =	vld [tilespmem:s10+$0x6830]  }
0x2ac: {  	v3 =	vadd.f32 v50, v3  }
0x2ad: {  	v53 =	vld [tilespmem:s18+$0x6030]  }
0x2ae: {  	v3 =	vadd.f32 v51, v3  }
0x2af: {  	v54 =	vld [tilespmem:s19+$0x6030]  }
0x2b0: {  	v3 =	vadd.f32 v52, v3;
	_ =	sdelay $0x1  }
0x2b1: {  	v3 =	vadd.f32 v53, v3;
	_ =	sdelay $0x1  }
0x2b2: {  	v3 =	vadd.f32 v54, v3;
	_ =	sdelay $0x1  }
0x2b3: {  	v3 =	vmul.f32 $3.015113470e-01, v3;
	_ =	sdelay $0x1  }
0x2b4: {  	[tilespmem:s4+$0xFFFFFBC0] =	vst v3  }
0x2b5: {  	v3 =	vld [tilespmem:s10+$0x6040]  }
0x2b6: {  	v55 =	vld [tilespmem:s11+$0x6040];
	_ =	sdelay $0x1  }
0x2b7: {  	v56 =	vld [tilespmem:s12+$0x6040];
	_ =	sdelay $0x1  }
0x2b8: {  	v57 =	vld [tilespmem:s13+$0x6040]  }
0x2b9: {  	v3 =	vadd.f32 v55, v3  }
0x2ba: {  	v58 =	vld [tilespmem:s14+$0x6040]  }
0x2bb: {  	v3 =	vadd.f32 v56, v3  }
0x2bc: {  	v59 =	vld [tilespmem:s15+$0x6040]  }
0x2bd: {  	v3 =	vadd.f32 v57, v3  }
0x2be: {  	v60 =	vld [tilespmem:s16+$0x6040]  }
0x2bf: {  	v3 =	vadd.f32 v58, v3  }
0x2c0: {  	v61 =	vld [tilespmem:s17+$0x6040]  }
0x2c1: {  	v3 =	vadd.f32 v59, v3  }
0x2c2: {  	v62 =	vld [tilespmem:s10+$0x6840]  }
0x2c3: {  	v3 =	vadd.f32 v60, v3  }
0x2c4: {  	v63 =	vld [tilespmem:s18+$0x6040]  }
0x2c5: {  	v3 =	vadd.f32 v61, v3  }
0x2c6: {  	v8 =	vld [tilespmem:s19+$0x6040]  }
0x2c7: {  	v3 =	vadd.f32 v62, v3;
	_ =	sdelay $0x1  }
0x2c8: {  	v3 =	vadd.f32 v63, v3;
	_ =	sdelay $0x1  }
0x2c9: {  	v3 =	vadd.f32 v8, v3;
	_ =	sdelay $0x1  }
0x2ca: {  	v3 =	vmul.f32 $3.015113470e-01, v3;
	_ =	sdelay $0x1  }
0x2cb: {  	[tilespmem:s4+$0xFFFFFBD0] =	vst v3  }
0x2cc: {  	v3 =	vld [tilespmem:s10+$0x6050]  }
0x2cd: {  	v9 =	vld [tilespmem:s11+$0x6050];
	_ =	sdelay $0x1  }
0x2ce: {  	v10 =	vld [tilespmem:s12+$0x6050];
	_ =	sdelay $0x1  }
0x2cf: {  	v11 =	vld [tilespmem:s13+$0x6050]  }
0x2d0: {  	v3 =	vadd.f32 v9, v3  }
0x2d1: {  	v12 =	vld [tilespmem:s14+$0x6050]  }
0x2d2: {  	v3 =	vadd.f32 v10, v3  }
0x2d3: {  	v13 =	vld [tilespmem:s15+$0x6050]  }
0x2d4: {  	v3 =	vadd.f32 v11, v3  }
0x2d5: {  	v14 =	vld [tilespmem:s16+$0x6050]  }
0x2d6: {  	v3 =	vadd.f32 v12, v3  }
0x2d7: {  	v15 =	vld [tilespmem:s17+$0x6050]  }
0x2d8: {  	v3 =	vadd.f32 v13, v3  }
0x2d9: {  	v16 =	vld [tilespmem:s10+$0x6850]  }
0x2da: {  	v3 =	vadd.f32 v14, v3  }
0x2db: {  	v17 =	vld [tilespmem:s18+$0x6050]  }
0x2dc: {  	v3 =	vadd.f32 v15, v3  }
0x2dd: {  	v18 =	vld [tilespmem:s19+$0x6050]  }
0x2de: {  	v3 =	vadd.f32 v16, v3;
	_ =	sdelay $0x1  }
0x2df: {  	v3 =	vadd.f32 v17, v3;
	_ =	sdelay $0x1  }
0x2e0: {  	v3 =	vadd.f32 v18, v3;
	_ =	sdelay $0x1  }
0x2e1: {  	v3 =	vmul.f32 $3.015113470e-01, v3;
	_ =	sdelay $0x1  }
0x2e2: {  	[tilespmem:s4+$0xFFFFFBE0] =	vst v3  }
0x2e3: {  	v3 =	vld [tilespmem:s10+$0x6060]  }
0x2e4: {  	v19 =	vld [tilespmem:s11+$0x6060];
	_ =	sdelay $0x1  }
0x2e5: {  	v20 =	vld [tilespmem:s12+$0x6060];
	_ =	sdelay $0x1  }
0x2e6: {  	v21 =	vld [tilespmem:s13+$0x6060]  }
0x2e7: {  	v3 =	vadd.f32 v19, v3  }
0x2e8: {  	v22 =	vld [tilespmem:s14+$0x6060]  }
0x2e9: {  	v3 =	vadd.f32 v20, v3  }
0x2ea: {  	v23 =	vld [tilespmem:s15+$0x6060]  }
0x2eb: {  	v3 =	vadd.f32 v21, v3  }
0x2ec: {  	v24 =	vld [tilespmem:s16+$0x6060]  }
0x2ed: {  	v3 =	vadd.f32 v22, v3  }
0x2ee: {  	v25 =	vld [tilespmem:s17+$0x6060]  }
0x2ef: {  	v3 =	vadd.f32 v23, v3  }
0x2f0: {  	v26 =	vld [tilespmem:s10+$0x6860]  }
0x2f1: {  	v3 =	vadd.f32 v24, v3  }
0x2f2: {  	v27 =	vld [tilespmem:s18+$0x6060]  }
0x2f3: {  	v3 =	vadd.f32 v25, v3  }
0x2f4: {  	v28 =	vld [tilespmem:s19+$0x6060]  }
0x2f5: {  	v3 =	vadd.f32 v26, v3;
	_ =	sdelay $0x1  }
0x2f6: {  	v3 =	vadd.f32 v27, v3;
	_ =	sdelay $0x1  }
0x2f7: {  	v3 =	vadd.f32 v28, v3;
	_ =	sdelay $0x1  }
0x2f8: {  	v3 =	vmul.f32 $3.015113470e-01, v3;
	_ =	sdelay $0x1  }
0x2f9: {  	[tilespmem:s4+$0xFFFFFBF0] =	vst v3  }
0x2fa: {  	v3 =	vld [tilespmem:s10+$0x6070]  }
0x2fb: {  	v29 =	vld [tilespmem:s11+$0x6070];
	_ =	sdelay $0x1  }
0x2fc: {  	v30 =	vld [tilespmem:s12+$0x6070];
	_ =	sdelay $0x1  }
0x2fd: {  	v31 =	vld [tilespmem:s13+$0x6070]  }
0x2fe: {  	v3 =	vadd.f32 v29, v3  }
0x2ff: {  	v32 =	vld [tilespmem:s14+$0x6070]  }
0x300: {  	v3 =	vadd.f32 v30, v3  }
0x301: {  	v33 =	vld [tilespmem:s15+$0x6070]  }
0x302: {  	v3 =	vadd.f32 v31, v3  }
0x303: {  	v34 =	vld [tilespmem:s16+$0x6070]  }
0x304: {  	v3 =	vadd.f32 v32, v3  }
0x305: {  	v35 =	vld [tilespmem:s17+$0x6070]  }
0x306: {  	v3 =	vadd.f32 v33, v3  }
0x307: {  	v36 =	vld [tilespmem:s10+$0x6870]  }
0x308: {  	v3 =	vadd.f32 v34, v3  }
0x309: {  	v37 =	vld [tilespmem:s18+$0x6070]  }
0x30a: {  	v3 =	vadd.f32 v35, v3  }
0x30b: {  	v38 =	vld [tilespmem:s19+$0x6070]  }
0x30c: {  	v3 =	vadd.f32 v36, v3;
	_ =	sdelay $0x1  }
0x30d: {  	v3 =	vadd.f32 v37, v3;
	_ =	sdelay $0x1  }
0x30e: {  	v3 =	vadd.f32 v38, v3;
	_ =	sdelay $0x1  }
0x30f: {  	v3 =	vmul.f32 $3.015113470e-01, v3;
	_ =	sdelay $0x1  }
0x310: {  	[tilespmem:s4+$0xFFFFFC00] =	vst v3  }
0x311: {  	v3 =	vld [tilespmem:s10+$0x6400]  }
0x312: {  	v39 =	vld [tilespmem:s11+$0x6400];
	_ =	sdelay $0x1  }
0x313: {  	v40 =	vld [tilespmem:s12+$0x6400];
	_ =	sdelay $0x1  }
0x314: {  	v41 =	vld [tilespmem:s13+$0x6400]  }
0x315: {  	v3 =	vadd.f32 v39, v3  }
0x316: {  	v42 =	vld [tilespmem:s14+$0x6400]  }
0x317: {  	v3 =	vadd.f32 v40, v3  }
0x318: {  	v43 =	vld [tilespmem:s15+$0x6400]  }
0x319: {  	v3 =	vadd.f32 v41, v3  }
0x31a: {  	v44 =	vld [tilespmem:s16+$0x6400]  }
0x31b: {  	v3 =	vadd.f32 v42, v3  }
0x31c: {  	v45 =	vld [tilespmem:s17+$0x6400]  }
0x31d: {  	v3 =	vadd.f32 v43, v3  }
0x31e: {  	v46 =	vld [tilespmem:s10+$0x6C00]  }
0x31f: {  	v3 =	vadd.f32 v44, v3  }
0x320: {  	v47 =	vld [tilespmem:s18+$0x6400]  }
0x321: {  	v3 =	vadd.f32 v45, v3  }
0x322: {  	v48 =	vld [tilespmem:s19+$0x6400]  }
0x323: {  	v3 =	vadd.f32 v46, v3;
	_ =	sdelay $0x1  }
0x324: {  	v3 =	vadd.f32 v47, v3;
	_ =	sdelay $0x1  }
0x325: {  	v3 =	vadd.f32 v48, v3;
	_ =	sdelay $0x1  }
0x326: {  	v3 =	vmul.f32 $3.015113470e-01, v3;
	_ =	sdelay $0x1  }
0x327: {  	[tilespmem:s4+$0xFFFFFF90] =	vst v3  }
0x328: {  	v3 =	vld [tilespmem:s10+$0x6410]  }
0x329: {  	v49 =	vld [tilespmem:s11+$0x6410];
	_ =	sdelay $0x1  }
0x32a: {  	v50 =	vld [tilespmem:s12+$0x6410];
	_ =	sdelay $0x1  }
0x32b: {  	v51 =	vld [tilespmem:s13+$0x6410]  }
0x32c: {  	v3 =	vadd.f32 v49, v3  }
0x32d: {  	v52 =	vld [tilespmem:s14+$0x6410]  }
0x32e: {  	v3 =	vadd.f32 v50, v3  }
0x32f: {  	v53 =	vld [tilespmem:s15+$0x6410]  }
0x330: {  	v3 =	vadd.f32 v51, v3  }
0x331: {  	v54 =	vld [tilespmem:s16+$0x6410]  }
0x332: {  	v3 =	vadd.f32 v52, v3  }
0x333: {  	v55 =	vld [tilespmem:s17+$0x6410]  }
0x334: {  	v3 =	vadd.f32 v53, v3  }
0x335: {  	v56 =	vld [tilespmem:s10+$0x6C10]  }
0x336: {  	v3 =	vadd.f32 v54, v3  }
0x337: {  	v57 =	vld [tilespmem:s18+$0x6410]  }
0x338: {  	v3 =	vadd.f32 v55, v3  }
0x339: {  	v58 =	vld [tilespmem:s19+$0x6410]  }
0x33a: {  	v3 =	vadd.f32 v56, v3;
	_ =	sdelay $0x1  }
0x33b: {  	v3 =	vadd.f32 v57, v3;
	_ =	sdelay $0x1  }
0x33c: {  	v3 =	vadd.f32 v58, v3;
	_ =	sdelay $0x1  }
0x33d: {  	v3 =	vmul.f32 $3.015113470e-01, v3;
	_ =	sdelay $0x1  }
0x33e: {  	[tilespmem:s4+$0xFFFFFFA0] =	vst v3  }
0x33f: {  	v3 =	vld [tilespmem:s10+$0x6420]  }
0x340: {  	v59 =	vld [tilespmem:s11+$0x6420];
	_ =	sdelay $0x1  }
0x341: {  	v60 =	vld [tilespmem:s12+$0x6420];
	_ =	sdelay $0x1  }
0x342: {  	v61 =	vld [tilespmem:s13+$0x6420]  }
0x343: {  	v3 =	vadd.f32 v59, v3  }
0x344: {  	v62 =	vld [tilespmem:s14+$0x6420]  }
0x345: {  	v3 =	vadd.f32 v60, v3  }
0x346: {  	v63 =	vld [tilespmem:s15+$0x6420]  }
0x347: {  	v3 =	vadd.f32 v61, v3  }
0x348: {  	v9 =	vld [tilespmem:s16+$0x6420]  }
0x349: {  	v3 =	vadd.f32 v62, v3  }
0x34a: {  	v10 =	vld [tilespmem:s17+$0x6420]  }
0x34b: {  	v3 =	vadd.f32 v63, v3  }
0x34c: {  	v11 =	vld [tilespmem:s10+$0x6C20]  }
0x34d: {  	v3 =	vadd.f32 v9, v3  }
0x34e: {  	v12 =	vld [tilespmem:s18+$0x6420]  }
0x34f: {  	v3 =	vadd.f32 v10, v3  }
0x350: {  	v13 =	vld [tilespmem:s19+$0x6420]  }
0x351: {  	v3 =	vadd.f32 v11, v3;
	_ =	sdelay $0x1  }
0x352: {  	v3 =	vadd.f32 v12, v3;
	_ =	sdelay $0x1  }
0x353: {  	v3 =	vadd.f32 v13, v3;
	_ =	sdelay $0x1  }
0x354: {  	v3 =	vmul.f32 $3.015113470e-01, v3;
	_ =	sdelay $0x1  }
0x355: {  	[tilespmem:s4+$0xFFFFFFB0] =	vst v3  }
0x356: {  	v3 =	vld [tilespmem:s10+$0x6430]  }
0x357: {  	v14 =	vld [tilespmem:s11+$0x6430];
	_ =	sdelay $0x1  }
0x358: {  	v15 =	vld [tilespmem:s12+$0x6430];
	_ =	sdelay $0x1  }
0x359: {  	v16 =	vld [tilespmem:s13+$0x6430]  }
0x35a: {  	v3 =	vadd.f32 v14, v3  }
0x35b: {  	v17 =	vld [tilespmem:s14+$0x6430]  }
0x35c: {  	v3 =	vadd.f32 v15, v3  }
0x35d: {  	v18 =	vld [tilespmem:s15+$0x6430]  }
0x35e: {  	v3 =	vadd.f32 v16, v3  }
0x35f: {  	v19 =	vld [tilespmem:s16+$0x6430]  }
0x360: {  	v3 =	vadd.f32 v17, v3  }
0x361: {  	v20 =	vld [tilespmem:s17+$0x6430]  }
0x362: {  	v3 =	vadd.f32 v18, v3  }
0x363: {  	v21 =	vld [tilespmem:s10+$0x6C30]  }
0x364: {  	v3 =	vadd.f32 v19, v3  }
0x365: {  	v22 =	vld [tilespmem:s18+$0x6430]  }
0x366: {  	v3 =	vadd.f32 v20, v3  }
0x367: {  	v23 =	vld [tilespmem:s19+$0x6430]  }
0x368: {  	v3 =	vadd.f32 v21, v3;
	_ =	sdelay $0x1  }
0x369: {  	v3 =	vadd.f32 v22, v3;
	_ =	sdelay $0x1  }
0x36a: {  	v3 =	vadd.f32 v23, v3;
	_ =	sdelay $0x1  }
0x36b: {  	v3 =	vmul.f32 $3.015113470e-01, v3;
	_ =	sdelay $0x1  }
0x36c: {  	[tilespmem:s4+$0xFFFFFFC0] =	vst v3  }
0x36d: {  	v3 =	vld [tilespmem:s10+$0x6440]  }
0x36e: {  	v24 =	vld [tilespmem:s11+$0x6440];
	_ =	sdelay $0x1  }
0x36f: {  	v25 =	vld [tilespmem:s12+$0x6440];
	_ =	sdelay $0x1  }
0x370: {  	v26 =	vld [tilespmem:s13+$0x6440]  }
0x371: {  	v3 =	vadd.f32 v24, v3  }
0x372: {  	v27 =	vld [tilespmem:s14+$0x6440]  }
0x373: {  	v3 =	vadd.f32 v25, v3  }
0x374: {  	v28 =	vld [tilespmem:s15+$0x6440]  }
0x375: {  	v3 =	vadd.f32 v26, v3  }
0x376: {  	v29 =	vld [tilespmem:s16+$0x6440]  }
0x377: {  	v3 =	vadd.f32 v27, v3  }
0x378: {  	v30 =	vld [tilespmem:s17+$0x6440]  }
0x379: {  	v3 =	vadd.f32 v28, v3  }
0x37a: {  	v31 =	vld [tilespmem:s10+$0x6C40]  }
0x37b: {  	v3 =	vadd.f32 v29, v3  }
0x37c: {  	v32 =	vld [tilespmem:s18+$0x6440]  }
0x37d: {  	v3 =	vadd.f32 v30, v3  }
0x37e: {  	v33 =	vld [tilespmem:s19+$0x6440]  }
0x37f: {  	v3 =	vadd.f32 v31, v3;
	_ =	sdelay $0x1  }
0x380: {  	v3 =	vadd.f32 v32, v3;
	_ =	sdelay $0x1  }
0x381: {  	v3 =	vadd.f32 v33, v3;
	_ =	sdelay $0x1  }
0x382: {  	v3 =	vmul.f32 $3.015113470e-01, v3;
	_ =	sdelay $0x1  }
0x383: {  	[tilespmem:s4+$0xFFFFFFD0] =	vst v3  }
0x384: {  	v3 =	vld [tilespmem:s10+$0x6450]  }
0x385: {  	v34 =	vld [tilespmem:s11+$0x6450];
	_ =	sdelay $0x1  }
0x386: {  	v35 =	vld [tilespmem:s12+$0x6450];
	_ =	sdelay $0x1  }
0x387: {  	v36 =	vld [tilespmem:s13+$0x6450]  }
0x388: {  	v3 =	vadd.f32 v34, v3  }
0x389: {  	v37 =	vld [tilespmem:s14+$0x6450]  }
0x38a: {  	v3 =	vadd.f32 v35, v3  }
0x38b: {  	v38 =	vld [tilespmem:s15+$0x6450]  }
0x38c: {  	v3 =	vadd.f32 v36, v3  }
0x38d: {  	v39 =	vld [tilespmem:s16+$0x6450]  }
0x38e: {  	v3 =	vadd.f32 v37, v3  }
0x38f: {  	v40 =	vld [tilespmem:s17+$0x6450]  }
0x390: {  	v3 =	vadd.f32 v38, v3  }
0x391: {  	v41 =	vld [tilespmem:s10+$0x6C50]  }
0x392: {  	v3 =	vadd.f32 v39, v3  }
0x393: {  	v42 =	vld [tilespmem:s18+$0x6450]  }
0x394: {  	v3 =	vadd.f32 v40, v3  }
0x395: {  	v43 =	vld [tilespmem:s19+$0x6450]  }
0x396: {  	v3 =	vadd.f32 v41, v3;
	_ =	sdelay $0x1  }
0x397: {  	v3 =	vadd.f32 v42, v3;
	_ =	sdelay $0x1  }
0x398: {  	v3 =	vadd.f32 v43, v3;
	_ =	sdelay $0x1  }
0x399: {  	v3 =	vmul.f32 $3.015113470e-01, v3;
	_ =	sdelay $0x1  }
0x39a: {  	[tilespmem:s4+$0xFFFFFFE0] =	vst v3  }
0x39b: {  	v3 =	vld [tilespmem:s10+$0x6460]  }
0x39c: {  	v44 =	vld [tilespmem:s11+$0x6460];
	_ =	sdelay $0x1  }
0x39d: {  	v45 =	vld [tilespmem:s12+$0x6460];
	_ =	sdelay $0x1  }
0x39e: {  	v46 =	vld [tilespmem:s13+$0x6460]  }
0x39f: {  	v3 =	vadd.f32 v44, v3  }
0x3a0: {  	v47 =	vld [tilespmem:s14+$0x6460]  }
0x3a1: {  	v3 =	vadd.f32 v45, v3  }
0x3a2: {  	v48 =	vld [tilespmem:s15+$0x6460]  }
0x3a3: {  	v3 =	vadd.f32 v46, v3  }
0x3a4: {  	v49 =	vld [tilespmem:s16+$0x6460]  }
0x3a5: {  	v3 =	vadd.f32 v47, v3  }
0x3a6: {  	v50 =	vld [tilespmem:s17+$0x6460]  }
0x3a7: {  	v3 =	vadd.f32 v48, v3  }
0x3a8: {  	v51 =	vld [tilespmem:s10+$0x6C60]  }
0x3a9: {  	v3 =	vadd.f32 v49, v3  }
0x3aa: {  	v52 =	vld [tilespmem:s18+$0x6460]  }
0x3ab: {  	v3 =	vadd.f32 v50, v3  }
0x3ac: {  	v53 =	vld [tilespmem:s19+$0x6460]  }
0x3ad: {  	v3 =	vadd.f32 v51, v3;
	_ =	sdelay $0x1  }
0x3ae: {  	v3 =	vadd.f32 v52, v3;
	_ =	sdelay $0x1  }
0x3af: {  	v3 =	vadd.f32 v53, v3;
	_ =	sdelay $0x1  }
0x3b0: {  	v3 =	vmul.f32 $3.015113470e-01, v3;
	_ =	sdelay $0x1  }
0x3b1: {  	[tilespmem:s4+$0xFFFFFFF0] =	vst v3  }
0x3b2: {  	v3 =	vld [tilespmem:s10+$0x6470]  }
0x3b3: {  	v54 =	vld [tilespmem:s11+$0x6470];
	_ =	sdelay $0x1  }
0x3b4: {  	v55 =	vld [tilespmem:s12+$0x6470];
	_ =	sdelay $0x1  }
0x3b5: {  	v56 =	vld [tilespmem:s13+$0x6470]  }
0x3b6: {  	v3 =	vadd.f32 v54, v3  }
0x3b7: {  	v57 =	vld [tilespmem:s14+$0x6470]  }
0x3b8: {  	v3 =	vadd.f32 v55, v3  }
0x3b9: {  	v58 =	vld [tilespmem:s15+$0x6470]  }
0x3ba: {  	v3 =	vadd.f32 v56, v3  }
0x3bb: {  	v59 =	vld [tilespmem:s16+$0x6470]  }
0x3bc: {  	v3 =	vadd.f32 v57, v3  }
0x3bd: {  	v60 =	vld [tilespmem:s17+$0x6470]  }
0x3be: {  	v3 =	vadd.f32 v58, v3  }
0x3bf: {  	v61 =	vld [tilespmem:s10+$0x6C70]  }
0x3c0: {  	v3 =	vadd.f32 v59, v3  }
0x3c1: {  	v62 =	vld [tilespmem:s18+$0x6470]  }
0x3c2: {  	v3 =	vadd.f32 v60, v3  }
0x3c3: {  	v63 =	vld [tilespmem:s19+$0x6470]  }
0x3c4: {  	v3 =	vadd.f32 v61, v3;
	_ =	sdelay $0x1  }
0x3c5: {  	v3 =	vadd.f32 v62, v3  }
0x3c6: {  	p0 =	sne.s32 s8, $0x4D00  }
.Ltmp2:
0x3c7: {  	v3 =	vadd.f32 v63, v3;
	(pc) =	sbr.rel @p0 .LBB2_7-.Ltmp2, $4  }
0x3c8: {  	_ = 	snop  }
0x3c9: {  	v3 =	vmul.f32 $3.015113470e-01, v3  }
0x3ca: {  	s2 =	sadd.s32 $0x180, s2  }
0x3cb: {  	s8 =	sadd.s32 $0xB00, s8;
	s7 =	sadd.s32 $0x580, s7;
	[tilespmem:s4+$0x0] =	vst v3;
	s4 =	sadd.s32 $0x80, s4  }
0x3cc: {  	s6 =	sadd.s32 $0x1, s6  }
0x3cd: {  	p0 =	sne.s32 s6, $0x8  }
.Ltmp3:
0x3ce: {  	_ = 	snop;
	(pc) =	sbr.rel @p0 .LBB2_2-.Ltmp3, $2  }
0x3cf: {  	_ =	sdelay $0x2  }
0x3d0: {  	s9 =	sadd.s32 $0x1000, s9;
	s5 =	sadd.s32 $0x1000, s5  }
0x3d1: {  	s2 =	rddreg [dreg:$0x5];
	s4 =	simm.s32 $0xB800  }
0x3d2: {  	[hbm4b:s2+s3] =	stream.linear.scatter [tilespmem:s4], [sflag:$0x3], $0x8000, $0x38;
	[tilespmem:$0x13800] =	vst v63  }
0x3d3: {  	s4 =	simm.s32 $0x3  }
0x3d4: {  	_ =	swait.ge [sflag:s4], $0x8000  }
0x3d5: {  	s5 =	rddreg [dreg:$0x7]  }
0x3d6: {  	s21 =	rddreg [dreg:$0x6];
	s5 =	sadd.s32 $0x1, s5  }
0x3d7: {  	p0 =	sne.s32 s5, s21  }
.Ltmp4:
0x3d8: {  	_ = 	snop;
	(pc) =	sbr.rel @p0 .LBB2_1-.Ltmp4, $3  }
0x3d9: {  	_ =	sdelay $0x1  }
0x3da: {  	[sflag:s4] =	ssyncset.done $0x0  }
0x3db: {  	[sflag:s4] =	ssyncadd.s32 $0xFFFF8000  }
0x3dc: {  	_ =	sfence.sel $0x180000  }
0x3dd: {  	[bflag:$0x0] =	sbarrier.arrive $0xFFFF  }
0x3de: {  	_ =	strace $0x90000047  }
0x3df: {  	s0 =	stileid.u32;
	[bflag:$0x2] =	sbarrier.arrive $0xFFFF  }
0x3e0: {  	p0 =	sne.s32 s0, $0x0;
	s0 =	rddreg [dreg:$0x3]  }
0x3e1: {  	s0 =	sadd.s32 @!p0 $0x100000, s0  }
0x3e2: {  	[sflag:s0] =	ssyncadd.tile.s32 @!p0 $0x1;
	_ =	shalt  }
.Lfunc_end2:
_tile_overlayer_lowered:
.L_overlay_start_2:
0x3e3: {  	(tag) =	ssettag $0x2  }
0x3e4: {  	s0 =	rddreg [dreg:$0x0];
	s2 =	stileid.u32  }
0x3e5: {  	s1 =	rddreg [dreg:$0x1];
	p0 =	sne.s32 s2, $0x0  }
0x3e6: {  	s3 =	rddreg [dreg:$0x2];
	[bflag:$0x3] =	sbarrier.arrive $0xFFFF;
	s2 =	simm.s32 @!p0 $0x1C03  }
0x3e7: {  	[timem:s3], [sflag:s2] =	dma.local @!p0 [hbm:s0], s1  }
0x3e8: {  	s0 =	simm.s32 @!p0 $0x3  }
0x3e9: {  	_ =	swait.ge @!p0 [sflag:s0], s1  }
0x3ea: {  	s1 =	ssub.s32 @!p0 $0x0, s1;
	[sflag:s0] =	ssyncset.done @!p0 $0x0  }
0x3eb: {  	[sflag:s0] =	ssyncadd.s32 @!p0 s1  }
0x3ec: {  	[bflag:$0x3] =	sbarrier.arrive $0xFFFF  }
0x3ed: {  	_ =	shalt  }

</sc_bundles>
